<compile_context>
chip_gen: v7x
topology: tpu7x:2x2x1
jax: 0.10.2.dev20260603
libtpu: 0.0.44.dev20260713+nightly
codegen_flags: <defaults>
</compile_context>

<pallas_src>
import functools

import jax
import jax.numpy as jnp
from jax import lax
from jax.experimental import pallas as pl
from jax.experimental.pallas import tpu as pltpu
from jax.experimental.pallas import tpu_sc as plsc

N = 10000
E = 320000
D = 128
NC = 2
NS = 16
K = 40
EPT = E // (NC * NS)
NCHUNK = EPT // K
NPAD = 10240
RPT = NPAD // NS
HPAD = 10240
HPT = HPAD // NS


HBUF = 5
HGRP = NCHUNK // HBUF
SBUF = 8
SGRP = (NCHUNK - 2) // 8


@functools.lru_cache(maxsize=1)
def _sc_kernels():
    mesh = plsc.VectorSubcoreMesh(core_axis_name="c", subcore_axis_name="s")

    @functools.partial(
        pl.kernel,
        mesh=mesh,
        out_type=jax.ShapeDtypeStruct((2 * HPAD,), jnp.float32),
        scratch_types=[
            pltpu.VMEM((NCHUNK, K), jnp.int32),
            pltpu.VMEM((K,), jnp.float32),
            pltpu.VMEM((HPT,), jnp.float32),
            pltpu.VMEM_SHARED((HPAD,), jnp.float32),
            pltpu.SemaphoreType.DMA,
        ],
    )
    def _sc_hist(edge_ref, out_ref, dsts_v, ones_v, zb_v, hist_sh, hsem):
        cid = lax.axis_index("c")
        sid = lax.axis_index("s")
        w = cid * NS + sid
        zeros16 = jnp.zeros((16,), jnp.float32)
        ones16 = jnp.ones((16,), jnp.float32)

        pltpu.sync_copy(edge_ref.at[1, w], dsts_v)

        def fill_z(i, _):
            zb_v[pl.ds(i * 16, 16)] = zeros16
            return 0

        lax.fori_loop(0, HPT // 16, fill_z, 0)
        for off in (0, 16, K - 16):
            ones_v[pl.ds(off, 16)] = ones16
        pltpu.sync_copy(zb_v, hist_sh.at[pl.ds(sid * HPT, HPT)])
        plsc.subcore_barrier()

        def body(g, _):
            for b in range(HBUF):
                pltpu.async_copy(ones_v, hist_sh.at[dsts_v.at[g * HBUF + b]],
                                 hsem, add=True)

            @pl.when(g > 0)
            def _drain():
                for _ in range(HBUF):
                    pltpu.make_async_copy(
                        ones_v, hist_sh.at[pl.ds(0, K)], hsem).wait()

            return 0

        lax.fori_loop(0, HGRP, body, 0)
        for _ in range(HBUF):
            pltpu.make_async_copy(ones_v, hist_sh.at[pl.ds(0, K)], hsem).wait()
        plsc.subcore_barrier()
        pltpu.sync_copy(hist_sh.at[pl.ds(sid * HPT, HPT)],
                        out_ref.at[pl.ds(cid * HPAD + sid * HPT, HPT)])

    @functools.partial(
        pl.kernel,
        mesh=mesh,
        out_type=jax.ShapeDtypeStruct((2, NPAD, D), jnp.float32),
        scratch_types=[
            pltpu.VMEM((2, 8, K), jnp.int32),
            pltpu.VMEM((2, 8, K), jnp.int32),
            pltpu.VMEM((SBUF, K, D), jnp.float32),
            pltpu.VMEM_SHARED((NPAD, D), jnp.float32),
        ] + [pltpu.SemaphoreType.DMA] * (2 * SBUF + 1),
    )
    def _sc_scatter(g_ref, em_ref, et_ref, out_ref, srcb, dstb, rows_v,
                    acc_sh, *sems):
        gsem = sems[:SBUF]
        ssem = sems[SBUF:2 * SBUF]
        isem = sems[2 * SBUF]
        cid = lax.axis_index("c")
        sid = lax.axis_index("s")
        w = cid * NS + sid
        zeros16 = jnp.zeros((16,), jnp.float32)

        def idx_load(sg, slot):
            pltpu.async_copy(em_ref.at[0, w, sg], srcb.at[slot], isem)
            pltpu.async_copy(em_ref.at[1, w, sg], dstb.at[slot], isem)

        def idx_wait(slot):
            pltpu.make_async_copy(em_ref.at[0, w, 0], srcb.at[slot], isem).wait()
            pltpu.make_async_copy(em_ref.at[1, w, 0], dstb.at[slot], isem).wait()

        def gwait(b):
            pltpu.make_async_copy(g_ref.at[pl.ds(0, K)], rows_v.at[b],
                                  gsem[b]).wait()

        def swait(b):
            pltpu.make_async_copy(rows_v.at[b], acc_sh.at[pl.ds(0, K)],
                                  ssem[b]).wait()

        idx_load(0, 0)

        def fill_z(i, _):
            for l in range(D // 16):
                rows_v[0, i, pl.ds(l * 16, 16)] = zeros16
            return 0

        lax.fori_loop(0, K, fill_z, 0)

        def zero_acc(i, _):
            pltpu.sync_copy(rows_v.at[0], acc_sh.at[pl.ds(sid * RPT + i * K, K)])
            return 0

        lax.fori_loop(0, RPT // K, zero_acc, 0)

        idx_wait(0)
        for b in range(SBUF):
            pltpu.async_copy(g_ref.at[srcb.at[0, b]], rows_v.at[b], gsem[b])
        idx_load(1, 1)
        plsc.subcore_barrier()

        def body(sg, _):
            slot = lax.rem(sg, 2)
            for b in range(SBUF):
                gwait(b)
                pltpu.async_copy(rows_v.at[b], acc_sh.at[dstb.at[slot, b]],
                                 ssem[b], add=True)

            @pl.when(sg < SGRP - 1)
            def _refill():
                nslot = 1 - slot
                idx_wait(nslot)
                for b in range(SBUF):
                    swait(b)
                    pltpu.async_copy(g_ref.at[srcb.at[nslot, b]],
                                     rows_v.at[b], gsem[b])

                @pl.when(sg < SGRP - 2)
                def _next_idx():
                    idx_load(sg + 2, slot)

            return 0

        lax.fori_loop(0, SGRP, body, 0)
        for b in range(SBUF):
            swait(b)

        pltpu.sync_copy(et_ref.at[0, w], srcb.at[0, pl.ds(0, 2)])
        pltpu.sync_copy(et_ref.at[1, w], dstb.at[0, pl.ds(0, 2)])
        for t in range(2):
            pltpu.async_copy(g_ref.at[srcb.at[0, t]], rows_v.at[t],
                             gsem[t]).wait()
            pltpu.sync_copy(rows_v.at[t], acc_sh.at[dstb.at[0, t]], add=True)

        plsc.subcore_barrier()
        pltpu.sync_copy(acc_sh.at[pl.ds(sid * RPT, RPT)],
                        out_ref.at[cid, pl.ds(sid * RPT, RPT)])

    return _sc_hist, _sc_scatter



RB = 400
NBLK = N // RB


def _lin1_body(x_ref, w_ref, b_ref, h0_ref, h1_ref, g_ref, dinv_ref):
    deg = h0_ref[...] + h1_ref[...] + 1.0
    dinv = lax.rsqrt(deg)
    h = jnp.dot(x_ref[...], w_ref[...], preferred_element_type=jnp.float32)
    g_ref[...] = (h + b_ref[...]) * dinv
    dinv_ref[...] = dinv


def _mid_body(a0_ref, a1_ref, g1_ref, dinv_ref, w_ref, b_ref, g2_ref):
    dinv = dinv_ref[...]
    x2 = jnp.maximum((a0_ref[0] + a1_ref[0] + g1_ref[...]) * dinv, 0.0)
    h = jnp.dot(x2, w_ref[...], preferred_element_type=jnp.float32)
    g2_ref[...] = (h + b_ref[...]) * dinv


def _fin_body(a0_ref, a1_ref, g2_ref, dinv_ref, out_ref):
    out_ref[...] = (a0_ref[0] + a1_ref[0] + g2_ref[...]) * dinv_ref[...]


_row_spec = pl.BlockSpec((RB, D), lambda i: (i, 0))
_acc0_spec = pl.BlockSpec((1, RB, D), lambda i: (0, i, 0))
_acc1_spec = pl.BlockSpec((1, RB, D), lambda i: (1, i, 0))
_col_spec = pl.BlockSpec((RB, 1), lambda i: (i, 0))
_w_spec = pl.BlockSpec((D, D), lambda i: (0, 0))
_b_spec = pl.BlockSpec((1, D), lambda i: (0, 0))

_lin1 = pl.pallas_call(
    _lin1_body,
    grid=(NBLK,),
    in_specs=[_row_spec, _w_spec, _b_spec, _col_spec, _col_spec],
    out_specs=[_row_spec, _col_spec],
    out_shape=[
        jax.ShapeDtypeStruct((N, D), jnp.float32),
        jax.ShapeDtypeStruct((N, 1), jnp.float32),
    ],
)

_mid = pl.pallas_call(
    _mid_body,
    grid=(NBLK,),
    in_specs=[_acc0_spec, _acc1_spec, _row_spec, _col_spec, _w_spec, _b_spec],
    out_specs=_row_spec,
    out_shape=jax.ShapeDtypeStruct((N, D), jnp.float32),
)

_fin = pl.pallas_call(
    _fin_body,
    grid=(NBLK,),
    in_specs=[_acc0_spec, _acc1_spec, _row_spec, _col_spec],
    out_specs=_row_spec,
    out_shape=jax.ShapeDtypeStruct((N, D), jnp.float32),
)


def kernel(x, edge_index, W1, b1, W2, b2):
    _sc_hist, _sc_scatter = _sc_kernels()
    ei = edge_index.reshape(2, NC * NS, NCHUNK, K)
    em = ei[:, :, :NCHUNK - 2].reshape(2, NC * NS, SGRP, 8, K)
    et = ei[:, :, NCHUNK - 2:]
    hist = _sc_hist(ei)
    h0 = hist[0:N].reshape(N, 1)
    h1 = hist[HPAD:HPAD + N].reshape(N, 1)
    b1r = b1.reshape(1, D)
    b2r = b2.reshape(1, D)
    g1, dinv = _lin1(x, W1, b1r, h0, h1)
    acc1 = _sc_scatter(g1, em, et)
    g2 = _mid(acc1, acc1, g1, dinv, W2, b2r)
    acc2 = _sc_scatter(g2, em, et)
    out = _fin(acc2, acc2, g2, dinv)
    return out

# --- scband reference (transcript-rebuilt; emitter-appended) ---
"""Pipeline reference for scband-gnn-89644557403158 (READ-ONLY COPY).

The authoritative reference and input builder live on the scoring server;
editing this copy changes nothing except your own understanding.
"""

import jax, jax.numpy as jnp
import numpy as np

N_NODES = 10000
N_EDGES = 320000
D_IN = 128
D_HID = 128
D_OUT = 128


def gcn_conv(x, edge_index, W, b, n_nodes):
    # linear transform first (standard torch_geometric GCNConv ordering)
    h = x @ W + b
    src = edge_index[0]
    dst = edge_index[1]
    # add self loops
    loop = jnp.arange(n_nodes, dtype=src.dtype)
    src = jnp.concatenate([src, loop], axis=0)
    dst = jnp.concatenate([dst, loop], axis=0)
    # symmetric normalization: D^{-1/2} (A + I) D^{-1/2}
    ones = jnp.ones(src.shape[0], dtype=h.dtype)
    deg = jax.ops.segment_sum(ones, dst, num_segments=n_nodes)
    dinv = 1.0 / jnp.sqrt(jnp.maximum(deg, 1.0))
    norm = dinv[src] * dinv[dst]
    msg = h[src] * norm[:, None]
    out = jax.ops.segment_sum(msg, dst, num_segments=n_nodes)
    return out


def setup_inputs(seed: int = 0) -> dict:
    key = jax.random.key(seed)
    ks = jax.random.split(key, 6)
    x = jax.random.normal(ks[0], (N_NODES, D_IN), dtype=jnp.float32)
    edge_index = jax.random.randint(ks[1], (2, N_EDGES), 0, N_NODES, dtype=jnp.int32)
    W1 = jax.random.normal(ks[2], (D_IN, D_HID), dtype=jnp.float32) * (1.0 / np.sqrt(D_IN))
    b1 = jnp.zeros((D_HID,), dtype=jnp.float32)
    W2 = jax.random.normal(ks[3], (D_HID, D_OUT), dtype=jnp.float32) * (1.0 / np.sqrt(D_HID))
    b2 = jnp.zeros((D_OUT,), dtype=jnp.float32)
    return {"x": x, "edge_index": edge_index, "W1": W1, "b1": b1, "W2": W2, "b2": b2}


def reference(x, edge_index, W1, b1, W2, b2):
    # Gnn.forward with args.gnn='GCN', use_edge_attr=False: 2-layer GCNEncoder.
    # dropout is identity in eval mode. Returns node embeddings (first element of tuple).
    h = gcn_conv(x, edge_index, W1, b1, N_NODES)
    h = jax.nn.relu(h)
    out = gcn_conv(h, edge_index, W2, b2, N_NODES)
    return out

if __name__ == "__main__":
    import jax
    _d = setup_inputs()
    print(jax.jit(kernel)(*tuple(_d.values())))

</pallas_src>

<mosaic_0001>
#map = affine_map<(d0, d1) -> (0, 0, 0, 0)>
#map1 = affine_map<(d0, d1) -> (0)>
module attributes {stable_mosaic.version = 14 : i64} {
  func.func @_sc_hist(%arg0: i32, %arg1: i32, %arg2: memref<2x32x250x40xi32, #tpu.memory_space<hbm>>, %arg3: memref<20480xf32, #tpu.memory_space<hbm>>, %arg4: memref<250x40xi32, #tpu.memory_space<vmem>>, %arg5: memref<40xf32, #tpu.memory_space<vmem>>, %arg6: memref<640xf32, #tpu.memory_space<vmem>>, %arg7: memref<10240xf32, #tpu.memory_space<vmem_shared>>, %arg8: memref<!tpu.dma_semaphore, #tpu.memory_space<semaphore_mem>>) attributes {dimension_semantics = [#tpu.dimension_semantics<core_parallel>, #tpu.dimension_semantics<subcore_parallel>], iteration_bounds = array<i64: 2, 16>, scalar_prefetch = 0 : i64, scratch_operands = 5 : i64, tpu.core_type = #tpu.core_type<sc_vector_subcore>, window_params = [{transform_indices = #map}, {transform_indices = #map1}]} {
    %mul3A = arith.constant 16 : i32
    %mul3A_0 = arith.muli %arg0, %mul3A : i32
    %add3A = arith.addi %mul3A_0, %arg1 : i32
    %broadcast_in_dim3A = arith.constant 0.000000e+00 : f32
    %broadcast_in_dim3A_1 = vector.broadcast %broadcast_in_dim3A : f32 to vector<16xf32>
    %broadcast_in_dim3A_2 = arith.constant 1.000000e+00 : f32
    %broadcast_in_dim3A_3 = vector.broadcast %broadcast_in_dim3A_2 : f32 to vector<16xf32>
    %run_scoped3A = arith.constant 1 : i32
    "tpu.region"() ({
      %run_scoped3A_57 = tpu.sem_alloc : memref<!tpu.dma_semaphore, #tpu.memory_space<semaphore_mem>>
      %dma_start3A = arith.constant 0 : i32
      %dma_start3A_58 = arith.constant 0 : i32
      %dma_start3A_59 = tpu.memref_slice %arg2[%run_scoped3A, %add3A, %dma_start3A, %dma_start3A_58] : memref<2x32x250x40xi32, #tpu.memory_space<hbm>> -> memref<1x1x250x40xi32, #tpu.memory_space<hbm>>
      %dma_start3A_60 = tpu.memref_squeeze %dma_start3A_59 : memref<1x1x250x40xi32, #tpu.memory_space<hbm>> -> memref<250x40xi32, #tpu.memory_space<hbm>>
      %dma_start3A_61 = arith.constant 0 : i32
      %dma_start3A_62 = arith.constant 0 : i32
      %dma_start3A_63 = tpu.memref_slice %arg2[%run_scoped3A, %add3A, %dma_start3A_61, %dma_start3A_62] : memref<2x32x250x40xi32, #tpu.memory_space<hbm>> -> memref<1x1x250x40xi32, #tpu.memory_space<hbm>>
      %dma_start3A_64 = tpu.memref_squeeze %dma_start3A_63 : memref<1x1x250x40xi32, #tpu.memory_space<hbm>> -> memref<250x40xi32, #tpu.memory_space<hbm>>
      tpu.enqueue_dma source(%dma_start3A_64 : memref<250x40xi32, #tpu.memory_space<hbm>>) target(%arg4 : memref<250x40xi32, #tpu.memory_space<vmem>>) target_semaphore(%run_scoped3A_57 : memref<!tpu.dma_semaphore, #tpu.memory_space<semaphore_mem>>)
      %dma_wait3A_65 = arith.constant 0 : i32
      %dma_wait3A_66 = arith.constant 0 : i32
      %dma_wait3A_67 = tpu.memref_slice %arg2[%run_scoped3A, %add3A, %dma_wait3A_65, %dma_wait3A_66] : memref<2x32x250x40xi32, #tpu.memory_space<hbm>> -> memref<1x1x250x40xi32, #tpu.memory_space<hbm>>
      %dma_wait3A_68 = tpu.memref_squeeze %dma_wait3A_67 : memref<1x1x250x40xi32, #tpu.memory_space<hbm>> -> memref<250x40xi32, #tpu.memory_space<hbm>>
      %dma_wait3A_69 = arith.constant 0 : i32
      %dma_wait3A_70 = arith.constant 0 : i32
      %dma_wait3A_71 = tpu.memref_slice %arg2[%run_scoped3A, %add3A, %dma_wait3A_69, %dma_wait3A_70] : memref<2x32x250x40xi32, #tpu.memory_space<hbm>> -> memref<1x1x250x40xi32, #tpu.memory_space<hbm>>
      %dma_wait3A_72 = tpu.memref_squeeze %dma_wait3A_71 : memref<1x1x250x40xi32, #tpu.memory_space<hbm>> -> memref<250x40xi32, #tpu.memory_space<hbm>>
      tpu.wait_dma2 semaphore(%run_scoped3A_57 : memref<!tpu.dma_semaphore, #tpu.memory_space<semaphore_mem>>) src(%dma_wait3A_72 : memref<250x40xi32, #tpu.memory_space<hbm>>) dst(%arg4 : memref<250x40xi32, #tpu.memory_space<vmem>>)
      tpu.yield
    }) : () -> ()
    %scan3A = arith.constant 0 : i32
    %scan3A_4 = arith.constant 0 : i32
    %scan3A_5 = arith.constant 40 : i32
    %scan3A_6 = arith.addi %scan3A_4, %scan3A_5 : i32
    %scan3A_7 = arith.constant 1 : i32
    %scan3A_8 = scf.for %scan3A_57 = %scan3A_4 to %scan3A_6 step %scan3A_7 iter_args(%scan3A_58 = %scan3A) -> (i32)  : i32 {
      %mul3A_59 = arith.constant 16 : i32
      %mul3A_60 = arith.muli %scan3A_57, %mul3A_59 : i32
      %swap3A_61 = arith.index_cast %mul3A_60 : i32 to index
      %swap3A_62 = tpu.vector_load %arg6[%swap3A_61] {strides = array<i32>} : memref<640xf32, #tpu.memory_space<vmem>>, vector<16xf32>,
      %swap3A_63 = vector.shape_cast %swap3A_62 : vector<16xf32> to vector<16xf32>
      %swap3A_64 = vector.shape_cast %broadcast_in_dim3A_1 : vector<16xf32> to vector<16xf32>
      tpu.vector_store %arg6[%swap3A_61], %swap3A_64 {strides = array<i32>} : memref<640xf32, #tpu.memory_space<vmem>>, vector<16xf32>,
      %scan3A_65 = arith.constant 0 : i32
      scf.yield %scan3A_65 : i32
    }
    %scan3A_9 = arith.constant 40 : i32
    %swap3A = arith.constant 0 : index
    %swap3A_10 = tpu.vector_load %arg5[%swap3A] {strides = array<i32>} : memref<40xf32, #tpu.memory_space<vmem>>, vector<16xf32>,
    %swap3A_11 = vector.shape_cast %swap3A_10 : vector<16xf32> to vector<16xf32>
    %swap3A_12 = vector.shape_cast %broadcast_in_dim3A_3 : vector<16xf32> to vector<16xf32>
    tpu.vector_store %arg5[%swap3A], %swap3A_12 {strides = array<i32>} : memref<40xf32, #tpu.memory_space<vmem>>, vector<16xf32>,
    %swap3A_13 = arith.constant 16 : index
    %swap3A_14 = tpu.vector_load %arg5[%swap3A_13] {strides = array<i32>} : memref<40xf32, #tpu.memory_space<vmem>>, vector<16xf32>,
    %swap3A_15 = vector.shape_cast %swap3A_14 : vector<16xf32> to vector<16xf32>
    %swap3A_16 = vector.shape_cast %broadcast_in_dim3A_3 : vector<16xf32> to vector<16xf32>
    tpu.vector_store %arg5[%swap3A_13], %swap3A_16 {strides = array<i32>} : memref<40xf32, #tpu.memory_space<vmem>>, vector<16xf32>,
    %swap3A_17 = arith.constant 24 : index
    %swap3A_18 = tpu.vector_load %arg5[%swap3A_17] {strides = array<i32>} : memref<40xf32, #tpu.memory_space<vmem>>, vector<16xf32>,
    %swap3A_19 = vector.shape_cast %swap3A_18 : vector<16xf32> to vector<16xf32>
    %swap3A_20 = vector.shape_cast %broadcast_in_dim3A_3 : vector<16xf32> to vector<16xf32>
    tpu.vector_store %arg5[%swap3A_17], %swap3A_20 {strides = array<i32>} : memref<40xf32, #tpu.memory_space<vmem>>, vector<16xf32>,
    %mul3A_21 = arith.constant 640 : i32
    %mul3A_22 = arith.muli %arg1, %mul3A_21 : i32
    "tpu.region"() ({
      %run_scoped3A_57 = tpu.sem_alloc : memref<!tpu.dma_semaphore, #tpu.memory_space<semaphore_mem>>
      %dma_start3A = tpu.memref_slice %arg7[%mul3A_22] : memref<10240xf32, #tpu.memory_space<vmem_shared>> -> memref<640xf32, #tpu.memory_space<vmem_shared>>
      %dma_start3A_58 = tpu.memref_slice %arg7[%mul3A_22] : memref<10240xf32, #tpu.memory_space<vmem_shared>> -> memref<640xf32, #tpu.memory_space<vmem_shared>>
      tpu.enqueue_dma source(%arg6 : memref<640xf32, #tpu.memory_space<vmem>>) target(%dma_start3A_58 : memref<640xf32, #tpu.memory_space<vmem_shared>>) target_semaphore(%run_scoped3A_57 : memref<!tpu.dma_semaphore, #tpu.memory_space<semaphore_mem>>)
      %dma_wait3A_59 = tpu.memref_slice %arg7[%mul3A_22] : memref<10240xf32, #tpu.memory_space<vmem_shared>> -> memref<640xf32, #tpu.memory_space<vmem_shared>>
      %dma_wait3A_60 = tpu.memref_slice %arg7[%mul3A_22] : memref<10240xf32, #tpu.memory_space<vmem_shared>> -> memref<640xf32, #tpu.memory_space<vmem_shared>>
      tpu.wait_dma2 semaphore(%run_scoped3A_57 : memref<!tpu.dma_semaphore, #tpu.memory_space<semaphore_mem>>) src(%arg6 : memref<640xf32, #tpu.memory_space<vmem>>) dst(%dma_wait3A_60 : memref<640xf32, #tpu.memory_space<vmem_shared>>)
      tpu.yield
    }) : () -> ()
    %barrier3A = arith.constant 0 : index
    tpu.barrier barrier_id(%barrier3A)
    %scan3A_23 = arith.constant 0 : i32
    %scan3A_24 = arith.constant 0 : i32
    %scan3A_25 = arith.constant 50 : i32
    %scan3A_26 = arith.addi %scan3A_24, %scan3A_25 : i32
    %scan3A_27 = arith.constant 1 : i32
    %scan3A_28 = scf.for %scan3A_57 = %scan3A_24 to %scan3A_26 step %scan3A_27 iter_args(%scan3A_58 = %scan3A_23) -> (i32)  : i32 {
      %mul3A_59 = arith.constant 5 : i32
      %mul3A_60 = arith.muli %scan3A_57, %mul3A_59 : i32
      %add3A_61 = arith.constant 0 : i32
      %add3A_62 = arith.addi %mul3A_60, %add3A_61 : i32
      %dma_start3A = arith.constant 0 : i32
      %dma_start3A_63 = tpu.memref_slice %arg4[%add3A_62, %dma_start3A] : memref<250x40xi32, #tpu.memory_space<vmem>> -> memref<1x40xi32, #tpu.memory_space<vmem>>
      %dma_start3A_64 = tpu.memref_squeeze %dma_start3A_63 : memref<1x40xi32, #tpu.memory_space<vmem>> -> memref<40xi32, #tpu.memory_space<vmem>>
      %dma_start3A_65 = arith.constant 0 : i32
      %dma_start3A_66 = tpu.memref_slice %arg7[%dma_start3A_65] : memref<10240xf32, #tpu.memory_space<vmem_shared>> -> memref<10240xf32, #tpu.memory_space<vmem_shared>>
      tpu.enqueue_indirect_dma source(%arg5 : memref<40xf32, #tpu.memory_space<vmem>>) target(%dma_start3A_66 : memref<10240xf32, #tpu.memory_space<vmem_shared>>) offsets(%dma_start3A_64 : memref<40xi32, #tpu.memory_space<vmem>>) semaphore(%arg8 : memref<!tpu.dma_semaphore, #tpu.memory_space<semaphore_mem>>) {add = true}
      %mul3A_67 = arith.constant 5 : i32
      %mul3A_68 = arith.muli %scan3A_57, %mul3A_67 : i32
      %add3A_69 = arith.constant 1 : i32
      %add3A_70 = arith.addi %mul3A_68, %add3A_69 : i32
      %dma_start3A_71 = arith.constant 0 : i32
      %dma_start3A_72 = tpu.memref_slice %arg4[%add3A_70, %dma_start3A_71] : memref<250x40xi32, #tpu.memory_space<vmem>> -> memref<1x40xi32, #tpu.memory_space<vmem>>
      %dma_start3A_73 = tpu.memref_squeeze %dma_start3A_72 : memref<1x40xi32, #tpu.memory_space<vmem>> -> memref<40xi32, #tpu.memory_space<vmem>>
      %dma_start3A_74 = arith.constant 0 : i32
      %dma_start3A_75 = tpu.memref_slice %arg7[%dma_start3A_74] : memref<10240xf32, #tpu.memory_space<vmem_shared>> -> memref<10240xf32, #tpu.memory_space<vmem_shared>>
      tpu.enqueue_indirect_dma source(%arg5 : memref<40xf32, #tpu.memory_space<vmem>>) target(%dma_start3A_75 : memref<10240xf32, #tpu.memory_space<vmem_shared>>) offsets(%dma_start3A_73 : memref<40xi32, #tpu.memory_space<vmem>>) semaphore(%arg8 : memref<!tpu.dma_semaphore, #tpu.memory_space<semaphore_mem>>) {add = true}
      %mul3A_76 = arith.constant 5 : i32
      %mul3A_77 = arith.muli %scan3A_57, %mul3A_76 : i32
      %add3A_78 = arith.constant 2 : i32
      %add3A_79 = arith.addi %mul3A_77, %add3A_78 : i32
      %dma_start3A_80 = arith.constant 0 : i32
      %dma_start3A_81 = tpu.memref_slice %arg4[%add3A_79, %dma_start3A_80] : memref<250x40xi32, #tpu.memory_space<vmem>> -> memref<1x40xi32, #tpu.memory_space<vmem>>
      %dma_start3A_82 = tpu.memref_squeeze %dma_start3A_81 : memref<1x40xi32, #tpu.memory_space<vmem>> -> memref<40xi32, #tpu.memory_space<vmem>>
      %dma_start3A_83 = arith.constant 0 : i32
      %dma_start3A_84 = tpu.memref_slice %arg7[%dma_start3A_83] : memref<10240xf32, #tpu.memory_space<vmem_shared>> -> memref<10240xf32, #tpu.memory_space<vmem_shared>>
      tpu.enqueue_indirect_dma source(%arg5 : memref<40xf32, #tpu.memory_space<vmem>>) target(%dma_start3A_84 : memref<10240xf32, #tpu.memory_space<vmem_shared>>) offsets(%dma_start3A_82 : memref<40xi32, #tpu.memory_space<vmem>>) semaphore(%arg8 : memref<!tpu.dma_semaphore, #tpu.memory_space<semaphore_mem>>) {add = true}
      %mul3A_85 = arith.constant 5 : i32
      %mul3A_86 = arith.muli %scan3A_57, %mul3A_85 : i32
      %add3A_87 = arith.constant 3 : i32
      %add3A_88 = arith.addi %mul3A_86, %add3A_87 : i32
      %dma_start3A_89 = arith.constant 0 : i32
      %dma_start3A_90 = tpu.memref_slice %arg4[%add3A_88, %dma_start3A_89] : memref<250x40xi32, #tpu.memory_space<vmem>> -> memref<1x40xi32, #tpu.memory_space<vmem>>
      %dma_start3A_91 = tpu.memref_squeeze %dma_start3A_90 : memref<1x40xi32, #tpu.memory_space<vmem>> -> memref<40xi32, #tpu.memory_space<vmem>>
      %dma_start3A_92 = arith.constant 0 : i32
      %dma_start3A_93 = tpu.memref_slice %arg7[%dma_start3A_92] : memref<10240xf32, #tpu.memory_space<vmem_shared>> -> memref<10240xf32, #tpu.memory_space<vmem_shared>>
      tpu.enqueue_indirect_dma source(%arg5 : memref<40xf32, #tpu.memory_space<vmem>>) target(%dma_start3A_93 : memref<10240xf32, #tpu.memory_space<vmem_shared>>) offsets(%dma_start3A_91 : memref<40xi32, #tpu.memory_space<vmem>>) semaphore(%arg8 : memref<!tpu.dma_semaphore, #tpu.memory_space<semaphore_mem>>) {add = true}
      %mul3A_94 = arith.constant 5 : i32
      %mul3A_95 = arith.muli %scan3A_57, %mul3A_94 : i32
      %add3A_96 = arith.constant 4 : i32
      %add3A_97 = arith.addi %mul3A_95, %add3A_96 : i32
      %dma_start3A_98 = arith.constant 0 : i32
      %dma_start3A_99 = tpu.memref_slice %arg4[%add3A_97, %dma_start3A_98] : memref<250x40xi32, #tpu.memory_space<vmem>> -> memref<1x40xi32, #tpu.memory_space<vmem>>
      %dma_start3A_100 = tpu.memref_squeeze %dma_start3A_99 : memref<1x40xi32, #tpu.memory_space<vmem>> -> memref<40xi32, #tpu.memory_space<vmem>>
      %dma_start3A_101 = arith.constant 0 : i32
      %dma_start3A_102 = tpu.memref_slice %arg7[%dma_start3A_101] : memref<10240xf32, #tpu.memory_space<vmem_shared>> -> memref<10240xf32, #tpu.memory_space<vmem_shared>>
      tpu.enqueue_indirect_dma source(%arg5 : memref<40xf32, #tpu.memory_space<vmem>>) target(%dma_start3A_102 : memref<10240xf32, #tpu.memory_space<vmem_shared>>) offsets(%dma_start3A_100 : memref<40xi32, #tpu.memory_space<vmem>>) semaphore(%arg8 : memref<!tpu.dma_semaphore, #tpu.memory_space<semaphore_mem>>) {add = true}
      %gt3A = arith.constant 0 : i32
      %gt3A_103 = arith.cmpi sgt, %scan3A_57, %gt3A : i32
      %convert_element_type3A = arith.extui %gt3A_103 : i1 to i32
      %cond3A = arith.constant 0 : i32
      %cond3A_104 = arith.cmpi ne, %convert_element_type3A, %cond3A : i32
      scf.if %cond3A_104 {
        %dma_wait3A_106 = arith.constant 0 : i32
        %dma_wait3A_107 = tpu.memref_slice %arg7[%dma_wait3A_106] : memref<10240xf32, #tpu.memory_space<vmem_shared>> -> memref<40xf32, #tpu.memory_space<vmem_shared>>
        %dma_wait3A_108 = arith.constant 0 : i32
        %dma_wait3A_109 = tpu.memref_slice %arg7[%dma_wait3A_108] : memref<10240xf32, #tpu.memory_space<vmem_shared>> -> memref<40xf32, #tpu.memory_space<vmem_shared>>
        tpu.wait_dma2 semaphore(%arg8 : memref<!tpu.dma_semaphore, #tpu.memory_space<semaphore_mem>>) src(%arg5 : memref<40xf32, #tpu.memory_space<vmem>>) dst(%dma_wait3A_109 : memref<40xf32, #tpu.memory_space<vmem_shared>>)
        %dma_wait3A_110 = arith.constant 0 : i32
        %dma_wait3A_111 = tpu.memref_slice %arg7[%dma_wait3A_110] : memref<10240xf32, #tpu.memory_space<vmem_shared>> -> memref<40xf32, #tpu.memory_space<vmem_shared>>
        %dma_wait3A_112 = arith.constant 0 : i32
        %dma_wait3A_113 = tpu.memref_slice %arg7[%dma_wait3A_112] : memref<10240xf32, #tpu.memory_space<vmem_shared>> -> memref<40xf32, #tpu.memory_space<vmem_shared>>
        tpu.wait_dma2 semaphore(%arg8 : memref<!tpu.dma_semaphore, #tpu.memory_space<semaphore_mem>>) src(%arg5 : memref<40xf32, #tpu.memory_space<vmem>>) dst(%dma_wait3A_113 : memref<40xf32, #tpu.memory_space<vmem_shared>>)
        %dma_wait3A_114 = arith.constant 0 : i32
        %dma_wait3A_115 = tpu.memref_slice %arg7[%dma_wait3A_114] : memref<10240xf32, #tpu.memory_space<vmem_shared>> -> memref<40xf32, #tpu.memory_space<vmem_shared>>
        %dma_wait3A_116 = arith.constant 0 : i32
        %dma_wait3A_117 = tpu.memref_slice %arg7[%dma_wait3A_116] : memref<10240xf32, #tpu.memory_space<vmem_shared>> -> memref<40xf32, #tpu.memory_space<vmem_shared>>
        tpu.wait_dma2 semaphore(%arg8 : memref<!tpu.dma_semaphore, #tpu.memory_space<semaphore_mem>>) src(%arg5 : memref<40xf32, #tpu.memory_space<vmem>>) dst(%dma_wait3A_117 : memref<40xf32, #tpu.memory_space<vmem_shared>>)
        %dma_wait3A_118 = arith.constant 0 : i32
        %dma_wait3A_119 = tpu.memref_slice %arg7[%dma_wait3A_118] : memref<10240xf32, #tpu.memory_space<vmem_shared>> -> memref<40xf32, #tpu.memory_space<vmem_shared>>
        %dma_wait3A_120 = arith.constant 0 : i32
        %dma_wait3A_121 = tpu.memref_slice %arg7[%dma_wait3A_120] : memref<10240xf32, #tpu.memory_space<vmem_shared>> -> memref<40xf32, #tpu.memory_space<vmem_shared>>
        tpu.wait_dma2 semaphore(%arg8 : memref<!tpu.dma_semaphore, #tpu.memory_space<semaphore_mem>>) src(%arg5 : memref<40xf32, #tpu.memory_space<vmem>>) dst(%dma_wait3A_121 : memref<40xf32, #tpu.memory_space<vmem_shared>>)
        %dma_wait3A_122 = arith.constant 0 : i32
        %dma_wait3A_123 = tpu.memref_slice %arg7[%dma_wait3A_122] : memref<10240xf32, #tpu.memory_space<vmem_shared>> -> memref<40xf32, #tpu.memory_space<vmem_shared>>
        %dma_wait3A_124 = arith.constant 0 : i32
        %dma_wait3A_125 = tpu.memref_slice %arg7[%dma_wait3A_124] : memref<10240xf32, #tpu.memory_space<vmem_shared>> -> memref<40xf32, #tpu.memory_space<vmem_shared>>
        tpu.wait_dma2 semaphore(%arg8 : memref<!tpu.dma_semaphore, #tpu.memory_space<semaphore_mem>>) src(%arg5 : memref<40xf32, #tpu.memory_space<vmem>>) dst(%dma_wait3A_125 : memref<40xf32, #tpu.memory_space<vmem_shared>>)
      } else {
      }
      %scan3A_105 = arith.constant 0 : i32
      scf.yield %scan3A_105 : i32
    }
    %scan3A_29 = arith.constant 50 : i32
    %dma_wait3A = arith.constant 0 : i32
    %dma_wait3A_30 = tpu.memref_slice %arg7[%dma_wait3A] : memref<10240xf32, #tpu.memory_space<vmem_shared>> -> memref<40xf32, #tpu.memory_space<vmem_shared>>
    %dma_wait3A_31 = arith.constant 0 : i32
    %dma_wait3A_32 = tpu.memref_slice %arg7[%dma_wait3A_31] : memref<10240xf32, #tpu.memory_space<vmem_shared>> -> memref<40xf32, #tpu.memory_space<vmem_shared>>
    tpu.wait_dma2 semaphore(%arg8 : memref<!tpu.dma_semaphore, #tpu.memory_space<semaphore_mem>>) src(%arg5 : memref<40xf32, #tpu.memory_space<vmem>>) dst(%dma_wait3A_32 : memref<40xf32, #tpu.memory_space<vmem_shared>>)
    %dma_wait3A_33 = arith.constant 0 : i32
    %dma_wait3A_34 = tpu.memref_slice %arg7[%dma_wait3A_33] : memref<10240xf32, #tpu.memory_space<vmem_shared>> -> memref<40xf32, #tpu.memory_space<vmem_shared>>
    %dma_wait3A_35 = arith.constant 0 : i32
    %dma_wait3A_36 = tpu.memref_slice %arg7[%dma_wait3A_35] : memref<10240xf32, #tpu.memory_space<vmem_shared>> -> memref<40xf32, #tpu.memory_space<vmem_shared>>
    tpu.wait_dma2 semaphore(%arg8 : memref<!tpu.dma_semaphore, #tpu.memory_space<semaphore_mem>>) src(%arg5 : memref<40xf32, #tpu.memory_space<vmem>>) dst(%dma_wait3A_36 : memref<40xf32, #tpu.memory_space<vmem_shared>>)
    %dma_wait3A_37 = arith.constant 0 : i32
    %dma_wait3A_38 = tpu.memref_slice %arg7[%dma_wait3A_37] : memref<10240xf32, #tpu.memory_space<vmem_shared>> -> memref<40xf32, #tpu.memory_space<vmem_shared>>
    %dma_wait3A_39 = arith.constant 0 : i32
    %dma_wait3A_40 = tpu.memref_slice %arg7[%dma_wait3A_39] : memref<10240xf32, #tpu.memory_space<vmem_shared>> -> memref<40xf32, #tpu.memory_space<vmem_shared>>
    tpu.wait_dma2 semaphore(%arg8 : memref<!tpu.dma_semaphore, #tpu.memory_space<semaphore_mem>>) src(%arg5 : memref<40xf32, #tpu.memory_space<vmem>>) dst(%dma_wait3A_40 : memref<40xf32, #tpu.memory_space<vmem_shared>>)
    %dma_wait3A_41 = arith.constant 0 : i32
    %dma_wait3A_42 = tpu.memref_slice %arg7[%dma_wait3A_41] : memref<10240xf32, #tpu.memory_space<vmem_shared>> -> memref<40xf32, #tpu.memory_space<vmem_shared>>
    %dma_wait3A_43 = arith.constant 0 : i32
    %dma_wait3A_44 = tpu.memref_slice %arg7[%dma_wait3A_43] : memref<10240xf32, #tpu.memory_space<vmem_shared>> -> memref<40xf32, #tpu.memory_space<vmem_shared>>
    tpu.wait_dma2 semaphore(%arg8 : memref<!tpu.dma_semaphore, #tpu.memory_space<semaphore_mem>>) src(%arg5 : memref<40xf32, #tpu.memory_space<vmem>>) dst(%dma_wait3A_44 : memref<40xf32, #tpu.memory_space<vmem_shared>>)
    %dma_wait3A_45 = arith.constant 0 : i32
    %dma_wait3A_46 = tpu.memref_slice %arg7[%dma_wait3A_45] : memref<10240xf32, #tpu.memory_space<vmem_shared>> -> memref<40xf32, #tpu.memory_space<vmem_shared>>
    %dma_wait3A_47 = arith.constant 0 : i32
    %dma_wait3A_48 = tpu.memref_slice %arg7[%dma_wait3A_47] : memref<10240xf32, #tpu.memory_space<vmem_shared>> -> memref<40xf32, #tpu.memory_space<vmem_shared>>
    tpu.wait_dma2 semaphore(%arg8 : memref<!tpu.dma_semaphore, #tpu.memory_space<semaphore_mem>>) src(%arg5 : memref<40xf32, #tpu.memory_space<vmem>>) dst(%dma_wait3A_48 : memref<40xf32, #tpu.memory_space<vmem_shared>>)
    %barrier3A_49 = arith.constant 0 : index
    tpu.barrier barrier_id(%barrier3A_49)
    %mul3A_50 = arith.constant 640 : i32
    %mul3A_51 = arith.muli %arg1, %mul3A_50 : i32
    %mul3A_52 = arith.constant 10240 : i32
    %mul3A_53 = arith.muli %arg0, %mul3A_52 : i32
    %mul3A_54 = arith.constant 640 : i32
    %mul3A_55 = arith.muli %arg1, %mul3A_54 : i32
    %add3A_56 = arith.addi %mul3A_53, %mul3A_55 : i32
    "tpu.region"() ({
      %run_scoped3A_57 = tpu.sem_alloc : memref<!tpu.dma_semaphore, #tpu.memory_space<semaphore_mem>>
      %dma_start3A = tpu.memref_slice %arg3[%add3A_56] : memref<20480xf32, #tpu.memory_space<hbm>> -> memref<640xf32, #tpu.memory_space<hbm>>
      %dma_start3A_58 = tpu.memref_slice %arg7[%mul3A_51] : memref<10240xf32, #tpu.memory_space<vmem_shared>> -> memref<640xf32, #tpu.memory_space<vmem_shared>>
      tpu.enqueue_dma source(%dma_start3A_58 : memref<640xf32, #tpu.memory_space<vmem_shared>>) target(%dma_start3A : memref<640xf32, #tpu.memory_space<hbm>>) target_semaphore(%run_scoped3A_57 : memref<!tpu.dma_semaphore, #tpu.memory_space<semaphore_mem>>)
      %dma_wait3A_59 = tpu.memref_slice %arg3[%add3A_56] : memref<20480xf32, #tpu.memory_space<hbm>> -> memref<640xf32, #tpu.memory_space<hbm>>
      %dma_wait3A_60 = tpu.memref_slice %arg7[%mul3A_51] : memref<10240xf32, #tpu.memory_space<vmem_shared>> -> memref<640xf32, #tpu.memory_space<vmem_shared>>
      tpu.wait_dma2 semaphore(%run_scoped3A_57 : memref<!tpu.dma_semaphore, #tpu.memory_space<semaphore_mem>>) src(%dma_wait3A_60 : memref<640xf32, #tpu.memory_space<vmem_shared>>) dst(%dma_wait3A_59 : memref<640xf32, #tpu.memory_space<hbm>>)
      tpu.yield
    }) : () -> ()
    return
  }
}

#map = affine_map<(d0, d1) -> (0, 0)>
#map1 = affine_map<(d0, d1) -> (0, 0, 0, 0, 0)>
#map2 = affine_map<(d0, d1) -> (0, 0, 0, 0)>
#map3 = affine_map<(d0, d1) -> (0, 0, 0)>
module attributes {stable_mosaic.version = 14 : i64} {
  func.func @_sc_scatter(%arg0: i32, %arg1: i32, %arg2: memref<10000x128xf32, #tpu.memory_space<hbm>>, %arg3: memref<2x32x31x8x40xi32, #tpu.memory_space<hbm>>, %arg4: memref<2x32x2x40xi32, #tpu.memory_space<hbm>>, %arg5: memref<2x10240x128xf32, #tpu.memory_space<hbm>>, %arg6: memref<2x8x40xi32, #tpu.memory_space<vmem>>, %arg7: memref<2x8x40xi32, #tpu.memory_space<vmem>>, %arg8: memref<8x40x128xf32, #tpu.memory_space<vmem>>, %arg9: memref<10240x128xf32, #tpu.memory_space<vmem_shared>>, %arg10: memref<!tpu.dma_semaphore, #tpu.memory_space<semaphore_mem>>, %arg11: memref<!tpu.dma_semaphore, #tpu.memory_space<semaphore_mem>>, %arg12: memref<!tpu.dma_semaphore, #tpu.memory_space<semaphore_mem>>, %arg13: memref<!tpu.dma_semaphore, #tpu.memory_space<semaphore_mem>>, %arg14: memref<!tpu.dma_semaphore, #tpu.memory_space<semaphore_mem>>, %arg15: memref<!tpu.dma_semaphore, #tpu.memory_space<semaphore_mem>>, %arg16: memref<!tpu.dma_semaphore, #tpu.memory_space<semaphore_mem>>, %arg17: memref<!tpu.dma_semaphore, #tpu.memory_space<semaphore_mem>>, %arg18: memref<!tpu.dma_semaphore, #tpu.memory_space<semaphore_mem>>, %arg19: memref<!tpu.dma_semaphore, #tpu.memory_space<semaphore_mem>>, %arg20: memref<!tpu.dma_semaphore, #tpu.memory_space<semaphore_mem>>, %arg21: memref<!tpu.dma_semaphore, #tpu.memory_space<semaphore_mem>>, %arg22: memref<!tpu.dma_semaphore, #tpu.memory_space<semaphore_mem>>, %arg23: memref<!tpu.dma_semaphore, #tpu.memory_space<semaphore_mem>>, %arg24: memref<!tpu.dma_semaphore, #tpu.memory_space<semaphore_mem>>, %arg25: memref<!tpu.dma_semaphore, #tpu.memory_space<semaphore_mem>>, %arg26: memref<!tpu.dma_semaphore, #tpu.memory_space<semaphore_mem>>) attributes {dimension_semantics = [#tpu.dimension_semantics<core_parallel>, #tpu.dimension_semantics<subcore_parallel>], iteration_bounds = array<i64: 2, 16>, scalar_prefetch = 0 : i64, scratch_operands = 21 : i64, tpu.core_type = #tpu.core_type<sc_vector_subcore>, window_params = [{transform_indices = #map}, {transform_indices = #map1}, {transform_indices = #map2}, {transform_indices = #map3}]} {
    %mul3A = arith.constant 16 : i32
    %mul3A_0 = arith.muli %arg0, %mul3A : i32
    %add3A = arith.addi %mul3A_0, %arg1 : i32
    %broadcast_in_dim3A = arith.constant 0.000000e+00 : f32
    %broadcast_in_dim3A_1 = vector.broadcast %broadcast_in_dim3A : f32 to vector<16xf32>
    %dma_start3A = arith.constant 0 : i32
    %dma_start3A_2 = arith.constant 0 : i32
    %dma_start3A_3 = arith.constant 0 : i32
    %dma_start3A_4 = arith.constant 0 : i32
    %dma_start3A_5 = arith.constant 0 : i32
    %dma_start3A_6 = tpu.memref_slice %arg6[%dma_start3A_3, %dma_start3A_4, %dma_start3A_5] : memref<2x8x40xi32, #tpu.memory_space<vmem>> -> memref<1x8x40xi32, #tpu.memory_space<vmem>>
    %dma_start3A_7 = tpu.memref_squeeze %dma_start3A_6 : memref<1x8x40xi32, #tpu.memory_space<vmem>> -> memref<8x40xi32, #tpu.memory_space<vmem>>
    %dma_start3A_8 = arith.constant 0 : i32
    %dma_start3A_9 = arith.constant 0 : i32
    %dma_start3A_10 = tpu.memref_slice %arg3[%dma_start3A, %add3A, %dma_start3A_2, %dma_start3A_8, %dma_start3A_9] : memref<2x32x31x8x40xi32, #tpu.memory_space<hbm>> -> memref<1x1x1x8x40xi32, #tpu.memory_space<hbm>>
    %dma_start3A_11 = tpu.memref_squeeze %dma_start3A_10 : memref<1x1x1x8x40xi32, #tpu.memory_space<hbm>> -> memref<8x40xi32, #tpu.memory_space<hbm>>
    %dma_start3A_12 = arith.constant 0 : i32
    %dma_start3A_13 = arith.constant 0 : i32
    %dma_start3A_14 = tpu.memref_slice %arg6[%dma_start3A_3, %dma_start3A_12, %dma_start3A_13] : memref<2x8x40xi32, #tpu.memory_space<vmem>> -> memref<1x8x40xi32, #tpu.memory_space<vmem>>
    %dma_start3A_15 = tpu.memref_squeeze %dma_start3A_14 : memref<1x8x40xi32, #tpu.memory_space<vmem>> -> memref<8x40xi32, #tpu.memory_space<vmem>>
    %dma_start3A_16 = arith.constant 0 : i32
    %dma_start3A_17 = arith.constant 0 : i32
    %dma_start3A_18 = tpu.memref_slice %arg3[%dma_start3A, %add3A, %dma_start3A_2, %dma_start3A_16, %dma_start3A_17] : memref<2x32x31x8x40xi32, #tpu.memory_space<hbm>> -> memref<1x1x1x8x40xi32, #tpu.memory_space<hbm>>
    %dma_start3A_19 = tpu.memref_squeeze %dma_start3A_18 : memref<1x1x1x8x40xi32, #tpu.memory_space<hbm>> -> memref<8x40xi32, #tpu.memory_space<hbm>>
    tpu.enqueue_dma source(%dma_start3A_19 : memref<8x40xi32, #tpu.memory_space<hbm>>) target(%dma_start3A_15 : memref<8x40xi32, #tpu.memory_space<vmem>>) target_semaphore(%arg26 : memref<!tpu.dma_semaphore, #tpu.memory_space<semaphore_mem>>)
    %dma_start3A_20 = arith.constant 1 : i32
    %dma_start3A_21 = arith.constant 0 : i32
    %dma_start3A_22 = arith.constant 0 : i32
    %dma_start3A_23 = arith.constant 0 : i32
    %dma_start3A_24 = arith.constant 0 : i32
    %dma_start3A_25 = tpu.memref_slice %arg7[%dma_start3A_22, %dma_start3A_23, %dma_start3A_24] : memref<2x8x40xi32, #tpu.memory_space<vmem>> -> memref<1x8x40xi32, #tpu.memory_space<vmem>>
    %dma_start3A_26 = tpu.memref_squeeze %dma_start3A_25 : memref<1x8x40xi32, #tpu.memory_space<vmem>> -> memref<8x40xi32, #tpu.memory_space<vmem>>
    %dma_start3A_27 = arith.constant 0 : i32
    %dma_start3A_28 = arith.constant 0 : i32
    %dma_start3A_29 = tpu.memref_slice %arg3[%dma_start3A_20, %add3A, %dma_start3A_21, %dma_start3A_27, %dma_start3A_28] : memref<2x32x31x8x40xi32, #tpu.memory_space<hbm>> -> memref<1x1x1x8x40xi32, #tpu.memory_space<hbm>>
    %dma_start3A_30 = tpu.memref_squeeze %dma_start3A_29 : memref<1x1x1x8x40xi32, #tpu.memory_space<hbm>> -> memref<8x40xi32, #tpu.memory_space<hbm>>
    %dma_start3A_31 = arith.constant 0 : i32
    %dma_start3A_32 = arith.constant 0 : i32
    %dma_start3A_33 = tpu.memref_slice %arg7[%dma_start3A_22, %dma_start3A_31, %dma_start3A_32] : memref<2x8x40xi32, #tpu.memory_space<vmem>> -> memref<1x8x40xi32, #tpu.memory_space<vmem>>
    %dma_start3A_34 = tpu.memref_squeeze %dma_start3A_33 : memref<1x8x40xi32, #tpu.memory_space<vmem>> -> memref<8x40xi32, #tpu.memory_space<vmem>>
    %dma_start3A_35 = arith.constant 0 : i32
    %dma_start3A_36 = arith.constant 0 : i32
    %dma_start3A_37 = tpu.memref_slice %arg3[%dma_start3A_20, %add3A, %dma_start3A_21, %dma_start3A_35, %dma_start3A_36] : memref<2x32x31x8x40xi32, #tpu.memory_space<hbm>> -> memref<1x1x1x8x40xi32, #tpu.memory_space<hbm>>
    %dma_start3A_38 = tpu.memref_squeeze %dma_start3A_37 : memref<1x1x1x8x40xi32, #tpu.memory_space<hbm>> -> memref<8x40xi32, #tpu.memory_space<hbm>>
    tpu.enqueue_dma source(%dma_start3A_38 : memref<8x40xi32, #tpu.memory_space<hbm>>) target(%dma_start3A_34 : memref<8x40xi32, #tpu.memory_space<vmem>>) target_semaphore(%arg26 : memref<!tpu.dma_semaphore, #tpu.memory_space<semaphore_mem>>)
    %scan3A = arith.constant 0 : i32
    %scan3A_39 = arith.constant 0 : i32
    %scan3A_40 = arith.constant 40 : i32
    %scan3A_41 = arith.addi %scan3A_39, %scan3A_40 : i32
    %scan3A_42 = arith.constant 1 : i32
    %scan3A_43 = scf.for %scan3A_424 = %scan3A_39 to %scan3A_41 step %scan3A_42 iter_args(%scan3A_425 = %scan3A) -> (i32)  : i32 {
      %swap3A = arith.constant 0 : i32
      %swap3A_426 = arith.index_cast %swap3A : i32 to index
      %swap3A_427 = arith.index_cast %scan3A_424 : i32 to index
      %swap3A_428 = arith.constant 0 : index
      %swap3A_429 = tpu.vector_load %arg8[%swap3A_426, %swap3A_427, %swap3A_428] {strides = array<i32>} : memref<8x40x128xf32, #tpu.memory_space<vmem>>, vector<1x1x16xf32>,
      %swap3A_430 = vector.shape_cast %swap3A_429 : vector<1x1x16xf32> to vector<16xf32>
      %swap3A_431 = vector.shape_cast %broadcast_in_dim3A_1 : vector<16xf32> to vector<1x1x16xf32>
      tpu.vector_store %arg8[%swap3A_426, %swap3A_427, %swap3A_428], %swap3A_431 {strides = array<i32>} : memref<8x40x128xf32, #tpu.memory_space<vmem>>, vector<1x1x16xf32>,
      %swap3A_432 = arith.constant 0 : i32
      %swap3A_433 = arith.index_cast %swap3A_432 : i32 to index
      %swap3A_434 = arith.index_cast %scan3A_424 : i32 to index
      %swap3A_435 = arith.constant 16 : index
      %swap3A_436 = tpu.vector_load %arg8[%swap3A_433, %swap3A_434, %swap3A_435] {strides = array<i32>} : memref<8x40x128xf32, #tpu.memory_space<vmem>>, vector<1x1x16xf32>,
      %swap3A_437 = vector.shape_cast %swap3A_436 : vector<1x1x16xf32> to vector<16xf32>
      %swap3A_438 = vector.shape_cast %broadcast_in_dim3A_1 : vector<16xf32> to vector<1x1x16xf32>
      tpu.vector_store %arg8[%swap3A_433, %swap3A_434, %swap3A_435], %swap3A_438 {strides = array<i32>} : memref<8x40x128xf32, #tpu.memory_space<vmem>>, vector<1x1x16xf32>,
      %swap3A_439 = arith.constant 0 : i32
      %swap3A_440 = arith.index_cast %swap3A_439 : i32 to index
      %swap3A_441 = arith.index_cast %scan3A_424 : i32 to index
      %swap3A_442 = arith.constant 32 : index
      %swap3A_443 = tpu.vector_load %arg8[%swap3A_440, %swap3A_441, %swap3A_442] {strides = array<i32>} : memref<8x40x128xf32, #tpu.memory_space<vmem>>, vector<1x1x16xf32>,
      %swap3A_444 = vector.shape_cast %swap3A_443 : vector<1x1x16xf32> to vector<16xf32>
      %swap3A_445 = vector.shape_cast %broadcast_in_dim3A_1 : vector<16xf32> to vector<1x1x16xf32>
      tpu.vector_store %arg8[%swap3A_440, %swap3A_441, %swap3A_442], %swap3A_445 {strides = array<i32>} : memref<8x40x128xf32, #tpu.memory_space<vmem>>, vector<1x1x16xf32>,
      %swap3A_446 = arith.constant 0 : i32
      %swap3A_447 = arith.index_cast %swap3A_446 : i32 to index
      %swap3A_448 = arith.index_cast %scan3A_424 : i32 to index
      %swap3A_449 = arith.constant 48 : index
      %swap3A_450 = tpu.vector_load %arg8[%swap3A_447, %swap3A_448, %swap3A_449] {strides = array<i32>} : memref<8x40x128xf32, #tpu.memory_space<vmem>>, vector<1x1x16xf32>,
      %swap3A_451 = vector.shape_cast %swap3A_450 : vector<1x1x16xf32> to vector<16xf32>
      %swap3A_452 = vector.shape_cast %broadcast_in_dim3A_1 : vector<16xf32> to vector<1x1x16xf32>
      tpu.vector_store %arg8[%swap3A_447, %swap3A_448, %swap3A_449], %swap3A_452 {strides = array<i32>} : memref<8x40x128xf32, #tpu.memory_space<vmem>>, vector<1x1x16xf32>,
      %swap3A_453 = arith.constant 0 : i32
      %swap3A_454 = arith.index_cast %swap3A_453 : i32 to index
      %swap3A_455 = arith.index_cast %scan3A_424 : i32 to index
      %swap3A_456 = arith.constant 64 : index
      %swap3A_457 = tpu.vector_load %arg8[%swap3A_454, %swap3A_455, %swap3A_456] {strides = array<i32>} : memref<8x40x128xf32, #tpu.memory_space<vmem>>, vector<1x1x16xf32>,
      %swap3A_458 = vector.shape_cast %swap3A_457 : vector<1x1x16xf32> to vector<16xf32>
      %swap3A_459 = vector.shape_cast %broadcast_in_dim3A_1 : vector<16xf32> to vector<1x1x16xf32>
      tpu.vector_store %arg8[%swap3A_454, %swap3A_455, %swap3A_456], %swap3A_459 {strides = array<i32>} : memref<8x40x128xf32, #tpu.memory_space<vmem>>, vector<1x1x16xf32>,
      %swap3A_460 = arith.constant 0 : i32
      %swap3A_461 = arith.index_cast %swap3A_460 : i32 to index
      %swap3A_462 = arith.index_cast %scan3A_424 : i32 to index
      %swap3A_463 = arith.constant 80 : index
      %swap3A_464 = tpu.vector_load %arg8[%swap3A_461, %swap3A_462, %swap3A_463] {strides = array<i32>} : memref<8x40x128xf32, #tpu.memory_space<vmem>>, vector<1x1x16xf32>,
      %swap3A_465 = vector.shape_cast %swap3A_464 : vector<1x1x16xf32> to vector<16xf32>
      %swap3A_466 = vector.shape_cast %broadcast_in_dim3A_1 : vector<16xf32> to vector<1x1x16xf32>
      tpu.vector_store %arg8[%swap3A_461, %swap3A_462, %swap3A_463], %swap3A_466 {strides = array<i32>} : memref<8x40x128xf32, #tpu.memory_space<vmem>>, vector<1x1x16xf32>,
      %swap3A_467 = arith.constant 0 : i32
      %swap3A_468 = arith.index_cast %swap3A_467 : i32 to index
      %swap3A_469 = arith.index_cast %scan3A_424 : i32 to index
      %swap3A_470 = arith.constant 96 : index
      %swap3A_471 = tpu.vector_load %arg8[%swap3A_468, %swap3A_469, %swap3A_470] {strides = array<i32>} : memref<8x40x128xf32, #tpu.memory_space<vmem>>, vector<1x1x16xf32>,
      %swap3A_472 = vector.shape_cast %swap3A_471 : vector<1x1x16xf32> to vector<16xf32>
      %swap3A_473 = vector.shape_cast %broadcast_in_dim3A_1 : vector<16xf32> to vector<1x1x16xf32>
      tpu.vector_store %arg8[%swap3A_468, %swap3A_469, %swap3A_470], %swap3A_473 {strides = array<i32>} : memref<8x40x128xf32, #tpu.memory_space<vmem>>, vector<1x1x16xf32>,
      %swap3A_474 = arith.constant 0 : i32
      %swap3A_475 = arith.index_cast %swap3A_474 : i32 to index
      %swap3A_476 = arith.index_cast %scan3A_424 : i32 to index
      %swap3A_477 = arith.constant 112 : index
      %swap3A_478 = tpu.vector_load %arg8[%swap3A_475, %swap3A_476, %swap3A_477] {strides = array<i32>} : memref<8x40x128xf32, #tpu.memory_space<vmem>>, vector<1x1x16xf32>,
      %swap3A_479 = vector.shape_cast %swap3A_478 : vector<1x1x16xf32> to vector<16xf32>
      %swap3A_480 = vector.shape_cast %broadcast_in_dim3A_1 : vector<16xf32> to vector<1x1x16xf32>
      tpu.vector_store %arg8[%swap3A_475, %swap3A_476, %swap3A_477], %swap3A_480 {strides = array<i32>} : memref<8x40x128xf32, #tpu.memory_space<vmem>>, vector<1x1x16xf32>,
      %scan3A_481 = arith.constant 0 : i32
      scf.yield %scan3A_481 : i32
    }
    %scan3A_44 = arith.constant 40 : i32
    %scan3A_45 = arith.constant 0 : i32
    %scan3A_46 = arith.constant 0 : i32
    %scan3A_47 = arith.constant 16 : i32
    %scan3A_48 = arith.addi %scan3A_46, %scan3A_47 : i32
    %scan3A_49 = arith.constant 1 : i32
    %scan3A_50 = scf.for %scan3A_424 = %scan3A_46 to %scan3A_48 step %scan3A_49 iter_args(%scan3A_425 = %scan3A_45) -> (i32)  : i32 {
      %mul3A_426 = arith.constant 640 : i32
      %mul3A_427 = arith.muli %arg1, %mul3A_426 : i32
      %mul3A_428 = arith.constant 40 : i32
      %mul3A_429 = arith.muli %scan3A_424, %mul3A_428 : i32
      %add3A_430 = arith.addi %mul3A_427, %mul3A_429 : i32
      %run_scoped3A_431 = arith.constant 0 : i32
      "tpu.region"() ({
        %run_scoped3A_433 = tpu.sem_alloc : memref<!tpu.dma_semaphore, #tpu.memory_space<semaphore_mem>>
        %dma_start3A_434 = arith.constant 0 : i32
        %dma_start3A_435 = arith.constant 0 : i32
        %dma_start3A_436 = tpu.memref_slice %arg8[%run_scoped3A_431, %dma_start3A_434, %dma_start3A_435] : memref<8x40x128xf32, #tpu.memory_space<vmem>> -> memref<1x40x128xf32, #tpu.memory_space<vmem>>
        %dma_start3A_437 = tpu.memref_squeeze %dma_start3A_436 : memref<1x40x128xf32, #tpu.memory_space<vmem>> -> memref<40x128xf32, #tpu.memory_space<vmem>>
        %dma_start3A_438 = arith.constant 0 : i32
        %dma_start3A_439 = tpu.memref_slice %arg9[%add3A_430, %dma_start3A_438] : memref<10240x128xf32, #tpu.memory_space<vmem_shared>> -> memref<40x128xf32, #tpu.memory_space<vmem_shared>>
        %dma_start3A_440 = arith.constant 0 : i32
        %dma_start3A_441 = tpu.memref_slice %arg9[%add3A_430, %dma_start3A_440] : memref<10240x128xf32, #tpu.memory_space<vmem_shared>> -> memref<40x128xf32, #tpu.memory_space<vmem_shared>>
        %dma_start3A_442 = arith.constant 0 : i32
        %dma_start3A_443 = arith.constant 0 : i32
        %dma_start3A_444 = tpu.memref_slice %arg8[%run_scoped3A_431, %dma_start3A_442, %dma_start3A_443] : memref<8x40x128xf32, #tpu.memory_space<vmem>> -> memref<1x40x128xf32, #tpu.memory_space<vmem>>
        %dma_start3A_445 = tpu.memref_squeeze %dma_start3A_444 : memref<1x40x128xf32, #tpu.memory_space<vmem>> -> memref<40x128xf32, #tpu.memory_space<vmem>>
        tpu.enqueue_dma source(%dma_start3A_445 : memref<40x128xf32, #tpu.memory_space<vmem>>) target(%dma_start3A_441 : memref<40x128xf32, #tpu.memory_space<vmem_shared>>) target_semaphore(%run_scoped3A_433 : memref<!tpu.dma_semaphore, #tpu.memory_space<semaphore_mem>>)
        %dma_wait3A_446 = arith.constant 0 : i32
        %dma_wait3A_447 = arith.constant 0 : i32
        %dma_wait3A_448 = tpu.memref_slice %arg8[%run_scoped3A_431, %dma_wait3A_446, %dma_wait3A_447] : memref<8x40x128xf32, #tpu.memory_space<vmem>> -> memref<1x40x128xf32, #tpu.memory_space<vmem>>
        %dma_wait3A_449 = tpu.memref_squeeze %dma_wait3A_448 : memref<1x40x128xf32, #tpu.memory_space<vmem>> -> memref<40x128xf32, #tpu.memory_space<vmem>>
        %dma_wait3A_450 = arith.constant 0 : i32
        %dma_wait3A_451 = tpu.memref_slice %arg9[%add3A_430, %dma_wait3A_450] : memref<10240x128xf32, #tpu.memory_space<vmem_shared>> -> memref<40x128xf32, #tpu.memory_space<vmem_shared>>
        %dma_wait3A_452 = arith.constant 0 : i32
        %dma_wait3A_453 = tpu.memref_slice %arg9[%add3A_430, %dma_wait3A_452] : memref<10240x128xf32, #tpu.memory_space<vmem_shared>> -> memref<40x128xf32, #tpu.memory_space<vmem_shared>>
        %dma_wait3A_454 = arith.constant 0 : i32
        %dma_wait3A_455 = arith.constant 0 : i32
        %dma_wait3A_456 = tpu.memref_slice %arg8[%run_scoped3A_431, %dma_wait3A_454, %dma_wait3A_455] : memref<8x40x128xf32, #tpu.memory_space<vmem>> -> memref<1x40x128xf32, #tpu.memory_space<vmem>>
        %dma_wait3A_457 = tpu.memref_squeeze %dma_wait3A_456 : memref<1x40x128xf32, #tpu.memory_space<vmem>> -> memref<40x128xf32, #tpu.memory_space<vmem>>
        tpu.wait_dma2 semaphore(%run_scoped3A_433 : memref<!tpu.dma_semaphore, #tpu.memory_space<semaphore_mem>>) src(%dma_wait3A_457 : memref<40x128xf32, #tpu.memory_space<vmem>>) dst(%dma_wait3A_453 : memref<40x128xf32, #tpu.memory_space<vmem_shared>>)
        tpu.yield
      }) : () -> ()
      %scan3A_432 = arith.constant 0 : i32
      scf.yield %scan3A_432 : i32
    }
    %scan3A_51 = arith.constant 16 : i32
    %dma_wait3A = arith.constant 0 : i32
    %dma_wait3A_52 = arith.constant 0 : i32
    %dma_wait3A_53 = arith.constant 0 : i32
    %dma_wait3A_54 = arith.constant 0 : i32
    %dma_wait3A_55 = arith.constant 0 : i32
    %dma_wait3A_56 = tpu.memref_slice %arg6[%dma_wait3A_53, %dma_wait3A_54, %dma_wait3A_55] : memref<2x8x40xi32, #tpu.memory_space<vmem>> -> memref<1x8x40xi32, #tpu.memory_space<vmem>>
    %dma_wait3A_57 = tpu.memref_squeeze %dma_wait3A_56 : memref<1x8x40xi32, #tpu.memory_space<vmem>> -> memref<8x40xi32, #tpu.memory_space<vmem>>
    %dma_wait3A_58 = arith.constant 0 : i32
    %dma_wait3A_59 = arith.constant 0 : i32
    %dma_wait3A_60 = tpu.memref_slice %arg3[%dma_wait3A, %add3A, %dma_wait3A_52, %dma_wait3A_58, %dma_wait3A_59] : memref<2x32x31x8x40xi32, #tpu.memory_space<hbm>> -> memref<1x1x1x8x40xi32, #tpu.memory_space<hbm>>
    %dma_wait3A_61 = tpu.memref_squeeze %dma_wait3A_60 : memref<1x1x1x8x40xi32, #tpu.memory_space<hbm>> -> memref<8x40xi32, #tpu.memory_space<hbm>>
    %dma_wait3A_62 = arith.constant 0 : i32
    %dma_wait3A_63 = arith.constant 0 : i32
    %dma_wait3A_64 = tpu.memref_slice %arg6[%dma_wait3A_53, %dma_wait3A_62, %dma_wait3A_63] : memref<2x8x40xi32, #tpu.memory_space<vmem>> -> memref<1x8x40xi32, #tpu.memory_space<vmem>>
    %dma_wait3A_65 = tpu.memref_squeeze %dma_wait3A_64 : memref<1x8x40xi32, #tpu.memory_space<vmem>> -> memref<8x40xi32, #tpu.memory_space<vmem>>
    %dma_wait3A_66 = arith.constant 0 : i32
    %dma_wait3A_67 = arith.constant 0 : i32
    %dma_wait3A_68 = tpu.memref_slice %arg3[%dma_wait3A, %add3A, %dma_wait3A_52, %dma_wait3A_66, %dma_wait3A_67] : memref<2x32x31x8x40xi32, #tpu.memory_space<hbm>> -> memref<1x1x1x8x40xi32, #tpu.memory_space<hbm>>
    %dma_wait3A_69 = tpu.memref_squeeze %dma_wait3A_68 : memref<1x1x1x8x40xi32, #tpu.memory_space<hbm>> -> memref<8x40xi32, #tpu.memory_space<hbm>>
    tpu.wait_dma2 semaphore(%arg26 : memref<!tpu.dma_semaphore, #tpu.memory_space<semaphore_mem>>) src(%dma_wait3A_69 : memref<8x40xi32, #tpu.memory_space<hbm>>) dst(%dma_wait3A_65 : memref<8x40xi32, #tpu.memory_space<vmem>>)
    %dma_wait3A_70 = arith.constant 1 : i32
    %dma_wait3A_71 = arith.constant 0 : i32
    %dma_wait3A_72 = arith.constant 0 : i32
    %dma_wait3A_73 = arith.constant 0 : i32
    %dma_wait3A_74 = arith.constant 0 : i32
    %dma_wait3A_75 = tpu.memref_slice %arg7[%dma_wait3A_72, %dma_wait3A_73, %dma_wait3A_74] : memref<2x8x40xi32, #tpu.memory_space<vmem>> -> memref<1x8x40xi32, #tpu.memory_space<vmem>>
    %dma_wait3A_76 = tpu.memref_squeeze %dma_wait3A_75 : memref<1x8x40xi32, #tpu.memory_space<vmem>> -> memref<8x40xi32, #tpu.memory_space<vmem>>
    %dma_wait3A_77 = arith.constant 0 : i32
    %dma_wait3A_78 = arith.constant 0 : i32
    %dma_wait3A_79 = tpu.memref_slice %arg3[%dma_wait3A_70, %add3A, %dma_wait3A_71, %dma_wait3A_77, %dma_wait3A_78] : memref<2x32x31x8x40xi32, #tpu.memory_space<hbm>> -> memref<1x1x1x8x40xi32, #tpu.memory_space<hbm>>
    %dma_wait3A_80 = tpu.memref_squeeze %dma_wait3A_79 : memref<1x1x1x8x40xi32, #tpu.memory_space<hbm>> -> memref<8x40xi32, #tpu.memory_space<hbm>>
    %dma_wait3A_81 = arith.constant 0 : i32
    %dma_wait3A_82 = arith.constant 0 : i32
    %dma_wait3A_83 = tpu.memref_slice %arg7[%dma_wait3A_72, %dma_wait3A_81, %dma_wait3A_82] : memref<2x8x40xi32, #tpu.memory_space<vmem>> -> memref<1x8x40xi32, #tpu.memory_space<vmem>>
    %dma_wait3A_84 = tpu.memref_squeeze %dma_wait3A_83 : memref<1x8x40xi32, #tpu.memory_space<vmem>> -> memref<8x40xi32, #tpu.memory_space<vmem>>
    %dma_wait3A_85 = arith.constant 0 : i32
    %dma_wait3A_86 = arith.constant 0 : i32
    %dma_wait3A_87 = tpu.memref_slice %arg3[%dma_wait3A_70, %add3A, %dma_wait3A_71, %dma_wait3A_85, %dma_wait3A_86] : memref<2x32x31x8x40xi32, #tpu.memory_space<hbm>> -> memref<1x1x1x8x40xi32, #tpu.memory_space<hbm>>
    %dma_wait3A_88 = tpu.memref_squeeze %dma_wait3A_87 : memref<1x1x1x8x40xi32, #tpu.memory_space<hbm>> -> memref<8x40xi32, #tpu.memory_space<hbm>>
    tpu.wait_dma2 semaphore(%arg26 : memref<!tpu.dma_semaphore, #tpu.memory_space<semaphore_mem>>) src(%dma_wait3A_88 : memref<8x40xi32, #tpu.memory_space<hbm>>) dst(%dma_wait3A_84 : memref<8x40xi32, #tpu.memory_space<vmem>>)
    %dma_start3A_89 = arith.constant 0 : i32
    %dma_start3A_90 = arith.constant 0 : i32
    %dma_start3A_91 = arith.constant 0 : i32
    %dma_start3A_92 = arith.constant 0 : i32
    %dma_start3A_93 = arith.constant 0 : i32
    %dma_start3A_94 = tpu.memref_slice %arg8[%dma_start3A_91, %dma_start3A_92, %dma_start3A_93] : memref<8x40x128xf32, #tpu.memory_space<vmem>> -> memref<1x40x128xf32, #tpu.memory_space<vmem>>
    %dma_start3A_95 = tpu.memref_squeeze %dma_start3A_94 : memref<1x40x128xf32, #tpu.memory_space<vmem>> -> memref<40x128xf32, #tpu.memory_space<vmem>>
    %dma_start3A_96 = arith.constant 0 : i32
    %dma_start3A_97 = tpu.memref_slice %arg6[%dma_start3A_89, %dma_start3A_90, %dma_start3A_96] : memref<2x8x40xi32, #tpu.memory_space<vmem>> -> memref<1x1x40xi32, #tpu.memory_space<vmem>>
    %dma_start3A_98 = tpu.memref_squeeze %dma_start3A_97 : memref<1x1x40xi32, #tpu.memory_space<vmem>> -> memref<40xi32, #tpu.memory_space<vmem>>
    %dma_start3A_99 = arith.constant 0 : i32
    %dma_start3A_100 = arith.constant 0 : i32
    %dma_start3A_101 = tpu.memref_slice %arg2[%dma_start3A_99, %dma_start3A_100] : memref<10000x128xf32, #tpu.memory_space<hbm>> -> memref<10000x128xf32, #tpu.memory_space<hbm>>
    tpu.enqueue_indirect_dma source(%dma_start3A_101 : memref<10000x128xf32, #tpu.memory_space<hbm>>) target(%dma_start3A_95 : memref<40x128xf32, #tpu.memory_space<vmem>>) offsets(%dma_start3A_98 : memref<40xi32, #tpu.memory_space<vmem>>) semaphore(%arg10 : memref<!tpu.dma_semaphore, #tpu.memory_space<semaphore_mem>>)
    %dma_start3A_102 = arith.constant 0 : i32
    %dma_start3A_103 = arith.constant 1 : i32
    %dma_start3A_104 = arith.constant 1 : i32
    %dma_start3A_105 = arith.constant 0 : i32
    %dma_start3A_106 = arith.constant 0 : i32
    %dma_start3A_107 = tpu.memref_slice %arg8[%dma_start3A_104, %dma_start3A_105, %dma_start3A_106] : memref<8x40x128xf32, #tpu.memory_space<vmem>> -> memref<1x40x128xf32, #tpu.memory_space<vmem>>
    %dma_start3A_108 = tpu.memref_squeeze %dma_start3A_107 : memref<1x40x128xf32, #tpu.memory_space<vmem>> -> memref<40x128xf32, #tpu.memory_space<vmem>>
    %dma_start3A_109 = arith.constant 0 : i32
    %dma_start3A_110 = tpu.memref_slice %arg6[%dma_start3A_102, %dma_start3A_103, %dma_start3A_109] : memref<2x8x40xi32, #tpu.memory_space<vmem>> -> memref<1x1x40xi32, #tpu.memory_space<vmem>>
    %dma_start3A_111 = tpu.memref_squeeze %dma_start3A_110 : memref<1x1x40xi32, #tpu.memory_space<vmem>> -> memref<40xi32, #tpu.memory_space<vmem>>
    %dma_start3A_112 = arith.constant 0 : i32
    %dma_start3A_113 = arith.constant 0 : i32
    %dma_start3A_114 = tpu.memref_slice %arg2[%dma_start3A_112, %dma_start3A_113] : memref<10000x128xf32, #tpu.memory_space<hbm>> -> memref<10000x128xf32, #tpu.memory_space<hbm>>
    tpu.enqueue_indirect_dma source(%dma_start3A_114 : memref<10000x128xf32, #tpu.memory_space<hbm>>) target(%dma_start3A_108 : memref<40x128xf32, #tpu.memory_space<vmem>>) offsets(%dma_start3A_111 : memref<40xi32, #tpu.memory_space<vmem>>) semaphore(%arg11 : memref<!tpu.dma_semaphore, #tpu.memory_space<semaphore_mem>>)
    %dma_start3A_115 = arith.constant 0 : i32
    %dma_start3A_116 = arith.constant 2 : i32
    %dma_start3A_117 = arith.constant 2 : i32
    %dma_start3A_118 = arith.constant 0 : i32
    %dma_start3A_119 = arith.constant 0 : i32
    %dma_start3A_120 = tpu.memref_slice %arg8[%dma_start3A_117, %dma_start3A_118, %dma_start3A_119] : memref<8x40x128xf32, #tpu.memory_space<vmem>> -> memref<1x40x128xf32, #tpu.memory_space<vmem>>
    %dma_start3A_121 = tpu.memref_squeeze %dma_start3A_120 : memref<1x40x128xf32, #tpu.memory_space<vmem>> -> memref<40x128xf32, #tpu.memory_space<vmem>>
    %dma_start3A_122 = arith.constant 0 : i32
    %dma_start3A_123 = tpu.memref_slice %arg6[%dma_start3A_115, %dma_start3A_116, %dma_start3A_122] : memref<2x8x40xi32, #tpu.memory_space<vmem>> -> memref<1x1x40xi32, #tpu.memory_space<vmem>>
    %dma_start3A_124 = tpu.memref_squeeze %dma_start3A_123 : memref<1x1x40xi32, #tpu.memory_space<vmem>> -> memref<40xi32, #tpu.memory_space<vmem>>
    %dma_start3A_125 = arith.constant 0 : i32
    %dma_start3A_126 = arith.constant 0 : i32
    %dma_start3A_127 = tpu.memref_slice %arg2[%dma_start3A_125, %dma_start3A_126] : memref<10000x128xf32, #tpu.memory_space<hbm>> -> memref<10000x128xf32, #tpu.memory_space<hbm>>
    tpu.enqueue_indirect_dma source(%dma_start3A_127 : memref<10000x128xf32, #tpu.memory_space<hbm>>) target(%dma_start3A_121 : memref<40x128xf32, #tpu.memory_space<vmem>>) offsets(%dma_start3A_124 : memref<40xi32, #tpu.memory_space<vmem>>) semaphore(%arg12 : memref<!tpu.dma_semaphore, #tpu.memory_space<semaphore_mem>>)
    %dma_start3A_128 = arith.constant 0 : i32
    %dma_start3A_129 = arith.constant 3 : i32
    %dma_start3A_130 = arith.constant 3 : i32
    %dma_start3A_131 = arith.constant 0 : i32
    %dma_start3A_132 = arith.constant 0 : i32
    %dma_start3A_133 = tpu.memref_slice %arg8[%dma_start3A_130, %dma_start3A_131, %dma_start3A_132] : memref<8x40x128xf32, #tpu.memory_space<vmem>> -> memref<1x40x128xf32, #tpu.memory_space<vmem>>
    %dma_start3A_134 = tpu.memref_squeeze %dma_start3A_133 : memref<1x40x128xf32, #tpu.memory_space<vmem>> -> memref<40x128xf32, #tpu.memory_space<vmem>>
    %dma_start3A_135 = arith.constant 0 : i32
    %dma_start3A_136 = tpu.memref_slice %arg6[%dma_start3A_128, %dma_start3A_129, %dma_start3A_135] : memref<2x8x40xi32, #tpu.memory_space<vmem>> -> memref<1x1x40xi32, #tpu.memory_space<vmem>>
    %dma_start3A_137 = tpu.memref_squeeze %dma_start3A_136 : memref<1x1x40xi32, #tpu.memory_space<vmem>> -> memref<40xi32, #tpu.memory_space<vmem>>
    %dma_start3A_138 = arith.constant 0 : i32
    %dma_start3A_139 = arith.constant 0 : i32
    %dma_start3A_140 = tpu.memref_slice %arg2[%dma_start3A_138, %dma_start3A_139] : memref<10000x128xf32, #tpu.memory_space<hbm>> -> memref<10000x128xf32, #tpu.memory_space<hbm>>
    tpu.enqueue_indirect_dma source(%dma_start3A_140 : memref<10000x128xf32, #tpu.memory_space<hbm>>) target(%dma_start3A_134 : memref<40x128xf32, #tpu.memory_space<vmem>>) offsets(%dma_start3A_137 : memref<40xi32, #tpu.memory_space<vmem>>) semaphore(%arg13 : memref<!tpu.dma_semaphore, #tpu.memory_space<semaphore_mem>>)
    %dma_start3A_141 = arith.constant 0 : i32
    %dma_start3A_142 = arith.constant 4 : i32
    %dma_start3A_143 = arith.constant 4 : i32
    %dma_start3A_144 = arith.constant 0 : i32
    %dma_start3A_145 = arith.constant 0 : i32
    %dma_start3A_146 = tpu.memref_slice %arg8[%dma_start3A_143, %dma_start3A_144, %dma_start3A_145] : memref<8x40x128xf32, #tpu.memory_space<vmem>> -> memref<1x40x128xf32, #tpu.memory_space<vmem>>
    %dma_start3A_147 = tpu.memref_squeeze %dma_start3A_146 : memref<1x40x128xf32, #tpu.memory_space<vmem>> -> memref<40x128xf32, #tpu.memory_space<vmem>>
    %dma_start3A_148 = arith.constant 0 : i32
    %dma_start3A_149 = tpu.memref_slice %arg6[%dma_start3A_141, %dma_start3A_142, %dma_start3A_148] : memref<2x8x40xi32, #tpu.memory_space<vmem>> -> memref<1x1x40xi32, #tpu.memory_space<vmem>>
    %dma_start3A_150 = tpu.memref_squeeze %dma_start3A_149 : memref<1x1x40xi32, #tpu.memory_space<vmem>> -> memref<40xi32, #tpu.memory_space<vmem>>
    %dma_start3A_151 = arith.constant 0 : i32
    %dma_start3A_152 = arith.constant 0 : i32
    %dma_start3A_153 = tpu.memref_slice %arg2[%dma_start3A_151, %dma_start3A_152] : memref<10000x128xf32, #tpu.memory_space<hbm>> -> memref<10000x128xf32, #tpu.memory_space<hbm>>
    tpu.enqueue_indirect_dma source(%dma_start3A_153 : memref<10000x128xf32, #tpu.memory_space<hbm>>) target(%dma_start3A_147 : memref<40x128xf32, #tpu.memory_space<vmem>>) offsets(%dma_start3A_150 : memref<40xi32, #tpu.memory_space<vmem>>) semaphore(%arg14 : memref<!tpu.dma_semaphore, #tpu.memory_space<semaphore_mem>>)
    %dma_start3A_154 = arith.constant 0 : i32
    %dma_start3A_155 = arith.constant 5 : i32
    %dma_start3A_156 = arith.constant 5 : i32
    %dma_start3A_157 = arith.constant 0 : i32
    %dma_start3A_158 = arith.constant 0 : i32
    %dma_start3A_159 = tpu.memref_slice %arg8[%dma_start3A_156, %dma_start3A_157, %dma_start3A_158] : memref<8x40x128xf32, #tpu.memory_space<vmem>> -> memref<1x40x128xf32, #tpu.memory_space<vmem>>
    %dma_start3A_160 = tpu.memref_squeeze %dma_start3A_159 : memref<1x40x128xf32, #tpu.memory_space<vmem>> -> memref<40x128xf32, #tpu.memory_space<vmem>>
    %dma_start3A_161 = arith.constant 0 : i32
    %dma_start3A_162 = tpu.memref_slice %arg6[%dma_start3A_154, %dma_start3A_155, %dma_start3A_161] : memref<2x8x40xi32, #tpu.memory_space<vmem>> -> memref<1x1x40xi32, #tpu.memory_space<vmem>>
    %dma_start3A_163 = tpu.memref_squeeze %dma_start3A_162 : memref<1x1x40xi32, #tpu.memory_space<vmem>> -> memref<40xi32, #tpu.memory_space<vmem>>
    %dma_start3A_164 = arith.constant 0 : i32
    %dma_start3A_165 = arith.constant 0 : i32
    %dma_start3A_166 = tpu.memref_slice %arg2[%dma_start3A_164, %dma_start3A_165] : memref<10000x128xf32, #tpu.memory_space<hbm>> -> memref<10000x128xf32, #tpu.memory_space<hbm>>
    tpu.enqueue_indirect_dma source(%dma_start3A_166 : memref<10000x128xf32, #tpu.memory_space<hbm>>) target(%dma_start3A_160 : memref<40x128xf32, #tpu.memory_space<vmem>>) offsets(%dma_start3A_163 : memref<40xi32, #tpu.memory_space<vmem>>) semaphore(%arg15 : memref<!tpu.dma_semaphore, #tpu.memory_space<semaphore_mem>>)
    %dma_start3A_167 = arith.constant 0 : i32
    %dma_start3A_168 = arith.constant 6 : i32
    %dma_start3A_169 = arith.constant 6 : i32
    %dma_start3A_170 = arith.constant 0 : i32
    %dma_start3A_171 = arith.constant 0 : i32
    %dma_start3A_172 = tpu.memref_slice %arg8[%dma_start3A_169, %dma_start3A_170, %dma_start3A_171] : memref<8x40x128xf32, #tpu.memory_space<vmem>> -> memref<1x40x128xf32, #tpu.memory_space<vmem>>
    %dma_start3A_173 = tpu.memref_squeeze %dma_start3A_172 : memref<1x40x128xf32, #tpu.memory_space<vmem>> -> memref<40x128xf32, #tpu.memory_space<vmem>>
    %dma_start3A_174 = arith.constant 0 : i32
    %dma_start3A_175 = tpu.memref_slice %arg6[%dma_start3A_167, %dma_start3A_168, %dma_start3A_174] : memref<2x8x40xi32, #tpu.memory_space<vmem>> -> memref<1x1x40xi32, #tpu.memory_space<vmem>>
    %dma_start3A_176 = tpu.memref_squeeze %dma_start3A_175 : memref<1x1x40xi32, #tpu.memory_space<vmem>> -> memref<40xi32, #tpu.memory_space<vmem>>
    %dma_start3A_177 = arith.constant 0 : i32
    %dma_start3A_178 = arith.constant 0 : i32
    %dma_start3A_179 = tpu.memref_slice %arg2[%dma_start3A_177, %dma_start3A_178] : memref<10000x128xf32, #tpu.memory_space<hbm>> -> memref<10000x128xf32, #tpu.memory_space<hbm>>
    tpu.enqueue_indirect_dma source(%dma_start3A_179 : memref<10000x128xf32, #tpu.memory_space<hbm>>) target(%dma_start3A_173 : memref<40x128xf32, #tpu.memory_space<vmem>>) offsets(%dma_start3A_176 : memref<40xi32, #tpu.memory_space<vmem>>) semaphore(%arg16 : memref<!tpu.dma_semaphore, #tpu.memory_space<semaphore_mem>>)
    %dma_start3A_180 = arith.constant 0 : i32
    %dma_start3A_181 = arith.constant 7 : i32
    %dma_start3A_182 = arith.constant 7 : i32
    %dma_start3A_183 = arith.constant 0 : i32
    %dma_start3A_184 = arith.constant 0 : i32
    %dma_start3A_185 = tpu.memref_slice %arg8[%dma_start3A_182, %dma_start3A_183, %dma_start3A_184] : memref<8x40x128xf32, #tpu.memory_space<vmem>> -> memref<1x40x128xf32, #tpu.memory_space<vmem>>
    %dma_start3A_186 = tpu.memref_squeeze %dma_start3A_185 : memref<1x40x128xf32, #tpu.memory_space<vmem>> -> memref<40x128xf32, #tpu.memory_space<vmem>>
    %dma_start3A_187 = arith.constant 0 : i32
    %dma_start3A_188 = tpu.memref_slice %arg6[%dma_start3A_180, %dma_start3A_181, %dma_start3A_187] : memref<2x8x40xi32, #tpu.memory_space<vmem>> -> memref<1x1x40xi32, #tpu.memory_space<vmem>>
    %dma_start3A_189 = tpu.memref_squeeze %dma_start3A_188 : memref<1x1x40xi32, #tpu.memory_space<vmem>> -> memref<40xi32, #tpu.memory_space<vmem>>
    %dma_start3A_190 = arith.constant 0 : i32
    %dma_start3A_191 = arith.constant 0 : i32
    %dma_start3A_192 = tpu.memref_slice %arg2[%dma_start3A_190, %dma_start3A_191] : memref<10000x128xf32, #tpu.memory_space<hbm>> -> memref<10000x128xf32, #tpu.memory_space<hbm>>
    tpu.enqueue_indirect_dma source(%dma_start3A_192 : memref<10000x128xf32, #tpu.memory_space<hbm>>) target(%dma_start3A_186 : memref<40x128xf32, #tpu.memory_space<vmem>>) offsets(%dma_start3A_189 : memref<40xi32, #tpu.memory_space<vmem>>) semaphore(%arg17 : memref<!tpu.dma_semaphore, #tpu.memory_space<semaphore_mem>>)
    %dma_start3A_193 = arith.constant 0 : i32
    %dma_start3A_194 = arith.constant 1 : i32
    %dma_start3A_195 = arith.constant 1 : i32
    %dma_start3A_196 = arith.constant 0 : i32
    %dma_start3A_197 = arith.constant 0 : i32
    %dma_start3A_198 = tpu.memref_slice %arg6[%dma_start3A_195, %dma_start3A_196, %dma_start3A_197] : memref<2x8x40xi32, #tpu.memory_space<vmem>> -> memref<1x8x40xi32, #tpu.memory_space<vmem>>
    %dma_start3A_199 = tpu.memref_squeeze %dma_start3A_198 : memref<1x8x40xi32, #tpu.memory_space<vmem>> -> memref<8x40xi32, #tpu.memory_space<vmem>>
    %dma_start3A_200 = arith.constant 0 : i32
    %dma_start3A_201 = arith.constant 0 : i32
    %dma_start3A_202 = tpu.memref_slice %arg3[%dma_start3A_193, %add3A, %dma_start3A_194, %dma_start3A_200, %dma_start3A_201] : memref<2x32x31x8x40xi32, #tpu.memory_space<hbm>> -> memref<1x1x1x8x40xi32, #tpu.memory_space<hbm>>
    %dma_start3A_203 = tpu.memref_squeeze %dma_start3A_202 : memref<1x1x1x8x40xi32, #tpu.memory_space<hbm>> -> memref<8x40xi32, #tpu.memory_space<hbm>>
    %dma_start3A_204 = arith.constant 0 : i32
    %dma_start3A_205 = arith.constant 0 : i32
    %dma_start3A_206 = tpu.memref_slice %arg6[%dma_start3A_195, %dma_start3A_204, %dma_start3A_205] : memref<2x8x40xi32, #tpu.memory_space<vmem>> -> memref<1x8x40xi32, #tpu.memory_space<vmem>>
    %dma_start3A_207 = tpu.memref_squeeze %dma_start3A_206 : memref<1x8x40xi32, #tpu.memory_space<vmem>> -> memref<8x40xi32, #tpu.memory_space<vmem>>
    %dma_start3A_208 = arith.constant 0 : i32
    %dma_start3A_209 = arith.constant 0 : i32
    %dma_start3A_210 = tpu.memref_slice %arg3[%dma_start3A_193, %add3A, %dma_start3A_194, %dma_start3A_208, %dma_start3A_209] : memref<2x32x31x8x40xi32, #tpu.memory_space<hbm>> -> memref<1x1x1x8x40xi32, #tpu.memory_space<hbm>>
    %dma_start3A_211 = tpu.memref_squeeze %dma_start3A_210 : memref<1x1x1x8x40xi32, #tpu.memory_space<hbm>> -> memref<8x40xi32, #tpu.memory_space<hbm>>
    tpu.enqueue_dma source(%dma_start3A_211 : memref<8x40xi32, #tpu.memory_space<hbm>>) target(%dma_start3A_207 : memref<8x40xi32, #tpu.memory_space<vmem>>) target_semaphore(%arg26 : memref<!tpu.dma_semaphore, #tpu.memory_space<semaphore_mem>>)
    %dma_start3A_212 = arith.constant 1 : i32
    %dma_start3A_213 = arith.constant 1 : i32
    %dma_start3A_214 = arith.constant 1 : i32
    %dma_start3A_215 = arith.constant 0 : i32
    %dma_start3A_216 = arith.constant 0 : i32
    %dma_start3A_217 = tpu.memref_slice %arg7[%dma_start3A_214, %dma_start3A_215, %dma_start3A_216] : memref<2x8x40xi32, #tpu.memory_space<vmem>> -> memref<1x8x40xi32, #tpu.memory_space<vmem>>
    %dma_start3A_218 = tpu.memref_squeeze %dma_start3A_217 : memref<1x8x40xi32, #tpu.memory_space<vmem>> -> memref<8x40xi32, #tpu.memory_space<vmem>>
    %dma_start3A_219 = arith.constant 0 : i32
    %dma_start3A_220 = arith.constant 0 : i32
    %dma_start3A_221 = tpu.memref_slice %arg3[%dma_start3A_212, %add3A, %dma_start3A_213, %dma_start3A_219, %dma_start3A_220] : memref<2x32x31x8x40xi32, #tpu.memory_space<hbm>> -> memref<1x1x1x8x40xi32, #tpu.memory_space<hbm>>
    %dma_start3A_222 = tpu.memref_squeeze %dma_start3A_221 : memref<1x1x1x8x40xi32, #tpu.memory_space<hbm>> -> memref<8x40xi32, #tpu.memory_space<hbm>>
    %dma_start3A_223 = arith.constant 0 : i32
    %dma_start3A_224 = arith.constant 0 : i32
    %dma_start3A_225 = tpu.memref_slice %arg7[%dma_start3A_214, %dma_start3A_223, %dma_start3A_224] : memref<2x8x40xi32, #tpu.memory_space<vmem>> -> memref<1x8x40xi32, #tpu.memory_space<vmem>>
    %dma_start3A_226 = tpu.memref_squeeze %dma_start3A_225 : memref<1x8x40xi32, #tpu.memory_space<vmem>> -> memref<8x40xi32, #tpu.memory_space<vmem>>
    %dma_start3A_227 = arith.constant 0 : i32
    %dma_start3A_228 = arith.constant 0 : i32
    %dma_start3A_229 = tpu.memref_slice %arg3[%dma_start3A_212, %add3A, %dma_start3A_213, %dma_start3A_227, %dma_start3A_228] : memref<2x32x31x8x40xi32, #tpu.memory_space<hbm>> -> memref<1x1x1x8x40xi32, #tpu.memory_space<hbm>>
    %dma_start3A_230 = tpu.memref_squeeze %dma_start3A_229 : memref<1x1x1x8x40xi32, #tpu.memory_space<hbm>> -> memref<8x40xi32, #tpu.memory_space<hbm>>
    tpu.enqueue_dma source(%dma_start3A_230 : memref<8x40xi32, #tpu.memory_space<hbm>>) target(%dma_start3A_226 : memref<8x40xi32, #tpu.memory_space<vmem>>) target_semaphore(%arg26 : memref<!tpu.dma_semaphore, #tpu.memory_space<semaphore_mem>>)
    %barrier3A = arith.constant 0 : index
    tpu.barrier barrier_id(%barrier3A)
    %scan3A_231 = arith.constant 0 : i32
    %scan3A_232 = arith.constant 0 : i32
    %scan3A_233 = arith.constant 31 : i32
    %scan3A_234 = arith.addi %scan3A_232, %scan3A_233 : i32
    %scan3A_235 = arith.constant 1 : i32
    %scan3A_236 = scf.for %scan3A_424 = %scan3A_232 to %scan3A_234 step %scan3A_235 iter_args(%scan3A_425 = %scan3A_231) -> (i32)  : i32 {
      %rem3A = arith.constant 2 : i32
      %rem3A_426 = arith.remsi %scan3A_424, %rem3A : i32
      %dma_wait3A_427 = arith.constant 0 : i32
      %dma_wait3A_428 = arith.constant 0 : i32
      %dma_wait3A_429 = arith.constant 0 : i32
      %dma_wait3A_430 = tpu.memref_slice %arg8[%dma_wait3A_427, %dma_wait3A_428, %dma_wait3A_429] : memref<8x40x128xf32, #tpu.memory_space<vmem>> -> memref<1x40x128xf32, #tpu.memory_space<vmem>>
      %dma_wait3A_431 = tpu.memref_squeeze %dma_wait3A_430 : memref<1x40x128xf32, #tpu.memory_space<vmem>> -> memref<40x128xf32, #tpu.memory_space<vmem>>
      %dma_wait3A_432 = arith.constant 0 : i32
      %dma_wait3A_433 = arith.constant 0 : i32
      %dma_wait3A_434 = tpu.memref_slice %arg2[%dma_wait3A_432, %dma_wait3A_433] : memref<10000x128xf32, #tpu.memory_space<hbm>> -> memref<40x128xf32, #tpu.memory_space<hbm>>
      %dma_wait3A_435 = arith.constant 0 : i32
      %dma_wait3A_436 = arith.constant 0 : i32
      %dma_wait3A_437 = tpu.memref_slice %arg8[%dma_wait3A_427, %dma_wait3A_435, %dma_wait3A_436] : memref<8x40x128xf32, #tpu.memory_space<vmem>> -> memref<1x40x128xf32, #tpu.memory_space<vmem>>
      %dma_wait3A_438 = tpu.memref_squeeze %dma_wait3A_437 : memref<1x40x128xf32, #tpu.memory_space<vmem>> -> memref<40x128xf32, #tpu.memory_space<vmem>>
      %dma_wait3A_439 = arith.constant 0 : i32
      %dma_wait3A_440 = arith.constant 0 : i32
      %dma_wait3A_441 = tpu.memref_slice %arg2[%dma_wait3A_439, %dma_wait3A_440] : memref<10000x128xf32, #tpu.memory_space<hbm>> -> memref<40x128xf32, #tpu.memory_space<hbm>>
      tpu.wait_dma2 semaphore(%arg10 : memref<!tpu.dma_semaphore, #tpu.memory_space<semaphore_mem>>) src(%dma_wait3A_441 : memref<40x128xf32, #tpu.memory_space<hbm>>) dst(%dma_wait3A_438 : memref<40x128xf32, #tpu.memory_space<vmem>>)
      %dma_start3A_442 = arith.constant 0 : i32
      %dma_start3A_443 = arith.constant 0 : i32
      %dma_start3A_444 = arith.constant 0 : i32
      %dma_start3A_445 = arith.constant 0 : i32
      %dma_start3A_446 = tpu.memref_slice %arg8[%dma_start3A_442, %dma_start3A_444, %dma_start3A_445] : memref<8x40x128xf32, #tpu.memory_space<vmem>> -> memref<1x40x128xf32, #tpu.memory_space<vmem>>
      %dma_start3A_447 = tpu.memref_squeeze %dma_start3A_446 : memref<1x40x128xf32, #tpu.memory_space<vmem>> -> memref<40x128xf32, #tpu.memory_space<vmem>>
      %dma_start3A_448 = arith.constant 0 : i32
      %dma_start3A_449 = tpu.memref_slice %arg7[%rem3A_426, %dma_start3A_443, %dma_start3A_448] : memref<2x8x40xi32, #tpu.memory_space<vmem>> -> memref<1x1x40xi32, #tpu.memory_space<vmem>>
      %dma_start3A_450 = tpu.memref_squeeze %dma_start3A_449 : memref<1x1x40xi32, #tpu.memory_space<vmem>> -> memref<40xi32, #tpu.memory_space<vmem>>
      %dma_start3A_451 = arith.constant 0 : i32
      %dma_start3A_452 = arith.constant 0 : i32
      %dma_start3A_453 = tpu.memref_slice %arg9[%dma_start3A_451, %dma_start3A_452] : memref<10240x128xf32, #tpu.memory_space<vmem_shared>> -> memref<10240x128xf32, #tpu.memory_space<vmem_shared>>
      tpu.enqueue_indirect_dma source(%dma_start3A_447 : memref<40x128xf32, #tpu.memory_space<vmem>>) target(%dma_start3A_453 : memref<10240x128xf32, #tpu.memory_space<vmem_shared>>) offsets(%dma_start3A_450 : memref<40xi32, #tpu.memory_space<vmem>>) semaphore(%arg18 : memref<!tpu.dma_semaphore, #tpu.memory_space<semaphore_mem>>) {add = true}
      %dma_wait3A_454 = arith.constant 1 : i32
      %dma_wait3A_455 = arith.constant 0 : i32
      %dma_wait3A_456 = arith.constant 0 : i32
      %dma_wait3A_457 = tpu.memref_slice %arg8[%dma_wait3A_454, %dma_wait3A_455, %dma_wait3A_456] : memref<8x40x128xf32, #tpu.memory_space<vmem>> -> memref<1x40x128xf32, #tpu.memory_space<vmem>>
      %dma_wait3A_458 = tpu.memref_squeeze %dma_wait3A_457 : memref<1x40x128xf32, #tpu.memory_space<vmem>> -> memref<40x128xf32, #tpu.memory_space<vmem>>
      %dma_wait3A_459 = arith.constant 0 : i32
      %dma_wait3A_460 = arith.constant 0 : i32
      %dma_wait3A_461 = tpu.memref_slice %arg2[%dma_wait3A_459, %dma_wait3A_460] : memref<10000x128xf32, #tpu.memory_space<hbm>> -> memref<40x128xf32, #tpu.memory_space<hbm>>
      %dma_wait3A_462 = arith.constant 0 : i32
      %dma_wait3A_463 = arith.constant 0 : i32
      %dma_wait3A_464 = tpu.memref_slice %arg8[%dma_wait3A_454, %dma_wait3A_462, %dma_wait3A_463] : memref<8x40x128xf32, #tpu.memory_space<vmem>> -> memref<1x40x128xf32, #tpu.memory_space<vmem>>
      %dma_wait3A_465 = tpu.memref_squeeze %dma_wait3A_464 : memref<1x40x128xf32, #tpu.memory_space<vmem>> -> memref<40x128xf32, #tpu.memory_space<vmem>>
      %dma_wait3A_466 = arith.constant 0 : i32
      %dma_wait3A_467 = arith.constant 0 : i32
      %dma_wait3A_468 = tpu.memref_slice %arg2[%dma_wait3A_466, %dma_wait3A_467] : memref<10000x128xf32, #tpu.memory_space<hbm>> -> memref<40x128xf32, #tpu.memory_space<hbm>>
      tpu.wait_dma2 semaphore(%arg11 : memref<!tpu.dma_semaphore, #tpu.memory_space<semaphore_mem>>) src(%dma_wait3A_468 : memref<40x128xf32, #tpu.memory_space<hbm>>) dst(%dma_wait3A_465 : memref<40x128xf32, #tpu.memory_space<vmem>>)
      %dma_start3A_469 = arith.constant 1 : i32
      %dma_start3A_470 = arith.constant 1 : i32
      %dma_start3A_471 = arith.constant 0 : i32
      %dma_start3A_472 = arith.constant 0 : i32
      %dma_start3A_473 = tpu.memref_slice %arg8[%dma_start3A_469, %dma_start3A_471, %dma_start3A_472] : memref<8x40x128xf32, #tpu.memory_space<vmem>> -> memref<1x40x128xf32, #tpu.memory_space<vmem>>
      %dma_start3A_474 = tpu.memref_squeeze %dma_start3A_473 : memref<1x40x128xf32, #tpu.memory_space<vmem>> -> memref<40x128xf32, #tpu.memory_space<vmem>>
      %dma_start3A_475 = arith.constant 0 : i32
      %dma_start3A_476 = tpu.memref_slice %arg7[%rem3A_426, %dma_start3A_470, %dma_start3A_475] : memref<2x8x40xi32, #tpu.memory_space<vmem>> -> memref<1x1x40xi32, #tpu.memory_space<vmem>>
      %dma_start3A_477 = tpu.memref_squeeze %dma_start3A_476 : memref<1x1x40xi32, #tpu.memory_space<vmem>> -> memref<40xi32, #tpu.memory_space<vmem>>
      %dma_start3A_478 = arith.constant 0 : i32
      %dma_start3A_479 = arith.constant 0 : i32
      %dma_start3A_480 = tpu.memref_slice %arg9[%dma_start3A_478, %dma_start3A_479] : memref<10240x128xf32, #tpu.memory_space<vmem_shared>> -> memref<10240x128xf32, #tpu.memory_space<vmem_shared>>
      tpu.enqueue_indirect_dma source(%dma_start3A_474 : memref<40x128xf32, #tpu.memory_space<vmem>>) target(%dma_start3A_480 : memref<10240x128xf32, #tpu.memory_space<vmem_shared>>) offsets(%dma_start3A_477 : memref<40xi32, #tpu.memory_space<vmem>>) semaphore(%arg19 : memref<!tpu.dma_semaphore, #tpu.memory_space<semaphore_mem>>) {add = true}
      %dma_wait3A_481 = arith.constant 2 : i32
      %dma_wait3A_482 = arith.constant 0 : i32
      %dma_wait3A_483 = arith.constant 0 : i32
      %dma_wait3A_484 = tpu.memref_slice %arg8[%dma_wait3A_481, %dma_wait3A_482, %dma_wait3A_483] : memref<8x40x128xf32, #tpu.memory_space<vmem>> -> memref<1x40x128xf32, #tpu.memory_space<vmem>>
      %dma_wait3A_485 = tpu.memref_squeeze %dma_wait3A_484 : memref<1x40x128xf32, #tpu.memory_space<vmem>> -> memref<40x128xf32, #tpu.memory_space<vmem>>
      %dma_wait3A_486 = arith.constant 0 : i32
      %dma_wait3A_487 = arith.constant 0 : i32
      %dma_wait3A_488 = tpu.memref_slice %arg2[%dma_wait3A_486, %dma_wait3A_487] : memref<10000x128xf32, #tpu.memory_space<hbm>> -> memref<40x128xf32, #tpu.memory_space<hbm>>
      %dma_wait3A_489 = arith.constant 0 : i32
      %dma_wait3A_490 = arith.constant 0 : i32
      %dma_wait3A_491 = tpu.memref_slice %arg8[%dma_wait3A_481, %dma_wait3A_489, %dma_wait3A_490] : memref<8x40x128xf32, #tpu.memory_space<vmem>> -> memref<1x40x128xf32, #tpu.memory_space<vmem>>
      %dma_wait3A_492 = tpu.memref_squeeze %dma_wait3A_491 : memref<1x40x128xf32, #tpu.memory_space<vmem>> -> memref<40x128xf32, #tpu.memory_space<vmem>>
      %dma_wait3A_493 = arith.constant 0 : i32
      %dma_wait3A_494 = arith.constant 0 : i32
      %dma_wait3A_495 = tpu.memref_slice %arg2[%dma_wait3A_493, %dma_wait3A_494] : memref<10000x128xf32, #tpu.memory_space<hbm>> -> memref<40x128xf32, #tpu.memory_space<hbm>>
      tpu.wait_dma2 semaphore(%arg12 : memref<!tpu.dma_semaphore, #tpu.memory_space<semaphore_mem>>) src(%dma_wait3A_495 : memref<40x128xf32, #tpu.memory_space<hbm>>) dst(%dma_wait3A_492 : memref<40x128xf32, #tpu.memory_space<vmem>>)
      %dma_start3A_496 = arith.constant 2 : i32
      %dma_start3A_497 = arith.constant 2 : i32
      %dma_start3A_498 = arith.constant 0 : i32
      %dma_start3A_499 = arith.constant 0 : i32
      %dma_start3A_500 = tpu.memref_slice %arg8[%dma_start3A_496, %dma_start3A_498, %dma_start3A_499] : memref<8x40x128xf32, #tpu.memory_space<vmem>> -> memref<1x40x128xf32, #tpu.memory_space<vmem>>
      %dma_start3A_501 = tpu.memref_squeeze %dma_start3A_500 : memref<1x40x128xf32, #tpu.memory_space<vmem>> -> memref<40x128xf32, #tpu.memory_space<vmem>>
      %dma_start3A_502 = arith.constant 0 : i32
      %dma_start3A_503 = tpu.memref_slice %arg7[%rem3A_426, %dma_start3A_497, %dma_start3A_502] : memref<2x8x40xi32, #tpu.memory_space<vmem>> -> memref<1x1x40xi32, #tpu.memory_space<vmem>>
      %dma_start3A_504 = tpu.memref_squeeze %dma_start3A_503 : memref<1x1x40xi32, #tpu.memory_space<vmem>> -> memref<40xi32, #tpu.memory_space<vmem>>
      %dma_start3A_505 = arith.constant 0 : i32
      %dma_start3A_506 = arith.constant 0 : i32
      %dma_start3A_507 = tpu.memref_slice %arg9[%dma_start3A_505, %dma_start3A_506] : memref<10240x128xf32, #tpu.memory_space<vmem_shared>> -> memref<10240x128xf32, #tpu.memory_space<vmem_shared>>
      tpu.enqueue_indirect_dma source(%dma_start3A_501 : memref<40x128xf32, #tpu.memory_space<vmem>>) target(%dma_start3A_507 : memref<10240x128xf32, #tpu.memory_space<vmem_shared>>) offsets(%dma_start3A_504 : memref<40xi32, #tpu.memory_space<vmem>>) semaphore(%arg20 : memref<!tpu.dma_semaphore, #tpu.memory_space<semaphore_mem>>) {add = true}
      %dma_wait3A_508 = arith.constant 3 : i32
      %dma_wait3A_509 = arith.constant 0 : i32
      %dma_wait3A_510 = arith.constant 0 : i32
      %dma_wait3A_511 = tpu.memref_slice %arg8[%dma_wait3A_508, %dma_wait3A_509, %dma_wait3A_510] : memref<8x40x128xf32, #tpu.memory_space<vmem>> -> memref<1x40x128xf32, #tpu.memory_space<vmem>>
      %dma_wait3A_512 = tpu.memref_squeeze %dma_wait3A_511 : memref<1x40x128xf32, #tpu.memory_space<vmem>> -> memref<40x128xf32, #tpu.memory_space<vmem>>
      %dma_wait3A_513 = arith.constant 0 : i32
      %dma_wait3A_514 = arith.constant 0 : i32
      %dma_wait3A_515 = tpu.memref_slice %arg2[%dma_wait3A_513, %dma_wait3A_514] : memref<10000x128xf32, #tpu.memory_space<hbm>> -> memref<40x128xf32, #tpu.memory_space<hbm>>
      %dma_wait3A_516 = arith.constant 0 : i32
      %dma_wait3A_517 = arith.constant 0 : i32
      %dma_wait3A_518 = tpu.memref_slice %arg8[%dma_wait3A_508, %dma_wait3A_516, %dma_wait3A_517] : memref<8x40x128xf32, #tpu.memory_space<vmem>> -> memref<1x40x128xf32, #tpu.memory_space<vmem>>
      %dma_wait3A_519 = tpu.memref_squeeze %dma_wait3A_518 : memref<1x40x128xf32, #tpu.memory_space<vmem>> -> memref<40x128xf32, #tpu.memory_space<vmem>>
      %dma_wait3A_520 = arith.constant 0 : i32
      %dma_wait3A_521 = arith.constant 0 : i32
      %dma_wait3A_522 = tpu.memref_slice %arg2[%dma_wait3A_520, %dma_wait3A_521] : memref<10000x128xf32, #tpu.memory_space<hbm>> -> memref<40x128xf32, #tpu.memory_space<hbm>>
      tpu.wait_dma2 semaphore(%arg13 : memref<!tpu.dma_semaphore, #tpu.memory_space<semaphore_mem>>) src(%dma_wait3A_522 : memref<40x128xf32, #tpu.memory_space<hbm>>) dst(%dma_wait3A_519 : memref<40x128xf32, #tpu.memory_space<vmem>>)
      %dma_start3A_523 = arith.constant 3 : i32
      %dma_start3A_524 = arith.constant 3 : i32
      %dma_start3A_525 = arith.constant 0 : i32
      %dma_start3A_526 = arith.constant 0 : i32
      %dma_start3A_527 = tpu.memref_slice %arg8[%dma_start3A_523, %dma_start3A_525, %dma_start3A_526] : memref<8x40x128xf32, #tpu.memory_space<vmem>> -> memref<1x40x128xf32, #tpu.memory_space<vmem>>
      %dma_start3A_528 = tpu.memref_squeeze %dma_start3A_527 : memref<1x40x128xf32, #tpu.memory_space<vmem>> -> memref<40x128xf32, #tpu.memory_space<vmem>>
      %dma_start3A_529 = arith.constant 0 : i32
      %dma_start3A_530 = tpu.memref_slice %arg7[%rem3A_426, %dma_start3A_524, %dma_start3A_529] : memref<2x8x40xi32, #tpu.memory_space<vmem>> -> memref<1x1x40xi32, #tpu.memory_space<vmem>>
      %dma_start3A_531 = tpu.memref_squeeze %dma_start3A_530 : memref<1x1x40xi32, #tpu.memory_space<vmem>> -> memref<40xi32, #tpu.memory_space<vmem>>
      %dma_start3A_532 = arith.constant 0 : i32
      %dma_start3A_533 = arith.constant 0 : i32
      %dma_start3A_534 = tpu.memref_slice %arg9[%dma_start3A_532, %dma_start3A_533] : memref<10240x128xf32, #tpu.memory_space<vmem_shared>> -> memref<10240x128xf32, #tpu.memory_space<vmem_shared>>
      tpu.enqueue_indirect_dma source(%dma_start3A_528 : memref<40x128xf32, #tpu.memory_space<vmem>>) target(%dma_start3A_534 : memref<10240x128xf32, #tpu.memory_space<vmem_shared>>) offsets(%dma_start3A_531 : memref<40xi32, #tpu.memory_space<vmem>>) semaphore(%arg21 : memref<!tpu.dma_semaphore, #tpu.memory_space<semaphore_mem>>) {add = true}
      %dma_wait3A_535 = arith.constant 4 : i32
      %dma_wait3A_536 = arith.constant 0 : i32
      %dma_wait3A_537 = arith.constant 0 : i32
      %dma_wait3A_538 = tpu.memref_slice %arg8[%dma_wait3A_535, %dma_wait3A_536, %dma_wait3A_537] : memref<8x40x128xf32, #tpu.memory_space<vmem>> -> memref<1x40x128xf32, #tpu.memory_space<vmem>>
      %dma_wait3A_539 = tpu.memref_squeeze %dma_wait3A_538 : memref<1x40x128xf32, #tpu.memory_space<vmem>> -> memref<40x128xf32, #tpu.memory_space<vmem>>
      %dma_wait3A_540 = arith.constant 0 : i32
      %dma_wait3A_541 = arith.constant 0 : i32
      %dma_wait3A_542 = tpu.memref_slice %arg2[%dma_wait3A_540, %dma_wait3A_541] : memref<10000x128xf32, #tpu.memory_space<hbm>> -> memref<40x128xf32, #tpu.memory_space<hbm>>
      %dma_wait3A_543 = arith.constant 0 : i32
      %dma_wait3A_544 = arith.constant 0 : i32
      %dma_wait3A_545 = tpu.memref_slice %arg8[%dma_wait3A_535, %dma_wait3A_543, %dma_wait3A_544] : memref<8x40x128xf32, #tpu.memory_space<vmem>> -> memref<1x40x128xf32, #tpu.memory_space<vmem>>
      %dma_wait3A_546 = tpu.memref_squeeze %dma_wait3A_545 : memref<1x40x128xf32, #tpu.memory_space<vmem>> -> memref<40x128xf32, #tpu.memory_space<vmem>>
      %dma_wait3A_547 = arith.constant 0 : i32
      %dma_wait3A_548 = arith.constant 0 : i32
      %dma_wait3A_549 = tpu.memref_slice %arg2[%dma_wait3A_547, %dma_wait3A_548] : memref<10000x128xf32, #tpu.memory_space<hbm>> -> memref<40x128xf32, #tpu.memory_space<hbm>>
      tpu.wait_dma2 semaphore(%arg14 : memref<!tpu.dma_semaphore, #tpu.memory_space<semaphore_mem>>) src(%dma_wait3A_549 : memref<40x128xf32, #tpu.memory_space<hbm>>) dst(%dma_wait3A_546 : memref<40x128xf32, #tpu.memory_space<vmem>>)
      %dma_start3A_550 = arith.constant 4 : i32
      %dma_start3A_551 = arith.constant 4 : i32
      %dma_start3A_552 = arith.constant 0 : i32
      %dma_start3A_553 = arith.constant 0 : i32
      %dma_start3A_554 = tpu.memref_slice %arg8[%dma_start3A_550, %dma_start3A_552, %dma_start3A_553] : memref<8x40x128xf32, #tpu.memory_space<vmem>> -> memref<1x40x128xf32, #tpu.memory_space<vmem>>
      %dma_start3A_555 = tpu.memref_squeeze %dma_start3A_554 : memref<1x40x128xf32, #tpu.memory_space<vmem>> -> memref<40x128xf32, #tpu.memory_space<vmem>>
      %dma_start3A_556 = arith.constant 0 : i32
      %dma_start3A_557 = tpu.memref_slice %arg7[%rem3A_426, %dma_start3A_551, %dma_start3A_556] : memref<2x8x40xi32, #tpu.memory_space<vmem>> -> memref<1x1x40xi32, #tpu.memory_space<vmem>>
      %dma_start3A_558 = tpu.memref_squeeze %dma_start3A_557 : memref<1x1x40xi32, #tpu.memory_space<vmem>> -> memref<40xi32, #tpu.memory_space<vmem>>
      %dma_start3A_559 = arith.constant 0 : i32
      %dma_start3A_560 = arith.constant 0 : i32
      %dma_start3A_561 = tpu.memref_slice %arg9[%dma_start3A_559, %dma_start3A_560] : memref<10240x128xf32, #tpu.memory_space<vmem_shared>> -> memref<10240x128xf32, #tpu.memory_space<vmem_shared>>
      tpu.enqueue_indirect_dma source(%dma_start3A_555 : memref<40x128xf32, #tpu.memory_space<vmem>>) target(%dma_start3A_561 : memref<10240x128xf32, #tpu.memory_space<vmem_shared>>) offsets(%dma_start3A_558 : memref<40xi32, #tpu.memory_space<vmem>>) semaphore(%arg22 : memref<!tpu.dma_semaphore, #tpu.memory_space<semaphore_mem>>) {add = true}
      %dma_wait3A_562 = arith.constant 5 : i32
      %dma_wait3A_563 = arith.constant 0 : i32
      %dma_wait3A_564 = arith.constant 0 : i32
      %dma_wait3A_565 = tpu.memref_slice %arg8[%dma_wait3A_562, %dma_wait3A_563, %dma_wait3A_564] : memref<8x40x128xf32, #tpu.memory_space<vmem>> -> memref<1x40x128xf32, #tpu.memory_space<vmem>>
      %dma_wait3A_566 = tpu.memref_squeeze %dma_wait3A_565 : memref<1x40x128xf32, #tpu.memory_space<vmem>> -> memref<40x128xf32, #tpu.memory_space<vmem>>
      %dma_wait3A_567 = arith.constant 0 : i32
      %dma_wait3A_568 = arith.constant 0 : i32
      %dma_wait3A_569 = tpu.memref_slice %arg2[%dma_wait3A_567, %dma_wait3A_568] : memref<10000x128xf32, #tpu.memory_space<hbm>> -> memref<40x128xf32, #tpu.memory_space<hbm>>
      %dma_wait3A_570 = arith.constant 0 : i32
      %dma_wait3A_571 = arith.constant 0 : i32
      %dma_wait3A_572 = tpu.memref_slice %arg8[%dma_wait3A_562, %dma_wait3A_570, %dma_wait3A_571] : memref<8x40x128xf32, #tpu.memory_space<vmem>> -> memref<1x40x128xf32, #tpu.memory_space<vmem>>
      %dma_wait3A_573 = tpu.memref_squeeze %dma_wait3A_572 : memref<1x40x128xf32, #tpu.memory_space<vmem>> -> memref<40x128xf32, #tpu.memory_space<vmem>>
      %dma_wait3A_574 = arith.constant 0 : i32
      %dma_wait3A_575 = arith.constant 0 : i32
      %dma_wait3A_576 = tpu.memref_slice %arg2[%dma_wait3A_574, %dma_wait3A_575] : memref<10000x128xf32, #tpu.memory_space<hbm>> -> memref<40x128xf32, #tpu.memory_space<hbm>>
      tpu.wait_dma2 semaphore(%arg15 : memref<!tpu.dma_semaphore, #tpu.memory_space<semaphore_mem>>) src(%dma_wait3A_576 : memref<40x128xf32, #tpu.memory_space<hbm>>) dst(%dma_wait3A_573 : memref<40x128xf32, #tpu.memory_space<vmem>>)
      %dma_start3A_577 = arith.constant 5 : i32
      %dma_start3A_578 = arith.constant 5 : i32
      %dma_start3A_579 = arith.constant 0 : i32
      %dma_start3A_580 = arith.constant 0 : i32
      %dma_start3A_581 = tpu.memref_slice %arg8[%dma_start3A_577, %dma_start3A_579, %dma_start3A_580] : memref<8x40x128xf32, #tpu.memory_space<vmem>> -> memref<1x40x128xf32, #tpu.memory_space<vmem>>
      %dma_start3A_582 = tpu.memref_squeeze %dma_start3A_581 : memref<1x40x128xf32, #tpu.memory_space<vmem>> -> memref<40x128xf32, #tpu.memory_space<vmem>>
      %dma_start3A_583 = arith.constant 0 : i32
      %dma_start3A_584 = tpu.memref_slice %arg7[%rem3A_426, %dma_start3A_578, %dma_start3A_583] : memref<2x8x40xi32, #tpu.memory_space<vmem>> -> memref<1x1x40xi32, #tpu.memory_space<vmem>>
      %dma_start3A_585 = tpu.memref_squeeze %dma_start3A_584 : memref<1x1x40xi32, #tpu.memory_space<vmem>> -> memref<40xi32, #tpu.memory_space<vmem>>
      %dma_start3A_586 = arith.constant 0 : i32
      %dma_start3A_587 = arith.constant 0 : i32
      %dma_start3A_588 = tpu.memref_slice %arg9[%dma_start3A_586, %dma_start3A_587] : memref<10240x128xf32, #tpu.memory_space<vmem_shared>> -> memref<10240x128xf32, #tpu.memory_space<vmem_shared>>
      tpu.enqueue_indirect_dma source(%dma_start3A_582 : memref<40x128xf32, #tpu.memory_space<vmem>>) target(%dma_start3A_588 : memref<10240x128xf32, #tpu.memory_space<vmem_shared>>) offsets(%dma_start3A_585 : memref<40xi32, #tpu.memory_space<vmem>>) semaphore(%arg23 : memref<!tpu.dma_semaphore, #tpu.memory_space<semaphore_mem>>) {add = true}
      %dma_wait3A_589 = arith.constant 6 : i32
      %dma_wait3A_590 = arith.constant 0 : i32
      %dma_wait3A_591 = arith.constant 0 : i32
      %dma_wait3A_592 = tpu.memref_slice %arg8[%dma_wait3A_589, %dma_wait3A_590, %dma_wait3A_591] : memref<8x40x128xf32, #tpu.memory_space<vmem>> -> memref<1x40x128xf32, #tpu.memory_space<vmem>>
      %dma_wait3A_593 = tpu.memref_squeeze %dma_wait3A_592 : memref<1x40x128xf32, #tpu.memory_space<vmem>> -> memref<40x128xf32, #tpu.memory_space<vmem>>
      %dma_wait3A_594 = arith.constant 0 : i32
      %dma_wait3A_595 = arith.constant 0 : i32
      %dma_wait3A_596 = tpu.memref_slice %arg2[%dma_wait3A_594, %dma_wait3A_595] : memref<10000x128xf32, #tpu.memory_space<hbm>> -> memref<40x128xf32, #tpu.memory_space<hbm>>
      %dma_wait3A_597 = arith.constant 0 : i32
      %dma_wait3A_598 = arith.constant 0 : i32
      %dma_wait3A_599 = tpu.memref_slice %arg8[%dma_wait3A_589, %dma_wait3A_597, %dma_wait3A_598] : memref<8x40x128xf32, #tpu.memory_space<vmem>> -> memref<1x40x128xf32, #tpu.memory_space<vmem>>
      %dma_wait3A_600 = tpu.memref_squeeze %dma_wait3A_599 : memref<1x40x128xf32, #tpu.memory_space<vmem>> -> memref<40x128xf32, #tpu.memory_space<vmem>>
      %dma_wait3A_601 = arith.constant 0 : i32
      %dma_wait3A_602 = arith.constant 0 : i32
      %dma_wait3A_603 = tpu.memref_slice %arg2[%dma_wait3A_601, %dma_wait3A_602] : memref<10000x128xf32, #tpu.memory_space<hbm>> -> memref<40x128xf32, #tpu.memory_space<hbm>>
      tpu.wait_dma2 semaphore(%arg16 : memref<!tpu.dma_semaphore, #tpu.memory_space<semaphore_mem>>) src(%dma_wait3A_603 : memref<40x128xf32, #tpu.memory_space<hbm>>) dst(%dma_wait3A_600 : memref<40x128xf32, #tpu.memory_space<vmem>>)
      %dma_start3A_604 = arith.constant 6 : i32
      %dma_start3A_605 = arith.constant 6 : i32
      %dma_start3A_606 = arith.constant 0 : i32
      %dma_start3A_607 = arith.constant 0 : i32
      %dma_start3A_608 = tpu.memref_slice %arg8[%dma_start3A_604, %dma_start3A_606, %dma_start3A_607] : memref<8x40x128xf32, #tpu.memory_space<vmem>> -> memref<1x40x128xf32, #tpu.memory_space<vmem>>
      %dma_start3A_609 = tpu.memref_squeeze %dma_start3A_608 : memref<1x40x128xf32, #tpu.memory_space<vmem>> -> memref<40x128xf32, #tpu.memory_space<vmem>>
      %dma_start3A_610 = arith.constant 0 : i32
      %dma_start3A_611 = tpu.memref_slice %arg7[%rem3A_426, %dma_start3A_605, %dma_start3A_610] : memref<2x8x40xi32, #tpu.memory_space<vmem>> -> memref<1x1x40xi32, #tpu.memory_space<vmem>>
      %dma_start3A_612 = tpu.memref_squeeze %dma_start3A_611 : memref<1x1x40xi32, #tpu.memory_space<vmem>> -> memref<40xi32, #tpu.memory_space<vmem>>
      %dma_start3A_613 = arith.constant 0 : i32
      %dma_start3A_614 = arith.constant 0 : i32
      %dma_start3A_615 = tpu.memref_slice %arg9[%dma_start3A_613, %dma_start3A_614] : memref<10240x128xf32, #tpu.memory_space<vmem_shared>> -> memref<10240x128xf32, #tpu.memory_space<vmem_shared>>
      tpu.enqueue_indirect_dma source(%dma_start3A_609 : memref<40x128xf32, #tpu.memory_space<vmem>>) target(%dma_start3A_615 : memref<10240x128xf32, #tpu.memory_space<vmem_shared>>) offsets(%dma_start3A_612 : memref<40xi32, #tpu.memory_space<vmem>>) semaphore(%arg24 : memref<!tpu.dma_semaphore, #tpu.memory_space<semaphore_mem>>) {add = true}
      %dma_wait3A_616 = arith.constant 7 : i32
      %dma_wait3A_617 = arith.constant 0 : i32
      %dma_wait3A_618 = arith.constant 0 : i32
      %dma_wait3A_619 = tpu.memref_slice %arg8[%dma_wait3A_616, %dma_wait3A_617, %dma_wait3A_618] : memref<8x40x128xf32, #tpu.memory_space<vmem>> -> memref<1x40x128xf32, #tpu.memory_space<vmem>>
      %dma_wait3A_620 = tpu.memref_squeeze %dma_wait3A_619 : memref<1x40x128xf32, #tpu.memory_space<vmem>> -> memref<40x128xf32, #tpu.memory_space<vmem>>
      %dma_wait3A_621 = arith.constant 0 : i32
      %dma_wait3A_622 = arith.constant 0 : i32
      %dma_wait3A_623 = tpu.memref_slice %arg2[%dma_wait3A_621, %dma_wait3A_622] : memref<10000x128xf32, #tpu.memory_space<hbm>> -> memref<40x128xf32, #tpu.memory_space<hbm>>
      %dma_wait3A_624 = arith.constant 0 : i32
      %dma_wait3A_625 = arith.constant 0 : i32
      %dma_wait3A_626 = tpu.memref_slice %arg8[%dma_wait3A_616, %dma_wait3A_624, %dma_wait3A_625] : memref<8x40x128xf32, #tpu.memory_space<vmem>> -> memref<1x40x128xf32, #tpu.memory_space<vmem>>
      %dma_wait3A_627 = tpu.memref_squeeze %dma_wait3A_626 : memref<1x40x128xf32, #tpu.memory_space<vmem>> -> memref<40x128xf32, #tpu.memory_space<vmem>>
      %dma_wait3A_628 = arith.constant 0 : i32
      %dma_wait3A_629 = arith.constant 0 : i32
      %dma_wait3A_630 = tpu.memref_slice %arg2[%dma_wait3A_628, %dma_wait3A_629] : memref<10000x128xf32, #tpu.memory_space<hbm>> -> memref<40x128xf32, #tpu.memory_space<hbm>>
      tpu.wait_dma2 semaphore(%arg17 : memref<!tpu.dma_semaphore, #tpu.memory_space<semaphore_mem>>) src(%dma_wait3A_630 : memref<40x128xf32, #tpu.memory_space<hbm>>) dst(%dma_wait3A_627 : memref<40x128xf32, #tpu.memory_space<vmem>>)
      %dma_start3A_631 = arith.constant 7 : i32
      %dma_start3A_632 = arith.constant 7 : i32
      %dma_start3A_633 = arith.constant 0 : i32
      %dma_start3A_634 = arith.constant 0 : i32
      %dma_start3A_635 = tpu.memref_slice %arg8[%dma_start3A_631, %dma_start3A_633, %dma_start3A_634] : memref<8x40x128xf32, #tpu.memory_space<vmem>> -> memref<1x40x128xf32, #tpu.memory_space<vmem>>
      %dma_start3A_636 = tpu.memref_squeeze %dma_start3A_635 : memref<1x40x128xf32, #tpu.memory_space<vmem>> -> memref<40x128xf32, #tpu.memory_space<vmem>>
      %dma_start3A_637 = arith.constant 0 : i32
      %dma_start3A_638 = tpu.memref_slice %arg7[%rem3A_426, %dma_start3A_632, %dma_start3A_637] : memref<2x8x40xi32, #tpu.memory_space<vmem>> -> memref<1x1x40xi32, #tpu.memory_space<vmem>>
      %dma_start3A_639 = tpu.memref_squeeze %dma_start3A_638 : memref<1x1x40xi32, #tpu.memory_space<vmem>> -> memref<40xi32, #tpu.memory_space<vmem>>
      %dma_start3A_640 = arith.constant 0 : i32
      %dma_start3A_641 = arith.constant 0 : i32
      %dma_start3A_642 = tpu.memref_slice %arg9[%dma_start3A_640, %dma_start3A_641] : memref<10240x128xf32, #tpu.memory_space<vmem_shared>> -> memref<10240x128xf32, #tpu.memory_space<vmem_shared>>
      tpu.enqueue_indirect_dma source(%dma_start3A_636 : memref<40x128xf32, #tpu.memory_space<vmem>>) target(%dma_start3A_642 : memref<10240x128xf32, #tpu.memory_space<vmem_shared>>) offsets(%dma_start3A_639 : memref<40xi32, #tpu.memory_space<vmem>>) semaphore(%arg25 : memref<!tpu.dma_semaphore, #tpu.memory_space<semaphore_mem>>) {add = true}
      %lt3A = arith.constant 30 : i32
      %lt3A_643 = arith.cmpi slt, %scan3A_424, %lt3A : i32
      %convert_element_type3A = arith.extui %lt3A_643 : i1 to i32
      %cond3A = arith.constant 0 : i32
      %cond3A_644 = arith.cmpi ne, %convert_element_type3A, %cond3A : i32
      scf.if %cond3A_644 {
        %sub3A = arith.constant 1 : i32
        %sub3A_646 = arith.subi %sub3A, %rem3A_426 : i32
        %dma_wait3A_647 = arith.constant 0 : i32
        %dma_wait3A_648 = arith.constant 0 : i32
        %dma_wait3A_649 = arith.constant 0 : i32
        %dma_wait3A_650 = arith.constant 0 : i32
        %dma_wait3A_651 = tpu.memref_slice %arg6[%sub3A_646, %dma_wait3A_649, %dma_wait3A_650] : memref<2x8x40xi32, #tpu.memory_space<vmem>> -> memref<1x8x40xi32, #tpu.memory_space<vmem>>
        %dma_wait3A_652 = tpu.memref_squeeze %dma_wait3A_651 : memref<1x8x40xi32, #tpu.memory_space<vmem>> -> memref<8x40xi32, #tpu.memory_space<vmem>>
        %dma_wait3A_653 = arith.constant 0 : i32
        %dma_wait3A_654 = arith.constant 0 : i32
        %dma_wait3A_655 = tpu.memref_slice %arg3[%dma_wait3A_647, %add3A, %dma_wait3A_648, %dma_wait3A_653, %dma_wait3A_654] : memref<2x32x31x8x40xi32, #tpu.memory_space<hbm>> -> memref<1x1x1x8x40xi32, #tpu.memory_space<hbm>>
        %dma_wait3A_656 = tpu.memref_squeeze %dma_wait3A_655 : memref<1x1x1x8x40xi32, #tpu.memory_space<hbm>> -> memref<8x40xi32, #tpu.memory_space<hbm>>
        %dma_wait3A_657 = arith.constant 0 : i32
        %dma_wait3A_658 = arith.constant 0 : i32
        %dma_wait3A_659 = tpu.memref_slice %arg6[%sub3A_646, %dma_wait3A_657, %dma_wait3A_658] : memref<2x8x40xi32, #tpu.memory_space<vmem>> -> memref<1x8x40xi32, #tpu.memory_space<vmem>>
        %dma_wait3A_660 = tpu.memref_squeeze %dma_wait3A_659 : memref<1x8x40xi32, #tpu.memory_space<vmem>> -> memref<8x40xi32, #tpu.memory_space<vmem>>
        %dma_wait3A_661 = arith.constant 0 : i32
        %dma_wait3A_662 = arith.constant 0 : i32
        %dma_wait3A_663 = tpu.memref_slice %arg3[%dma_wait3A_647, %add3A, %dma_wait3A_648, %dma_wait3A_661, %dma_wait3A_662] : memref<2x32x31x8x40xi32, #tpu.memory_space<hbm>> -> memref<1x1x1x8x40xi32, #tpu.memory_space<hbm>>
        %dma_wait3A_664 = tpu.memref_squeeze %dma_wait3A_663 : memref<1x1x1x8x40xi32, #tpu.memory_space<hbm>> -> memref<8x40xi32, #tpu.memory_space<hbm>>
        tpu.wait_dma2 semaphore(%arg26 : memref<!tpu.dma_semaphore, #tpu.memory_space<semaphore_mem>>) src(%dma_wait3A_664 : memref<8x40xi32, #tpu.memory_space<hbm>>) dst(%dma_wait3A_660 : memref<8x40xi32, #tpu.memory_space<vmem>>)
        %dma_wait3A_665 = arith.constant 1 : i32
        %dma_wait3A_666 = arith.constant 0 : i32
        %dma_wait3A_667 = arith.constant 0 : i32
        %dma_wait3A_668 = arith.constant 0 : i32
        %dma_wait3A_669 = tpu.memref_slice %arg7[%sub3A_646, %dma_wait3A_667, %dma_wait3A_668] : memref<2x8x40xi32, #tpu.memory_space<vmem>> -> memref<1x8x40xi32, #tpu.memory_space<vmem>>
        %dma_wait3A_670 = tpu.memref_squeeze %dma_wait3A_669 : memref<1x8x40xi32, #tpu.memory_space<vmem>> -> memref<8x40xi32, #tpu.memory_space<vmem>>
        %dma_wait3A_671 = arith.constant 0 : i32
        %dma_wait3A_672 = arith.constant 0 : i32
        %dma_wait3A_673 = tpu.memref_slice %arg3[%dma_wait3A_665, %add3A, %dma_wait3A_666, %dma_wait3A_671, %dma_wait3A_672] : memref<2x32x31x8x40xi32, #tpu.memory_space<hbm>> -> memref<1x1x1x8x40xi32, #tpu.memory_space<hbm>>
        %dma_wait3A_674 = tpu.memref_squeeze %dma_wait3A_673 : memref<1x1x1x8x40xi32, #tpu.memory_space<hbm>> -> memref<8x40xi32, #tpu.memory_space<hbm>>
        %dma_wait3A_675 = arith.constant 0 : i32
        %dma_wait3A_676 = arith.constant 0 : i32
        %dma_wait3A_677 = tpu.memref_slice %arg7[%sub3A_646, %dma_wait3A_675, %dma_wait3A_676] : memref<2x8x40xi32, #tpu.memory_space<vmem>> -> memref<1x8x40xi32, #tpu.memory_space<vmem>>
        %dma_wait3A_678 = tpu.memref_squeeze %dma_wait3A_677 : memref<1x8x40xi32, #tpu.memory_space<vmem>> -> memref<8x40xi32, #tpu.memory_space<vmem>>
        %dma_wait3A_679 = arith.constant 0 : i32
        %dma_wait3A_680 = arith.constant 0 : i32
        %dma_wait3A_681 = tpu.memref_slice %arg3[%dma_wait3A_665, %add3A, %dma_wait3A_666, %dma_wait3A_679, %dma_wait3A_680] : memref<2x32x31x8x40xi32, #tpu.memory_space<hbm>> -> memref<1x1x1x8x40xi32, #tpu.memory_space<hbm>>
        %dma_wait3A_682 = tpu.memref_squeeze %dma_wait3A_681 : memref<1x1x1x8x40xi32, #tpu.memory_space<hbm>> -> memref<8x40xi32, #tpu.memory_space<hbm>>
        tpu.wait_dma2 semaphore(%arg26 : memref<!tpu.dma_semaphore, #tpu.memory_space<semaphore_mem>>) src(%dma_wait3A_682 : memref<8x40xi32, #tpu.memory_space<hbm>>) dst(%dma_wait3A_678 : memref<8x40xi32, #tpu.memory_space<vmem>>)
        %dma_wait3A_683 = arith.constant 0 : i32
        %dma_wait3A_684 = arith.constant 0 : i32
        %dma_wait3A_685 = arith.constant 0 : i32
        %dma_wait3A_686 = tpu.memref_slice %arg8[%dma_wait3A_683, %dma_wait3A_684, %dma_wait3A_685] : memref<8x40x128xf32, #tpu.memory_space<vmem>> -> memref<1x40x128xf32, #tpu.memory_space<vmem>>
        %dma_wait3A_687 = tpu.memref_squeeze %dma_wait3A_686 : memref<1x40x128xf32, #tpu.memory_space<vmem>> -> memref<40x128xf32, #tpu.memory_space<vmem>>
        %dma_wait3A_688 = arith.constant 0 : i32
        %dma_wait3A_689 = arith.constant 0 : i32
        %dma_wait3A_690 = tpu.memref_slice %arg9[%dma_wait3A_688, %dma_wait3A_689] : memref<10240x128xf32, #tpu.memory_space<vmem_shared>> -> memref<40x128xf32, #tpu.memory_space<vmem_shared>>
        %dma_wait3A_691 = arith.constant 0 : i32
        %dma_wait3A_692 = arith.constant 0 : i32
        %dma_wait3A_693 = tpu.memref_slice %arg9[%dma_wait3A_691, %dma_wait3A_692] : memref<10240x128xf32, #tpu.memory_space<vmem_shared>> -> memref<40x128xf32, #tpu.memory_space<vmem_shared>>
        %dma_wait3A_694 = arith.constant 0 : i32
        %dma_wait3A_695 = arith.constant 0 : i32
        %dma_wait3A_696 = tpu.memref_slice %arg8[%dma_wait3A_683, %dma_wait3A_694, %dma_wait3A_695] : memref<8x40x128xf32, #tpu.memory_space<vmem>> -> memref<1x40x128xf32, #tpu.memory_space<vmem>>
        %dma_wait3A_697 = tpu.memref_squeeze %dma_wait3A_696 : memref<1x40x128xf32, #tpu.memory_space<vmem>> -> memref<40x128xf32, #tpu.memory_space<vmem>>
        tpu.wait_dma2 semaphore(%arg18 : memref<!tpu.dma_semaphore, #tpu.memory_space<semaphore_mem>>) src(%dma_wait3A_697 : memref<40x128xf32, #tpu.memory_space<vmem>>) dst(%dma_wait3A_693 : memref<40x128xf32, #tpu.memory_space<vmem_shared>>)
        %dma_start3A_698 = arith.constant 0 : i32
        %dma_start3A_699 = arith.constant 0 : i32
        %dma_start3A_700 = arith.constant 0 : i32
        %dma_start3A_701 = arith.constant 0 : i32
        %dma_start3A_702 = tpu.memref_slice %arg8[%dma_start3A_699, %dma_start3A_700, %dma_start3A_701] : memref<8x40x128xf32, #tpu.memory_space<vmem>> -> memref<1x40x128xf32, #tpu.memory_space<vmem>>
        %dma_start3A_703 = tpu.memref_squeeze %dma_start3A_702 : memref<1x40x128xf32, #tpu.memory_space<vmem>> -> memref<40x128xf32, #tpu.memory_space<vmem>>
        %dma_start3A_704 = arith.constant 0 : i32
        %dma_start3A_705 = tpu.memref_slice %arg6[%sub3A_646, %dma_start3A_698, %dma_start3A_704] : memref<2x8x40xi32, #tpu.memory_space<vmem>> -> memref<1x1x40xi32, #tpu.memory_space<vmem>>
        %dma_start3A_706 = tpu.memref_squeeze %dma_start3A_705 : memref<1x1x40xi32, #tpu.memory_space<vmem>> -> memref<40xi32, #tpu.memory_space<vmem>>
        %dma_start3A_707 = arith.constant 0 : i32
        %dma_start3A_708 = arith.constant 0 : i32
        %dma_start3A_709 = tpu.memref_slice %arg2[%dma_start3A_707, %dma_start3A_708] : memref<10000x128xf32, #tpu.memory_space<hbm>> -> memref<10000x128xf32, #tpu.memory_space<hbm>>
        tpu.enqueue_indirect_dma source(%dma_start3A_709 : memref<10000x128xf32, #tpu.memory_space<hbm>>) target(%dma_start3A_703 : memref<40x128xf32, #tpu.memory_space<vmem>>) offsets(%dma_start3A_706 : memref<40xi32, #tpu.memory_space<vmem>>) semaphore(%arg10 : memref<!tpu.dma_semaphore, #tpu.memory_space<semaphore_mem>>)
        %dma_wait3A_710 = arith.constant 1 : i32
        %dma_wait3A_711 = arith.constant 0 : i32
        %dma_wait3A_712 = arith.constant 0 : i32
        %dma_wait3A_713 = tpu.memref_slice %arg8[%dma_wait3A_710, %dma_wait3A_711, %dma_wait3A_712] : memref<8x40x128xf32, #tpu.memory_space<vmem>> -> memref<1x40x128xf32, #tpu.memory_space<vmem>>
        %dma_wait3A_714 = tpu.memref_squeeze %dma_wait3A_713 : memref<1x40x128xf32, #tpu.memory_space<vmem>> -> memref<40x128xf32, #tpu.memory_space<vmem>>
        %dma_wait3A_715 = arith.constant 0 : i32
        %dma_wait3A_716 = arith.constant 0 : i32
        %dma_wait3A_717 = tpu.memref_slice %arg9[%dma_wait3A_715, %dma_wait3A_716] : memref<10240x128xf32, #tpu.memory_space<vmem_shared>> -> memref<40x128xf32, #tpu.memory_space<vmem_shared>>
        %dma_wait3A_718 = arith.constant 0 : i32
        %dma_wait3A_719 = arith.constant 0 : i32
        %dma_wait3A_720 = tpu.memref_slice %arg9[%dma_wait3A_718, %dma_wait3A_719] : memref<10240x128xf32, #tpu.memory_space<vmem_shared>> -> memref<40x128xf32, #tpu.memory_space<vmem_shared>>
        %dma_wait3A_721 = arith.constant 0 : i32
        %dma_wait3A_722 = arith.constant 0 : i32
        %dma_wait3A_723 = tpu.memref_slice %arg8[%dma_wait3A_710, %dma_wait3A_721, %dma_wait3A_722] : memref<8x40x128xf32, #tpu.memory_space<vmem>> -> memref<1x40x128xf32, #tpu.memory_space<vmem>>
        %dma_wait3A_724 = tpu.memref_squeeze %dma_wait3A_723 : memref<1x40x128xf32, #tpu.memory_space<vmem>> -> memref<40x128xf32, #tpu.memory_space<vmem>>
        tpu.wait_dma2 semaphore(%arg19 : memref<!tpu.dma_semaphore, #tpu.memory_space<semaphore_mem>>) src(%dma_wait3A_724 : memref<40x128xf32, #tpu.memory_space<vmem>>) dst(%dma_wait3A_720 : memref<40x128xf32, #tpu.memory_space<vmem_shared>>)
        %dma_start3A_725 = arith.constant 1 : i32
        %dma_start3A_726 = arith.constant 1 : i32
        %dma_start3A_727 = arith.constant 0 : i32
        %dma_start3A_728 = arith.constant 0 : i32
        %dma_start3A_729 = tpu.memref_slice %arg8[%dma_start3A_726, %dma_start3A_727, %dma_start3A_728] : memref<8x40x128xf32, #tpu.memory_space<vmem>> -> memref<1x40x128xf32, #tpu.memory_space<vmem>>
        %dma_start3A_730 = tpu.memref_squeeze %dma_start3A_729 : memref<1x40x128xf32, #tpu.memory_space<vmem>> -> memref<40x128xf32, #tpu.memory_space<vmem>>
        %dma_start3A_731 = arith.constant 0 : i32
        %dma_start3A_732 = tpu.memref_slice %arg6[%sub3A_646, %dma_start3A_725, %dma_start3A_731] : memref<2x8x40xi32, #tpu.memory_space<vmem>> -> memref<1x1x40xi32, #tpu.memory_space<vmem>>
        %dma_start3A_733 = tpu.memref_squeeze %dma_start3A_732 : memref<1x1x40xi32, #tpu.memory_space<vmem>> -> memref<40xi32, #tpu.memory_space<vmem>>
        %dma_start3A_734 = arith.constant 0 : i32
        %dma_start3A_735 = arith.constant 0 : i32
        %dma_start3A_736 = tpu.memref_slice %arg2[%dma_start3A_734, %dma_start3A_735] : memref<10000x128xf32, #tpu.memory_space<hbm>> -> memref<10000x128xf32, #tpu.memory_space<hbm>>
        tpu.enqueue_indirect_dma source(%dma_start3A_736 : memref<10000x128xf32, #tpu.memory_space<hbm>>) target(%dma_start3A_730 : memref<40x128xf32, #tpu.memory_space<vmem>>) offsets(%dma_start3A_733 : memref<40xi32, #tpu.memory_space<vmem>>) semaphore(%arg11 : memref<!tpu.dma_semaphore, #tpu.memory_space<semaphore_mem>>)
        %dma_wait3A_737 = arith.constant 2 : i32
        %dma_wait3A_738 = arith.constant 0 : i32
        %dma_wait3A_739 = arith.constant 0 : i32
        %dma_wait3A_740 = tpu.memref_slice %arg8[%dma_wait3A_737, %dma_wait3A_738, %dma_wait3A_739] : memref<8x40x128xf32, #tpu.memory_space<vmem>> -> memref<1x40x128xf32, #tpu.memory_space<vmem>>
        %dma_wait3A_741 = tpu.memref_squeeze %dma_wait3A_740 : memref<1x40x128xf32, #tpu.memory_space<vmem>> -> memref<40x128xf32, #tpu.memory_space<vmem>>
        %dma_wait3A_742 = arith.constant 0 : i32
        %dma_wait3A_743 = arith.constant 0 : i32
        %dma_wait3A_744 = tpu.memref_slice %arg9[%dma_wait3A_742, %dma_wait3A_743] : memref<10240x128xf32, #tpu.memory_space<vmem_shared>> -> memref<40x128xf32, #tpu.memory_space<vmem_shared>>
        %dma_wait3A_745 = arith.constant 0 : i32
        %dma_wait3A_746 = arith.constant 0 : i32
        %dma_wait3A_747 = tpu.memref_slice %arg9[%dma_wait3A_745, %dma_wait3A_746] : memref<10240x128xf32, #tpu.memory_space<vmem_shared>> -> memref<40x128xf32, #tpu.memory_space<vmem_shared>>
        %dma_wait3A_748 = arith.constant 0 : i32
        %dma_wait3A_749 = arith.constant 0 : i32
        %dma_wait3A_750 = tpu.memref_slice %arg8[%dma_wait3A_737, %dma_wait3A_748, %dma_wait3A_749] : memref<8x40x128xf32, #tpu.memory_space<vmem>> -> memref<1x40x128xf32, #tpu.memory_space<vmem>>
        %dma_wait3A_751 = tpu.memref_squeeze %dma_wait3A_750 : memref<1x40x128xf32, #tpu.memory_space<vmem>> -> memref<40x128xf32, #tpu.memory_space<vmem>>
        tpu.wait_dma2 semaphore(%arg20 : memref<!tpu.dma_semaphore, #tpu.memory_space<semaphore_mem>>) src(%dma_wait3A_751 : memref<40x128xf32, #tpu.memory_space<vmem>>) dst(%dma_wait3A_747 : memref<40x128xf32, #tpu.memory_space<vmem_shared>>)
        %dma_start3A_752 = arith.constant 2 : i32
        %dma_start3A_753 = arith.constant 2 : i32
        %dma_start3A_754 = arith.constant 0 : i32
        %dma_start3A_755 = arith.constant 0 : i32
        %dma_start3A_756 = tpu.memref_slice %arg8[%dma_start3A_753, %dma_start3A_754, %dma_start3A_755] : memref<8x40x128xf32, #tpu.memory_space<vmem>> -> memref<1x40x128xf32, #tpu.memory_space<vmem>>
        %dma_start3A_757 = tpu.memref_squeeze %dma_start3A_756 : memref<1x40x128xf32, #tpu.memory_space<vmem>> -> memref<40x128xf32, #tpu.memory_space<vmem>>
        %dma_start3A_758 = arith.constant 0 : i32
        %dma_start3A_759 = tpu.memref_slice %arg6[%sub3A_646, %dma_start3A_752, %dma_start3A_758] : memref<2x8x40xi32, #tpu.memory_space<vmem>> -> memref<1x1x40xi32, #tpu.memory_space<vmem>>
        %dma_start3A_760 = tpu.memref_squeeze %dma_start3A_759 : memref<1x1x40xi32, #tpu.memory_space<vmem>> -> memref<40xi32, #tpu.memory_space<vmem>>
        %dma_start3A_761 = arith.constant 0 : i32
        %dma_start3A_762 = arith.constant 0 : i32
        %dma_start3A_763 = tpu.memref_slice %arg2[%dma_start3A_761, %dma_start3A_762] : memref<10000x128xf32, #tpu.memory_space<hbm>> -> memref<10000x128xf32, #tpu.memory_space<hbm>>
        tpu.enqueue_indirect_dma source(%dma_start3A_763 : memref<10000x128xf32, #tpu.memory_space<hbm>>) target(%dma_start3A_757 : memref<40x128xf32, #tpu.memory_space<vmem>>) offsets(%dma_start3A_760 : memref<40xi32, #tpu.memory_space<vmem>>) semaphore(%arg12 : memref<!tpu.dma_semaphore, #tpu.memory_space<semaphore_mem>>)
        %dma_wait3A_764 = arith.constant 3 : i32
        %dma_wait3A_765 = arith.constant 0 : i32
        %dma_wait3A_766 = arith.constant 0 : i32
        %dma_wait3A_767 = tpu.memref_slice %arg8[%dma_wait3A_764, %dma_wait3A_765, %dma_wait3A_766] : memref<8x40x128xf32, #tpu.memory_space<vmem>> -> memref<1x40x128xf32, #tpu.memory_space<vmem>>
        %dma_wait3A_768 = tpu.memref_squeeze %dma_wait3A_767 : memref<1x40x128xf32, #tpu.memory_space<vmem>> -> memref<40x128xf32, #tpu.memory_space<vmem>>
        %dma_wait3A_769 = arith.constant 0 : i32
        %dma_wait3A_770 = arith.constant 0 : i32
        %dma_wait3A_771 = tpu.memref_slice %arg9[%dma_wait3A_769, %dma_wait3A_770] : memref<10240x128xf32, #tpu.memory_space<vmem_shared>> -> memref<40x128xf32, #tpu.memory_space<vmem_shared>>
        %dma_wait3A_772 = arith.constant 0 : i32
        %dma_wait3A_773 = arith.constant 0 : i32
        %dma_wait3A_774 = tpu.memref_slice %arg9[%dma_wait3A_772, %dma_wait3A_773] : memref<10240x128xf32, #tpu.memory_space<vmem_shared>> -> memref<40x128xf32, #tpu.memory_space<vmem_shared>>
        %dma_wait3A_775 = arith.constant 0 : i32
        %dma_wait3A_776 = arith.constant 0 : i32
        %dma_wait3A_777 = tpu.memref_slice %arg8[%dma_wait3A_764, %dma_wait3A_775, %dma_wait3A_776] : memref<8x40x128xf32, #tpu.memory_space<vmem>> -> memref<1x40x128xf32, #tpu.memory_space<vmem>>
        %dma_wait3A_778 = tpu.memref_squeeze %dma_wait3A_777 : memref<1x40x128xf32, #tpu.memory_space<vmem>> -> memref<40x128xf32, #tpu.memory_space<vmem>>
        tpu.wait_dma2 semaphore(%arg21 : memref<!tpu.dma_semaphore, #tpu.memory_space<semaphore_mem>>) src(%dma_wait3A_778 : memref<40x128xf32, #tpu.memory_space<vmem>>) dst(%dma_wait3A_774 : memref<40x128xf32, #tpu.memory_space<vmem_shared>>)
        %dma_start3A_779 = arith.constant 3 : i32
        %dma_start3A_780 = arith.constant 3 : i32
        %dma_start3A_781 = arith.constant 0 : i32
        %dma_start3A_782 = arith.constant 0 : i32
        %dma_start3A_783 = tpu.memref_slice %arg8[%dma_start3A_780, %dma_start3A_781, %dma_start3A_782] : memref<8x40x128xf32, #tpu.memory_space<vmem>> -> memref<1x40x128xf32, #tpu.memory_space<vmem>>
        %dma_start3A_784 = tpu.memref_squeeze %dma_start3A_783 : memref<1x40x128xf32, #tpu.memory_space<vmem>> -> memref<40x128xf32, #tpu.memory_space<vmem>>
        %dma_start3A_785 = arith.constant 0 : i32
        %dma_start3A_786 = tpu.memref_slice %arg6[%sub3A_646, %dma_start3A_779, %dma_start3A_785] : memref<2x8x40xi32, #tpu.memory_space<vmem>> -> memref<1x1x40xi32, #tpu.memory_space<vmem>>
        %dma_start3A_787 = tpu.memref_squeeze %dma_start3A_786 : memref<1x1x40xi32, #tpu.memory_space<vmem>> -> memref<40xi32, #tpu.memory_space<vmem>>
        %dma_start3A_788 = arith.constant 0 : i32
        %dma_start3A_789 = arith.constant 0 : i32
        %dma_start3A_790 = tpu.memref_slice %arg2[%dma_start3A_788, %dma_start3A_789] : memref<10000x128xf32, #tpu.memory_space<hbm>> -> memref<10000x128xf32, #tpu.memory_space<hbm>>
        tpu.enqueue_indirect_dma source(%dma_start3A_790 : memref<10000x128xf32, #tpu.memory_space<hbm>>) target(%dma_start3A_784 : memref<40x128xf32, #tpu.memory_space<vmem>>) offsets(%dma_start3A_787 : memref<40xi32, #tpu.memory_space<vmem>>) semaphore(%arg13 : memref<!tpu.dma_semaphore, #tpu.memory_space<semaphore_mem>>)
        %dma_wait3A_791 = arith.constant 4 : i32
        %dma_wait3A_792 = arith.constant 0 : i32
        %dma_wait3A_793 = arith.constant 0 : i32
        %dma_wait3A_794 = tpu.memref_slice %arg8[%dma_wait3A_791, %dma_wait3A_792, %dma_wait3A_793] : memref<8x40x128xf32, #tpu.memory_space<vmem>> -> memref<1x40x128xf32, #tpu.memory_space<vmem>>
        %dma_wait3A_795 = tpu.memref_squeeze %dma_wait3A_794 : memref<1x40x128xf32, #tpu.memory_space<vmem>> -> memref<40x128xf32, #tpu.memory_space<vmem>>
        %dma_wait3A_796 = arith.constant 0 : i32
        %dma_wait3A_797 = arith.constant 0 : i32
        %dma_wait3A_798 = tpu.memref_slice %arg9[%dma_wait3A_796, %dma_wait3A_797] : memref<10240x128xf32, #tpu.memory_space<vmem_shared>> -> memref<40x128xf32, #tpu.memory_space<vmem_shared>>
        %dma_wait3A_799 = arith.constant 0 : i32
        %dma_wait3A_800 = arith.constant 0 : i32
        %dma_wait3A_801 = tpu.memref_slice %arg9[%dma_wait3A_799, %dma_wait3A_800] : memref<10240x128xf32, #tpu.memory_space<vmem_shared>> -> memref<40x128xf32, #tpu.memory_space<vmem_shared>>
        %dma_wait3A_802 = arith.constant 0 : i32
        %dma_wait3A_803 = arith.constant 0 : i32
        %dma_wait3A_804 = tpu.memref_slice %arg8[%dma_wait3A_791, %dma_wait3A_802, %dma_wait3A_803] : memref<8x40x128xf32, #tpu.memory_space<vmem>> -> memref<1x40x128xf32, #tpu.memory_space<vmem>>
        %dma_wait3A_805 = tpu.memref_squeeze %dma_wait3A_804 : memref<1x40x128xf32, #tpu.memory_space<vmem>> -> memref<40x128xf32, #tpu.memory_space<vmem>>
        tpu.wait_dma2 semaphore(%arg22 : memref<!tpu.dma_semaphore, #tpu.memory_space<semaphore_mem>>) src(%dma_wait3A_805 : memref<40x128xf32, #tpu.memory_space<vmem>>) dst(%dma_wait3A_801 : memref<40x128xf32, #tpu.memory_space<vmem_shared>>)
        %dma_start3A_806 = arith.constant 4 : i32
        %dma_start3A_807 = arith.constant 4 : i32
        %dma_start3A_808 = arith.constant 0 : i32
        %dma_start3A_809 = arith.constant 0 : i32
        %dma_start3A_810 = tpu.memref_slice %arg8[%dma_start3A_807, %dma_start3A_808, %dma_start3A_809] : memref<8x40x128xf32, #tpu.memory_space<vmem>> -> memref<1x40x128xf32, #tpu.memory_space<vmem>>
        %dma_start3A_811 = tpu.memref_squeeze %dma_start3A_810 : memref<1x40x128xf32, #tpu.memory_space<vmem>> -> memref<40x128xf32, #tpu.memory_space<vmem>>
        %dma_start3A_812 = arith.constant 0 : i32
        %dma_start3A_813 = tpu.memref_slice %arg6[%sub3A_646, %dma_start3A_806, %dma_start3A_812] : memref<2x8x40xi32, #tpu.memory_space<vmem>> -> memref<1x1x40xi32, #tpu.memory_space<vmem>>
        %dma_start3A_814 = tpu.memref_squeeze %dma_start3A_813 : memref<1x1x40xi32, #tpu.memory_space<vmem>> -> memref<40xi32, #tpu.memory_space<vmem>>
        %dma_start3A_815 = arith.constant 0 : i32
        %dma_start3A_816 = arith.constant 0 : i32
        %dma_start3A_817 = tpu.memref_slice %arg2[%dma_start3A_815, %dma_start3A_816] : memref<10000x128xf32, #tpu.memory_space<hbm>> -> memref<10000x128xf32, #tpu.memory_space<hbm>>
        tpu.enqueue_indirect_dma source(%dma_start3A_817 : memref<10000x128xf32, #tpu.memory_space<hbm>>) target(%dma_start3A_811 : memref<40x128xf32, #tpu.memory_space<vmem>>) offsets(%dma_start3A_814 : memref<40xi32, #tpu.memory_space<vmem>>) semaphore(%arg14 : memref<!tpu.dma_semaphore, #tpu.memory_space<semaphore_mem>>)
        %dma_wait3A_818 = arith.constant 5 : i32
        %dma_wait3A_819 = arith.constant 0 : i32
        %dma_wait3A_820 = arith.constant 0 : i32
        %dma_wait3A_821 = tpu.memref_slice %arg8[%dma_wait3A_818, %dma_wait3A_819, %dma_wait3A_820] : memref<8x40x128xf32, #tpu.memory_space<vmem>> -> memref<1x40x128xf32, #tpu.memory_space<vmem>>
        %dma_wait3A_822 = tpu.memref_squeeze %dma_wait3A_821 : memref<1x40x128xf32, #tpu.memory_space<vmem>> -> memref<40x128xf32, #tpu.memory_space<vmem>>
        %dma_wait3A_823 = arith.constant 0 : i32
        %dma_wait3A_824 = arith.constant 0 : i32
        %dma_wait3A_825 = tpu.memref_slice %arg9[%dma_wait3A_823, %dma_wait3A_824] : memref<10240x128xf32, #tpu.memory_space<vmem_shared>> -> memref<40x128xf32, #tpu.memory_space<vmem_shared>>
        %dma_wait3A_826 = arith.constant 0 : i32
        %dma_wait3A_827 = arith.constant 0 : i32
        %dma_wait3A_828 = tpu.memref_slice %arg9[%dma_wait3A_826, %dma_wait3A_827] : memref<10240x128xf32, #tpu.memory_space<vmem_shared>> -> memref<40x128xf32, #tpu.memory_space<vmem_shared>>
        %dma_wait3A_829 = arith.constant 0 : i32
        %dma_wait3A_830 = arith.constant 0 : i32
        %dma_wait3A_831 = tpu.memref_slice %arg8[%dma_wait3A_818, %dma_wait3A_829, %dma_wait3A_830] : memref<8x40x128xf32, #tpu.memory_space<vmem>> -> memref<1x40x128xf32, #tpu.memory_space<vmem>>
        %dma_wait3A_832 = tpu.memref_squeeze %dma_wait3A_831 : memref<1x40x128xf32, #tpu.memory_space<vmem>> -> memref<40x128xf32, #tpu.memory_space<vmem>>
        tpu.wait_dma2 semaphore(%arg23 : memref<!tpu.dma_semaphore, #tpu.memory_space<semaphore_mem>>) src(%dma_wait3A_832 : memref<40x128xf32, #tpu.memory_space<vmem>>) dst(%dma_wait3A_828 : memref<40x128xf32, #tpu.memory_space<vmem_shared>>)
        %dma_start3A_833 = arith.constant 5 : i32
        %dma_start3A_834 = arith.constant 5 : i32
        %dma_start3A_835 = arith.constant 0 : i32
        %dma_start3A_836 = arith.constant 0 : i32
        %dma_start3A_837 = tpu.memref_slice %arg8[%dma_start3A_834, %dma_start3A_835, %dma_start3A_836] : memref<8x40x128xf32, #tpu.memory_space<vmem>> -> memref<1x40x128xf32, #tpu.memory_space<vmem>>
        %dma_start3A_838 = tpu.memref_squeeze %dma_start3A_837 : memref<1x40x128xf32, #tpu.memory_space<vmem>> -> memref<40x128xf32, #tpu.memory_space<vmem>>
        %dma_start3A_839 = arith.constant 0 : i32
        %dma_start3A_840 = tpu.memref_slice %arg6[%sub3A_646, %dma_start3A_833, %dma_start3A_839] : memref<2x8x40xi32, #tpu.memory_space<vmem>> -> memref<1x1x40xi32, #tpu.memory_space<vmem>>
        %dma_start3A_841 = tpu.memref_squeeze %dma_start3A_840 : memref<1x1x40xi32, #tpu.memory_space<vmem>> -> memref<40xi32, #tpu.memory_space<vmem>>
        %dma_start3A_842 = arith.constant 0 : i32
        %dma_start3A_843 = arith.constant 0 : i32
        %dma_start3A_844 = tpu.memref_slice %arg2[%dma_start3A_842, %dma_start3A_843] : memref<10000x128xf32, #tpu.memory_space<hbm>> -> memref<10000x128xf32, #tpu.memory_space<hbm>>
        tpu.enqueue_indirect_dma source(%dma_start3A_844 : memref<10000x128xf32, #tpu.memory_space<hbm>>) target(%dma_start3A_838 : memref<40x128xf32, #tpu.memory_space<vmem>>) offsets(%dma_start3A_841 : memref<40xi32, #tpu.memory_space<vmem>>) semaphore(%arg15 : memref<!tpu.dma_semaphore, #tpu.memory_space<semaphore_mem>>)
        %dma_wait3A_845 = arith.constant 6 : i32
        %dma_wait3A_846 = arith.constant 0 : i32
        %dma_wait3A_847 = arith.constant 0 : i32
        %dma_wait3A_848 = tpu.memref_slice %arg8[%dma_wait3A_845, %dma_wait3A_846, %dma_wait3A_847] : memref<8x40x128xf32, #tpu.memory_space<vmem>> -> memref<1x40x128xf32, #tpu.memory_space<vmem>>
        %dma_wait3A_849 = tpu.memref_squeeze %dma_wait3A_848 : memref<1x40x128xf32, #tpu.memory_space<vmem>> -> memref<40x128xf32, #tpu.memory_space<vmem>>
        %dma_wait3A_850 = arith.constant 0 : i32
        %dma_wait3A_851 = arith.constant 0 : i32
        %dma_wait3A_852 = tpu.memref_slice %arg9[%dma_wait3A_850, %dma_wait3A_851] : memref<10240x128xf32, #tpu.memory_space<vmem_shared>> -> memref<40x128xf32, #tpu.memory_space<vmem_shared>>
        %dma_wait3A_853 = arith.constant 0 : i32
        %dma_wait3A_854 = arith.constant 0 : i32
        %dma_wait3A_855 = tpu.memref_slice %arg9[%dma_wait3A_853, %dma_wait3A_854] : memref<10240x128xf32, #tpu.memory_space<vmem_shared>> -> memref<40x128xf32, #tpu.memory_space<vmem_shared>>
        %dma_wait3A_856 = arith.constant 0 : i32
        %dma_wait3A_857 = arith.constant 0 : i32
        %dma_wait3A_858 = tpu.memref_slice %arg8[%dma_wait3A_845, %dma_wait3A_856, %dma_wait3A_857] : memref<8x40x128xf32, #tpu.memory_space<vmem>> -> memref<1x40x128xf32, #tpu.memory_space<vmem>>
        %dma_wait3A_859 = tpu.memref_squeeze %dma_wait3A_858 : memref<1x40x128xf32, #tpu.memory_space<vmem>> -> memref<40x128xf32, #tpu.memory_space<vmem>>
        tpu.wait_dma2 semaphore(%arg24 : memref<!tpu.dma_semaphore, #tpu.memory_space<semaphore_mem>>) src(%dma_wait3A_859 : memref<40x128xf32, #tpu.memory_space<vmem>>) dst(%dma_wait3A_855 : memref<40x128xf32, #tpu.memory_space<vmem_shared>>)
        %dma_start3A_860 = arith.constant 6 : i32
        %dma_start3A_861 = arith.constant 6 : i32
        %dma_start3A_862 = arith.constant 0 : i32
        %dma_start3A_863 = arith.constant 0 : i32
        %dma_start3A_864 = tpu.memref_slice %arg8[%dma_start3A_861, %dma_start3A_862, %dma_start3A_863] : memref<8x40x128xf32, #tpu.memory_space<vmem>> -> memref<1x40x128xf32, #tpu.memory_space<vmem>>
        %dma_start3A_865 = tpu.memref_squeeze %dma_start3A_864 : memref<1x40x128xf32, #tpu.memory_space<vmem>> -> memref<40x128xf32, #tpu.memory_space<vmem>>
        %dma_start3A_866 = arith.constant 0 : i32
        %dma_start3A_867 = tpu.memref_slice %arg6[%sub3A_646, %dma_start3A_860, %dma_start3A_866] : memref<2x8x40xi32, #tpu.memory_space<vmem>> -> memref<1x1x40xi32, #tpu.memory_space<vmem>>
        %dma_start3A_868 = tpu.memref_squeeze %dma_start3A_867 : memref<1x1x40xi32, #tpu.memory_space<vmem>> -> memref<40xi32, #tpu.memory_space<vmem>>
        %dma_start3A_869 = arith.constant 0 : i32
        %dma_start3A_870 = arith.constant 0 : i32
        %dma_start3A_871 = tpu.memref_slice %arg2[%dma_start3A_869, %dma_start3A_870] : memref<10000x128xf32, #tpu.memory_space<hbm>> -> memref<10000x128xf32, #tpu.memory_space<hbm>>
        tpu.enqueue_indirect_dma source(%dma_start3A_871 : memref<10000x128xf32, #tpu.memory_space<hbm>>) target(%dma_start3A_865 : memref<40x128xf32, #tpu.memory_space<vmem>>) offsets(%dma_start3A_868 : memref<40xi32, #tpu.memory_space<vmem>>) semaphore(%arg16 : memref<!tpu.dma_semaphore, #tpu.memory_space<semaphore_mem>>)
        %dma_wait3A_872 = arith.constant 7 : i32
        %dma_wait3A_873 = arith.constant 0 : i32
        %dma_wait3A_874 = arith.constant 0 : i32
        %dma_wait3A_875 = tpu.memref_slice %arg8[%dma_wait3A_872, %dma_wait3A_873, %dma_wait3A_874] : memref<8x40x128xf32, #tpu.memory_space<vmem>> -> memref<1x40x128xf32, #tpu.memory_space<vmem>>
        %dma_wait3A_876 = tpu.memref_squeeze %dma_wait3A_875 : memref<1x40x128xf32, #tpu.memory_space<vmem>> -> memref<40x128xf32, #tpu.memory_space<vmem>>
        %dma_wait3A_877 = arith.constant 0 : i32
        %dma_wait3A_878 = arith.constant 0 : i32
        %dma_wait3A_879 = tpu.memref_slice %arg9[%dma_wait3A_877, %dma_wait3A_878] : memref<10240x128xf32, #tpu.memory_space<vmem_shared>> -> memref<40x128xf32, #tpu.memory_space<vmem_shared>>
        %dma_wait3A_880 = arith.constant 0 : i32
        %dma_wait3A_881 = arith.constant 0 : i32
        %dma_wait3A_882 = tpu.memref_slice %arg9[%dma_wait3A_880, %dma_wait3A_881] : memref<10240x128xf32, #tpu.memory_space<vmem_shared>> -> memref<40x128xf32, #tpu.memory_space<vmem_shared>>
        %dma_wait3A_883 = arith.constant 0 : i32
        %dma_wait3A_884 = arith.constant 0 : i32
        %dma_wait3A_885 = tpu.memref_slice %arg8[%dma_wait3A_872, %dma_wait3A_883, %dma_wait3A_884] : memref<8x40x128xf32, #tpu.memory_space<vmem>> -> memref<1x40x128xf32, #tpu.memory_space<vmem>>
        %dma_wait3A_886 = tpu.memref_squeeze %dma_wait3A_885 : memref<1x40x128xf32, #tpu.memory_space<vmem>> -> memref<40x128xf32, #tpu.memory_space<vmem>>
        tpu.wait_dma2 semaphore(%arg25 : memref<!tpu.dma_semaphore, #tpu.memory_space<semaphore_mem>>) src(%dma_wait3A_886 : memref<40x128xf32, #tpu.memory_space<vmem>>) dst(%dma_wait3A_882 : memref<40x128xf32, #tpu.memory_space<vmem_shared>>)
        %dma_start3A_887 = arith.constant 7 : i32
        %dma_start3A_888 = arith.constant 7 : i32
        %dma_start3A_889 = arith.constant 0 : i32
        %dma_start3A_890 = arith.constant 0 : i32
        %dma_start3A_891 = tpu.memref_slice %arg8[%dma_start3A_888, %dma_start3A_889, %dma_start3A_890] : memref<8x40x128xf32, #tpu.memory_space<vmem>> -> memref<1x40x128xf32, #tpu.memory_space<vmem>>
        %dma_start3A_892 = tpu.memref_squeeze %dma_start3A_891 : memref<1x40x128xf32, #tpu.memory_space<vmem>> -> memref<40x128xf32, #tpu.memory_space<vmem>>
        %dma_start3A_893 = arith.constant 0 : i32
        %dma_start3A_894 = tpu.memref_slice %arg6[%sub3A_646, %dma_start3A_887, %dma_start3A_893] : memref<2x8x40xi32, #tpu.memory_space<vmem>> -> memref<1x1x40xi32, #tpu.memory_space<vmem>>
        %dma_start3A_895 = tpu.memref_squeeze %dma_start3A_894 : memref<1x1x40xi32, #tpu.memory_space<vmem>> -> memref<40xi32, #tpu.memory_space<vmem>>
        %dma_start3A_896 = arith.constant 0 : i32
        %dma_start3A_897 = arith.constant 0 : i32
        %dma_start3A_898 = tpu.memref_slice %arg2[%dma_start3A_896, %dma_start3A_897] : memref<10000x128xf32, #tpu.memory_space<hbm>> -> memref<10000x128xf32, #tpu.memory_space<hbm>>
        tpu.enqueue_indirect_dma source(%dma_start3A_898 : memref<10000x128xf32, #tpu.memory_space<hbm>>) target(%dma_start3A_892 : memref<40x128xf32, #tpu.memory_space<vmem>>) offsets(%dma_start3A_895 : memref<40xi32, #tpu.memory_space<vmem>>) semaphore(%arg17 : memref<!tpu.dma_semaphore, #tpu.memory_space<semaphore_mem>>)
        %lt3A_899 = arith.constant 29 : i32
        %lt3A_900 = arith.cmpi slt, %scan3A_424, %lt3A_899 : i32
        %convert_element_type3A_901 = arith.extui %lt3A_900 : i1 to i32
        %cond3A_902 = arith.constant 0 : i32
        %cond3A_903 = arith.cmpi ne, %convert_element_type3A_901, %cond3A_902 : i32
        scf.if %cond3A_903 {
          %add3A_904 = arith.constant 2 : i32
          %add3A_905 = arith.addi %scan3A_424, %add3A_904 : i32
          %dma_start3A_906 = arith.constant 0 : i32
          %dma_start3A_907 = arith.constant 0 : i32
          %dma_start3A_908 = arith.constant 0 : i32
          %dma_start3A_909 = tpu.memref_slice %arg6[%rem3A_426, %dma_start3A_907, %dma_start3A_908] : memref<2x8x40xi32, #tpu.memory_space<vmem>> -> memref<1x8x40xi32, #tpu.memory_space<vmem>>
          %dma_start3A_910 = tpu.memref_squeeze %dma_start3A_909 : memref<1x8x40xi32, #tpu.memory_space<vmem>> -> memref<8x40xi32, #tpu.memory_space<vmem>>
          %dma_start3A_911 = arith.constant 0 : i32
          %dma_start3A_912 = arith.constant 0 : i32
          %dma_start3A_913 = tpu.memref_slice %arg3[%dma_start3A_906, %add3A, %add3A_905, %dma_start3A_911, %dma_start3A_912] : memref<2x32x31x8x40xi32, #tpu.memory_space<hbm>> -> memref<1x1x1x8x40xi32, #tpu.memory_space<hbm>>
          %dma_start3A_914 = tpu.memref_squeeze %dma_start3A_913 : memref<1x1x1x8x40xi32, #tpu.memory_space<hbm>> -> memref<8x40xi32, #tpu.memory_space<hbm>>
          %dma_start3A_915 = arith.constant 0 : i32
          %dma_start3A_916 = arith.constant 0 : i32
          %dma_start3A_917 = tpu.memref_slice %arg6[%rem3A_426, %dma_start3A_915, %dma_start3A_916] : memref<2x8x40xi32, #tpu.memory_space<vmem>> -> memref<1x8x40xi32, #tpu.memory_space<vmem>>
          %dma_start3A_918 = tpu.memref_squeeze %dma_start3A_917 : memref<1x8x40xi32, #tpu.memory_space<vmem>> -> memref<8x40xi32, #tpu.memory_space<vmem>>
          %dma_start3A_919 = arith.constant 0 : i32
          %dma_start3A_920 = arith.constant 0 : i32
          %dma_start3A_921 = tpu.memref_slice %arg3[%dma_start3A_906, %add3A, %add3A_905, %dma_start3A_919, %dma_start3A_920] : memref<2x32x31x8x40xi32, #tpu.memory_space<hbm>> -> memref<1x1x1x8x40xi32, #tpu.memory_space<hbm>>
          %dma_start3A_922 = tpu.memref_squeeze %dma_start3A_921 : memref<1x1x1x8x40xi32, #tpu.memory_space<hbm>> -> memref<8x40xi32, #tpu.memory_space<hbm>>
          tpu.enqueue_dma source(%dma_start3A_922 : memref<8x40xi32, #tpu.memory_space<hbm>>) target(%dma_start3A_918 : memref<8x40xi32, #tpu.memory_space<vmem>>) target_semaphore(%arg26 : memref<!tpu.dma_semaphore, #tpu.memory_space<semaphore_mem>>)
          %dma_start3A_923 = arith.constant 1 : i32
          %dma_start3A_924 = arith.constant 0 : i32
          %dma_start3A_925 = arith.constant 0 : i32
          %dma_start3A_926 = tpu.memref_slice %arg7[%rem3A_426, %dma_start3A_924, %dma_start3A_925] : memref<2x8x40xi32, #tpu.memory_space<vmem>> -> memref<1x8x40xi32, #tpu.memory_space<vmem>>
          %dma_start3A_927 = tpu.memref_squeeze %dma_start3A_926 : memref<1x8x40xi32, #tpu.memory_space<vmem>> -> memref<8x40xi32, #tpu.memory_space<vmem>>
          %dma_start3A_928 = arith.constant 0 : i32
          %dma_start3A_929 = arith.constant 0 : i32
          %dma_start3A_930 = tpu.memref_slice %arg3[%dma_start3A_923, %add3A, %add3A_905, %dma_start3A_928, %dma_start3A_929] : memref<2x32x31x8x40xi32, #tpu.memory_space<hbm>> -> memref<1x1x1x8x40xi32, #tpu.memory_space<hbm>>
          %dma_start3A_931 = tpu.memref_squeeze %dma_start3A_930 : memref<1x1x1x8x40xi32, #tpu.memory_space<hbm>> -> memref<8x40xi32, #tpu.memory_space<hbm>>
          %dma_start3A_932 = arith.constant 0 : i32
          %dma_start3A_933 = arith.constant 0 : i32
          %dma_start3A_934 = tpu.memref_slice %arg7[%rem3A_426, %dma_start3A_932, %dma_start3A_933] : memref<2x8x40xi32, #tpu.memory_space<vmem>> -> memref<1x8x40xi32, #tpu.memory_space<vmem>>
          %dma_start3A_935 = tpu.memref_squeeze %dma_start3A_934 : memref<1x8x40xi32, #tpu.memory_space<vmem>> -> memref<8x40xi32, #tpu.memory_space<vmem>>
          %dma_start3A_936 = arith.constant 0 : i32
          %dma_start3A_937 = arith.constant 0 : i32
          %dma_start3A_938 = tpu.memref_slice %arg3[%dma_start3A_923, %add3A, %add3A_905, %dma_start3A_936, %dma_start3A_937] : memref<2x32x31x8x40xi32, #tpu.memory_space<hbm>> -> memref<1x1x1x8x40xi32, #tpu.memory_space<hbm>>
          %dma_start3A_939 = tpu.memref_squeeze %dma_start3A_938 : memref<1x1x1x8x40xi32, #tpu.memory_space<hbm>> -> memref<8x40xi32, #tpu.memory_space<hbm>>
          tpu.enqueue_dma source(%dma_start3A_939 : memref<8x40xi32, #tpu.memory_space<hbm>>) target(%dma_start3A_935 : memref<8x40xi32, #tpu.memory_space<vmem>>) target_semaphore(%arg26 : memref<!tpu.dma_semaphore, #tpu.memory_space<semaphore_mem>>)
        } else {
        }
      } else {
      }
      %scan3A_645 = arith.constant 0 : i32
      scf.yield %scan3A_645 : i32
    }
    %scan3A_237 = arith.constant 31 : i32
    %dma_wait3A_238 = arith.constant 0 : i32
    %dma_wait3A_239 = arith.constant 0 : i32
    %dma_wait3A_240 = arith.constant 0 : i32
    %dma_wait3A_241 = tpu.memref_slice %arg8[%dma_wait3A_238, %dma_wait3A_239, %dma_wait3A_240] : memref<8x40x128xf32, #tpu.memory_space<vmem>> -> memref<1x40x128xf32, #tpu.memory_space<vmem>>
    %dma_wait3A_242 = tpu.memref_squeeze %dma_wait3A_241 : memref<1x40x128xf32, #tpu.memory_space<vmem>> -> memref<40x128xf32, #tpu.memory_space<vmem>>
    %dma_wait3A_243 = arith.constant 0 : i32
    %dma_wait3A_244 = arith.constant 0 : i32
    %dma_wait3A_245 = tpu.memref_slice %arg9[%dma_wait3A_243, %dma_wait3A_244] : memref<10240x128xf32, #tpu.memory_space<vmem_shared>> -> memref<40x128xf32, #tpu.memory_space<vmem_shared>>
    %dma_wait3A_246 = arith.constant 0 : i32
    %dma_wait3A_247 = arith.constant 0 : i32
    %dma_wait3A_248 = tpu.memref_slice %arg9[%dma_wait3A_246, %dma_wait3A_247] : memref<10240x128xf32, #tpu.memory_space<vmem_shared>> -> memref<40x128xf32, #tpu.memory_space<vmem_shared>>
    %dma_wait3A_249 = arith.constant 0 : i32
    %dma_wait3A_250 = arith.constant 0 : i32
    %dma_wait3A_251 = tpu.memref_slice %arg8[%dma_wait3A_238, %dma_wait3A_249, %dma_wait3A_250] : memref<8x40x128xf32, #tpu.memory_space<vmem>> -> memref<1x40x128xf32, #tpu.memory_space<vmem>>
    %dma_wait3A_252 = tpu.memref_squeeze %dma_wait3A_251 : memref<1x40x128xf32, #tpu.memory_space<vmem>> -> memref<40x128xf32, #tpu.memory_space<vmem>>
    tpu.wait_dma2 semaphore(%arg18 : memref<!tpu.dma_semaphore, #tpu.memory_space<semaphore_mem>>) src(%dma_wait3A_252 : memref<40x128xf32, #tpu.memory_space<vmem>>) dst(%dma_wait3A_248 : memref<40x128xf32, #tpu.memory_space<vmem_shared>>)
    %dma_wait3A_253 = arith.constant 1 : i32
    %dma_wait3A_254 = arith.constant 0 : i32
    %dma_wait3A_255 = arith.constant 0 : i32
    %dma_wait3A_256 = tpu.memref_slice %arg8[%dma_wait3A_253, %dma_wait3A_254, %dma_wait3A_255] : memref<8x40x128xf32, #tpu.memory_space<vmem>> -> memref<1x40x128xf32, #tpu.memory_space<vmem>>
    %dma_wait3A_257 = tpu.memref_squeeze %dma_wait3A_256 : memref<1x40x128xf32, #tpu.memory_space<vmem>> -> memref<40x128xf32, #tpu.memory_space<vmem>>
    %dma_wait3A_258 = arith.constant 0 : i32
    %dma_wait3A_259 = arith.constant 0 : i32
    %dma_wait3A_260 = tpu.memref_slice %arg9[%dma_wait3A_258, %dma_wait3A_259] : memref<10240x128xf32, #tpu.memory_space<vmem_shared>> -> memref<40x128xf32, #tpu.memory_space<vmem_shared>>
    %dma_wait3A_261 = arith.constant 0 : i32
    %dma_wait3A_262 = arith.constant 0 : i32
    %dma_wait3A_263 = tpu.memref_slice %arg9[%dma_wait3A_261, %dma_wait3A_262] : memref<10240x128xf32, #tpu.memory_space<vmem_shared>> -> memref<40x128xf32, #tpu.memory_space<vmem_shared>>
    %dma_wait3A_264 = arith.constant 0 : i32
    %dma_wait3A_265 = arith.constant 0 : i32
    %dma_wait3A_266 = tpu.memref_slice %arg8[%dma_wait3A_253, %dma_wait3A_264, %dma_wait3A_265] : memref<8x40x128xf32, #tpu.memory_space<vmem>> -> memref<1x40x128xf32, #tpu.memory_space<vmem>>
    %dma_wait3A_267 = tpu.memref_squeeze %dma_wait3A_266 : memref<1x40x128xf32, #tpu.memory_space<vmem>> -> memref<40x128xf32, #tpu.memory_space<vmem>>
    tpu.wait_dma2 semaphore(%arg19 : memref<!tpu.dma_semaphore, #tpu.memory_space<semaphore_mem>>) src(%dma_wait3A_267 : memref<40x128xf32, #tpu.memory_space<vmem>>) dst(%dma_wait3A_263 : memref<40x128xf32, #tpu.memory_space<vmem_shared>>)
    %dma_wait3A_268 = arith.constant 2 : i32
    %dma_wait3A_269 = arith.constant 0 : i32
    %dma_wait3A_270 = arith.constant 0 : i32
    %dma_wait3A_271 = tpu.memref_slice %arg8[%dma_wait3A_268, %dma_wait3A_269, %dma_wait3A_270] : memref<8x40x128xf32, #tpu.memory_space<vmem>> -> memref<1x40x128xf32, #tpu.memory_space<vmem>>
    %dma_wait3A_272 = tpu.memref_squeeze %dma_wait3A_271 : memref<1x40x128xf32, #tpu.memory_space<vmem>> -> memref<40x128xf32, #tpu.memory_space<vmem>>
    %dma_wait3A_273 = arith.constant 0 : i32
    %dma_wait3A_274 = arith.constant 0 : i32
    %dma_wait3A_275 = tpu.memref_slice %arg9[%dma_wait3A_273, %dma_wait3A_274] : memref<10240x128xf32, #tpu.memory_space<vmem_shared>> -> memref<40x128xf32, #tpu.memory_space<vmem_shared>>
    %dma_wait3A_276 = arith.constant 0 : i32
    %dma_wait3A_277 = arith.constant 0 : i32
    %dma_wait3A_278 = tpu.memref_slice %arg9[%dma_wait3A_276, %dma_wait3A_277] : memref<10240x128xf32, #tpu.memory_space<vmem_shared>> -> memref<40x128xf32, #tpu.memory_space<vmem_shared>>
    %dma_wait3A_279 = arith.constant 0 : i32
    %dma_wait3A_280 = arith.constant 0 : i32
    %dma_wait3A_281 = tpu.memref_slice %arg8[%dma_wait3A_268, %dma_wait3A_279, %dma_wait3A_280] : memref<8x40x128xf32, #tpu.memory_space<vmem>> -> memref<1x40x128xf32, #tpu.memory_space<vmem>>
    %dma_wait3A_282 = tpu.memref_squeeze %dma_wait3A_281 : memref<1x40x128xf32, #tpu.memory_space<vmem>> -> memref<40x128xf32, #tpu.memory_space<vmem>>
    tpu.wait_dma2 semaphore(%arg20 : memref<!tpu.dma_semaphore, #tpu.memory_space<semaphore_mem>>) src(%dma_wait3A_282 : memref<40x128xf32, #tpu.memory_space<vmem>>) dst(%dma_wait3A_278 : memref<40x128xf32, #tpu.memory_space<vmem_shared>>)
    %dma_wait3A_283 = arith.constant 3 : i32
    %dma_wait3A_284 = arith.constant 0 : i32
    %dma_wait3A_285 = arith.constant 0 : i32
    %dma_wait3A_286 = tpu.memref_slice %arg8[%dma_wait3A_283, %dma_wait3A_284, %dma_wait3A_285] : memref<8x40x128xf32, #tpu.memory_space<vmem>> -> memref<1x40x128xf32, #tpu.memory_space<vmem>>
    %dma_wait3A_287 = tpu.memref_squeeze %dma_wait3A_286 : memref<1x40x128xf32, #tpu.memory_space<vmem>> -> memref<40x128xf32, #tpu.memory_space<vmem>>
    %dma_wait3A_288 = arith.constant 0 : i32
    %dma_wait3A_289 = arith.constant 0 : i32
    %dma_wait3A_290 = tpu.memref_slice %arg9[%dma_wait3A_288, %dma_wait3A_289] : memref<10240x128xf32, #tpu.memory_space<vmem_shared>> -> memref<40x128xf32, #tpu.memory_space<vmem_shared>>
    %dma_wait3A_291 = arith.constant 0 : i32
    %dma_wait3A_292 = arith.constant 0 : i32
    %dma_wait3A_293 = tpu.memref_slice %arg9[%dma_wait3A_291, %dma_wait3A_292] : memref<10240x128xf32, #tpu.memory_space<vmem_shared>> -> memref<40x128xf32, #tpu.memory_space<vmem_shared>>
    %dma_wait3A_294 = arith.constant 0 : i32
    %dma_wait3A_295 = arith.constant 0 : i32
    %dma_wait3A_296 = tpu.memref_slice %arg8[%dma_wait3A_283, %dma_wait3A_294, %dma_wait3A_295] : memref<8x40x128xf32, #tpu.memory_space<vmem>> -> memref<1x40x128xf32, #tpu.memory_space<vmem>>
    %dma_wait3A_297 = tpu.memref_squeeze %dma_wait3A_296 : memref<1x40x128xf32, #tpu.memory_space<vmem>> -> memref<40x128xf32, #tpu.memory_space<vmem>>
    tpu.wait_dma2 semaphore(%arg21 : memref<!tpu.dma_semaphore, #tpu.memory_space<semaphore_mem>>) src(%dma_wait3A_297 : memref<40x128xf32, #tpu.memory_space<vmem>>) dst(%dma_wait3A_293 : memref<40x128xf32, #tpu.memory_space<vmem_shared>>)
    %dma_wait3A_298 = arith.constant 4 : i32
    %dma_wait3A_299 = arith.constant 0 : i32
    %dma_wait3A_300 = arith.constant 0 : i32
    %dma_wait3A_301 = tpu.memref_slice %arg8[%dma_wait3A_298, %dma_wait3A_299, %dma_wait3A_300] : memref<8x40x128xf32, #tpu.memory_space<vmem>> -> memref<1x40x128xf32, #tpu.memory_space<vmem>>
    %dma_wait3A_302 = tpu.memref_squeeze %dma_wait3A_301 : memref<1x40x128xf32, #tpu.memory_space<vmem>> -> memref<40x128xf32, #tpu.memory_space<vmem>>
    %dma_wait3A_303 = arith.constant 0 : i32
    %dma_wait3A_304 = arith.constant 0 : i32
    %dma_wait3A_305 = tpu.memref_slice %arg9[%dma_wait3A_303, %dma_wait3A_304] : memref<10240x128xf32, #tpu.memory_space<vmem_shared>> -> memref<40x128xf32, #tpu.memory_space<vmem_shared>>
    %dma_wait3A_306 = arith.constant 0 : i32
    %dma_wait3A_307 = arith.constant 0 : i32
    %dma_wait3A_308 = tpu.memref_slice %arg9[%dma_wait3A_306, %dma_wait3A_307] : memref<10240x128xf32, #tpu.memory_space<vmem_shared>> -> memref<40x128xf32, #tpu.memory_space<vmem_shared>>
    %dma_wait3A_309 = arith.constant 0 : i32
    %dma_wait3A_310 = arith.constant 0 : i32
    %dma_wait3A_311 = tpu.memref_slice %arg8[%dma_wait3A_298, %dma_wait3A_309, %dma_wait3A_310] : memref<8x40x128xf32, #tpu.memory_space<vmem>> -> memref<1x40x128xf32, #tpu.memory_space<vmem>>
    %dma_wait3A_312 = tpu.memref_squeeze %dma_wait3A_311 : memref<1x40x128xf32, #tpu.memory_space<vmem>> -> memref<40x128xf32, #tpu.memory_space<vmem>>
    tpu.wait_dma2 semaphore(%arg22 : memref<!tpu.dma_semaphore, #tpu.memory_space<semaphore_mem>>) src(%dma_wait3A_312 : memref<40x128xf32, #tpu.memory_space<vmem>>) dst(%dma_wait3A_308 : memref<40x128xf32, #tpu.memory_space<vmem_shared>>)
    %dma_wait3A_313 = arith.constant 5 : i32
    %dma_wait3A_314 = arith.constant 0 : i32
    %dma_wait3A_315 = arith.constant 0 : i32
    %dma_wait3A_316 = tpu.memref_slice %arg8[%dma_wait3A_313, %dma_wait3A_314, %dma_wait3A_315] : memref<8x40x128xf32, #tpu.memory_space<vmem>> -> memref<1x40x128xf32, #tpu.memory_space<vmem>>
    %dma_wait3A_317 = tpu.memref_squeeze %dma_wait3A_316 : memref<1x40x128xf32, #tpu.memory_space<vmem>> -> memref<40x128xf32, #tpu.memory_space<vmem>>
    %dma_wait3A_318 = arith.constant 0 : i32
    %dma_wait3A_319 = arith.constant 0 : i32
    %dma_wait3A_320 = tpu.memref_slice %arg9[%dma_wait3A_318, %dma_wait3A_319] : memref<10240x128xf32, #tpu.memory_space<vmem_shared>> -> memref<40x128xf32, #tpu.memory_space<vmem_shared>>
    %dma_wait3A_321 = arith.constant 0 : i32
    %dma_wait3A_322 = arith.constant 0 : i32
    %dma_wait3A_323 = tpu.memref_slice %arg9[%dma_wait3A_321, %dma_wait3A_322] : memref<10240x128xf32, #tpu.memory_space<vmem_shared>> -> memref<40x128xf32, #tpu.memory_space<vmem_shared>>
    %dma_wait3A_324 = arith.constant 0 : i32
    %dma_wait3A_325 = arith.constant 0 : i32
    %dma_wait3A_326 = tpu.memref_slice %arg8[%dma_wait3A_313, %dma_wait3A_324, %dma_wait3A_325] : memref<8x40x128xf32, #tpu.memory_space<vmem>> -> memref<1x40x128xf32, #tpu.memory_space<vmem>>
    %dma_wait3A_327 = tpu.memref_squeeze %dma_wait3A_326 : memref<1x40x128xf32, #tpu.memory_space<vmem>> -> memref<40x128xf32, #tpu.memory_space<vmem>>
    tpu.wait_dma2 semaphore(%arg23 : memref<!tpu.dma_semaphore, #tpu.memory_space<semaphore_mem>>) src(%dma_wait3A_327 : memref<40x128xf32, #tpu.memory_space<vmem>>) dst(%dma_wait3A_323 : memref<40x128xf32, #tpu.memory_space<vmem_shared>>)
    %dma_wait3A_328 = arith.constant 6 : i32
    %dma_wait3A_329 = arith.constant 0 : i32
    %dma_wait3A_330 = arith.constant 0 : i32
    %dma_wait3A_331 = tpu.memref_slice %arg8[%dma_wait3A_328, %dma_wait3A_329, %dma_wait3A_330] : memref<8x40x128xf32, #tpu.memory_space<vmem>> -> memref<1x40x128xf32, #tpu.memory_space<vmem>>
    %dma_wait3A_332 = tpu.memref_squeeze %dma_wait3A_331 : memref<1x40x128xf32, #tpu.memory_space<vmem>> -> memref<40x128xf32, #tpu.memory_space<vmem>>
    %dma_wait3A_333 = arith.constant 0 : i32
    %dma_wait3A_334 = arith.constant 0 : i32
    %dma_wait3A_335 = tpu.memref_slice %arg9[%dma_wait3A_333, %dma_wait3A_334] : memref<10240x128xf32, #tpu.memory_space<vmem_shared>> -> memref<40x128xf32, #tpu.memory_space<vmem_shared>>
    %dma_wait3A_336 = arith.constant 0 : i32
    %dma_wait3A_337 = arith.constant 0 : i32
    %dma_wait3A_338 = tpu.memref_slice %arg9[%dma_wait3A_336, %dma_wait3A_337] : memref<10240x128xf32, #tpu.memory_space<vmem_shared>> -> memref<40x128xf32, #tpu.memory_space<vmem_shared>>
    %dma_wait3A_339 = arith.constant 0 : i32
    %dma_wait3A_340 = arith.constant 0 : i32
    %dma_wait3A_341 = tpu.memref_slice %arg8[%dma_wait3A_328, %dma_wait3A_339, %dma_wait3A_340] : memref<8x40x128xf32, #tpu.memory_space<vmem>> -> memref<1x40x128xf32, #tpu.memory_space<vmem>>
    %dma_wait3A_342 = tpu.memref_squeeze %dma_wait3A_341 : memref<1x40x128xf32, #tpu.memory_space<vmem>> -> memref<40x128xf32, #tpu.memory_space<vmem>>
    tpu.wait_dma2 semaphore(%arg24 : memref<!tpu.dma_semaphore, #tpu.memory_space<semaphore_mem>>) src(%dma_wait3A_342 : memref<40x128xf32, #tpu.memory_space<vmem>>) dst(%dma_wait3A_338 : memref<40x128xf32, #tpu.memory_space<vmem_shared>>)
    %dma_wait3A_343 = arith.constant 7 : i32
    %dma_wait3A_344 = arith.constant 0 : i32
    %dma_wait3A_345 = arith.constant 0 : i32
    %dma_wait3A_346 = tpu.memref_slice %arg8[%dma_wait3A_343, %dma_wait3A_344, %dma_wait3A_345] : memref<8x40x128xf32, #tpu.memory_space<vmem>> -> memref<1x40x128xf32, #tpu.memory_space<vmem>>
    %dma_wait3A_347 = tpu.memref_squeeze %dma_wait3A_346 : memref<1x40x128xf32, #tpu.memory_space<vmem>> -> memref<40x128xf32, #tpu.memory_space<vmem>>
    %dma_wait3A_348 = arith.constant 0 : i32
    %dma_wait3A_349 = arith.constant 0 : i32
    %dma_wait3A_350 = tpu.memref_slice %arg9[%dma_wait3A_348, %dma_wait3A_349] : memref<10240x128xf32, #tpu.memory_space<vmem_shared>> -> memref<40x128xf32, #tpu.memory_space<vmem_shared>>
    %dma_wait3A_351 = arith.constant 0 : i32
    %dma_wait3A_352 = arith.constant 0 : i32
    %dma_wait3A_353 = tpu.memref_slice %arg9[%dma_wait3A_351, %dma_wait3A_352] : memref<10240x128xf32, #tpu.memory_space<vmem_shared>> -> memref<40x128xf32, #tpu.memory_space<vmem_shared>>
    %dma_wait3A_354 = arith.constant 0 : i32
    %dma_wait3A_355 = arith.constant 0 : i32
    %dma_wait3A_356 = tpu.memref_slice %arg8[%dma_wait3A_343, %dma_wait3A_354, %dma_wait3A_355] : memref<8x40x128xf32, #tpu.memory_space<vmem>> -> memref<1x40x128xf32, #tpu.memory_space<vmem>>
    %dma_wait3A_357 = tpu.memref_squeeze %dma_wait3A_356 : memref<1x40x128xf32, #tpu.memory_space<vmem>> -> memref<40x128xf32, #tpu.memory_space<vmem>>
    tpu.wait_dma2 semaphore(%arg25 : memref<!tpu.dma_semaphore, #tpu.memory_space<semaphore_mem>>) src(%dma_wait3A_357 : memref<40x128xf32, #tpu.memory_space<vmem>>) dst(%dma_wait3A_353 : memref<40x128xf32, #tpu.memory_space<vmem_shared>>)
    %run_scoped3A = arith.constant 0 : i32
    %run_scoped3A_358 = arith.constant 0 : i32
    "tpu.region"() ({
      %run_scoped3A_424 = tpu.sem_alloc : memref<!tpu.dma_semaphore, #tpu.memory_space<semaphore_mem>>
      %dma_start3A_425 = arith.constant 0 : i32
      %dma_start3A_426 = arith.constant 0 : i32
      %dma_start3A_427 = tpu.memref_slice %arg6[%run_scoped3A_358, %dma_start3A_425, %dma_start3A_426] : memref<2x8x40xi32, #tpu.memory_space<vmem>> -> memref<1x2x40xi32, #tpu.memory_space<vmem>>
      %dma_start3A_428 = tpu.memref_squeeze %dma_start3A_427 : memref<1x2x40xi32, #tpu.memory_space<vmem>> -> memref<2x40xi32, #tpu.memory_space<vmem>>
      %dma_start3A_429 = arith.constant 0 : i32
      %dma_start3A_430 = arith.constant 0 : i32
      %dma_start3A_431 = tpu.memref_slice %arg4[%run_scoped3A, %add3A, %dma_start3A_429, %dma_start3A_430] : memref<2x32x2x40xi32, #tpu.memory_space<hbm>> -> memref<1x1x2x40xi32, #tpu.memory_space<hbm>>
      %dma_start3A_432 = tpu.memref_squeeze %dma_start3A_431 : memref<1x1x2x40xi32, #tpu.memory_space<hbm>> -> memref<2x40xi32, #tpu.memory_space<hbm>>
      %dma_start3A_433 = arith.constant 0 : i32
      %dma_start3A_434 = arith.constant 0 : i32
      %dma_start3A_435 = tpu.memref_slice %arg6[%run_scoped3A_358, %dma_start3A_433, %dma_start3A_434] : memref<2x8x40xi32, #tpu.memory_space<vmem>> -> memref<1x2x40xi32, #tpu.memory_space<vmem>>
      %dma_start3A_436 = tpu.memref_squeeze %dma_start3A_435 : memref<1x2x40xi32, #tpu.memory_space<vmem>> -> memref<2x40xi32, #tpu.memory_space<vmem>>
      %dma_start3A_437 = arith.constant 0 : i32
      %dma_start3A_438 = arith.constant 0 : i32
      %dma_start3A_439 = tpu.memref_slice %arg4[%run_scoped3A, %add3A, %dma_start3A_437, %dma_start3A_438] : memref<2x32x2x40xi32, #tpu.memory_space<hbm>> -> memref<1x1x2x40xi32, #tpu.memory_space<hbm>>
      %dma_start3A_440 = tpu.memref_squeeze %dma_start3A_439 : memref<1x1x2x40xi32, #tpu.memory_space<hbm>> -> memref<2x40xi32, #tpu.memory_space<hbm>>
      tpu.enqueue_dma source(%dma_start3A_440 : memref<2x40xi32, #tpu.memory_space<hbm>>) target(%dma_start3A_436 : memref<2x40xi32, #tpu.memory_space<vmem>>) target_semaphore(%run_scoped3A_424 : memref<!tpu.dma_semaphore, #tpu.memory_space<semaphore_mem>>)
      %dma_wait3A_441 = arith.constant 0 : i32
      %dma_wait3A_442 = arith.constant 0 : i32
      %dma_wait3A_443 = tpu.memref_slice %arg6[%run_scoped3A_358, %dma_wait3A_441, %dma_wait3A_442] : memref<2x8x40xi32, #tpu.memory_space<vmem>> -> memref<1x2x40xi32, #tpu.memory_space<vmem>>
      %dma_wait3A_444 = tpu.memref_squeeze %dma_wait3A_443 : memref<1x2x40xi32, #tpu.memory_space<vmem>> -> memref<2x40xi32, #tpu.memory_space<vmem>>
      %dma_wait3A_445 = arith.constant 0 : i32
      %dma_wait3A_446 = arith.constant 0 : i32
      %dma_wait3A_447 = tpu.memref_slice %arg4[%run_scoped3A, %add3A, %dma_wait3A_445, %dma_wait3A_446] : memref<2x32x2x40xi32, #tpu.memory_space<hbm>> -> memref<1x1x2x40xi32, #tpu.memory_space<hbm>>
      %dma_wait3A_448 = tpu.memref_squeeze %dma_wait3A_447 : memref<1x1x2x40xi32, #tpu.memory_space<hbm>> -> memref<2x40xi32, #tpu.memory_space<hbm>>
      %dma_wait3A_449 = arith.constant 0 : i32
      %dma_wait3A_450 = arith.constant 0 : i32
      %dma_wait3A_451 = tpu.memref_slice %arg6[%run_scoped3A_358, %dma_wait3A_449, %dma_wait3A_450] : memref<2x8x40xi32, #tpu.memory_space<vmem>> -> memref<1x2x40xi32, #tpu.memory_space<vmem>>
      %dma_wait3A_452 = tpu.memref_squeeze %dma_wait3A_451 : memref<1x2x40xi32, #tpu.memory_space<vmem>> -> memref<2x40xi32, #tpu.memory_space<vmem>>
      %dma_wait3A_453 = arith.constant 0 : i32
      %dma_wait3A_454 = arith.constant 0 : i32
      %dma_wait3A_455 = tpu.memref_slice %arg4[%run_scoped3A, %add3A, %dma_wait3A_453, %dma_wait3A_454] : memref<2x32x2x40xi32, #tpu.memory_space<hbm>> -> memref<1x1x2x40xi32, #tpu.memory_space<hbm>>
      %dma_wait3A_456 = tpu.memref_squeeze %dma_wait3A_455 : memref<1x1x2x40xi32, #tpu.memory_space<hbm>> -> memref<2x40xi32, #tpu.memory_space<hbm>>
      tpu.wait_dma2 semaphore(%run_scoped3A_424 : memref<!tpu.dma_semaphore, #tpu.memory_space<semaphore_mem>>) src(%dma_wait3A_456 : memref<2x40xi32, #tpu.memory_space<hbm>>) dst(%dma_wait3A_452 : memref<2x40xi32, #tpu.memory_space<vmem>>)
      tpu.yield
    }) : () -> ()
    %run_scoped3A_359 = arith.constant 1 : i32
    %run_scoped3A_360 = arith.constant 0 : i32
    "tpu.region"() ({
      %run_scoped3A_424 = tpu.sem_alloc : memref<!tpu.dma_semaphore, #tpu.memory_space<semaphore_mem>>
      %dma_start3A_425 = arith.constant 0 : i32
      %dma_start3A_426 = arith.constant 0 : i32
      %dma_start3A_427 = tpu.memref_slice %arg7[%run_scoped3A_360, %dma_start3A_425, %dma_start3A_426] : memref<2x8x40xi32, #tpu.memory_space<vmem>> -> memref<1x2x40xi32, #tpu.memory_space<vmem>>
      %dma_start3A_428 = tpu.memref_squeeze %dma_start3A_427 : memref<1x2x40xi32, #tpu.memory_space<vmem>> -> memref<2x40xi32, #tpu.memory_space<vmem>>
      %dma_start3A_429 = arith.constant 0 : i32
      %dma_start3A_430 = arith.constant 0 : i32
      %dma_start3A_431 = tpu.memref_slice %arg4[%run_scoped3A_359, %add3A, %dma_start3A_429, %dma_start3A_430] : memref<2x32x2x40xi32, #tpu.memory_space<hbm>> -> memref<1x1x2x40xi32, #tpu.memory_space<hbm>>
      %dma_start3A_432 = tpu.memref_squeeze %dma_start3A_431 : memref<1x1x2x40xi32, #tpu.memory_space<hbm>> -> memref<2x40xi32, #tpu.memory_space<hbm>>
      %dma_start3A_433 = arith.constant 0 : i32
      %dma_start3A_434 = arith.constant 0 : i32
      %dma_start3A_435 = tpu.memref_slice %arg7[%run_scoped3A_360, %dma_start3A_433, %dma_start3A_434] : memref<2x8x40xi32, #tpu.memory_space<vmem>> -> memref<1x2x40xi32, #tpu.memory_space<vmem>>
      %dma_start3A_436 = tpu.memref_squeeze %dma_start3A_435 : memref<1x2x40xi32, #tpu.memory_space<vmem>> -> memref<2x40xi32, #tpu.memory_space<vmem>>
      %dma_start3A_437 = arith.constant 0 : i32
      %dma_start3A_438 = arith.constant 0 : i32
      %dma_start3A_439 = tpu.memref_slice %arg4[%run_scoped3A_359, %add3A, %dma_start3A_437, %dma_start3A_438] : memref<2x32x2x40xi32, #tpu.memory_space<hbm>> -> memref<1x1x2x40xi32, #tpu.memory_space<hbm>>
      %dma_start3A_440 = tpu.memref_squeeze %dma_start3A_439 : memref<1x1x2x40xi32, #tpu.memory_space<hbm>> -> memref<2x40xi32, #tpu.memory_space<hbm>>
      tpu.enqueue_dma source(%dma_start3A_440 : memref<2x40xi32, #tpu.memory_space<hbm>>) target(%dma_start3A_436 : memref<2x40xi32, #tpu.memory_space<vmem>>) target_semaphore(%run_scoped3A_424 : memref<!tpu.dma_semaphore, #tpu.memory_space<semaphore_mem>>)
      %dma_wait3A_441 = arith.constant 0 : i32
      %dma_wait3A_442 = arith.constant 0 : i32
      %dma_wait3A_443 = tpu.memref_slice %arg7[%run_scoped3A_360, %dma_wait3A_441, %dma_wait3A_442] : memref<2x8x40xi32, #tpu.memory_space<vmem>> -> memref<1x2x40xi32, #tpu.memory_space<vmem>>
      %dma_wait3A_444 = tpu.memref_squeeze %dma_wait3A_443 : memref<1x2x40xi32, #tpu.memory_space<vmem>> -> memref<2x40xi32, #tpu.memory_space<vmem>>
      %dma_wait3A_445 = arith.constant 0 : i32
      %dma_wait3A_446 = arith.constant 0 : i32
      %dma_wait3A_447 = tpu.memref_slice %arg4[%run_scoped3A_359, %add3A, %dma_wait3A_445, %dma_wait3A_446] : memref<2x32x2x40xi32, #tpu.memory_space<hbm>> -> memref<1x1x2x40xi32, #tpu.memory_space<hbm>>
      %dma_wait3A_448 = tpu.memref_squeeze %dma_wait3A_447 : memref<1x1x2x40xi32, #tpu.memory_space<hbm>> -> memref<2x40xi32, #tpu.memory_space<hbm>>
      %dma_wait3A_449 = arith.constant 0 : i32
      %dma_wait3A_450 = arith.constant 0 : i32
      %dma_wait3A_451 = tpu.memref_slice %arg7[%run_scoped3A_360, %dma_wait3A_449, %dma_wait3A_450] : memref<2x8x40xi32, #tpu.memory_space<vmem>> -> memref<1x2x40xi32, #tpu.memory_space<vmem>>
      %dma_wait3A_452 = tpu.memref_squeeze %dma_wait3A_451 : memref<1x2x40xi32, #tpu.memory_space<vmem>> -> memref<2x40xi32, #tpu.memory_space<vmem>>
      %dma_wait3A_453 = arith.constant 0 : i32
      %dma_wait3A_454 = arith.constant 0 : i32
      %dma_wait3A_455 = tpu.memref_slice %arg4[%run_scoped3A_359, %add3A, %dma_wait3A_453, %dma_wait3A_454] : memref<2x32x2x40xi32, #tpu.memory_space<hbm>> -> memref<1x1x2x40xi32, #tpu.memory_space<hbm>>
      %dma_wait3A_456 = tpu.memref_squeeze %dma_wait3A_455 : memref<1x1x2x40xi32, #tpu.memory_space<hbm>> -> memref<2x40xi32, #tpu.memory_space<hbm>>
      tpu.wait_dma2 semaphore(%run_scoped3A_424 : memref<!tpu.dma_semaphore, #tpu.memory_space<semaphore_mem>>) src(%dma_wait3A_456 : memref<2x40xi32, #tpu.memory_space<hbm>>) dst(%dma_wait3A_452 : memref<2x40xi32, #tpu.memory_space<vmem>>)
      tpu.yield
    }) : () -> ()
    %dma_start3A_361 = arith.constant 0 : i32
    %dma_start3A_362 = arith.constant 0 : i32
    %dma_start3A_363 = arith.constant 0 : i32
    %dma_start3A_364 = arith.constant 0 : i32
    %dma_start3A_365 = arith.constant 0 : i32
    %dma_start3A_366 = tpu.memref_slice %arg8[%dma_start3A_363, %dma_start3A_364, %dma_start3A_365] : memref<8x40x128xf32, #tpu.memory_space<vmem>> -> memref<1x40x128xf32, #tpu.memory_space<vmem>>
    %dma_start3A_367 = tpu.memref_squeeze %dma_start3A_366 : memref<1x40x128xf32, #tpu.memory_space<vmem>> -> memref<40x128xf32, #tpu.memory_space<vmem>>
    %dma_start3A_368 = arith.constant 0 : i32
    %dma_start3A_369 = tpu.memref_slice %arg6[%dma_start3A_361, %dma_start3A_362, %dma_start3A_368] : memref<2x8x40xi32, #tpu.memory_space<vmem>> -> memref<1x1x40xi32, #tpu.memory_space<vmem>>
    %dma_start3A_370 = tpu.memref_squeeze %dma_start3A_369 : memref<1x1x40xi32, #tpu.memory_space<vmem>> -> memref<40xi32, #tpu.memory_space<vmem>>
    %dma_start3A_371 = arith.constant 0 : i32
    %dma_start3A_372 = arith.constant 0 : i32
    %dma_start3A_373 = tpu.memref_slice %arg2[%dma_start3A_371, %dma_start3A_372] : memref<10000x128xf32, #tpu.memory_space<hbm>> -> memref<10000x128xf32, #tpu.memory_space<hbm>>
    tpu.enqueue_indirect_dma source(%dma_start3A_373 : memref<10000x128xf32, #tpu.memory_space<hbm>>) target(%dma_start3A_367 : memref<40x128xf32, #tpu.memory_space<vmem>>) offsets(%dma_start3A_370 : memref<40xi32, #tpu.memory_space<vmem>>) semaphore(%arg10 : memref<!tpu.dma_semaphore, #tpu.memory_space<semaphore_mem>>)
    %dma_wait3A_374 = arith.constant 0 : i32
    %dma_wait3A_375 = arith.constant 0 : i32
    %dma_wait3A_376 = arith.constant 0 : i32
    %dma_wait3A_377 = arith.constant 0 : i32
    %dma_wait3A_378 = arith.constant 0 : i32
    %dma_wait3A_379 = tpu.memref_slice %arg8[%dma_wait3A_376, %dma_wait3A_377, %dma_wait3A_378] : memref<8x40x128xf32, #tpu.memory_space<vmem>> -> memref<1x40x128xf32, #tpu.memory_space<vmem>>
    %dma_wait3A_380 = tpu.memref_squeeze %dma_wait3A_379 : memref<1x40x128xf32, #tpu.memory_space<vmem>> -> memref<40x128xf32, #tpu.memory_space<vmem>>
    %dma_wait3A_381 = arith.constant 0 : i32
    %dma_wait3A_382 = tpu.memref_slice %arg6[%dma_wait3A_374, %dma_wait3A_375, %dma_wait3A_381] : memref<2x8x40xi32, #tpu.memory_space<vmem>> -> memref<1x1x40xi32, #tpu.memory_space<vmem>>
    %dma_wait3A_383 = tpu.memref_squeeze %dma_wait3A_382 : memref<1x1x40xi32, #tpu.memory_space<vmem>> -> memref<40xi32, #tpu.memory_space<vmem>>
    %dma_wait3A_384 = arith.constant 0 : i32
    %dma_wait3A_385 = arith.constant 0 : i32
    %dma_wait3A_386 = tpu.memref_slice %arg2[%dma_wait3A_384, %dma_wait3A_385] : memref<10000x128xf32, #tpu.memory_space<hbm>> -> memref<10000x128xf32, #tpu.memory_space<hbm>>
    tpu.wait_indirect_dma semaphore(%arg10 : memref<!tpu.dma_semaphore, #tpu.memory_space<semaphore_mem>>) src(%dma_wait3A_386 : memref<10000x128xf32, #tpu.memory_space<hbm>>) dst(%dma_wait3A_380 : memref<40x128xf32, #tpu.memory_space<vmem>>)
    %run_scoped3A_387 = arith.constant 0 : i32
    %run_scoped3A_388 = arith.constant 0 : i32
    %run_scoped3A_389 = arith.constant 0 : i32
    "tpu.region"() ({
      %run_scoped3A_424 = tpu.sem_alloc : memref<!tpu.dma_semaphore, #tpu.memory_space<semaphore_mem>>
      %dma_start3A_425 = arith.constant 0 : i32
      %dma_start3A_426 = arith.constant 0 : i32
      %dma_start3A_427 = tpu.memref_slice %arg8[%run_scoped3A_387, %dma_start3A_425, %dma_start3A_426] : memref<8x40x128xf32, #tpu.memory_space<vmem>> -> memref<1x40x128xf32, #tpu.memory_space<vmem>>
      %dma_start3A_428 = tpu.memref_squeeze %dma_start3A_427 : memref<1x40x128xf32, #tpu.memory_space<vmem>> -> memref<40x128xf32, #tpu.memory_space<vmem>>
      %dma_start3A_429 = arith.constant 0 : i32
      %dma_start3A_430 = tpu.memref_slice %arg7[%run_scoped3A_388, %run_scoped3A_389, %dma_start3A_429] : memref<2x8x40xi32, #tpu.memory_space<vmem>> -> memref<1x1x40xi32, #tpu.memory_space<vmem>>
      %dma_start3A_431 = tpu.memref_squeeze %dma_start3A_430 : memref<1x1x40xi32, #tpu.memory_space<vmem>> -> memref<40xi32, #tpu.memory_space<vmem>>
      %dma_start3A_432 = arith.constant 0 : i32
      %dma_start3A_433 = arith.constant 0 : i32
      %dma_start3A_434 = tpu.memref_slice %arg9[%dma_start3A_432, %dma_start3A_433] : memref<10240x128xf32, #tpu.memory_space<vmem_shared>> -> memref<10240x128xf32, #tpu.memory_space<vmem_shared>>
      tpu.enqueue_indirect_dma source(%dma_start3A_428 : memref<40x128xf32, #tpu.memory_space<vmem>>) target(%dma_start3A_434 : memref<10240x128xf32, #tpu.memory_space<vmem_shared>>) offsets(%dma_start3A_431 : memref<40xi32, #tpu.memory_space<vmem>>) semaphore(%run_scoped3A_424 : memref<!tpu.dma_semaphore, #tpu.memory_space<semaphore_mem>>) {add = true}
      %dma_wait3A_435 = arith.constant 0 : i32
      %dma_wait3A_436 = arith.constant 0 : i32
      %dma_wait3A_437 = tpu.memref_slice %arg8[%run_scoped3A_387, %dma_wait3A_435, %dma_wait3A_436] : memref<8x40x128xf32, #tpu.memory_space<vmem>> -> memref<1x40x128xf32, #tpu.memory_space<vmem>>
      %dma_wait3A_438 = tpu.memref_squeeze %dma_wait3A_437 : memref<1x40x128xf32, #tpu.memory_space<vmem>> -> memref<40x128xf32, #tpu.memory_space<vmem>>
      %dma_wait3A_439 = arith.constant 0 : i32
      %dma_wait3A_440 = tpu.memref_slice %arg7[%run_scoped3A_388, %run_scoped3A_389, %dma_wait3A_439] : memref<2x8x40xi32, #tpu.memory_space<vmem>> -> memref<1x1x40xi32, #tpu.memory_space<vmem>>
      %dma_wait3A_441 = tpu.memref_squeeze %dma_wait3A_440 : memref<1x1x40xi32, #tpu.memory_space<vmem>> -> memref<40xi32, #tpu.memory_space<vmem>>
      %dma_wait3A_442 = arith.constant 0 : i32
      %dma_wait3A_443 = arith.constant 0 : i32
      %dma_wait3A_444 = tpu.memref_slice %arg9[%dma_wait3A_442, %dma_wait3A_443] : memref<10240x128xf32, #tpu.memory_space<vmem_shared>> -> memref<10240x128xf32, #tpu.memory_space<vmem_shared>>
      tpu.wait_indirect_dma semaphore(%run_scoped3A_424 : memref<!tpu.dma_semaphore, #tpu.memory_space<semaphore_mem>>) src(%dma_wait3A_438 : memref<40x128xf32, #tpu.memory_space<vmem>>) dst(%dma_wait3A_444 : memref<10240x128xf32, #tpu.memory_space<vmem_shared>>)
      tpu.yield
    }) : () -> ()
    %dma_start3A_390 = arith.constant 0 : i32
    %dma_start3A_391 = arith.constant 1 : i32
    %dma_start3A_392 = arith.constant 1 : i32
    %dma_start3A_393 = arith.constant 0 : i32
    %dma_start3A_394 = arith.constant 0 : i32
    %dma_start3A_395 = tpu.memref_slice %arg8[%dma_start3A_392, %dma_start3A_393, %dma_start3A_394] : memref<8x40x128xf32, #tpu.memory_space<vmem>> -> memref<1x40x128xf32, #tpu.memory_space<vmem>>
    %dma_start3A_396 = tpu.memref_squeeze %dma_start3A_395 : memref<1x40x128xf32, #tpu.memory_space<vmem>> -> memref<40x128xf32, #tpu.memory_space<vmem>>
    %dma_start3A_397 = arith.constant 0 : i32
    %dma_start3A_398 = tpu.memref_slice %arg6[%dma_start3A_390, %dma_start3A_391, %dma_start3A_397] : memref<2x8x40xi32, #tpu.memory_space<vmem>> -> memref<1x1x40xi32, #tpu.memory_space<vmem>>
    %dma_start3A_399 = tpu.memref_squeeze %dma_start3A_398 : memref<1x1x40xi32, #tpu.memory_space<vmem>> -> memref<40xi32, #tpu.memory_space<vmem>>
    %dma_start3A_400 = arith.constant 0 : i32
    %dma_start3A_401 = arith.constant 0 : i32
    %dma_start3A_402 = tpu.memref_slice %arg2[%dma_start3A_400, %dma_start3A_401] : memref<10000x128xf32, #tpu.memory_space<hbm>> -> memref<10000x128xf32, #tpu.memory_space<hbm>>
    tpu.enqueue_indirect_dma source(%dma_start3A_402 : memref<10000x128xf32, #tpu.memory_space<hbm>>) target(%dma_start3A_396 : memref<40x128xf32, #tpu.memory_space<vmem>>) offsets(%dma_start3A_399 : memref<40xi32, #tpu.memory_space<vmem>>) semaphore(%arg11 : memref<!tpu.dma_semaphore, #tpu.memory_space<semaphore_mem>>)
    %dma_wait3A_403 = arith.constant 0 : i32
    %dma_wait3A_404 = arith.constant 1 : i32
    %dma_wait3A_405 = arith.constant 1 : i32
    %dma_wait3A_406 = arith.constant 0 : i32
    %dma_wait3A_407 = arith.constant 0 : i32
    %dma_wait3A_408 = tpu.memref_slice %arg8[%dma_wait3A_405, %dma_wait3A_406, %dma_wait3A_407] : memref<8x40x128xf32, #tpu.memory_space<vmem>> -> memref<1x40x128xf32, #tpu.memory_space<vmem>>
    %dma_wait3A_409 = tpu.memref_squeeze %dma_wait3A_408 : memref<1x40x128xf32, #tpu.memory_space<vmem>> -> memref<40x128xf32, #tpu.memory_space<vmem>>
    %dma_wait3A_410 = arith.constant 0 : i32
    %dma_wait3A_411 = tpu.memref_slice %arg6[%dma_wait3A_403, %dma_wait3A_404, %dma_wait3A_410] : memref<2x8x40xi32, #tpu.memory_space<vmem>> -> memref<1x1x40xi32, #tpu.memory_space<vmem>>
    %dma_wait3A_412 = tpu.memref_squeeze %dma_wait3A_411 : memref<1x1x40xi32, #tpu.memory_space<vmem>> -> memref<40xi32, #tpu.memory_space<vmem>>
    %dma_wait3A_413 = arith.constant 0 : i32
    %dma_wait3A_414 = arith.constant 0 : i32
    %dma_wait3A_415 = tpu.memref_slice %arg2[%dma_wait3A_413, %dma_wait3A_414] : memref<10000x128xf32, #tpu.memory_space<hbm>> -> memref<10000x128xf32, #tpu.memory_space<hbm>>
    tpu.wait_indirect_dma semaphore(%arg11 : memref<!tpu.dma_semaphore, #tpu.memory_space<semaphore_mem>>) src(%dma_wait3A_415 : memref<10000x128xf32, #tpu.memory_space<hbm>>) dst(%dma_wait3A_409 : memref<40x128xf32, #tpu.memory_space<vmem>>)
    %run_scoped3A_416 = arith.constant 1 : i32
    %run_scoped3A_417 = arith.constant 0 : i32
    %run_scoped3A_418 = arith.constant 1 : i32
    "tpu.region"() ({
      %run_scoped3A_424 = tpu.sem_alloc : memref<!tpu.dma_semaphore, #tpu.memory_space<semaphore_mem>>
      %dma_start3A_425 = arith.constant 0 : i32
      %dma_start3A_426 = arith.constant 0 : i32
      %dma_start3A_427 = tpu.memref_slice %arg8[%run_scoped3A_416, %dma_start3A_425, %dma_start3A_426] : memref<8x40x128xf32, #tpu.memory_space<vmem>> -> memref<1x40x128xf32, #tpu.memory_space<vmem>>
      %dma_start3A_428 = tpu.memref_squeeze %dma_start3A_427 : memref<1x40x128xf32, #tpu.memory_space<vmem>> -> memref<40x128xf32, #tpu.memory_space<vmem>>
      %dma_start3A_429 = arith.constant 0 : i32
      %dma_start3A_430 = tpu.memref_slice %arg7[%run_scoped3A_417, %run_scoped3A_418, %dma_start3A_429] : memref<2x8x40xi32, #tpu.memory_space<vmem>> -> memref<1x1x40xi32, #tpu.memory_space<vmem>>
      %dma_start3A_431 = tpu.memref_squeeze %dma_start3A_430 : memref<1x1x40xi32, #tpu.memory_space<vmem>> -> memref<40xi32, #tpu.memory_space<vmem>>
      %dma_start3A_432 = arith.constant 0 : i32
      %dma_start3A_433 = arith.constant 0 : i32
      %dma_start3A_434 = tpu.memref_slice %arg9[%dma_start3A_432, %dma_start3A_433] : memref<10240x128xf32, #tpu.memory_space<vmem_shared>> -> memref<10240x128xf32, #tpu.memory_space<vmem_shared>>
      tpu.enqueue_indirect_dma source(%dma_start3A_428 : memref<40x128xf32, #tpu.memory_space<vmem>>) target(%dma_start3A_434 : memref<10240x128xf32, #tpu.memory_space<vmem_shared>>) offsets(%dma_start3A_431 : memref<40xi32, #tpu.memory_space<vmem>>) semaphore(%run_scoped3A_424 : memref<!tpu.dma_semaphore, #tpu.memory_space<semaphore_mem>>) {add = true}
      %dma_wait3A_435 = arith.constant 0 : i32
      %dma_wait3A_436 = arith.constant 0 : i32
      %dma_wait3A_437 = tpu.memref_slice %arg8[%run_scoped3A_416, %dma_wait3A_435, %dma_wait3A_436] : memref<8x40x128xf32, #tpu.memory_space<vmem>> -> memref<1x40x128xf32, #tpu.memory_space<vmem>>
      %dma_wait3A_438 = tpu.memref_squeeze %dma_wait3A_437 : memref<1x40x128xf32, #tpu.memory_space<vmem>> -> memref<40x128xf32, #tpu.memory_space<vmem>>
      %dma_wait3A_439 = arith.constant 0 : i32
      %dma_wait3A_440 = tpu.memref_slice %arg7[%run_scoped3A_417, %run_scoped3A_418, %dma_wait3A_439] : memref<2x8x40xi32, #tpu.memory_space<vmem>> -> memref<1x1x40xi32, #tpu.memory_space<vmem>>
      %dma_wait3A_441 = tpu.memref_squeeze %dma_wait3A_440 : memref<1x1x40xi32, #tpu.memory_space<vmem>> -> memref<40xi32, #tpu.memory_space<vmem>>
      %dma_wait3A_442 = arith.constant 0 : i32
      %dma_wait3A_443 = arith.constant 0 : i32
      %dma_wait3A_444 = tpu.memref_slice %arg9[%dma_wait3A_442, %dma_wait3A_443] : memref<10240x128xf32, #tpu.memory_space<vmem_shared>> -> memref<10240x128xf32, #tpu.memory_space<vmem_shared>>
      tpu.wait_indirect_dma semaphore(%run_scoped3A_424 : memref<!tpu.dma_semaphore, #tpu.memory_space<semaphore_mem>>) src(%dma_wait3A_438 : memref<40x128xf32, #tpu.memory_space<vmem>>) dst(%dma_wait3A_444 : memref<10240x128xf32, #tpu.memory_space<vmem_shared>>)
      tpu.yield
    }) : () -> ()
    %barrier3A_419 = arith.constant 0 : index
    tpu.barrier barrier_id(%barrier3A_419)
    %mul3A_420 = arith.constant 640 : i32
    %mul3A_421 = arith.muli %arg1, %mul3A_420 : i32
    %mul3A_422 = arith.constant 640 : i32
    %mul3A_423 = arith.muli %arg1, %mul3A_422 : i32
    "tpu.region"() ({
      %run_scoped3A_424 = tpu.sem_alloc : memref<!tpu.dma_semaphore, #tpu.memory_space<semaphore_mem>>
      %dma_start3A_425 = arith.constant 0 : i32
      %dma_start3A_426 = tpu.memref_slice %arg5[%arg0, %mul3A_423, %dma_start3A_425] : memref<2x10240x128xf32, #tpu.memory_space<hbm>> -> memref<1x640x128xf32, #tpu.memory_space<hbm>>
      %dma_start3A_427 = tpu.memref_squeeze %dma_start3A_426 : memref<1x640x128xf32, #tpu.memory_space<hbm>> -> memref<640x128xf32, #tpu.memory_space<hbm>>
      %dma_start3A_428 = arith.constant 0 : i32
      %dma_start3A_429 = tpu.memref_slice %arg9[%mul3A_421, %dma_start3A_428] : memref<10240x128xf32, #tpu.memory_space<vmem_shared>> -> memref<640x128xf32, #tpu.memory_space<vmem_shared>>
      tpu.enqueue_dma source(%dma_start3A_429 : memref<640x128xf32, #tpu.memory_space<vmem_shared>>) target(%dma_start3A_427 : memref<640x128xf32, #tpu.memory_space<hbm>>) target_semaphore(%run_scoped3A_424 : memref<!tpu.dma_semaphore, #tpu.memory_space<semaphore_mem>>)
      %dma_wait3A_430 = arith.constant 0 : i32
      %dma_wait3A_431 = tpu.memref_slice %arg5[%arg0, %mul3A_423, %dma_wait3A_430] : memref<2x10240x128xf32, #tpu.memory_space<hbm>> -> memref<1x640x128xf32, #tpu.memory_space<hbm>>
      %dma_wait3A_432 = tpu.memref_squeeze %dma_wait3A_431 : memref<1x640x128xf32, #tpu.memory_space<hbm>> -> memref<640x128xf32, #tpu.memory_space<hbm>>
      %dma_wait3A_433 = arith.constant 0 : i32
      %dma_wait3A_434 = tpu.memref_slice %arg9[%mul3A_421, %dma_wait3A_433] : memref<10240x128xf32, #tpu.memory_space<vmem_shared>> -> memref<640x128xf32, #tpu.memory_space<vmem_shared>>
      tpu.wait_dma2 semaphore(%run_scoped3A_424 : memref<!tpu.dma_semaphore, #tpu.memory_space<semaphore_mem>>) src(%dma_wait3A_434 : memref<640x128xf32, #tpu.memory_space<vmem_shared>>) dst(%dma_wait3A_432 : memref<640x128xf32, #tpu.memory_space<hbm>>)
      tpu.yield
    }) : () -> ()
    return
  }
}

#map = affine_map<(d0, d1) -> (0, 0)>
#map1 = affine_map<(d0, d1) -> (0, 0, 0, 0, 0)>
#map2 = affine_map<(d0, d1) -> (0, 0, 0, 0)>
#map3 = affine_map<(d0, d1) -> (0, 0, 0)>
module attributes {stable_mosaic.version = 14 : i64} {
  func.func @_sc_scatter(%arg0: i32, %arg1: i32, %arg2: memref<10000x128xf32, #tpu.memory_space<hbm>>, %arg3: memref<2x32x31x8x40xi32, #tpu.memory_space<hbm>>, %arg4: memref<2x32x2x40xi32, #tpu.memory_space<hbm>>, %arg5: memref<2x10240x128xf32, #tpu.memory_space<hbm>>, %arg6: memref<2x8x40xi32, #tpu.memory_space<vmem>>, %arg7: memref<2x8x40xi32, #tpu.memory_space<vmem>>, %arg8: memref<8x40x128xf32, #tpu.memory_space<vmem>>, %arg9: memref<10240x128xf32, #tpu.memory_space<vmem_shared>>, %arg10: memref<!tpu.dma_semaphore, #tpu.memory_space<semaphore_mem>>, %arg11: memref<!tpu.dma_semaphore, #tpu.memory_space<semaphore_mem>>, %arg12: memref<!tpu.dma_semaphore, #tpu.memory_space<semaphore_mem>>, %arg13: memref<!tpu.dma_semaphore, #tpu.memory_space<semaphore_mem>>, %arg14: memref<!tpu.dma_semaphore, #tpu.memory_space<semaphore_mem>>, %arg15: memref<!tpu.dma_semaphore, #tpu.memory_space<semaphore_mem>>, %arg16: memref<!tpu.dma_semaphore, #tpu.memory_space<semaphore_mem>>, %arg17: memref<!tpu.dma_semaphore, #tpu.memory_space<semaphore_mem>>, %arg18: memref<!tpu.dma_semaphore, #tpu.memory_space<semaphore_mem>>, %arg19: memref<!tpu.dma_semaphore, #tpu.memory_space<semaphore_mem>>, %arg20: memref<!tpu.dma_semaphore, #tpu.memory_space<semaphore_mem>>, %arg21: memref<!tpu.dma_semaphore, #tpu.memory_space<semaphore_mem>>, %arg22: memref<!tpu.dma_semaphore, #tpu.memory_space<semaphore_mem>>, %arg23: memref<!tpu.dma_semaphore, #tpu.memory_space<semaphore_mem>>, %arg24: memref<!tpu.dma_semaphore, #tpu.memory_space<semaphore_mem>>, %arg25: memref<!tpu.dma_semaphore, #tpu.memory_space<semaphore_mem>>, %arg26: memref<!tpu.dma_semaphore, #tpu.memory_space<semaphore_mem>>) attributes {dimension_semantics = [#tpu.dimension_semantics<core_parallel>, #tpu.dimension_semantics<subcore_parallel>], iteration_bounds = array<i64: 2, 16>, scalar_prefetch = 0 : i64, scratch_operands = 21 : i64, tpu.core_type = #tpu.core_type<sc_vector_subcore>, window_params = [{transform_indices = #map}, {transform_indices = #map1}, {transform_indices = #map2}, {transform_indices = #map3}]} {
    %mul3A = arith.constant 16 : i32
    %mul3A_0 = arith.muli %arg0, %mul3A : i32
    %add3A = arith.addi %mul3A_0, %arg1 : i32
    %broadcast_in_dim3A = arith.constant 0.000000e+00 : f32
    %broadcast_in_dim3A_1 = vector.broadcast %broadcast_in_dim3A : f32 to vector<16xf32>
    %dma_start3A = arith.constant 0 : i32
    %dma_start3A_2 = arith.constant 0 : i32
    %dma_start3A_3 = arith.constant 0 : i32
    %dma_start3A_4 = arith.constant 0 : i32
    %dma_start3A_5 = arith.constant 0 : i32
    %dma_start3A_6 = tpu.memref_slice %arg6[%dma_start3A_3, %dma_start3A_4, %dma_start3A_5] : memref<2x8x40xi32, #tpu.memory_space<vmem>> -> memref<1x8x40xi32, #tpu.memory_space<vmem>>
    %dma_start3A_7 = tpu.memref_squeeze %dma_start3A_6 : memref<1x8x40xi32, #tpu.memory_space<vmem>> -> memref<8x40xi32, #tpu.memory_space<vmem>>
    %dma_start3A_8 = arith.constant 0 : i32
    %dma_start3A_9 = arith.constant 0 : i32
    %dma_start3A_10 = tpu.memref_slice %arg3[%dma_start3A, %add3A, %dma_start3A_2, %dma_start3A_8, %dma_start3A_9] : memref<2x32x31x8x40xi32, #tpu.memory_space<hbm>> -> memref<1x1x1x8x40xi32, #tpu.memory_space<hbm>>
    %dma_start3A_11 = tpu.memref_squeeze %dma_start3A_10 : memref<1x1x1x8x40xi32, #tpu.memory_space<hbm>> -> memref<8x40xi32, #tpu.memory_space<hbm>>
    %dma_start3A_12 = arith.constant 0 : i32
    %dma_start3A_13 = arith.constant 0 : i32
    %dma_start3A_14 = tpu.memref_slice %arg6[%dma_start3A_3, %dma_start3A_12, %dma_start3A_13] : memref<2x8x40xi32, #tpu.memory_space<vmem>> -> memref<1x8x40xi32, #tpu.memory_space<vmem>>
    %dma_start3A_15 = tpu.memref_squeeze %dma_start3A_14 : memref<1x8x40xi32, #tpu.memory_space<vmem>> -> memref<8x40xi32, #tpu.memory_space<vmem>>
    %dma_start3A_16 = arith.constant 0 : i32
    %dma_start3A_17 = arith.constant 0 : i32
    %dma_start3A_18 = tpu.memref_slice %arg3[%dma_start3A, %add3A, %dma_start3A_2, %dma_start3A_16, %dma_start3A_17] : memref<2x32x31x8x40xi32, #tpu.memory_space<hbm>> -> memref<1x1x1x8x40xi32, #tpu.memory_space<hbm>>
    %dma_start3A_19 = tpu.memref_squeeze %dma_start3A_18 : memref<1x1x1x8x40xi32, #tpu.memory_space<hbm>> -> memref<8x40xi32, #tpu.memory_space<hbm>>
    tpu.enqueue_dma source(%dma_start3A_19 : memref<8x40xi32, #tpu.memory_space<hbm>>) target(%dma_start3A_15 : memref<8x40xi32, #tpu.memory_space<vmem>>) target_semaphore(%arg26 : memref<!tpu.dma_semaphore, #tpu.memory_space<semaphore_mem>>)
    %dma_start3A_20 = arith.constant 1 : i32
    %dma_start3A_21 = arith.constant 0 : i32
    %dma_start3A_22 = arith.constant 0 : i32
    %dma_start3A_23 = arith.constant 0 : i32
    %dma_start3A_24 = arith.constant 0 : i32
    %dma_start3A_25 = tpu.memref_slice %arg7[%dma_start3A_22, %dma_start3A_23, %dma_start3A_24] : memref<2x8x40xi32, #tpu.memory_space<vmem>> -> memref<1x8x40xi32, #tpu.memory_space<vmem>>
    %dma_start3A_26 = tpu.memref_squeeze %dma_start3A_25 : memref<1x8x40xi32, #tpu.memory_space<vmem>> -> memref<8x40xi32, #tpu.memory_space<vmem>>
    %dma_start3A_27 = arith.constant 0 : i32
    %dma_start3A_28 = arith.constant 0 : i32
    %dma_start3A_29 = tpu.memref_slice %arg3[%dma_start3A_20, %add3A, %dma_start3A_21, %dma_start3A_27, %dma_start3A_28] : memref<2x32x31x8x40xi32, #tpu.memory_space<hbm>> -> memref<1x1x1x8x40xi32, #tpu.memory_space<hbm>>
    %dma_start3A_30 = tpu.memref_squeeze %dma_start3A_29 : memref<1x1x1x8x40xi32, #tpu.memory_space<hbm>> -> memref<8x40xi32, #tpu.memory_space<hbm>>
    %dma_start3A_31 = arith.constant 0 : i32
    %dma_start3A_32 = arith.constant 0 : i32
    %dma_start3A_33 = tpu.memref_slice %arg7[%dma_start3A_22, %dma_start3A_31, %dma_start3A_32] : memref<2x8x40xi32, #tpu.memory_space<vmem>> -> memref<1x8x40xi32, #tpu.memory_space<vmem>>
    %dma_start3A_34 = tpu.memref_squeeze %dma_start3A_33 : memref<1x8x40xi32, #tpu.memory_space<vmem>> -> memref<8x40xi32, #tpu.memory_space<vmem>>
    %dma_start3A_35 = arith.constant 0 : i32
    %dma_start3A_36 = arith.constant 0 : i32
    %dma_start3A_37 = tpu.memref_slice %arg3[%dma_start3A_20, %add3A, %dma_start3A_21, %dma_start3A_35, %dma_start3A_36] : memref<2x32x31x8x40xi32, #tpu.memory_space<hbm>> -> memref<1x1x1x8x40xi32, #tpu.memory_space<hbm>>
    %dma_start3A_38 = tpu.memref_squeeze %dma_start3A_37 : memref<1x1x1x8x40xi32, #tpu.memory_space<hbm>> -> memref<8x40xi32, #tpu.memory_space<hbm>>
    tpu.enqueue_dma source(%dma_start3A_38 : memref<8x40xi32, #tpu.memory_space<hbm>>) target(%dma_start3A_34 : memref<8x40xi32, #tpu.memory_space<vmem>>) target_semaphore(%arg26 : memref<!tpu.dma_semaphore, #tpu.memory_space<semaphore_mem>>)
    %scan3A = arith.constant 0 : i32
    %scan3A_39 = arith.constant 0 : i32
    %scan3A_40 = arith.constant 40 : i32
    %scan3A_41 = arith.addi %scan3A_39, %scan3A_40 : i32
    %scan3A_42 = arith.constant 1 : i32
    %scan3A_43 = scf.for %scan3A_424 = %scan3A_39 to %scan3A_41 step %scan3A_42 iter_args(%scan3A_425 = %scan3A) -> (i32)  : i32 {
      %swap3A = arith.constant 0 : i32
      %swap3A_426 = arith.index_cast %swap3A : i32 to index
      %swap3A_427 = arith.index_cast %scan3A_424 : i32 to index
      %swap3A_428 = arith.constant 0 : index
      %swap3A_429 = tpu.vector_load %arg8[%swap3A_426, %swap3A_427, %swap3A_428] {strides = array<i32>} : memref<8x40x128xf32, #tpu.memory_space<vmem>>, vector<1x1x16xf32>,
      %swap3A_430 = vector.shape_cast %swap3A_429 : vector<1x1x16xf32> to vector<16xf32>
      %swap3A_431 = vector.shape_cast %broadcast_in_dim3A_1 : vector<16xf32> to vector<1x1x16xf32>
      tpu.vector_store %arg8[%swap3A_426, %swap3A_427, %swap3A_428], %swap3A_431 {strides = array<i32>} : memref<8x40x128xf32, #tpu.memory_space<vmem>>, vector<1x1x16xf32>,
      %swap3A_432 = arith.constant 0 : i32
      %swap3A_433 = arith.index_cast %swap3A_432 : i32 to index
      %swap3A_434 = arith.index_cast %scan3A_424 : i32 to index
      %swap3A_435 = arith.constant 16 : index
      %swap3A_436 = tpu.vector_load %arg8[%swap3A_433, %swap3A_434, %swap3A_435] {strides = array<i32>} : memref<8x40x128xf32, #tpu.memory_space<vmem>>, vector<1x1x16xf32>,
      %swap3A_437 = vector.shape_cast %swap3A_436 : vector<1x1x16xf32> to vector<16xf32>
      %swap3A_438 = vector.shape_cast %broadcast_in_dim3A_1 : vector<16xf32> to vector<1x1x16xf32>
      tpu.vector_store %arg8[%swap3A_433, %swap3A_434, %swap3A_435], %swap3A_438 {strides = array<i32>} : memref<8x40x128xf32, #tpu.memory_space<vmem>>, vector<1x1x16xf32>,
      %swap3A_439 = arith.constant 0 : i32
      %swap3A_440 = arith.index_cast %swap3A_439 : i32 to index
      %swap3A_441 = arith.index_cast %scan3A_424 : i32 to index
      %swap3A_442 = arith.constant 32 : index
      %swap3A_443 = tpu.vector_load %arg8[%swap3A_440, %swap3A_441, %swap3A_442] {strides = array<i32>} : memref<8x40x128xf32, #tpu.memory_space<vmem>>, vector<1x1x16xf32>,
      %swap3A_444 = vector.shape_cast %swap3A_443 : vector<1x1x16xf32> to vector<16xf32>
      %swap3A_445 = vector.shape_cast %broadcast_in_dim3A_1 : vector<16xf32> to vector<1x1x16xf32>
      tpu.vector_store %arg8[%swap3A_440, %swap3A_441, %swap3A_442], %swap3A_445 {strides = array<i32>} : memref<8x40x128xf32, #tpu.memory_space<vmem>>, vector<1x1x16xf32>,
      %swap3A_446 = arith.constant 0 : i32
      %swap3A_447 = arith.index_cast %swap3A_446 : i32 to index
      %swap3A_448 = arith.index_cast %scan3A_424 : i32 to index
      %swap3A_449 = arith.constant 48 : index
      %swap3A_450 = tpu.vector_load %arg8[%swap3A_447, %swap3A_448, %swap3A_449] {strides = array<i32>} : memref<8x40x128xf32, #tpu.memory_space<vmem>>, vector<1x1x16xf32>,
      %swap3A_451 = vector.shape_cast %swap3A_450 : vector<1x1x16xf32> to vector<16xf32>
      %swap3A_452 = vector.shape_cast %broadcast_in_dim3A_1 : vector<16xf32> to vector<1x1x16xf32>
      tpu.vector_store %arg8[%swap3A_447, %swap3A_448, %swap3A_449], %swap3A_452 {strides = array<i32>} : memref<8x40x128xf32, #tpu.memory_space<vmem>>, vector<1x1x16xf32>,
      %swap3A_453 = arith.constant 0 : i32
      %swap3A_454 = arith.index_cast %swap3A_453 : i32 to index
      %swap3A_455 = arith.index_cast %scan3A_424 : i32 to index
      %swap3A_456 = arith.constant 64 : index
      %swap3A_457 = tpu.vector_load %arg8[%swap3A_454, %swap3A_455, %swap3A_456] {strides = array<i32>} : memref<8x40x128xf32, #tpu.memory_space<vmem>>, vector<1x1x16xf32>,
      %swap3A_458 = vector.shape_cast %swap3A_457 : vector<1x1x16xf32> to vector<16xf32>
      %swap3A_459 = vector.shape_cast %broadcast_in_dim3A_1 : vector<16xf32> to vector<1x1x16xf32>
      tpu.vector_store %arg8[%swap3A_454, %swap3A_455, %swap3A_456], %swap3A_459 {strides = array<i32>} : memref<8x40x128xf32, #tpu.memory_space<vmem>>, vector<1x1x16xf32>,
      %swap3A_460 = arith.constant 0 : i32
      %swap3A_461 = arith.index_cast %swap3A_460 : i32 to index
      %swap3A_462 = arith.index_cast %scan3A_424 : i32 to index
      %swap3A_463 = arith.constant 80 : index
      %swap3A_464 = tpu.vector_load %arg8[%swap3A_461, %swap3A_462, %swap3A_463] {strides = array<i32>} : memref<8x40x128xf32, #tpu.memory_space<vmem>>, vector<1x1x16xf32>,
      %swap3A_465 = vector.shape_cast %swap3A_464 : vector<1x1x16xf32> to vector<16xf32>
      %swap3A_466 = vector.shape_cast %broadcast_in_dim3A_1 : vector<16xf32> to vector<1x1x16xf32>
      tpu.vector_store %arg8[%swap3A_461, %swap3A_462, %swap3A_463], %swap3A_466 {strides = array<i32>} : memref<8x40x128xf32, #tpu.memory_space<vmem>>, vector<1x1x16xf32>,
      %swap3A_467 = arith.constant 0 : i32
      %swap3A_468 = arith.index_cast %swap3A_467 : i32 to index
      %swap3A_469 = arith.index_cast %scan3A_424 : i32 to index
      %swap3A_470 = arith.constant 96 : index
      %swap3A_471 = tpu.vector_load %arg8[%swap3A_468, %swap3A_469, %swap3A_470] {strides = array<i32>} : memref<8x40x128xf32, #tpu.memory_space<vmem>>, vector<1x1x16xf32>,
      %swap3A_472 = vector.shape_cast %swap3A_471 : vector<1x1x16xf32> to vector<16xf32>
      %swap3A_473 = vector.shape_cast %broadcast_in_dim3A_1 : vector<16xf32> to vector<1x1x16xf32>
      tpu.vector_store %arg8[%swap3A_468, %swap3A_469, %swap3A_470], %swap3A_473 {strides = array<i32>} : memref<8x40x128xf32, #tpu.memory_space<vmem>>, vector<1x1x16xf32>,
      %swap3A_474 = arith.constant 0 : i32
      %swap3A_475 = arith.index_cast %swap3A_474 : i32 to index
      %swap3A_476 = arith.index_cast %scan3A_424 : i32 to index
      %swap3A_477 = arith.constant 112 : index
      %swap3A_478 = tpu.vector_load %arg8[%swap3A_475, %swap3A_476, %swap3A_477] {strides = array<i32>} : memref<8x40x128xf32, #tpu.memory_space<vmem>>, vector<1x1x16xf32>,
      %swap3A_479 = vector.shape_cast %swap3A_478 : vector<1x1x16xf32> to vector<16xf32>
      %swap3A_480 = vector.shape_cast %broadcast_in_dim3A_1 : vector<16xf32> to vector<1x1x16xf32>
      tpu.vector_store %arg8[%swap3A_475, %swap3A_476, %swap3A_477], %swap3A_480 {strides = array<i32>} : memref<8x40x128xf32, #tpu.memory_space<vmem>>, vector<1x1x16xf32>,
      %scan3A_481 = arith.constant 0 : i32
      scf.yield %scan3A_481 : i32
    }
    %scan3A_44 = arith.constant 40 : i32
    %scan3A_45 = arith.constant 0 : i32
    %scan3A_46 = arith.constant 0 : i32
    %scan3A_47 = arith.constant 16 : i32
    %scan3A_48 = arith.addi %scan3A_46, %scan3A_47 : i32
    %scan3A_49 = arith.constant 1 : i32
    %scan3A_50 = scf.for %scan3A_424 = %scan3A_46 to %scan3A_48 step %scan3A_49 iter_args(%scan3A_425 = %scan3A_45) -> (i32)  : i32 {
      %mul3A_426 = arith.constant 640 : i32
      %mul3A_427 = arith.muli %arg1, %mul3A_426 : i32
      %mul3A_428 = arith.constant 40 : i32
      %mul3A_429 = arith.muli %scan3A_424, %mul3A_428 : i32
      %add3A_430 = arith.addi %mul3A_427, %mul3A_429 : i32
      %run_scoped3A_431 = arith.constant 0 : i32
      "tpu.region"() ({
        %run_scoped3A_433 = tpu.sem_alloc : memref<!tpu.dma_semaphore, #tpu.memory_space<semaphore_mem>>
        %dma_start3A_434 = arith.constant 0 : i32
        %dma_start3A_435 = arith.constant 0 : i32
        %dma_start3A_436 = tpu.memref_slice %arg8[%run_scoped3A_431, %dma_start3A_434, %dma_start3A_435] : memref<8x40x128xf32, #tpu.memory_space<vmem>> -> memref<1x40x128xf32, #tpu.memory_space<vmem>>
        %dma_start3A_437 = tpu.memref_squeeze %dma_start3A_436 : memref<1x40x128xf32, #tpu.memory_space<vmem>> -> memref<40x128xf32, #tpu.memory_space<vmem>>
        %dma_start3A_438 = arith.constant 0 : i32
        %dma_start3A_439 = tpu.memref_slice %arg9[%add3A_430, %dma_start3A_438] : memref<10240x128xf32, #tpu.memory_space<vmem_shared>> -> memref<40x128xf32, #tpu.memory_space<vmem_shared>>
        %dma_start3A_440 = arith.constant 0 : i32
        %dma_start3A_441 = tpu.memref_slice %arg9[%add3A_430, %dma_start3A_440] : memref<10240x128xf32, #tpu.memory_space<vmem_shared>> -> memref<40x128xf32, #tpu.memory_space<vmem_shared>>
        %dma_start3A_442 = arith.constant 0 : i32
        %dma_start3A_443 = arith.constant 0 : i32
        %dma_start3A_444 = tpu.memref_slice %arg8[%run_scoped3A_431, %dma_start3A_442, %dma_start3A_443] : memref<8x40x128xf32, #tpu.memory_space<vmem>> -> memref<1x40x128xf32, #tpu.memory_space<vmem>>
        %dma_start3A_445 = tpu.memref_squeeze %dma_start3A_444 : memref<1x40x128xf32, #tpu.memory_space<vmem>> -> memref<40x128xf32, #tpu.memory_space<vmem>>
        tpu.enqueue_dma source(%dma_start3A_445 : memref<40x128xf32, #tpu.memory_space<vmem>>) target(%dma_start3A_441 : memref<40x128xf32, #tpu.memory_space<vmem_shared>>) target_semaphore(%run_scoped3A_433 : memref<!tpu.dma_semaphore, #tpu.memory_space<semaphore_mem>>)
        %dma_wait3A_446 = arith.constant 0 : i32
        %dma_wait3A_447 = arith.constant 0 : i32
        %dma_wait3A_448 = tpu.memref_slice %arg8[%run_scoped3A_431, %dma_wait3A_446, %dma_wait3A_447] : memref<8x40x128xf32, #tpu.memory_space<vmem>> -> memref<1x40x128xf32, #tpu.memory_space<vmem>>
        %dma_wait3A_449 = tpu.memref_squeeze %dma_wait3A_448 : memref<1x40x128xf32, #tpu.memory_space<vmem>> -> memref<40x128xf32, #tpu.memory_space<vmem>>
        %dma_wait3A_450 = arith.constant 0 : i32
        %dma_wait3A_451 = tpu.memref_slice %arg9[%add3A_430, %dma_wait3A_450] : memref<10240x128xf32, #tpu.memory_space<vmem_shared>> -> memref<40x128xf32, #tpu.memory_space<vmem_shared>>
        %dma_wait3A_452 = arith.constant 0 : i32
        %dma_wait3A_453 = tpu.memref_slice %arg9[%add3A_430, %dma_wait3A_452] : memref<10240x128xf32, #tpu.memory_space<vmem_shared>> -> memref<40x128xf32, #tpu.memory_space<vmem_shared>>
        %dma_wait3A_454 = arith.constant 0 : i32
        %dma_wait3A_455 = arith.constant 0 : i32
        %dma_wait3A_456 = tpu.memref_slice %arg8[%run_scoped3A_431, %dma_wait3A_454, %dma_wait3A_455] : memref<8x40x128xf32, #tpu.memory_space<vmem>> -> memref<1x40x128xf32, #tpu.memory_space<vmem>>
        %dma_wait3A_457 = tpu.memref_squeeze %dma_wait3A_456 : memref<1x40x128xf32, #tpu.memory_space<vmem>> -> memref<40x128xf32, #tpu.memory_space<vmem>>
        tpu.wait_dma2 semaphore(%run_scoped3A_433 : memref<!tpu.dma_semaphore, #tpu.memory_space<semaphore_mem>>) src(%dma_wait3A_457 : memref<40x128xf32, #tpu.memory_space<vmem>>) dst(%dma_wait3A_453 : memref<40x128xf32, #tpu.memory_space<vmem_shared>>)
        tpu.yield
      }) : () -> ()
      %scan3A_432 = arith.constant 0 : i32
      scf.yield %scan3A_432 : i32
    }
    %scan3A_51 = arith.constant 16 : i32
    %dma_wait3A = arith.constant 0 : i32
    %dma_wait3A_52 = arith.constant 0 : i32
    %dma_wait3A_53 = arith.constant 0 : i32
    %dma_wait3A_54 = arith.constant 0 : i32
    %dma_wait3A_55 = arith.constant 0 : i32
    %dma_wait3A_56 = tpu.memref_slice %arg6[%dma_wait3A_53, %dma_wait3A_54, %dma_wait3A_55] : memref<2x8x40xi32, #tpu.memory_space<vmem>> -> memref<1x8x40xi32, #tpu.memory_space<vmem>>
    %dma_wait3A_57 = tpu.memref_squeeze %dma_wait3A_56 : memref<1x8x40xi32, #tpu.memory_space<vmem>> -> memref<8x40xi32, #tpu.memory_space<vmem>>
    %dma_wait3A_58 = arith.constant 0 : i32
    %dma_wait3A_59 = arith.constant 0 : i32
    %dma_wait3A_60 = tpu.memref_slice %arg3[%dma_wait3A, %add3A, %dma_wait3A_52, %dma_wait3A_58, %dma_wait3A_59] : memref<2x32x31x8x40xi32, #tpu.memory_space<hbm>> -> memref<1x1x1x8x40xi32, #tpu.memory_space<hbm>>
    %dma_wait3A_61 = tpu.memref_squeeze %dma_wait3A_60 : memref<1x1x1x8x40xi32, #tpu.memory_space<hbm>> -> memref<8x40xi32, #tpu.memory_space<hbm>>
    %dma_wait3A_62 = arith.constant 0 : i32
    %dma_wait3A_63 = arith.constant 0 : i32
    %dma_wait3A_64 = tpu.memref_slice %arg6[%dma_wait3A_53, %dma_wait3A_62, %dma_wait3A_63] : memref<2x8x40xi32, #tpu.memory_space<vmem>> -> memref<1x8x40xi32, #tpu.memory_space<vmem>>
    %dma_wait3A_65 = tpu.memref_squeeze %dma_wait3A_64 : memref<1x8x40xi32, #tpu.memory_space<vmem>> -> memref<8x40xi32, #tpu.memory_space<vmem>>
    %dma_wait3A_66 = arith.constant 0 : i32
    %dma_wait3A_67 = arith.constant 0 : i32
    %dma_wait3A_68 = tpu.memref_slice %arg3[%dma_wait3A, %add3A, %dma_wait3A_52, %dma_wait3A_66, %dma_wait3A_67] : memref<2x32x31x8x40xi32, #tpu.memory_space<hbm>> -> memref<1x1x1x8x40xi32, #tpu.memory_space<hbm>>
    %dma_wait3A_69 = tpu.memref_squeeze %dma_wait3A_68 : memref<1x1x1x8x40xi32, #tpu.memory_space<hbm>> -> memref<8x40xi32, #tpu.memory_space<hbm>>
    tpu.wait_dma2 semaphore(%arg26 : memref<!tpu.dma_semaphore, #tpu.memory_space<semaphore_mem>>) src(%dma_wait3A_69 : memref<8x40xi32, #tpu.memory_space<hbm>>) dst(%dma_wait3A_65 : memref<8x40xi32, #tpu.memory_space<vmem>>)
    %dma_wait3A_70 = arith.constant 1 : i32
    %dma_wait3A_71 = arith.constant 0 : i32
    %dma_wait3A_72 = arith.constant 0 : i32
    %dma_wait3A_73 = arith.constant 0 : i32
    %dma_wait3A_74 = arith.constant 0 : i32
    %dma_wait3A_75 = tpu.memref_slice %arg7[%dma_wait3A_72, %dma_wait3A_73, %dma_wait3A_74] : memref<2x8x40xi32, #tpu.memory_space<vmem>> -> memref<1x8x40xi32, #tpu.memory_space<vmem>>
    %dma_wait3A_76 = tpu.memref_squeeze %dma_wait3A_75 : memref<1x8x40xi32, #tpu.memory_space<vmem>> -> memref<8x40xi32, #tpu.memory_space<vmem>>
    %dma_wait3A_77 = arith.constant 0 : i32
    %dma_wait3A_78 = arith.constant 0 : i32
    %dma_wait3A_79 = tpu.memref_slice %arg3[%dma_wait3A_70, %add3A, %dma_wait3A_71, %dma_wait3A_77, %dma_wait3A_78] : memref<2x32x31x8x40xi32, #tpu.memory_space<hbm>> -> memref<1x1x1x8x40xi32, #tpu.memory_space<hbm>>
    %dma_wait3A_80 = tpu.memref_squeeze %dma_wait3A_79 : memref<1x1x1x8x40xi32, #tpu.memory_space<hbm>> -> memref<8x40xi32, #tpu.memory_space<hbm>>
    %dma_wait3A_81 = arith.constant 0 : i32
    %dma_wait3A_82 = arith.constant 0 : i32
    %dma_wait3A_83 = tpu.memref_slice %arg7[%dma_wait3A_72, %dma_wait3A_81, %dma_wait3A_82] : memref<2x8x40xi32, #tpu.memory_space<vmem>> -> memref<1x8x40xi32, #tpu.memory_space<vmem>>
    %dma_wait3A_84 = tpu.memref_squeeze %dma_wait3A_83 : memref<1x8x40xi32, #tpu.memory_space<vmem>> -> memref<8x40xi32, #tpu.memory_space<vmem>>
    %dma_wait3A_85 = arith.constant 0 : i32
    %dma_wait3A_86 = arith.constant 0 : i32
    %dma_wait3A_87 = tpu.memref_slice %arg3[%dma_wait3A_70, %add3A, %dma_wait3A_71, %dma_wait3A_85, %dma_wait3A_86] : memref<2x32x31x8x40xi32, #tpu.memory_space<hbm>> -> memref<1x1x1x8x40xi32, #tpu.memory_space<hbm>>
    %dma_wait3A_88 = tpu.memref_squeeze %dma_wait3A_87 : memref<1x1x1x8x40xi32, #tpu.memory_space<hbm>> -> memref<8x40xi32, #tpu.memory_space<hbm>>
    tpu.wait_dma2 semaphore(%arg26 : memref<!tpu.dma_semaphore, #tpu.memory_space<semaphore_mem>>) src(%dma_wait3A_88 : memref<8x40xi32, #tpu.memory_space<hbm>>) dst(%dma_wait3A_84 : memref<8x40xi32, #tpu.memory_space<vmem>>)
    %dma_start3A_89 = arith.constant 0 : i32
    %dma_start3A_90 = arith.constant 0 : i32
    %dma_start3A_91 = arith.constant 0 : i32
    %dma_start3A_92 = arith.constant 0 : i32
    %dma_start3A_93 = arith.constant 0 : i32
    %dma_start3A_94 = tpu.memref_slice %arg8[%dma_start3A_91, %dma_start3A_92, %dma_start3A_93] : memref<8x40x128xf32, #tpu.memory_space<vmem>> -> memref<1x40x128xf32, #tpu.memory_space<vmem>>
    %dma_start3A_95 = tpu.memref_squeeze %dma_start3A_94 : memref<1x40x128xf32, #tpu.memory_space<vmem>> -> memref<40x128xf32, #tpu.memory_space<vmem>>
    %dma_start3A_96 = arith.constant 0 : i32
    %dma_start3A_97 = tpu.memref_slice %arg6[%dma_start3A_89, %dma_start3A_90, %dma_start3A_96] : memref<2x8x40xi32, #tpu.memory_space<vmem>> -> memref<1x1x40xi32, #tpu.memory_space<vmem>>
    %dma_start3A_98 = tpu.memref_squeeze %dma_start3A_97 : memref<1x1x40xi32, #tpu.memory_space<vmem>> -> memref<40xi32, #tpu.memory_space<vmem>>
    %dma_start3A_99 = arith.constant 0 : i32
    %dma_start3A_100 = arith.constant 0 : i32
    %dma_start3A_101 = tpu.memref_slice %arg2[%dma_start3A_99, %dma_start3A_100] : memref<10000x128xf32, #tpu.memory_space<hbm>> -> memref<10000x128xf32, #tpu.memory_space<hbm>>
    tpu.enqueue_indirect_dma source(%dma_start3A_101 : memref<10000x128xf32, #tpu.memory_space<hbm>>) target(%dma_start3A_95 : memref<40x128xf32, #tpu.memory_space<vmem>>) offsets(%dma_start3A_98 : memref<40xi32, #tpu.memory_space<vmem>>) semaphore(%arg10 : memref<!tpu.dma_semaphore, #tpu.memory_space<semaphore_mem>>)
    %dma_start3A_102 = arith.constant 0 : i32
    %dma_start3A_103 = arith.constant 1 : i32
    %dma_start3A_104 = arith.constant 1 : i32
    %dma_start3A_105 = arith.constant 0 : i32
    %dma_start3A_106 = arith.constant 0 : i32
    %dma_start3A_107 = tpu.memref_slice %arg8[%dma_start3A_104, %dma_start3A_105, %dma_start3A_106] : memref<8x40x128xf32, #tpu.memory_space<vmem>> -> memref<1x40x128xf32, #tpu.memory_space<vmem>>
    %dma_start3A_108 = tpu.memref_squeeze %dma_start3A_107 : memref<1x40x128xf32, #tpu.memory_space<vmem>> -> memref<40x128xf32, #tpu.memory_space<vmem>>
    %dma_start3A_109 = arith.constant 0 : i32
    %dma_start3A_110 = tpu.memref_slice %arg6[%dma_start3A_102, %dma_start3A_103, %dma_start3A_109] : memref<2x8x40xi32, #tpu.memory_space<vmem>> -> memref<1x1x40xi32, #tpu.memory_space<vmem>>
    %dma_start3A_111 = tpu.memref_squeeze %dma_start3A_110 : memref<1x1x40xi32, #tpu.memory_space<vmem>> -> memref<40xi32, #tpu.memory_space<vmem>>
    %dma_start3A_112 = arith.constant 0 : i32
    %dma_start3A_113 = arith.constant 0 : i32
    %dma_start3A_114 = tpu.memref_slice %arg2[%dma_start3A_112, %dma_start3A_113] : memref<10000x128xf32, #tpu.memory_space<hbm>> -> memref<10000x128xf32, #tpu.memory_space<hbm>>
    tpu.enqueue_indirect_dma source(%dma_start3A_114 : memref<10000x128xf32, #tpu.memory_space<hbm>>) target(%dma_start3A_108 : memref<40x128xf32, #tpu.memory_space<vmem>>) offsets(%dma_start3A_111 : memref<40xi32, #tpu.memory_space<vmem>>) semaphore(%arg11 : memref<!tpu.dma_semaphore, #tpu.memory_space<semaphore_mem>>)
    %dma_start3A_115 = arith.constant 0 : i32
    %dma_start3A_116 = arith.constant 2 : i32
    %dma_start3A_117 = arith.constant 2 : i32
    %dma_start3A_118 = arith.constant 0 : i32
    %dma_start3A_119 = arith.constant 0 : i32
    %dma_start3A_120 = tpu.memref_slice %arg8[%dma_start3A_117, %dma_start3A_118, %dma_start3A_119] : memref<8x40x128xf32, #tpu.memory_space<vmem>> -> memref<1x40x128xf32, #tpu.memory_space<vmem>>
    %dma_start3A_121 = tpu.memref_squeeze %dma_start3A_120 : memref<1x40x128xf32, #tpu.memory_space<vmem>> -> memref<40x128xf32, #tpu.memory_space<vmem>>
    %dma_start3A_122 = arith.constant 0 : i32
    %dma_start3A_123 = tpu.memref_slice %arg6[%dma_start3A_115, %dma_start3A_116, %dma_start3A_122] : memref<2x8x40xi32, #tpu.memory_space<vmem>> -> memref<1x1x40xi32, #tpu.memory_space<vmem>>
    %dma_start3A_124 = tpu.memref_squeeze %dma_start3A_123 : memref<1x1x40xi32, #tpu.memory_space<vmem>> -> memref<40xi32, #tpu.memory_space<vmem>>
    %dma_start3A_125 = arith.constant 0 : i32
    %dma_start3A_126 = arith.constant 0 : i32
    %dma_start3A_127 = tpu.memref_slice %arg2[%dma_start3A_125, %dma_start3A_126] : memref<10000x128xf32, #tpu.memory_space<hbm>> -> memref<10000x128xf32, #tpu.memory_space<hbm>>
    tpu.enqueue_indirect_dma source(%dma_start3A_127 : memref<10000x128xf32, #tpu.memory_space<hbm>>) target(%dma_start3A_121 : memref<40x128xf32, #tpu.memory_space<vmem>>) offsets(%dma_start3A_124 : memref<40xi32, #tpu.memory_space<vmem>>) semaphore(%arg12 : memref<!tpu.dma_semaphore, #tpu.memory_space<semaphore_mem>>)
    %dma_start3A_128 = arith.constant 0 : i32
    %dma_start3A_129 = arith.constant 3 : i32
    %dma_start3A_130 = arith.constant 3 : i32
    %dma_start3A_131 = arith.constant 0 : i32
    %dma_start3A_132 = arith.constant 0 : i32
    %dma_start3A_133 = tpu.memref_slice %arg8[%dma_start3A_130, %dma_start3A_131, %dma_start3A_132] : memref<8x40x128xf32, #tpu.memory_space<vmem>> -> memref<1x40x128xf32, #tpu.memory_space<vmem>>
    %dma_start3A_134 = tpu.memref_squeeze %dma_start3A_133 : memref<1x40x128xf32, #tpu.memory_space<vmem>> -> memref<40x128xf32, #tpu.memory_space<vmem>>
    %dma_start3A_135 = arith.constant 0 : i32
    %dma_start3A_136 = tpu.memref_slice %arg6[%dma_start3A_128, %dma_start3A_129, %dma_start3A_135] : memref<2x8x40xi32, #tpu.memory_space<vmem>> -> memref<1x1x40xi32, #tpu.memory_space<vmem>>
    %dma_start3A_137 = tpu.memref_squeeze %dma_start3A_136 : memref<1x1x40xi32, #tpu.memory_space<vmem>> -> memref<40xi32, #tpu.memory_space<vmem>>
    %dma_start3A_138 = arith.constant 0 : i32
    %dma_start3A_139 = arith.constant 0 : i32
    %dma_start3A_140 = tpu.memref_slice %arg2[%dma_start3A_138, %dma_start3A_139] : memref<10000x128xf32, #tpu.memory_space<hbm>> -> memref<10000x128xf32, #tpu.memory_space<hbm>>
    tpu.enqueue_indirect_dma source(%dma_start3A_140 : memref<10000x128xf32, #tpu.memory_space<hbm>>) target(%dma_start3A_134 : memref<40x128xf32, #tpu.memory_space<vmem>>) offsets(%dma_start3A_137 : memref<40xi32, #tpu.memory_space<vmem>>) semaphore(%arg13 : memref<!tpu.dma_semaphore, #tpu.memory_space<semaphore_mem>>)
    %dma_start3A_141 = arith.constant 0 : i32
    %dma_start3A_142 = arith.constant 4 : i32
    %dma_start3A_143 = arith.constant 4 : i32
    %dma_start3A_144 = arith.constant 0 : i32
    %dma_start3A_145 = arith.constant 0 : i32
    %dma_start3A_146 = tpu.memref_slice %arg8[%dma_start3A_143, %dma_start3A_144, %dma_start3A_145] : memref<8x40x128xf32, #tpu.memory_space<vmem>> -> memref<1x40x128xf32, #tpu.memory_space<vmem>>
    %dma_start3A_147 = tpu.memref_squeeze %dma_start3A_146 : memref<1x40x128xf32, #tpu.memory_space<vmem>> -> memref<40x128xf32, #tpu.memory_space<vmem>>
    %dma_start3A_148 = arith.constant 0 : i32
    %dma_start3A_149 = tpu.memref_slice %arg6[%dma_start3A_141, %dma_start3A_142, %dma_start3A_148] : memref<2x8x40xi32, #tpu.memory_space<vmem>> -> memref<1x1x40xi32, #tpu.memory_space<vmem>>
    %dma_start3A_150 = tpu.memref_squeeze %dma_start3A_149 : memref<1x1x40xi32, #tpu.memory_space<vmem>> -> memref<40xi32, #tpu.memory_space<vmem>>
    %dma_start3A_151 = arith.constant 0 : i32
    %dma_start3A_152 = arith.constant 0 : i32
    %dma_start3A_153 = tpu.memref_slice %arg2[%dma_start3A_151, %dma_start3A_152] : memref<10000x128xf32, #tpu.memory_space<hbm>> -> memref<10000x128xf32, #tpu.memory_space<hbm>>
    tpu.enqueue_indirect_dma source(%dma_start3A_153 : memref<10000x128xf32, #tpu.memory_space<hbm>>) target(%dma_start3A_147 : memref<40x128xf32, #tpu.memory_space<vmem>>) offsets(%dma_start3A_150 : memref<40xi32, #tpu.memory_space<vmem>>) semaphore(%arg14 : memref<!tpu.dma_semaphore, #tpu.memory_space<semaphore_mem>>)
    %dma_start3A_154 = arith.constant 0 : i32
    %dma_start3A_155 = arith.constant 5 : i32
    %dma_start3A_156 = arith.constant 5 : i32
    %dma_start3A_157 = arith.constant 0 : i32
    %dma_start3A_158 = arith.constant 0 : i32
    %dma_start3A_159 = tpu.memref_slice %arg8[%dma_start3A_156, %dma_start3A_157, %dma_start3A_158] : memref<8x40x128xf32, #tpu.memory_space<vmem>> -> memref<1x40x128xf32, #tpu.memory_space<vmem>>
    %dma_start3A_160 = tpu.memref_squeeze %dma_start3A_159 : memref<1x40x128xf32, #tpu.memory_space<vmem>> -> memref<40x128xf32, #tpu.memory_space<vmem>>
    %dma_start3A_161 = arith.constant 0 : i32
    %dma_start3A_162 = tpu.memref_slice %arg6[%dma_start3A_154, %dma_start3A_155, %dma_start3A_161] : memref<2x8x40xi32, #tpu.memory_space<vmem>> -> memref<1x1x40xi32, #tpu.memory_space<vmem>>
    %dma_start3A_163 = tpu.memref_squeeze %dma_start3A_162 : memref<1x1x40xi32, #tpu.memory_space<vmem>> -> memref<40xi32, #tpu.memory_space<vmem>>
    %dma_start3A_164 = arith.constant 0 : i32
    %dma_start3A_165 = arith.constant 0 : i32
    %dma_start3A_166 = tpu.memref_slice %arg2[%dma_start3A_164, %dma_start3A_165] : memref<10000x128xf32, #tpu.memory_space<hbm>> -> memref<10000x128xf32, #tpu.memory_space<hbm>>
    tpu.enqueue_indirect_dma source(%dma_start3A_166 : memref<10000x128xf32, #tpu.memory_space<hbm>>) target(%dma_start3A_160 : memref<40x128xf32, #tpu.memory_space<vmem>>) offsets(%dma_start3A_163 : memref<40xi32, #tpu.memory_space<vmem>>) semaphore(%arg15 : memref<!tpu.dma_semaphore, #tpu.memory_space<semaphore_mem>>)
    %dma_start3A_167 = arith.constant 0 : i32
    %dma_start3A_168 = arith.constant 6 : i32
    %dma_start3A_169 = arith.constant 6 : i32
    %dma_start3A_170 = arith.constant 0 : i32
    %dma_start3A_171 = arith.constant 0 : i32
    %dma_start3A_172 = tpu.memref_slice %arg8[%dma_start3A_169, %dma_start3A_170, %dma_start3A_171] : memref<8x40x128xf32, #tpu.memory_space<vmem>> -> memref<1x40x128xf32, #tpu.memory_space<vmem>>
    %dma_start3A_173 = tpu.memref_squeeze %dma_start3A_172 : memref<1x40x128xf32, #tpu.memory_space<vmem>> -> memref<40x128xf32, #tpu.memory_space<vmem>>
    %dma_start3A_174 = arith.constant 0 : i32
    %dma_start3A_175 = tpu.memref_slice %arg6[%dma_start3A_167, %dma_start3A_168, %dma_start3A_174] : memref<2x8x40xi32, #tpu.memory_space<vmem>> -> memref<1x1x40xi32, #tpu.memory_space<vmem>>
    %dma_start3A_176 = tpu.memref_squeeze %dma_start3A_175 : memref<1x1x40xi32, #tpu.memory_space<vmem>> -> memref<40xi32, #tpu.memory_space<vmem>>
    %dma_start3A_177 = arith.constant 0 : i32
    %dma_start3A_178 = arith.constant 0 : i32
    %dma_start3A_179 = tpu.memref_slice %arg2[%dma_start3A_177, %dma_start3A_178] : memref<10000x128xf32, #tpu.memory_space<hbm>> -> memref<10000x128xf32, #tpu.memory_space<hbm>>
    tpu.enqueue_indirect_dma source(%dma_start3A_179 : memref<10000x128xf32, #tpu.memory_space<hbm>>) target(%dma_start3A_173 : memref<40x128xf32, #tpu.memory_space<vmem>>) offsets(%dma_start3A_176 : memref<40xi32, #tpu.memory_space<vmem>>) semaphore(%arg16 : memref<!tpu.dma_semaphore, #tpu.memory_space<semaphore_mem>>)
    %dma_start3A_180 = arith.constant 0 : i32
    %dma_start3A_181 = arith.constant 7 : i32
    %dma_start3A_182 = arith.constant 7 : i32
    %dma_start3A_183 = arith.constant 0 : i32
    %dma_start3A_184 = arith.constant 0 : i32
    %dma_start3A_185 = tpu.memref_slice %arg8[%dma_start3A_182, %dma_start3A_183, %dma_start3A_184] : memref<8x40x128xf32, #tpu.memory_space<vmem>> -> memref<1x40x128xf32, #tpu.memory_space<vmem>>
    %dma_start3A_186 = tpu.memref_squeeze %dma_start3A_185 : memref<1x40x128xf32, #tpu.memory_space<vmem>> -> memref<40x128xf32, #tpu.memory_space<vmem>>
    %dma_start3A_187 = arith.constant 0 : i32
    %dma_start3A_188 = tpu.memref_slice %arg6[%dma_start3A_180, %dma_start3A_181, %dma_start3A_187] : memref<2x8x40xi32, #tpu.memory_space<vmem>> -> memref<1x1x40xi32, #tpu.memory_space<vmem>>
    %dma_start3A_189 = tpu.memref_squeeze %dma_start3A_188 : memref<1x1x40xi32, #tpu.memory_space<vmem>> -> memref<40xi32, #tpu.memory_space<vmem>>
    %dma_start3A_190 = arith.constant 0 : i32
    %dma_start3A_191 = arith.constant 0 : i32
    %dma_start3A_192 = tpu.memref_slice %arg2[%dma_start3A_190, %dma_start3A_191] : memref<10000x128xf32, #tpu.memory_space<hbm>> -> memref<10000x128xf32, #tpu.memory_space<hbm>>
    tpu.enqueue_indirect_dma source(%dma_start3A_192 : memref<10000x128xf32, #tpu.memory_space<hbm>>) target(%dma_start3A_186 : memref<40x128xf32, #tpu.memory_space<vmem>>) offsets(%dma_start3A_189 : memref<40xi32, #tpu.memory_space<vmem>>) semaphore(%arg17 : memref<!tpu.dma_semaphore, #tpu.memory_space<semaphore_mem>>)
    %dma_start3A_193 = arith.constant 0 : i32
    %dma_start3A_194 = arith.constant 1 : i32
    %dma_start3A_195 = arith.constant 1 : i32
    %dma_start3A_196 = arith.constant 0 : i32
    %dma_start3A_197 = arith.constant 0 : i32
    %dma_start3A_198 = tpu.memref_slice %arg6[%dma_start3A_195, %dma_start3A_196, %dma_start3A_197] : memref<2x8x40xi32, #tpu.memory_space<vmem>> -> memref<1x8x40xi32, #tpu.memory_space<vmem>>
    %dma_start3A_199 = tpu.memref_squeeze %dma_start3A_198 : memref<1x8x40xi32, #tpu.memory_space<vmem>> -> memref<8x40xi32, #tpu.memory_space<vmem>>
    %dma_start3A_200 = arith.constant 0 : i32
    %dma_start3A_201 = arith.constant 0 : i32
    %dma_start3A_202 = tpu.memref_slice %arg3[%dma_start3A_193, %add3A, %dma_start3A_194, %dma_start3A_200, %dma_start3A_201] : memref<2x32x31x8x40xi32, #tpu.memory_space<hbm>> -> memref<1x1x1x8x40xi32, #tpu.memory_space<hbm>>
    %dma_start3A_203 = tpu.memref_squeeze %dma_start3A_202 : memref<1x1x1x8x40xi32, #tpu.memory_space<hbm>> -> memref<8x40xi32, #tpu.memory_space<hbm>>
    %dma_start3A_204 = arith.constant 0 : i32
    %dma_start3A_205 = arith.constant 0 : i32
    %dma_start3A_206 = tpu.memref_slice %arg6[%dma_start3A_195, %dma_start3A_204, %dma_start3A_205] : memref<2x8x40xi32, #tpu.memory_space<vmem>> -> memref<1x8x40xi32, #tpu.memory_space<vmem>>
    %dma_start3A_207 = tpu.memref_squeeze %dma_start3A_206 : memref<1x8x40xi32, #tpu.memory_space<vmem>> -> memref<8x40xi32, #tpu.memory_space<vmem>>
    %dma_start3A_208 = arith.constant 0 : i32
    %dma_start3A_209 = arith.constant 0 : i32
    %dma_start3A_210 = tpu.memref_slice %arg3[%dma_start3A_193, %add3A, %dma_start3A_194, %dma_start3A_208, %dma_start3A_209] : memref<2x32x31x8x40xi32, #tpu.memory_space<hbm>> -> memref<1x1x1x8x40xi32, #tpu.memory_space<hbm>>
    %dma_start3A_211 = tpu.memref_squeeze %dma_start3A_210 : memref<1x1x1x8x40xi32, #tpu.memory_space<hbm>> -> memref<8x40xi32, #tpu.memory_space<hbm>>
    tpu.enqueue_dma source(%dma_start3A_211 : memref<8x40xi32, #tpu.memory_space<hbm>>) target(%dma_start3A_207 : memref<8x40xi32, #tpu.memory_space<vmem>>) target_semaphore(%arg26 : memref<!tpu.dma_semaphore, #tpu.memory_space<semaphore_mem>>)
    %dma_start3A_212 = arith.constant 1 : i32
    %dma_start3A_213 = arith.constant 1 : i32
    %dma_start3A_214 = arith.constant 1 : i32
    %dma_start3A_215 = arith.constant 0 : i32
    %dma_start3A_216 = arith.constant 0 : i32
    %dma_start3A_217 = tpu.memref_slice %arg7[%dma_start3A_214, %dma_start3A_215, %dma_start3A_216] : memref<2x8x40xi32, #tpu.memory_space<vmem>> -> memref<1x8x40xi32, #tpu.memory_space<vmem>>
    %dma_start3A_218 = tpu.memref_squeeze %dma_start3A_217 : memref<1x8x40xi32, #tpu.memory_space<vmem>> -> memref<8x40xi32, #tpu.memory_space<vmem>>
    %dma_start3A_219 = arith.constant 0 : i32
    %dma_start3A_220 = arith.constant 0 : i32
    %dma_start3A_221 = tpu.memref_slice %arg3[%dma_start3A_212, %add3A, %dma_start3A_213, %dma_start3A_219, %dma_start3A_220] : memref<2x32x31x8x40xi32, #tpu.memory_space<hbm>> -> memref<1x1x1x8x40xi32, #tpu.memory_space<hbm>>
    %dma_start3A_222 = tpu.memref_squeeze %dma_start3A_221 : memref<1x1x1x8x40xi32, #tpu.memory_space<hbm>> -> memref<8x40xi32, #tpu.memory_space<hbm>>
    %dma_start3A_223 = arith.constant 0 : i32
    %dma_start3A_224 = arith.constant 0 : i32
    %dma_start3A_225 = tpu.memref_slice %arg7[%dma_start3A_214, %dma_start3A_223, %dma_start3A_224] : memref<2x8x40xi32, #tpu.memory_space<vmem>> -> memref<1x8x40xi32, #tpu.memory_space<vmem>>
    %dma_start3A_226 = tpu.memref_squeeze %dma_start3A_225 : memref<1x8x40xi32, #tpu.memory_space<vmem>> -> memref<8x40xi32, #tpu.memory_space<vmem>>
    %dma_start3A_227 = arith.constant 0 : i32
    %dma_start3A_228 = arith.constant 0 : i32
    %dma_start3A_229 = tpu.memref_slice %arg3[%dma_start3A_212, %add3A, %dma_start3A_213, %dma_start3A_227, %dma_start3A_228] : memref<2x32x31x8x40xi32, #tpu.memory_space<hbm>> -> memref<1x1x1x8x40xi32, #tpu.memory_space<hbm>>
    %dma_start3A_230 = tpu.memref_squeeze %dma_start3A_229 : memref<1x1x1x8x40xi32, #tpu.memory_space<hbm>> -> memref<8x40xi32, #tpu.memory_space<hbm>>
    tpu.enqueue_dma source(%dma_start3A_230 : memref<8x40xi32, #tpu.memory_space<hbm>>) target(%dma_start3A_226 : memref<8x40xi32, #tpu.memory_space<vmem>>) target_semaphore(%arg26 : memref<!tpu.dma_semaphore, #tpu.memory_space<semaphore_mem>>)
    %barrier3A = arith.constant 0 : index
    tpu.barrier barrier_id(%barrier3A)
    %scan3A_231 = arith.constant 0 : i32
    %scan3A_232 = arith.constant 0 : i32
    %scan3A_233 = arith.constant 31 : i32
    %scan3A_234 = arith.addi %scan3A_232, %scan3A_233 : i32
    %scan3A_235 = arith.constant 1 : i32
    %scan3A_236 = scf.for %scan3A_424 = %scan3A_232 to %scan3A_234 step %scan3A_235 iter_args(%scan3A_425 = %scan3A_231) -> (i32)  : i32 {
      %rem3A = arith.constant 2 : i32
      %rem3A_426 = arith.remsi %scan3A_424, %rem3A : i32
      %dma_wait3A_427 = arith.constant 0 : i32
      %dma_wait3A_428 = arith.constant 0 : i32
      %dma_wait3A_429 = arith.constant 0 : i32
      %dma_wait3A_430 = tpu.memref_slice %arg8[%dma_wait3A_427, %dma_wait3A_428, %dma_wait3A_429] : memref<8x40x128xf32, #tpu.memory_space<vmem>> -> memref<1x40x128xf32, #tpu.memory_space<vmem>>
      %dma_wait3A_431 = tpu.memref_squeeze %dma_wait3A_430 : memref<1x40x128xf32, #tpu.memory_space<vmem>> -> memref<40x128xf32, #tpu.memory_space<vmem>>
      %dma_wait3A_432 = arith.constant 0 : i32
      %dma_wait3A_433 = arith.constant 0 : i32
      %dma_wait3A_434 = tpu.memref_slice %arg2[%dma_wait3A_432, %dma_wait3A_433] : memref<10000x128xf32, #tpu.memory_space<hbm>> -> memref<40x128xf32, #tpu.memory_space<hbm>>
      %dma_wait3A_435 = arith.constant 0 : i32
      %dma_wait3A_436 = arith.constant 0 : i32
      %dma_wait3A_437 = tpu.memref_slice %arg8[%dma_wait3A_427, %dma_wait3A_435, %dma_wait3A_436] : memref<8x40x128xf32, #tpu.memory_space<vmem>> -> memref<1x40x128xf32, #tpu.memory_space<vmem>>
      %dma_wait3A_438 = tpu.memref_squeeze %dma_wait3A_437 : memref<1x40x128xf32, #tpu.memory_space<vmem>> -> memref<40x128xf32, #tpu.memory_space<vmem>>
      %dma_wait3A_439 = arith.constant 0 : i32
      %dma_wait3A_440 = arith.constant 0 : i32
      %dma_wait3A_441 = tpu.memref_slice %arg2[%dma_wait3A_439, %dma_wait3A_440] : memref<10000x128xf32, #tpu.memory_space<hbm>> -> memref<40x128xf32, #tpu.memory_space<hbm>>
      tpu.wait_dma2 semaphore(%arg10 : memref<!tpu.dma_semaphore, #tpu.memory_space<semaphore_mem>>) src(%dma_wait3A_441 : memref<40x128xf32, #tpu.memory_space<hbm>>) dst(%dma_wait3A_438 : memref<40x128xf32, #tpu.memory_space<vmem>>)
      %dma_start3A_442 = arith.constant 0 : i32
      %dma_start3A_443 = arith.constant 0 : i32
      %dma_start3A_444 = arith.constant 0 : i32
      %dma_start3A_445 = arith.constant 0 : i32
      %dma_start3A_446 = tpu.memref_slice %arg8[%dma_start3A_442, %dma_start3A_444, %dma_start3A_445] : memref<8x40x128xf32, #tpu.memory_space<vmem>> -> memref<1x40x128xf32, #tpu.memory_space<vmem>>
      %dma_start3A_447 = tpu.memref_squeeze %dma_start3A_446 : memref<1x40x128xf32, #tpu.memory_space<vmem>> -> memref<40x128xf32, #tpu.memory_space<vmem>>
      %dma_start3A_448 = arith.constant 0 : i32
      %dma_start3A_449 = tpu.memref_slice %arg7[%rem3A_426, %dma_start3A_443, %dma_start3A_448] : memref<2x8x40xi32, #tpu.memory_space<vmem>> -> memref<1x1x40xi32, #tpu.memory_space<vmem>>
      %dma_start3A_450 = tpu.memref_squeeze %dma_start3A_449 : memref<1x1x40xi32, #tpu.memory_space<vmem>> -> memref<40xi32, #tpu.memory_space<vmem>>
      %dma_start3A_451 = arith.constant 0 : i32
      %dma_start3A_452 = arith.constant 0 : i32
      %dma_start3A_453 = tpu.memref_slice %arg9[%dma_start3A_451, %dma_start3A_452] : memref<10240x128xf32, #tpu.memory_space<vmem_shared>> -> memref<10240x128xf32, #tpu.memory_space<vmem_shared>>
      tpu.enqueue_indirect_dma source(%dma_start3A_447 : memref<40x128xf32, #tpu.memory_space<vmem>>) target(%dma_start3A_453 : memref<10240x128xf32, #tpu.memory_space<vmem_shared>>) offsets(%dma_start3A_450 : memref<40xi32, #tpu.memory_space<vmem>>) semaphore(%arg18 : memref<!tpu.dma_semaphore, #tpu.memory_space<semaphore_mem>>) {add = true}
      %dma_wait3A_454 = arith.constant 1 : i32
      %dma_wait3A_455 = arith.constant 0 : i32
      %dma_wait3A_456 = arith.constant 0 : i32
      %dma_wait3A_457 = tpu.memref_slice %arg8[%dma_wait3A_454, %dma_wait3A_455, %dma_wait3A_456] : memref<8x40x128xf32, #tpu.memory_space<vmem>> -> memref<1x40x128xf32, #tpu.memory_space<vmem>>
      %dma_wait3A_458 = tpu.memref_squeeze %dma_wait3A_457 : memref<1x40x128xf32, #tpu.memory_space<vmem>> -> memref<40x128xf32, #tpu.memory_space<vmem>>
      %dma_wait3A_459 = arith.constant 0 : i32
      %dma_wait3A_460 = arith.constant 0 : i32
      %dma_wait3A_461 = tpu.memref_slice %arg2[%dma_wait3A_459, %dma_wait3A_460] : memref<10000x128xf32, #tpu.memory_space<hbm>> -> memref<40x128xf32, #tpu.memory_space<hbm>>
      %dma_wait3A_462 = arith.constant 0 : i32
      %dma_wait3A_463 = arith.constant 0 : i32
      %dma_wait3A_464 = tpu.memref_slice %arg8[%dma_wait3A_454, %dma_wait3A_462, %dma_wait3A_463] : memref<8x40x128xf32, #tpu.memory_space<vmem>> -> memref<1x40x128xf32, #tpu.memory_space<vmem>>
      %dma_wait3A_465 = tpu.memref_squeeze %dma_wait3A_464 : memref<1x40x128xf32, #tpu.memory_space<vmem>> -> memref<40x128xf32, #tpu.memory_space<vmem>>
      %dma_wait3A_466 = arith.constant 0 : i32
      %dma_wait3A_467 = arith.constant 0 : i32
      %dma_wait3A_468 = tpu.memref_slice %arg2[%dma_wait3A_466, %dma_wait3A_467] : memref<10000x128xf32, #tpu.memory_space<hbm>> -> memref<40x128xf32, #tpu.memory_space<hbm>>
      tpu.wait_dma2 semaphore(%arg11 : memref<!tpu.dma_semaphore, #tpu.memory_space<semaphore_mem>>) src(%dma_wait3A_468 : memref<40x128xf32, #tpu.memory_space<hbm>>) dst(%dma_wait3A_465 : memref<40x128xf32, #tpu.memory_space<vmem>>)
      %dma_start3A_469 = arith.constant 1 : i32
      %dma_start3A_470 = arith.constant 1 : i32
      %dma_start3A_471 = arith.constant 0 : i32
      %dma_start3A_472 = arith.constant 0 : i32
      %dma_start3A_473 = tpu.memref_slice %arg8[%dma_start3A_469, %dma_start3A_471, %dma_start3A_472] : memref<8x40x128xf32, #tpu.memory_space<vmem>> -> memref<1x40x128xf32, #tpu.memory_space<vmem>>
      %dma_start3A_474 = tpu.memref_squeeze %dma_start3A_473 : memref<1x40x128xf32, #tpu.memory_space<vmem>> -> memref<40x128xf32, #tpu.memory_space<vmem>>
      %dma_start3A_475 = arith.constant 0 : i32
      %dma_start3A_476 = tpu.memref_slice %arg7[%rem3A_426, %dma_start3A_470, %dma_start3A_475] : memref<2x8x40xi32, #tpu.memory_space<vmem>> -> memref<1x1x40xi32, #tpu.memory_space<vmem>>
      %dma_start3A_477 = tpu.memref_squeeze %dma_start3A_476 : memref<1x1x40xi32, #tpu.memory_space<vmem>> -> memref<40xi32, #tpu.memory_space<vmem>>
      %dma_start3A_478 = arith.constant 0 : i32
      %dma_start3A_479 = arith.constant 0 : i32
      %dma_start3A_480 = tpu.memref_slice %arg9[%dma_start3A_478, %dma_start3A_479] : memref<10240x128xf32, #tpu.memory_space<vmem_shared>> -> memref<10240x128xf32, #tpu.memory_space<vmem_shared>>
      tpu.enqueue_indirect_dma source(%dma_start3A_474 : memref<40x128xf32, #tpu.memory_space<vmem>>) target(%dma_start3A_480 : memref<10240x128xf32, #tpu.memory_space<vmem_shared>>) offsets(%dma_start3A_477 : memref<40xi32, #tpu.memory_space<vmem>>) semaphore(%arg19 : memref<!tpu.dma_semaphore, #tpu.memory_space<semaphore_mem>>) {add = true}
      %dma_wait3A_481 = arith.constant 2 : i32
      %dma_wait3A_482 = arith.constant 0 : i32
      %dma_wait3A_483 = arith.constant 0 : i32
      %dma_wait3A_484 = tpu.memref_slice %arg8[%dma_wait3A_481, %dma_wait3A_482, %dma_wait3A_483] : memref<8x40x128xf32, #tpu.memory_space<vmem>> -> memref<1x40x128xf32, #tpu.memory_space<vmem>>
      %dma_wait3A_485 = tpu.memref_squeeze %dma_wait3A_484 : memref<1x40x128xf32, #tpu.memory_space<vmem>> -> memref<40x128xf32, #tpu.memory_space<vmem>>
      %dma_wait3A_486 = arith.constant 0 : i32
      %dma_wait3A_487 = arith.constant 0 : i32
      %dma_wait3A_488 = tpu.memref_slice %arg2[%dma_wait3A_486, %dma_wait3A_487] : memref<10000x128xf32, #tpu.memory_space<hbm>> -> memref<40x128xf32, #tpu.memory_space<hbm>>
      %dma_wait3A_489 = arith.constant 0 : i32
      %dma_wait3A_490 = arith.constant 0 : i32
      %dma_wait3A_491 = tpu.memref_slice %arg8[%dma_wait3A_481, %dma_wait3A_489, %dma_wait3A_490] : memref<8x40x128xf32, #tpu.memory_space<vmem>> -> memref<1x40x128xf32, #tpu.memory_space<vmem>>
      %dma_wait3A_492 = tpu.memref_squeeze %dma_wait3A_491 : memref<1x40x128xf32, #tpu.memory_space<vmem>> -> memref<40x128xf32, #tpu.memory_space<vmem>>
      %dma_wait3A_493 = arith.constant 0 : i32
      %dma_wait3A_494 = arith.constant 0 : i32
      %dma_wait3A_495 = tpu.memref_slice %arg2[%dma_wait3A_493, %dma_wait3A_494] : memref<10000x128xf32, #tpu.memory_space<hbm>> -> memref<40x128xf32, #tpu.memory_space<hbm>>
      tpu.wait_dma2 semaphore(%arg12 : memref<!tpu.dma_semaphore, #tpu.memory_space<semaphore_mem>>) src(%dma_wait3A_495 : memref<40x128xf32, #tpu.memory_space<hbm>>) dst(%dma_wait3A_492 : memref<40x128xf32, #tpu.memory_space<vmem>>)
      %dma_start3A_496 = arith.constant 2 : i32
      %dma_start3A_497 = arith.constant 2 : i32
      %dma_start3A_498 = arith.constant 0 : i32
      %dma_start3A_499 = arith.constant 0 : i32
      %dma_start3A_500 = tpu.memref_slice %arg8[%dma_start3A_496, %dma_start3A_498, %dma_start3A_499] : memref<8x40x128xf32, #tpu.memory_space<vmem>> -> memref<1x40x128xf32, #tpu.memory_space<vmem>>
      %dma_start3A_501 = tpu.memref_squeeze %dma_start3A_500 : memref<1x40x128xf32, #tpu.memory_space<vmem>> -> memref<40x128xf32, #tpu.memory_space<vmem>>
      %dma_start3A_502 = arith.constant 0 : i32
      %dma_start3A_503 = tpu.memref_slice %arg7[%rem3A_426, %dma_start3A_497, %dma_start3A_502] : memref<2x8x40xi32, #tpu.memory_space<vmem>> -> memref<1x1x40xi32, #tpu.memory_space<vmem>>
      %dma_start3A_504 = tpu.memref_squeeze %dma_start3A_503 : memref<1x1x40xi32, #tpu.memory_space<vmem>> -> memref<40xi32, #tpu.memory_space<vmem>>
      %dma_start3A_505 = arith.constant 0 : i32
      %dma_start3A_506 = arith.constant 0 : i32
      %dma_start3A_507 = tpu.memref_slice %arg9[%dma_start3A_505, %dma_start3A_506] : memref<10240x128xf32, #tpu.memory_space<vmem_shared>> -> memref<10240x128xf32, #tpu.memory_space<vmem_shared>>
      tpu.enqueue_indirect_dma source(%dma_start3A_501 : memref<40x128xf32, #tpu.memory_space<vmem>>) target(%dma_start3A_507 : memref<10240x128xf32, #tpu.memory_space<vmem_shared>>) offsets(%dma_start3A_504 : memref<40xi32, #tpu.memory_space<vmem>>) semaphore(%arg20 : memref<!tpu.dma_semaphore, #tpu.memory_space<semaphore_mem>>) {add = true}
      %dma_wait3A_508 = arith.constant 3 : i32
      %dma_wait3A_509 = arith.constant 0 : i32
      %dma_wait3A_510 = arith.constant 0 : i32
      %dma_wait3A_511 = tpu.memref_slice %arg8[%dma_wait3A_508, %dma_wait3A_509, %dma_wait3A_510] : memref<8x40x128xf32, #tpu.memory_space<vmem>> -> memref<1x40x128xf32, #tpu.memory_space<vmem>>
      %dma_wait3A_512 = tpu.memref_squeeze %dma_wait3A_511 : memref<1x40x128xf32, #tpu.memory_space<vmem>> -> memref<40x128xf32, #tpu.memory_space<vmem>>
      %dma_wait3A_513 = arith.constant 0 : i32
      %dma_wait3A_514 = arith.constant 0 : i32
      %dma_wait3A_515 = tpu.memref_slice %arg2[%dma_wait3A_513, %dma_wait3A_514] : memref<10000x128xf32, #tpu.memory_space<hbm>> -> memref<40x128xf32, #tpu.memory_space<hbm>>
      %dma_wait3A_516 = arith.constant 0 : i32
      %dma_wait3A_517 = arith.constant 0 : i32
      %dma_wait3A_518 = tpu.memref_slice %arg8[%dma_wait3A_508, %dma_wait3A_516, %dma_wait3A_517] : memref<8x40x128xf32, #tpu.memory_space<vmem>> -> memref<1x40x128xf32, #tpu.memory_space<vmem>>
      %dma_wait3A_519 = tpu.memref_squeeze %dma_wait3A_518 : memref<1x40x128xf32, #tpu.memory_space<vmem>> -> memref<40x128xf32, #tpu.memory_space<vmem>>
      %dma_wait3A_520 = arith.constant 0 : i32
      %dma_wait3A_521 = arith.constant 0 : i32
      %dma_wait3A_522 = tpu.memref_slice %arg2[%dma_wait3A_520, %dma_wait3A_521] : memref<10000x128xf32, #tpu.memory_space<hbm>> -> memref<40x128xf32, #tpu.memory_space<hbm>>
      tpu.wait_dma2 semaphore(%arg13 : memref<!tpu.dma_semaphore, #tpu.memory_space<semaphore_mem>>) src(%dma_wait3A_522 : memref<40x128xf32, #tpu.memory_space<hbm>>) dst(%dma_wait3A_519 : memref<40x128xf32, #tpu.memory_space<vmem>>)
      %dma_start3A_523 = arith.constant 3 : i32
      %dma_start3A_524 = arith.constant 3 : i32
      %dma_start3A_525 = arith.constant 0 : i32
      %dma_start3A_526 = arith.constant 0 : i32
      %dma_start3A_527 = tpu.memref_slice %arg8[%dma_start3A_523, %dma_start3A_525, %dma_start3A_526] : memref<8x40x128xf32, #tpu.memory_space<vmem>> -> memref<1x40x128xf32, #tpu.memory_space<vmem>>
      %dma_start3A_528 = tpu.memref_squeeze %dma_start3A_527 : memref<1x40x128xf32, #tpu.memory_space<vmem>> -> memref<40x128xf32, #tpu.memory_space<vmem>>
      %dma_start3A_529 = arith.constant 0 : i32
      %dma_start3A_530 = tpu.memref_slice %arg7[%rem3A_426, %dma_start3A_524, %dma_start3A_529] : memref<2x8x40xi32, #tpu.memory_space<vmem>> -> memref<1x1x40xi32, #tpu.memory_space<vmem>>
      %dma_start3A_531 = tpu.memref_squeeze %dma_start3A_530 : memref<1x1x40xi32, #tpu.memory_space<vmem>> -> memref<40xi32, #tpu.memory_space<vmem>>
      %dma_start3A_532 = arith.constant 0 : i32
      %dma_start3A_533 = arith.constant 0 : i32
      %dma_start3A_534 = tpu.memref_slice %arg9[%dma_start3A_532, %dma_start3A_533] : memref<10240x128xf32, #tpu.memory_space<vmem_shared>> -> memref<10240x128xf32, #tpu.memory_space<vmem_shared>>
      tpu.enqueue_indirect_dma source(%dma_start3A_528 : memref<40x128xf32, #tpu.memory_space<vmem>>) target(%dma_start3A_534 : memref<10240x128xf32, #tpu.memory_space<vmem_shared>>) offsets(%dma_start3A_531 : memref<40xi32, #tpu.memory_space<vmem>>) semaphore(%arg21 : memref<!tpu.dma_semaphore, #tpu.memory_space<semaphore_mem>>) {add = true}
      %dma_wait3A_535 = arith.constant 4 : i32
      %dma_wait3A_536 = arith.constant 0 : i32
      %dma_wait3A_537 = arith.constant 0 : i32
      %dma_wait3A_538 = tpu.memref_slice %arg8[%dma_wait3A_535, %dma_wait3A_536, %dma_wait3A_537] : memref<8x40x128xf32, #tpu.memory_space<vmem>> -> memref<1x40x128xf32, #tpu.memory_space<vmem>>
      %dma_wait3A_539 = tpu.memref_squeeze %dma_wait3A_538 : memref<1x40x128xf32, #tpu.memory_space<vmem>> -> memref<40x128xf32, #tpu.memory_space<vmem>>
      %dma_wait3A_540 = arith.constant 0 : i32
      %dma_wait3A_541 = arith.constant 0 : i32
      %dma_wait3A_542 = tpu.memref_slice %arg2[%dma_wait3A_540, %dma_wait3A_541] : memref<10000x128xf32, #tpu.memory_space<hbm>> -> memref<40x128xf32, #tpu.memory_space<hbm>>
      %dma_wait3A_543 = arith.constant 0 : i32
      %dma_wait3A_544 = arith.constant 0 : i32
      %dma_wait3A_545 = tpu.memref_slice %arg8[%dma_wait3A_535, %dma_wait3A_543, %dma_wait3A_544] : memref<8x40x128xf32, #tpu.memory_space<vmem>> -> memref<1x40x128xf32, #tpu.memory_space<vmem>>
      %dma_wait3A_546 = tpu.memref_squeeze %dma_wait3A_545 : memref<1x40x128xf32, #tpu.memory_space<vmem>> -> memref<40x128xf32, #tpu.memory_space<vmem>>
      %dma_wait3A_547 = arith.constant 0 : i32
      %dma_wait3A_548 = arith.constant 0 : i32
      %dma_wait3A_549 = tpu.memref_slice %arg2[%dma_wait3A_547, %dma_wait3A_548] : memref<10000x128xf32, #tpu.memory_space<hbm>> -> memref<40x128xf32, #tpu.memory_space<hbm>>
      tpu.wait_dma2 semaphore(%arg14 : memref<!tpu.dma_semaphore, #tpu.memory_space<semaphore_mem>>) src(%dma_wait3A_549 : memref<40x128xf32, #tpu.memory_space<hbm>>) dst(%dma_wait3A_546 : memref<40x128xf32, #tpu.memory_space<vmem>>)
      %dma_start3A_550 = arith.constant 4 : i32
      %dma_start3A_551 = arith.constant 4 : i32
      %dma_start3A_552 = arith.constant 0 : i32
      %dma_start3A_553 = arith.constant 0 : i32
      %dma_start3A_554 = tpu.memref_slice %arg8[%dma_start3A_550, %dma_start3A_552, %dma_start3A_553] : memref<8x40x128xf32, #tpu.memory_space<vmem>> -> memref<1x40x128xf32, #tpu.memory_space<vmem>>
      %dma_start3A_555 = tpu.memref_squeeze %dma_start3A_554 : memref<1x40x128xf32, #tpu.memory_space<vmem>> -> memref<40x128xf32, #tpu.memory_space<vmem>>
      %dma_start3A_556 = arith.constant 0 : i32
      %dma_start3A_557 = tpu.memref_slice %arg7[%rem3A_426, %dma_start3A_551, %dma_start3A_556] : memref<2x8x40xi32, #tpu.memory_space<vmem>> -> memref<1x1x40xi32, #tpu.memory_space<vmem>>
      %dma_start3A_558 = tpu.memref_squeeze %dma_start3A_557 : memref<1x1x40xi32, #tpu.memory_space<vmem>> -> memref<40xi32, #tpu.memory_space<vmem>>
      %dma_start3A_559 = arith.constant 0 : i32
      %dma_start3A_560 = arith.constant 0 : i32
      %dma_start3A_561 = tpu.memref_slice %arg9[%dma_start3A_559, %dma_start3A_560] : memref<10240x128xf32, #tpu.memory_space<vmem_shared>> -> memref<10240x128xf32, #tpu.memory_space<vmem_shared>>
      tpu.enqueue_indirect_dma source(%dma_start3A_555 : memref<40x128xf32, #tpu.memory_space<vmem>>) target(%dma_start3A_561 : memref<10240x128xf32, #tpu.memory_space<vmem_shared>>) offsets(%dma_start3A_558 : memref<40xi32, #tpu.memory_space<vmem>>) semaphore(%arg22 : memref<!tpu.dma_semaphore, #tpu.memory_space<semaphore_mem>>) {add = true}
      %dma_wait3A_562 = arith.constant 5 : i32
      %dma_wait3A_563 = arith.constant 0 : i32
      %dma_wait3A_564 = arith.constant 0 : i32
      %dma_wait3A_565 = tpu.memref_slice %arg8[%dma_wait3A_562, %dma_wait3A_563, %dma_wait3A_564] : memref<8x40x128xf32, #tpu.memory_space<vmem>> -> memref<1x40x128xf32, #tpu.memory_space<vmem>>
      %dma_wait3A_566 = tpu.memref_squeeze %dma_wait3A_565 : memref<1x40x128xf32, #tpu.memory_space<vmem>> -> memref<40x128xf32, #tpu.memory_space<vmem>>
      %dma_wait3A_567 = arith.constant 0 : i32
      %dma_wait3A_568 = arith.constant 0 : i32
      %dma_wait3A_569 = tpu.memref_slice %arg2[%dma_wait3A_567, %dma_wait3A_568] : memref<10000x128xf32, #tpu.memory_space<hbm>> -> memref<40x128xf32, #tpu.memory_space<hbm>>
      %dma_wait3A_570 = arith.constant 0 : i32
      %dma_wait3A_571 = arith.constant 0 : i32
      %dma_wait3A_572 = tpu.memref_slice %arg8[%dma_wait3A_562, %dma_wait3A_570, %dma_wait3A_571] : memref<8x40x128xf32, #tpu.memory_space<vmem>> -> memref<1x40x128xf32, #tpu.memory_space<vmem>>
      %dma_wait3A_573 = tpu.memref_squeeze %dma_wait3A_572 : memref<1x40x128xf32, #tpu.memory_space<vmem>> -> memref<40x128xf32, #tpu.memory_space<vmem>>
      %dma_wait3A_574 = arith.constant 0 : i32
      %dma_wait3A_575 = arith.constant 0 : i32
      %dma_wait3A_576 = tpu.memref_slice %arg2[%dma_wait3A_574, %dma_wait3A_575] : memref<10000x128xf32, #tpu.memory_space<hbm>> -> memref<40x128xf32, #tpu.memory_space<hbm>>
      tpu.wait_dma2 semaphore(%arg15 : memref<!tpu.dma_semaphore, #tpu.memory_space<semaphore_mem>>) src(%dma_wait3A_576 : memref<40x128xf32, #tpu.memory_space<hbm>>) dst(%dma_wait3A_573 : memref<40x128xf32, #tpu.memory_space<vmem>>)
      %dma_start3A_577 = arith.constant 5 : i32
      %dma_start3A_578 = arith.constant 5 : i32
      %dma_start3A_579 = arith.constant 0 : i32
      %dma_start3A_580 = arith.constant 0 : i32
      %dma_start3A_581 = tpu.memref_slice %arg8[%dma_start3A_577, %dma_start3A_579, %dma_start3A_580] : memref<8x40x128xf32, #tpu.memory_space<vmem>> -> memref<1x40x128xf32, #tpu.memory_space<vmem>>
      %dma_start3A_582 = tpu.memref_squeeze %dma_start3A_581 : memref<1x40x128xf32, #tpu.memory_space<vmem>> -> memref<40x128xf32, #tpu.memory_space<vmem>>
      %dma_start3A_583 = arith.constant 0 : i32
      %dma_start3A_584 = tpu.memref_slice %arg7[%rem3A_426, %dma_start3A_578, %dma_start3A_583] : memref<2x8x40xi32, #tpu.memory_space<vmem>> -> memref<1x1x40xi32, #tpu.memory_space<vmem>>
      %dma_start3A_585 = tpu.memref_squeeze %dma_start3A_584 : memref<1x1x40xi32, #tpu.memory_space<vmem>> -> memref<40xi32, #tpu.memory_space<vmem>>
      %dma_start3A_586 = arith.constant 0 : i32
      %dma_start3A_587 = arith.constant 0 : i32
      %dma_start3A_588 = tpu.memref_slice %arg9[%dma_start3A_586, %dma_start3A_587] : memref<10240x128xf32, #tpu.memory_space<vmem_shared>> -> memref<10240x128xf32, #tpu.memory_space<vmem_shared>>
      tpu.enqueue_indirect_dma source(%dma_start3A_582 : memref<40x128xf32, #tpu.memory_space<vmem>>) target(%dma_start3A_588 : memref<10240x128xf32, #tpu.memory_space<vmem_shared>>) offsets(%dma_start3A_585 : memref<40xi32, #tpu.memory_space<vmem>>) semaphore(%arg23 : memref<!tpu.dma_semaphore, #tpu.memory_space<semaphore_mem>>) {add = true}
      %dma_wait3A_589 = arith.constant 6 : i32
      %dma_wait3A_590 = arith.constant 0 : i32
      %dma_wait3A_591 = arith.constant 0 : i32
      %dma_wait3A_592 = tpu.memref_slice %arg8[%dma_wait3A_589, %dma_wait3A_590, %dma_wait3A_591] : memref<8x40x128xf32, #tpu.memory_space<vmem>> -> memref<1x40x128xf32, #tpu.memory_space<vmem>>
      %dma_wait3A_593 = tpu.memref_squeeze %dma_wait3A_592 : memref<1x40x128xf32, #tpu.memory_space<vmem>> -> memref<40x128xf32, #tpu.memory_space<vmem>>
      %dma_wait3A_594 = arith.constant 0 : i32
      %dma_wait3A_595 = arith.constant 0 : i32
      %dma_wait3A_596 = tpu.memref_slice %arg2[%dma_wait3A_594, %dma_wait3A_595] : memref<10000x128xf32, #tpu.memory_space<hbm>> -> memref<40x128xf32, #tpu.memory_space<hbm>>
      %dma_wait3A_597 = arith.constant 0 : i32
      %dma_wait3A_598 = arith.constant 0 : i32
      %dma_wait3A_599 = tpu.memref_slice %arg8[%dma_wait3A_589, %dma_wait3A_597, %dma_wait3A_598] : memref<8x40x128xf32, #tpu.memory_space<vmem>> -> memref<1x40x128xf32, #tpu.memory_space<vmem>>
      %dma_wait3A_600 = tpu.memref_squeeze %dma_wait3A_599 : memref<1x40x128xf32, #tpu.memory_space<vmem>> -> memref<40x128xf32, #tpu.memory_space<vmem>>
      %dma_wait3A_601 = arith.constant 0 : i32
      %dma_wait3A_602 = arith.constant 0 : i32
      %dma_wait3A_603 = tpu.memref_slice %arg2[%dma_wait3A_601, %dma_wait3A_602] : memref<10000x128xf32, #tpu.memory_space<hbm>> -> memref<40x128xf32, #tpu.memory_space<hbm>>
      tpu.wait_dma2 semaphore(%arg16 : memref<!tpu.dma_semaphore, #tpu.memory_space<semaphore_mem>>) src(%dma_wait3A_603 : memref<40x128xf32, #tpu.memory_space<hbm>>) dst(%dma_wait3A_600 : memref<40x128xf32, #tpu.memory_space<vmem>>)
      %dma_start3A_604 = arith.constant 6 : i32
      %dma_start3A_605 = arith.constant 6 : i32
      %dma_start3A_606 = arith.constant 0 : i32
      %dma_start3A_607 = arith.constant 0 : i32
      %dma_start3A_608 = tpu.memref_slice %arg8[%dma_start3A_604, %dma_start3A_606, %dma_start3A_607] : memref<8x40x128xf32, #tpu.memory_space<vmem>> -> memref<1x40x128xf32, #tpu.memory_space<vmem>>
      %dma_start3A_609 = tpu.memref_squeeze %dma_start3A_608 : memref<1x40x128xf32, #tpu.memory_space<vmem>> -> memref<40x128xf32, #tpu.memory_space<vmem>>
      %dma_start3A_610 = arith.constant 0 : i32
      %dma_start3A_611 = tpu.memref_slice %arg7[%rem3A_426, %dma_start3A_605, %dma_start3A_610] : memref<2x8x40xi32, #tpu.memory_space<vmem>> -> memref<1x1x40xi32, #tpu.memory_space<vmem>>
      %dma_start3A_612 = tpu.memref_squeeze %dma_start3A_611 : memref<1x1x40xi32, #tpu.memory_space<vmem>> -> memref<40xi32, #tpu.memory_space<vmem>>
      %dma_start3A_613 = arith.constant 0 : i32
      %dma_start3A_614 = arith.constant 0 : i32
      %dma_start3A_615 = tpu.memref_slice %arg9[%dma_start3A_613, %dma_start3A_614] : memref<10240x128xf32, #tpu.memory_space<vmem_shared>> -> memref<10240x128xf32, #tpu.memory_space<vmem_shared>>
      tpu.enqueue_indirect_dma source(%dma_start3A_609 : memref<40x128xf32, #tpu.memory_space<vmem>>) target(%dma_start3A_615 : memref<10240x128xf32, #tpu.memory_space<vmem_shared>>) offsets(%dma_start3A_612 : memref<40xi32, #tpu.memory_space<vmem>>) semaphore(%arg24 : memref<!tpu.dma_semaphore, #tpu.memory_space<semaphore_mem>>) {add = true}
      %dma_wait3A_616 = arith.constant 7 : i32
      %dma_wait3A_617 = arith.constant 0 : i32
      %dma_wait3A_618 = arith.constant 0 : i32
      %dma_wait3A_619 = tpu.memref_slice %arg8[%dma_wait3A_616, %dma_wait3A_617, %dma_wait3A_618] : memref<8x40x128xf32, #tpu.memory_space<vmem>> -> memref<1x40x128xf32, #tpu.memory_space<vmem>>
      %dma_wait3A_620 = tpu.memref_squeeze %dma_wait3A_619 : memref<1x40x128xf32, #tpu.memory_space<vmem>> -> memref<40x128xf32, #tpu.memory_space<vmem>>
      %dma_wait3A_621 = arith.constant 0 : i32
      %dma_wait3A_622 = arith.constant 0 : i32
      %dma_wait3A_623 = tpu.memref_slice %arg2[%dma_wait3A_621, %dma_wait3A_622] : memref<10000x128xf32, #tpu.memory_space<hbm>> -> memref<40x128xf32, #tpu.memory_space<hbm>>
      %dma_wait3A_624 = arith.constant 0 : i32
      %dma_wait3A_625 = arith.constant 0 : i32
      %dma_wait3A_626 = tpu.memref_slice %arg8[%dma_wait3A_616, %dma_wait3A_624, %dma_wait3A_625] : memref<8x40x128xf32, #tpu.memory_space<vmem>> -> memref<1x40x128xf32, #tpu.memory_space<vmem>>
      %dma_wait3A_627 = tpu.memref_squeeze %dma_wait3A_626 : memref<1x40x128xf32, #tpu.memory_space<vmem>> -> memref<40x128xf32, #tpu.memory_space<vmem>>
      %dma_wait3A_628 = arith.constant 0 : i32
      %dma_wait3A_629 = arith.constant 0 : i32
      %dma_wait3A_630 = tpu.memref_slice %arg2[%dma_wait3A_628, %dma_wait3A_629] : memref<10000x128xf32, #tpu.memory_space<hbm>> -> memref<40x128xf32, #tpu.memory_space<hbm>>
      tpu.wait_dma2 semaphore(%arg17 : memref<!tpu.dma_semaphore, #tpu.memory_space<semaphore_mem>>) src(%dma_wait3A_630 : memref<40x128xf32, #tpu.memory_space<hbm>>) dst(%dma_wait3A_627 : memref<40x128xf32, #tpu.memory_space<vmem>>)
      %dma_start3A_631 = arith.constant 7 : i32
      %dma_start3A_632 = arith.constant 7 : i32
      %dma_start3A_633 = arith.constant 0 : i32
      %dma_start3A_634 = arith.constant 0 : i32
      %dma_start3A_635 = tpu.memref_slice %arg8[%dma_start3A_631, %dma_start3A_633, %dma_start3A_634] : memref<8x40x128xf32, #tpu.memory_space<vmem>> -> memref<1x40x128xf32, #tpu.memory_space<vmem>>
      %dma_start3A_636 = tpu.memref_squeeze %dma_start3A_635 : memref<1x40x128xf32, #tpu.memory_space<vmem>> -> memref<40x128xf32, #tpu.memory_space<vmem>>
      %dma_start3A_637 = arith.constant 0 : i32
      %dma_start3A_638 = tpu.memref_slice %arg7[%rem3A_426, %dma_start3A_632, %dma_start3A_637] : memref<2x8x40xi32, #tpu.memory_space<vmem>> -> memref<1x1x40xi32, #tpu.memory_space<vmem>>
      %dma_start3A_639 = tpu.memref_squeeze %dma_start3A_638 : memref<1x1x40xi32, #tpu.memory_space<vmem>> -> memref<40xi32, #tpu.memory_space<vmem>>
      %dma_start3A_640 = arith.constant 0 : i32
      %dma_start3A_641 = arith.constant 0 : i32
      %dma_start3A_642 = tpu.memref_slice %arg9[%dma_start3A_640, %dma_start3A_641] : memref<10240x128xf32, #tpu.memory_space<vmem_shared>> -> memref<10240x128xf32, #tpu.memory_space<vmem_shared>>
      tpu.enqueue_indirect_dma source(%dma_start3A_636 : memref<40x128xf32, #tpu.memory_space<vmem>>) target(%dma_start3A_642 : memref<10240x128xf32, #tpu.memory_space<vmem_shared>>) offsets(%dma_start3A_639 : memref<40xi32, #tpu.memory_space<vmem>>) semaphore(%arg25 : memref<!tpu.dma_semaphore, #tpu.memory_space<semaphore_mem>>) {add = true}
      %lt3A = arith.constant 30 : i32
      %lt3A_643 = arith.cmpi slt, %scan3A_424, %lt3A : i32
      %convert_element_type3A = arith.extui %lt3A_643 : i1 to i32
      %cond3A = arith.constant 0 : i32
      %cond3A_644 = arith.cmpi ne, %convert_element_type3A, %cond3A : i32
      scf.if %cond3A_644 {
        %sub3A = arith.constant 1 : i32
        %sub3A_646 = arith.subi %sub3A, %rem3A_426 : i32
        %dma_wait3A_647 = arith.constant 0 : i32
        %dma_wait3A_648 = arith.constant 0 : i32
        %dma_wait3A_649 = arith.constant 0 : i32
        %dma_wait3A_650 = arith.constant 0 : i32
        %dma_wait3A_651 = tpu.memref_slice %arg6[%sub3A_646, %dma_wait3A_649, %dma_wait3A_650] : memref<2x8x40xi32, #tpu.memory_space<vmem>> -> memref<1x8x40xi32, #tpu.memory_space<vmem>>
        %dma_wait3A_652 = tpu.memref_squeeze %dma_wait3A_651 : memref<1x8x40xi32, #tpu.memory_space<vmem>> -> memref<8x40xi32, #tpu.memory_space<vmem>>
        %dma_wait3A_653 = arith.constant 0 : i32
        %dma_wait3A_654 = arith.constant 0 : i32
        %dma_wait3A_655 = tpu.memref_slice %arg3[%dma_wait3A_647, %add3A, %dma_wait3A_648, %dma_wait3A_653, %dma_wait3A_654] : memref<2x32x31x8x40xi32, #tpu.memory_space<hbm>> -> memref<1x1x1x8x40xi32, #tpu.memory_space<hbm>>
        %dma_wait3A_656 = tpu.memref_squeeze %dma_wait3A_655 : memref<1x1x1x8x40xi32, #tpu.memory_space<hbm>> -> memref<8x40xi32, #tpu.memory_space<hbm>>
        %dma_wait3A_657 = arith.constant 0 : i32
        %dma_wait3A_658 = arith.constant 0 : i32
        %dma_wait3A_659 = tpu.memref_slice %arg6[%sub3A_646, %dma_wait3A_657, %dma_wait3A_658] : memref<2x8x40xi32, #tpu.memory_space<vmem>> -> memref<1x8x40xi32, #tpu.memory_space<vmem>>
        %dma_wait3A_660 = tpu.memref_squeeze %dma_wait3A_659 : memref<1x8x40xi32, #tpu.memory_space<vmem>> -> memref<8x40xi32, #tpu.memory_space<vmem>>
        %dma_wait3A_661 = arith.constant 0 : i32
        %dma_wait3A_662 = arith.constant 0 : i32
        %dma_wait3A_663 = tpu.memref_slice %arg3[%dma_wait3A_647, %add3A, %dma_wait3A_648, %dma_wait3A_661, %dma_wait3A_662] : memref<2x32x31x8x40xi32, #tpu.memory_space<hbm>> -> memref<1x1x1x8x40xi32, #tpu.memory_space<hbm>>
        %dma_wait3A_664 = tpu.memref_squeeze %dma_wait3A_663 : memref<1x1x1x8x40xi32, #tpu.memory_space<hbm>> -> memref<8x40xi32, #tpu.memory_space<hbm>>
        tpu.wait_dma2 semaphore(%arg26 : memref<!tpu.dma_semaphore, #tpu.memory_space<semaphore_mem>>) src(%dma_wait3A_664 : memref<8x40xi32, #tpu.memory_space<hbm>>) dst(%dma_wait3A_660 : memref<8x40xi32, #tpu.memory_space<vmem>>)
        %dma_wait3A_665 = arith.constant 1 : i32
        %dma_wait3A_666 = arith.constant 0 : i32
        %dma_wait3A_667 = arith.constant 0 : i32
        %dma_wait3A_668 = arith.constant 0 : i32
        %dma_wait3A_669 = tpu.memref_slice %arg7[%sub3A_646, %dma_wait3A_667, %dma_wait3A_668] : memref<2x8x40xi32, #tpu.memory_space<vmem>> -> memref<1x8x40xi32, #tpu.memory_space<vmem>>
        %dma_wait3A_670 = tpu.memref_squeeze %dma_wait3A_669 : memref<1x8x40xi32, #tpu.memory_space<vmem>> -> memref<8x40xi32, #tpu.memory_space<vmem>>
        %dma_wait3A_671 = arith.constant 0 : i32
        %dma_wait3A_672 = arith.constant 0 : i32
        %dma_wait3A_673 = tpu.memref_slice %arg3[%dma_wait3A_665, %add3A, %dma_wait3A_666, %dma_wait3A_671, %dma_wait3A_672] : memref<2x32x31x8x40xi32, #tpu.memory_space<hbm>> -> memref<1x1x1x8x40xi32, #tpu.memory_space<hbm>>
        %dma_wait3A_674 = tpu.memref_squeeze %dma_wait3A_673 : memref<1x1x1x8x40xi32, #tpu.memory_space<hbm>> -> memref<8x40xi32, #tpu.memory_space<hbm>>
        %dma_wait3A_675 = arith.constant 0 : i32
        %dma_wait3A_676 = arith.constant 0 : i32
        %dma_wait3A_677 = tpu.memref_slice %arg7[%sub3A_646, %dma_wait3A_675, %dma_wait3A_676] : memref<2x8x40xi32, #tpu.memory_space<vmem>> -> memref<1x8x40xi32, #tpu.memory_space<vmem>>
        %dma_wait3A_678 = tpu.memref_squeeze %dma_wait3A_677 : memref<1x8x40xi32, #tpu.memory_space<vmem>> -> memref<8x40xi32, #tpu.memory_space<vmem>>
        %dma_wait3A_679 = arith.constant 0 : i32
        %dma_wait3A_680 = arith.constant 0 : i32
        %dma_wait3A_681 = tpu.memref_slice %arg3[%dma_wait3A_665, %add3A, %dma_wait3A_666, %dma_wait3A_679, %dma_wait3A_680] : memref<2x32x31x8x40xi32, #tpu.memory_space<hbm>> -> memref<1x1x1x8x40xi32, #tpu.memory_space<hbm>>
        %dma_wait3A_682 = tpu.memref_squeeze %dma_wait3A_681 : memref<1x1x1x8x40xi32, #tpu.memory_space<hbm>> -> memref<8x40xi32, #tpu.memory_space<hbm>>
        tpu.wait_dma2 semaphore(%arg26 : memref<!tpu.dma_semaphore, #tpu.memory_space<semaphore_mem>>) src(%dma_wait3A_682 : memref<8x40xi32, #tpu.memory_space<hbm>>) dst(%dma_wait3A_678 : memref<8x40xi32, #tpu.memory_space<vmem>>)
        %dma_wait3A_683 = arith.constant 0 : i32
        %dma_wait3A_684 = arith.constant 0 : i32
        %dma_wait3A_685 = arith.constant 0 : i32
        %dma_wait3A_686 = tpu.memref_slice %arg8[%dma_wait3A_683, %dma_wait3A_684, %dma_wait3A_685] : memref<8x40x128xf32, #tpu.memory_space<vmem>> -> memref<1x40x128xf32, #tpu.memory_space<vmem>>
        %dma_wait3A_687 = tpu.memref_squeeze %dma_wait3A_686 : memref<1x40x128xf32, #tpu.memory_space<vmem>> -> memref<40x128xf32, #tpu.memory_space<vmem>>
        %dma_wait3A_688 = arith.constant 0 : i32
        %dma_wait3A_689 = arith.constant 0 : i32
        %dma_wait3A_690 = tpu.memref_slice %arg9[%dma_wait3A_688, %dma_wait3A_689] : memref<10240x128xf32, #tpu.memory_space<vmem_shared>> -> memref<40x128xf32, #tpu.memory_space<vmem_shared>>
        %dma_wait3A_691 = arith.constant 0 : i32
        %dma_wait3A_692 = arith.constant 0 : i32
        %dma_wait3A_693 = tpu.memref_slice %arg9[%dma_wait3A_691, %dma_wait3A_692] : memref<10240x128xf32, #tpu.memory_space<vmem_shared>> -> memref<40x128xf32, #tpu.memory_space<vmem_shared>>
        %dma_wait3A_694 = arith.constant 0 : i32
        %dma_wait3A_695 = arith.constant 0 : i32
        %dma_wait3A_696 = tpu.memref_slice %arg8[%dma_wait3A_683, %dma_wait3A_694, %dma_wait3A_695] : memref<8x40x128xf32, #tpu.memory_space<vmem>> -> memref<1x40x128xf32, #tpu.memory_space<vmem>>
        %dma_wait3A_697 = tpu.memref_squeeze %dma_wait3A_696 : memref<1x40x128xf32, #tpu.memory_space<vmem>> -> memref<40x128xf32, #tpu.memory_space<vmem>>
        tpu.wait_dma2 semaphore(%arg18 : memref<!tpu.dma_semaphore, #tpu.memory_space<semaphore_mem>>) src(%dma_wait3A_697 : memref<40x128xf32, #tpu.memory_space<vmem>>) dst(%dma_wait3A_693 : memref<40x128xf32, #tpu.memory_space<vmem_shared>>)
        %dma_start3A_698 = arith.constant 0 : i32
        %dma_start3A_699 = arith.constant 0 : i32
        %dma_start3A_700 = arith.constant 0 : i32
        %dma_start3A_701 = arith.constant 0 : i32
        %dma_start3A_702 = tpu.memref_slice %arg8[%dma_start3A_699, %dma_start3A_700, %dma_start3A_701] : memref<8x40x128xf32, #tpu.memory_space<vmem>> -> memref<1x40x128xf32, #tpu.memory_space<vmem>>
        %dma_start3A_703 = tpu.memref_squeeze %dma_start3A_702 : memref<1x40x128xf32, #tpu.memory_space<vmem>> -> memref<40x128xf32, #tpu.memory_space<vmem>>
        %dma_start3A_704 = arith.constant 0 : i32
        %dma_start3A_705 = tpu.memref_slice %arg6[%sub3A_646, %dma_start3A_698, %dma_start3A_704] : memref<2x8x40xi32, #tpu.memory_space<vmem>> -> memref<1x1x40xi32, #tpu.memory_space<vmem>>
        %dma_start3A_706 = tpu.memref_squeeze %dma_start3A_705 : memref<1x1x40xi32, #tpu.memory_space<vmem>> -> memref<40xi32, #tpu.memory_space<vmem>>
        %dma_start3A_707 = arith.constant 0 : i32
        %dma_start3A_708 = arith.constant 0 : i32
        %dma_start3A_709 = tpu.memref_slice %arg2[%dma_start3A_707, %dma_start3A_708] : memref<10000x128xf32, #tpu.memory_space<hbm>> -> memref<10000x128xf32, #tpu.memory_space<hbm>>
        tpu.enqueue_indirect_dma source(%dma_start3A_709 : memref<10000x128xf32, #tpu.memory_space<hbm>>) target(%dma_start3A_703 : memref<40x128xf32, #tpu.memory_space<vmem>>) offsets(%dma_start3A_706 : memref<40xi32, #tpu.memory_space<vmem>>) semaphore(%arg10 : memref<!tpu.dma_semaphore, #tpu.memory_space<semaphore_mem>>)
        %dma_wait3A_710 = arith.constant 1 : i32
        %dma_wait3A_711 = arith.constant 0 : i32
        %dma_wait3A_712 = arith.constant 0 : i32
        %dma_wait3A_713 = tpu.memref_slice %arg8[%dma_wait3A_710, %dma_wait3A_711, %dma_wait3A_712] : memref<8x40x128xf32, #tpu.memory_space<vmem>> -> memref<1x40x128xf32, #tpu.memory_space<vmem>>
        %dma_wait3A_714 = tpu.memref_squeeze %dma_wait3A_713 : memref<1x40x128xf32, #tpu.memory_space<vmem>> -> memref<40x128xf32, #tpu.memory_space<vmem>>
        %dma_wait3A_715 = arith.constant 0 : i32
        %dma_wait3A_716 = arith.constant 0 : i32
        %dma_wait3A_717 = tpu.memref_slice %arg9[%dma_wait3A_715, %dma_wait3A_716] : memref<10240x128xf32, #tpu.memory_space<vmem_shared>> -> memref<40x128xf32, #tpu.memory_space<vmem_shared>>
        %dma_wait3A_718 = arith.constant 0 : i32
        %dma_wait3A_719 = arith.constant 0 : i32
        %dma_wait3A_720 = tpu.memref_slice %arg9[%dma_wait3A_718, %dma_wait3A_719] : memref<10240x128xf32, #tpu.memory_space<vmem_shared>> -> memref<40x128xf32, #tpu.memory_space<vmem_shared>>
        %dma_wait3A_721 = arith.constant 0 : i32
        %dma_wait3A_722 = arith.constant 0 : i32
        %dma_wait3A_723 = tpu.memref_slice %arg8[%dma_wait3A_710, %dma_wait3A_721, %dma_wait3A_722] : memref<8x40x128xf32, #tpu.memory_space<vmem>> -> memref<1x40x128xf32, #tpu.memory_space<vmem>>
        %dma_wait3A_724 = tpu.memref_squeeze %dma_wait3A_723 : memref<1x40x128xf32, #tpu.memory_space<vmem>> -> memref<40x128xf32, #tpu.memory_space<vmem>>
        tpu.wait_dma2 semaphore(%arg19 : memref<!tpu.dma_semaphore, #tpu.memory_space<semaphore_mem>>) src(%dma_wait3A_724 : memref<40x128xf32, #tpu.memory_space<vmem>>) dst(%dma_wait3A_720 : memref<40x128xf32, #tpu.memory_space<vmem_shared>>)
        %dma_start3A_725 = arith.constant 1 : i32
        %dma_start3A_726 = arith.constant 1 : i32
        %dma_start3A_727 = arith.constant 0 : i32
        %dma_start3A_728 = arith.constant 0 : i32
        %dma_start3A_729 = tpu.memref_slice %arg8[%dma_start3A_726, %dma_start3A_727, %dma_start3A_728] : memref<8x40x128xf32, #tpu.memory_space<vmem>> -> memref<1x40x128xf32, #tpu.memory_space<vmem>>
        %dma_start3A_730 = tpu.memref_squeeze %dma_start3A_729 : memref<1x40x128xf32, #tpu.memory_space<vmem>> -> memref<40x128xf32, #tpu.memory_space<vmem>>
        %dma_start3A_731 = arith.constant 0 : i32
        %dma_start3A_732 = tpu.memref_slice %arg6[%sub3A_646, %dma_start3A_725, %dma_start3A_731] : memref<2x8x40xi32, #tpu.memory_space<vmem>> -> memref<1x1x40xi32, #tpu.memory_space<vmem>>
        %dma_start3A_733 = tpu.memref_squeeze %dma_start3A_732 : memref<1x1x40xi32, #tpu.memory_space<vmem>> -> memref<40xi32, #tpu.memory_space<vmem>>
        %dma_start3A_734 = arith.constant 0 : i32
        %dma_start3A_735 = arith.constant 0 : i32
        %dma_start3A_736 = tpu.memref_slice %arg2[%dma_start3A_734, %dma_start3A_735] : memref<10000x128xf32, #tpu.memory_space<hbm>> -> memref<10000x128xf32, #tpu.memory_space<hbm>>
        tpu.enqueue_indirect_dma source(%dma_start3A_736 : memref<10000x128xf32, #tpu.memory_space<hbm>>) target(%dma_start3A_730 : memref<40x128xf32, #tpu.memory_space<vmem>>) offsets(%dma_start3A_733 : memref<40xi32, #tpu.memory_space<vmem>>) semaphore(%arg11 : memref<!tpu.dma_semaphore, #tpu.memory_space<semaphore_mem>>)
        %dma_wait3A_737 = arith.constant 2 : i32
        %dma_wait3A_738 = arith.constant 0 : i32
        %dma_wait3A_739 = arith.constant 0 : i32
        %dma_wait3A_740 = tpu.memref_slice %arg8[%dma_wait3A_737, %dma_wait3A_738, %dma_wait3A_739] : memref<8x40x128xf32, #tpu.memory_space<vmem>> -> memref<1x40x128xf32, #tpu.memory_space<vmem>>
        %dma_wait3A_741 = tpu.memref_squeeze %dma_wait3A_740 : memref<1x40x128xf32, #tpu.memory_space<vmem>> -> memref<40x128xf32, #tpu.memory_space<vmem>>
        %dma_wait3A_742 = arith.constant 0 : i32
        %dma_wait3A_743 = arith.constant 0 : i32
        %dma_wait3A_744 = tpu.memref_slice %arg9[%dma_wait3A_742, %dma_wait3A_743] : memref<10240x128xf32, #tpu.memory_space<vmem_shared>> -> memref<40x128xf32, #tpu.memory_space<vmem_shared>>
        %dma_wait3A_745 = arith.constant 0 : i32
        %dma_wait3A_746 = arith.constant 0 : i32
        %dma_wait3A_747 = tpu.memref_slice %arg9[%dma_wait3A_745, %dma_wait3A_746] : memref<10240x128xf32, #tpu.memory_space<vmem_shared>> -> memref<40x128xf32, #tpu.memory_space<vmem_shared>>
        %dma_wait3A_748 = arith.constant 0 : i32
        %dma_wait3A_749 = arith.constant 0 : i32
        %dma_wait3A_750 = tpu.memref_slice %arg8[%dma_wait3A_737, %dma_wait3A_748, %dma_wait3A_749] : memref<8x40x128xf32, #tpu.memory_space<vmem>> -> memref<1x40x128xf32, #tpu.memory_space<vmem>>
        %dma_wait3A_751 = tpu.memref_squeeze %dma_wait3A_750 : memref<1x40x128xf32, #tpu.memory_space<vmem>> -> memref<40x128xf32, #tpu.memory_space<vmem>>
        tpu.wait_dma2 semaphore(%arg20 : memref<!tpu.dma_semaphore, #tpu.memory_space<semaphore_mem>>) src(%dma_wait3A_751 : memref<40x128xf32, #tpu.memory_space<vmem>>) dst(%dma_wait3A_747 : memref<40x128xf32, #tpu.memory_space<vmem_shared>>)
        %dma_start3A_752 = arith.constant 2 : i32
        %dma_start3A_753 = arith.constant 2 : i32
        %dma_start3A_754 = arith.constant 0 : i32
        %dma_start3A_755 = arith.constant 0 : i32
        %dma_start3A_756 = tpu.memref_slice %arg8[%dma_start3A_753, %dma_start3A_754, %dma_start3A_755] : memref<8x40x128xf32, #tpu.memory_space<vmem>> -> memref<1x40x128xf32, #tpu.memory_space<vmem>>
        %dma_start3A_757 = tpu.memref_squeeze %dma_start3A_756 : memref<1x40x128xf32, #tpu.memory_space<vmem>> -> memref<40x128xf32, #tpu.memory_space<vmem>>
        %dma_start3A_758 = arith.constant 0 : i32
        %dma_start3A_759 = tpu.memref_slice %arg6[%sub3A_646, %dma_start3A_752, %dma_start3A_758] : memref<2x8x40xi32, #tpu.memory_space<vmem>> -> memref<1x1x40xi32, #tpu.memory_space<vmem>>
        %dma_start3A_760 = tpu.memref_squeeze %dma_start3A_759 : memref<1x1x40xi32, #tpu.memory_space<vmem>> -> memref<40xi32, #tpu.memory_space<vmem>>
        %dma_start3A_761 = arith.constant 0 : i32
        %dma_start3A_762 = arith.constant 0 : i32
        %dma_start3A_763 = tpu.memref_slice %arg2[%dma_start3A_761, %dma_start3A_762] : memref<10000x128xf32, #tpu.memory_space<hbm>> -> memref<10000x128xf32, #tpu.memory_space<hbm>>
        tpu.enqueue_indirect_dma source(%dma_start3A_763 : memref<10000x128xf32, #tpu.memory_space<hbm>>) target(%dma_start3A_757 : memref<40x128xf32, #tpu.memory_space<vmem>>) offsets(%dma_start3A_760 : memref<40xi32, #tpu.memory_space<vmem>>) semaphore(%arg12 : memref<!tpu.dma_semaphore, #tpu.memory_space<semaphore_mem>>)
        %dma_wait3A_764 = arith.constant 3 : i32
        %dma_wait3A_765 = arith.constant 0 : i32
        %dma_wait3A_766 = arith.constant 0 : i32
        %dma_wait3A_767 = tpu.memref_slice %arg8[%dma_wait3A_764, %dma_wait3A_765, %dma_wait3A_766] : memref<8x40x128xf32, #tpu.memory_space<vmem>> -> memref<1x40x128xf32, #tpu.memory_space<vmem>>
        %dma_wait3A_768 = tpu.memref_squeeze %dma_wait3A_767 : memref<1x40x128xf32, #tpu.memory_space<vmem>> -> memref<40x128xf32, #tpu.memory_space<vmem>>
        %dma_wait3A_769 = arith.constant 0 : i32
        %dma_wait3A_770 = arith.constant 0 : i32
        %dma_wait3A_771 = tpu.memref_slice %arg9[%dma_wait3A_769, %dma_wait3A_770] : memref<10240x128xf32, #tpu.memory_space<vmem_shared>> -> memref<40x128xf32, #tpu.memory_space<vmem_shared>>
        %dma_wait3A_772 = arith.constant 0 : i32
        %dma_wait3A_773 = arith.constant 0 : i32
        %dma_wait3A_774 = tpu.memref_slice %arg9[%dma_wait3A_772, %dma_wait3A_773] : memref<10240x128xf32, #tpu.memory_space<vmem_shared>> -> memref<40x128xf32, #tpu.memory_space<vmem_shared>>
        %dma_wait3A_775 = arith.constant 0 : i32
        %dma_wait3A_776 = arith.constant 0 : i32
        %dma_wait3A_777 = tpu.memref_slice %arg8[%dma_wait3A_764, %dma_wait3A_775, %dma_wait3A_776] : memref<8x40x128xf32, #tpu.memory_space<vmem>> -> memref<1x40x128xf32, #tpu.memory_space<vmem>>
        %dma_wait3A_778 = tpu.memref_squeeze %dma_wait3A_777 : memref<1x40x128xf32, #tpu.memory_space<vmem>> -> memref<40x128xf32, #tpu.memory_space<vmem>>
        tpu.wait_dma2 semaphore(%arg21 : memref<!tpu.dma_semaphore, #tpu.memory_space<semaphore_mem>>) src(%dma_wait3A_778 : memref<40x128xf32, #tpu.memory_space<vmem>>) dst(%dma_wait3A_774 : memref<40x128xf32, #tpu.memory_space<vmem_shared>>)
        %dma_start3A_779 = arith.constant 3 : i32
        %dma_start3A_780 = arith.constant 3 : i32
        %dma_start3A_781 = arith.constant 0 : i32
        %dma_start3A_782 = arith.constant 0 : i32
        %dma_start3A_783 = tpu.memref_slice %arg8[%dma_start3A_780, %dma_start3A_781, %dma_start3A_782] : memref<8x40x128xf32, #tpu.memory_space<vmem>> -> memref<1x40x128xf32, #tpu.memory_space<vmem>>
        %dma_start3A_784 = tpu.memref_squeeze %dma_start3A_783 : memref<1x40x128xf32, #tpu.memory_space<vmem>> -> memref<40x128xf32, #tpu.memory_space<vmem>>
        %dma_start3A_785 = arith.constant 0 : i32
        %dma_start3A_786 = tpu.memref_slice %arg6[%sub3A_646, %dma_start3A_779, %dma_start3A_785] : memref<2x8x40xi32, #tpu.memory_space<vmem>> -> memref<1x1x40xi32, #tpu.memory_space<vmem>>
        %dma_start3A_787 = tpu.memref_squeeze %dma_start3A_786 : memref<1x1x40xi32, #tpu.memory_space<vmem>> -> memref<40xi32, #tpu.memory_space<vmem>>
        %dma_start3A_788 = arith.constant 0 : i32
        %dma_start3A_789 = arith.constant 0 : i32
        %dma_start3A_790 = tpu.memref_slice %arg2[%dma_start3A_788, %dma_start3A_789] : memref<10000x128xf32, #tpu.memory_space<hbm>> -> memref<10000x128xf32, #tpu.memory_space<hbm>>
        tpu.enqueue_indirect_dma source(%dma_start3A_790 : memref<10000x128xf32, #tpu.memory_space<hbm>>) target(%dma_start3A_784 : memref<40x128xf32, #tpu.memory_space<vmem>>) offsets(%dma_start3A_787 : memref<40xi32, #tpu.memory_space<vmem>>) semaphore(%arg13 : memref<!tpu.dma_semaphore, #tpu.memory_space<semaphore_mem>>)
        %dma_wait3A_791 = arith.constant 4 : i32
        %dma_wait3A_792 = arith.constant 0 : i32
        %dma_wait3A_793 = arith.constant 0 : i32
        %dma_wait3A_794 = tpu.memref_slice %arg8[%dma_wait3A_791, %dma_wait3A_792, %dma_wait3A_793] : memref<8x40x128xf32, #tpu.memory_space<vmem>> -> memref<1x40x128xf32, #tpu.memory_space<vmem>>
        %dma_wait3A_795 = tpu.memref_squeeze %dma_wait3A_794 : memref<1x40x128xf32, #tpu.memory_space<vmem>> -> memref<40x128xf32, #tpu.memory_space<vmem>>
        %dma_wait3A_796 = arith.constant 0 : i32
        %dma_wait3A_797 = arith.constant 0 : i32
        %dma_wait3A_798 = tpu.memref_slice %arg9[%dma_wait3A_796, %dma_wait3A_797] : memref<10240x128xf32, #tpu.memory_space<vmem_shared>> -> memref<40x128xf32, #tpu.memory_space<vmem_shared>>
        %dma_wait3A_799 = arith.constant 0 : i32
        %dma_wait3A_800 = arith.constant 0 : i32
        %dma_wait3A_801 = tpu.memref_slice %arg9[%dma_wait3A_799, %dma_wait3A_800] : memref<10240x128xf32, #tpu.memory_space<vmem_shared>> -> memref<40x128xf32, #tpu.memory_space<vmem_shared>>
        %dma_wait3A_802 = arith.constant 0 : i32
        %dma_wait3A_803 = arith.constant 0 : i32
        %dma_wait3A_804 = tpu.memref_slice %arg8[%dma_wait3A_791, %dma_wait3A_802, %dma_wait3A_803] : memref<8x40x128xf32, #tpu.memory_space<vmem>> -> memref<1x40x128xf32, #tpu.memory_space<vmem>>
        %dma_wait3A_805 = tpu.memref_squeeze %dma_wait3A_804 : memref<1x40x128xf32, #tpu.memory_space<vmem>> -> memref<40x128xf32, #tpu.memory_space<vmem>>
        tpu.wait_dma2 semaphore(%arg22 : memref<!tpu.dma_semaphore, #tpu.memory_space<semaphore_mem>>) src(%dma_wait3A_805 : memref<40x128xf32, #tpu.memory_space<vmem>>) dst(%dma_wait3A_801 : memref<40x128xf32, #tpu.memory_space<vmem_shared>>)
        %dma_start3A_806 = arith.constant 4 : i32
        %dma_start3A_807 = arith.constant 4 : i32
        %dma_start3A_808 = arith.constant 0 : i32
        %dma_start3A_809 = arith.constant 0 : i32
        %dma_start3A_810 = tpu.memref_slice %arg8[%dma_start3A_807, %dma_start3A_808, %dma_start3A_809] : memref<8x40x128xf32, #tpu.memory_space<vmem>> -> memref<1x40x128xf32, #tpu.memory_space<vmem>>
        %dma_start3A_811 = tpu.memref_squeeze %dma_start3A_810 : memref<1x40x128xf32, #tpu.memory_space<vmem>> -> memref<40x128xf32, #tpu.memory_space<vmem>>
        %dma_start3A_812 = arith.constant 0 : i32
        %dma_start3A_813 = tpu.memref_slice %arg6[%sub3A_646, %dma_start3A_806, %dma_start3A_812] : memref<2x8x40xi32, #tpu.memory_space<vmem>> -> memref<1x1x40xi32, #tpu.memory_space<vmem>>
        %dma_start3A_814 = tpu.memref_squeeze %dma_start3A_813 : memref<1x1x40xi32, #tpu.memory_space<vmem>> -> memref<40xi32, #tpu.memory_space<vmem>>
        %dma_start3A_815 = arith.constant 0 : i32
        %dma_start3A_816 = arith.constant 0 : i32
        %dma_start3A_817 = tpu.memref_slice %arg2[%dma_start3A_815, %dma_start3A_816] : memref<10000x128xf32, #tpu.memory_space<hbm>> -> memref<10000x128xf32, #tpu.memory_space<hbm>>
        tpu.enqueue_indirect_dma source(%dma_start3A_817 : memref<10000x128xf32, #tpu.memory_space<hbm>>) target(%dma_start3A_811 : memref<40x128xf32, #tpu.memory_space<vmem>>) offsets(%dma_start3A_814 : memref<40xi32, #tpu.memory_space<vmem>>) semaphore(%arg14 : memref<!tpu.dma_semaphore, #tpu.memory_space<semaphore_mem>>)
        %dma_wait3A_818 = arith.constant 5 : i32
        %dma_wait3A_819 = arith.constant 0 : i32
        %dma_wait3A_820 = arith.constant 0 : i32
        %dma_wait3A_821 = tpu.memref_slice %arg8[%dma_wait3A_818, %dma_wait3A_819, %dma_wait3A_820] : memref<8x40x128xf32, #tpu.memory_space<vmem>> -> memref<1x40x128xf32, #tpu.memory_space<vmem>>
        %dma_wait3A_822 = tpu.memref_squeeze %dma_wait3A_821 : memref<1x40x128xf32, #tpu.memory_space<vmem>> -> memref<40x128xf32, #tpu.memory_space<vmem>>
        %dma_wait3A_823 = arith.constant 0 : i32
        %dma_wait3A_824 = arith.constant 0 : i32
        %dma_wait3A_825 = tpu.memref_slice %arg9[%dma_wait3A_823, %dma_wait3A_824] : memref<10240x128xf32, #tpu.memory_space<vmem_shared>> -> memref<40x128xf32, #tpu.memory_space<vmem_shared>>
        %dma_wait3A_826 = arith.constant 0 : i32
        %dma_wait3A_827 = arith.constant 0 : i32
        %dma_wait3A_828 = tpu.memref_slice %arg9[%dma_wait3A_826, %dma_wait3A_827] : memref<10240x128xf32, #tpu.memory_space<vmem_shared>> -> memref<40x128xf32, #tpu.memory_space<vmem_shared>>
        %dma_wait3A_829 = arith.constant 0 : i32
        %dma_wait3A_830 = arith.constant 0 : i32
        %dma_wait3A_831 = tpu.memref_slice %arg8[%dma_wait3A_818, %dma_wait3A_829, %dma_wait3A_830] : memref<8x40x128xf32, #tpu.memory_space<vmem>> -> memref<1x40x128xf32, #tpu.memory_space<vmem>>
        %dma_wait3A_832 = tpu.memref_squeeze %dma_wait3A_831 : memref<1x40x128xf32, #tpu.memory_space<vmem>> -> memref<40x128xf32, #tpu.memory_space<vmem>>
        tpu.wait_dma2 semaphore(%arg23 : memref<!tpu.dma_semaphore, #tpu.memory_space<semaphore_mem>>) src(%dma_wait3A_832 : memref<40x128xf32, #tpu.memory_space<vmem>>) dst(%dma_wait3A_828 : memref<40x128xf32, #tpu.memory_space<vmem_shared>>)
        %dma_start3A_833 = arith.constant 5 : i32
        %dma_start3A_834 = arith.constant 5 : i32
        %dma_start3A_835 = arith.constant 0 : i32
        %dma_start3A_836 = arith.constant 0 : i32
        %dma_start3A_837 = tpu.memref_slice %arg8[%dma_start3A_834, %dma_start3A_835, %dma_start3A_836] : memref<8x40x128xf32, #tpu.memory_space<vmem>> -> memref<1x40x128xf32, #tpu.memory_space<vmem>>
        %dma_start3A_838 = tpu.memref_squeeze %dma_start3A_837 : memref<1x40x128xf32, #tpu.memory_space<vmem>> -> memref<40x128xf32, #tpu.memory_space<vmem>>
        %dma_start3A_839 = arith.constant 0 : i32
        %dma_start3A_840 = tpu.memref_slice %arg6[%sub3A_646, %dma_start3A_833, %dma_start3A_839] : memref<2x8x40xi32, #tpu.memory_space<vmem>> -> memref<1x1x40xi32, #tpu.memory_space<vmem>>
        %dma_start3A_841 = tpu.memref_squeeze %dma_start3A_840 : memref<1x1x40xi32, #tpu.memory_space<vmem>> -> memref<40xi32, #tpu.memory_space<vmem>>
        %dma_start3A_842 = arith.constant 0 : i32
        %dma_start3A_843 = arith.constant 0 : i32
        %dma_start3A_844 = tpu.memref_slice %arg2[%dma_start3A_842, %dma_start3A_843] : memref<10000x128xf32, #tpu.memory_space<hbm>> -> memref<10000x128xf32, #tpu.memory_space<hbm>>
        tpu.enqueue_indirect_dma source(%dma_start3A_844 : memref<10000x128xf32, #tpu.memory_space<hbm>>) target(%dma_start3A_838 : memref<40x128xf32, #tpu.memory_space<vmem>>) offsets(%dma_start3A_841 : memref<40xi32, #tpu.memory_space<vmem>>) semaphore(%arg15 : memref<!tpu.dma_semaphore, #tpu.memory_space<semaphore_mem>>)
        %dma_wait3A_845 = arith.constant 6 : i32
        %dma_wait3A_846 = arith.constant 0 : i32
        %dma_wait3A_847 = arith.constant 0 : i32
        %dma_wait3A_848 = tpu.memref_slice %arg8[%dma_wait3A_845, %dma_wait3A_846, %dma_wait3A_847] : memref<8x40x128xf32, #tpu.memory_space<vmem>> -> memref<1x40x128xf32, #tpu.memory_space<vmem>>
        %dma_wait3A_849 = tpu.memref_squeeze %dma_wait3A_848 : memref<1x40x128xf32, #tpu.memory_space<vmem>> -> memref<40x128xf32, #tpu.memory_space<vmem>>
        %dma_wait3A_850 = arith.constant 0 : i32
        %dma_wait3A_851 = arith.constant 0 : i32
        %dma_wait3A_852 = tpu.memref_slice %arg9[%dma_wait3A_850, %dma_wait3A_851] : memref<10240x128xf32, #tpu.memory_space<vmem_shared>> -> memref<40x128xf32, #tpu.memory_space<vmem_shared>>
        %dma_wait3A_853 = arith.constant 0 : i32
        %dma_wait3A_854 = arith.constant 0 : i32
        %dma_wait3A_855 = tpu.memref_slice %arg9[%dma_wait3A_853, %dma_wait3A_854] : memref<10240x128xf32, #tpu.memory_space<vmem_shared>> -> memref<40x128xf32, #tpu.memory_space<vmem_shared>>
        %dma_wait3A_856 = arith.constant 0 : i32
        %dma_wait3A_857 = arith.constant 0 : i32
        %dma_wait3A_858 = tpu.memref_slice %arg8[%dma_wait3A_845, %dma_wait3A_856, %dma_wait3A_857] : memref<8x40x128xf32, #tpu.memory_space<vmem>> -> memref<1x40x128xf32, #tpu.memory_space<vmem>>
        %dma_wait3A_859 = tpu.memref_squeeze %dma_wait3A_858 : memref<1x40x128xf32, #tpu.memory_space<vmem>> -> memref<40x128xf32, #tpu.memory_space<vmem>>
        tpu.wait_dma2 semaphore(%arg24 : memref<!tpu.dma_semaphore, #tpu.memory_space<semaphore_mem>>) src(%dma_wait3A_859 : memref<40x128xf32, #tpu.memory_space<vmem>>) dst(%dma_wait3A_855 : memref<40x128xf32, #tpu.memory_space<vmem_shared>>)
        %dma_start3A_860 = arith.constant 6 : i32
        %dma_start3A_861 = arith.constant 6 : i32
        %dma_start3A_862 = arith.constant 0 : i32
        %dma_start3A_863 = arith.constant 0 : i32
        %dma_start3A_864 = tpu.memref_slice %arg8[%dma_start3A_861, %dma_start3A_862, %dma_start3A_863] : memref<8x40x128xf32, #tpu.memory_space<vmem>> -> memref<1x40x128xf32, #tpu.memory_space<vmem>>
        %dma_start3A_865 = tpu.memref_squeeze %dma_start3A_864 : memref<1x40x128xf32, #tpu.memory_space<vmem>> -> memref<40x128xf32, #tpu.memory_space<vmem>>
        %dma_start3A_866 = arith.constant 0 : i32
        %dma_start3A_867 = tpu.memref_slice %arg6[%sub3A_646, %dma_start3A_860, %dma_start3A_866] : memref<2x8x40xi32, #tpu.memory_space<vmem>> -> memref<1x1x40xi32, #tpu.memory_space<vmem>>
        %dma_start3A_868 = tpu.memref_squeeze %dma_start3A_867 : memref<1x1x40xi32, #tpu.memory_space<vmem>> -> memref<40xi32, #tpu.memory_space<vmem>>
        %dma_start3A_869 = arith.constant 0 : i32
        %dma_start3A_870 = arith.constant 0 : i32
        %dma_start3A_871 = tpu.memref_slice %arg2[%dma_start3A_869, %dma_start3A_870] : memref<10000x128xf32, #tpu.memory_space<hbm>> -> memref<10000x128xf32, #tpu.memory_space<hbm>>
        tpu.enqueue_indirect_dma source(%dma_start3A_871 : memref<10000x128xf32, #tpu.memory_space<hbm>>) target(%dma_start3A_865 : memref<40x128xf32, #tpu.memory_space<vmem>>) offsets(%dma_start3A_868 : memref<40xi32, #tpu.memory_space<vmem>>) semaphore(%arg16 : memref<!tpu.dma_semaphore, #tpu.memory_space<semaphore_mem>>)
        %dma_wait3A_872 = arith.constant 7 : i32
        %dma_wait3A_873 = arith.constant 0 : i32
        %dma_wait3A_874 = arith.constant 0 : i32
        %dma_wait3A_875 = tpu.memref_slice %arg8[%dma_wait3A_872, %dma_wait3A_873, %dma_wait3A_874] : memref<8x40x128xf32, #tpu.memory_space<vmem>> -> memref<1x40x128xf32, #tpu.memory_space<vmem>>
        %dma_wait3A_876 = tpu.memref_squeeze %dma_wait3A_875 : memref<1x40x128xf32, #tpu.memory_space<vmem>> -> memref<40x128xf32, #tpu.memory_space<vmem>>
        %dma_wait3A_877 = arith.constant 0 : i32
        %dma_wait3A_878 = arith.constant 0 : i32
        %dma_wait3A_879 = tpu.memref_slice %arg9[%dma_wait3A_877, %dma_wait3A_878] : memref<10240x128xf32, #tpu.memory_space<vmem_shared>> -> memref<40x128xf32, #tpu.memory_space<vmem_shared>>
        %dma_wait3A_880 = arith.constant 0 : i32
        %dma_wait3A_881 = arith.constant 0 : i32
        %dma_wait3A_882 = tpu.memref_slice %arg9[%dma_wait3A_880, %dma_wait3A_881] : memref<10240x128xf32, #tpu.memory_space<vmem_shared>> -> memref<40x128xf32, #tpu.memory_space<vmem_shared>>
        %dma_wait3A_883 = arith.constant 0 : i32
        %dma_wait3A_884 = arith.constant 0 : i32
        %dma_wait3A_885 = tpu.memref_slice %arg8[%dma_wait3A_872, %dma_wait3A_883, %dma_wait3A_884] : memref<8x40x128xf32, #tpu.memory_space<vmem>> -> memref<1x40x128xf32, #tpu.memory_space<vmem>>
        %dma_wait3A_886 = tpu.memref_squeeze %dma_wait3A_885 : memref<1x40x128xf32, #tpu.memory_space<vmem>> -> memref<40x128xf32, #tpu.memory_space<vmem>>
        tpu.wait_dma2 semaphore(%arg25 : memref<!tpu.dma_semaphore, #tpu.memory_space<semaphore_mem>>) src(%dma_wait3A_886 : memref<40x128xf32, #tpu.memory_space<vmem>>) dst(%dma_wait3A_882 : memref<40x128xf32, #tpu.memory_space<vmem_shared>>)
        %dma_start3A_887 = arith.constant 7 : i32
        %dma_start3A_888 = arith.constant 7 : i32
        %dma_start3A_889 = arith.constant 0 : i32
        %dma_start3A_890 = arith.constant 0 : i32
        %dma_start3A_891 = tpu.memref_slice %arg8[%dma_start3A_888, %dma_start3A_889, %dma_start3A_890] : memref<8x40x128xf32, #tpu.memory_space<vmem>> -> memref<1x40x128xf32, #tpu.memory_space<vmem>>
        %dma_start3A_892 = tpu.memref_squeeze %dma_start3A_891 : memref<1x40x128xf32, #tpu.memory_space<vmem>> -> memref<40x128xf32, #tpu.memory_space<vmem>>
        %dma_start3A_893 = arith.constant 0 : i32
        %dma_start3A_894 = tpu.memref_slice %arg6[%sub3A_646, %dma_start3A_887, %dma_start3A_893] : memref<2x8x40xi32, #tpu.memory_space<vmem>> -> memref<1x1x40xi32, #tpu.memory_space<vmem>>
        %dma_start3A_895 = tpu.memref_squeeze %dma_start3A_894 : memref<1x1x40xi32, #tpu.memory_space<vmem>> -> memref<40xi32, #tpu.memory_space<vmem>>
        %dma_start3A_896 = arith.constant 0 : i32
        %dma_start3A_897 = arith.constant 0 : i32
        %dma_start3A_898 = tpu.memref_slice %arg2[%dma_start3A_896, %dma_start3A_897] : memref<10000x128xf32, #tpu.memory_space<hbm>> -> memref<10000x128xf32, #tpu.memory_space<hbm>>
        tpu.enqueue_indirect_dma source(%dma_start3A_898 : memref<10000x128xf32, #tpu.memory_space<hbm>>) target(%dma_start3A_892 : memref<40x128xf32, #tpu.memory_space<vmem>>) offsets(%dma_start3A_895 : memref<40xi32, #tpu.memory_space<vmem>>) semaphore(%arg17 : memref<!tpu.dma_semaphore, #tpu.memory_space<semaphore_mem>>)
        %lt3A_899 = arith.constant 29 : i32
        %lt3A_900 = arith.cmpi slt, %scan3A_424, %lt3A_899 : i32
        %convert_element_type3A_901 = arith.extui %lt3A_900 : i1 to i32
        %cond3A_902 = arith.constant 0 : i32
        %cond3A_903 = arith.cmpi ne, %convert_element_type3A_901, %cond3A_902 : i32
        scf.if %cond3A_903 {
          %add3A_904 = arith.constant 2 : i32
          %add3A_905 = arith.addi %scan3A_424, %add3A_904 : i32
          %dma_start3A_906 = arith.constant 0 : i32
          %dma_start3A_907 = arith.constant 0 : i32
          %dma_start3A_908 = arith.constant 0 : i32
          %dma_start3A_909 = tpu.memref_slice %arg6[%rem3A_426, %dma_start3A_907, %dma_start3A_908] : memref<2x8x40xi32, #tpu.memory_space<vmem>> -> memref<1x8x40xi32, #tpu.memory_space<vmem>>
          %dma_start3A_910 = tpu.memref_squeeze %dma_start3A_909 : memref<1x8x40xi32, #tpu.memory_space<vmem>> -> memref<8x40xi32, #tpu.memory_space<vmem>>
          %dma_start3A_911 = arith.constant 0 : i32
          %dma_start3A_912 = arith.constant 0 : i32
          %dma_start3A_913 = tpu.memref_slice %arg3[%dma_start3A_906, %add3A, %add3A_905, %dma_start3A_911, %dma_start3A_912] : memref<2x32x31x8x40xi32, #tpu.memory_space<hbm>> -> memref<1x1x1x8x40xi32, #tpu.memory_space<hbm>>
          %dma_start3A_914 = tpu.memref_squeeze %dma_start3A_913 : memref<1x1x1x8x40xi32, #tpu.memory_space<hbm>> -> memref<8x40xi32, #tpu.memory_space<hbm>>
          %dma_start3A_915 = arith.constant 0 : i32
          %dma_start3A_916 = arith.constant 0 : i32
          %dma_start3A_917 = tpu.memref_slice %arg6[%rem3A_426, %dma_start3A_915, %dma_start3A_916] : memref<2x8x40xi32, #tpu.memory_space<vmem>> -> memref<1x8x40xi32, #tpu.memory_space<vmem>>
          %dma_start3A_918 = tpu.memref_squeeze %dma_start3A_917 : memref<1x8x40xi32, #tpu.memory_space<vmem>> -> memref<8x40xi32, #tpu.memory_space<vmem>>
          %dma_start3A_919 = arith.constant 0 : i32
          %dma_start3A_920 = arith.constant 0 : i32
          %dma_start3A_921 = tpu.memref_slice %arg3[%dma_start3A_906, %add3A, %add3A_905, %dma_start3A_919, %dma_start3A_920] : memref<2x32x31x8x40xi32, #tpu.memory_space<hbm>> -> memref<1x1x1x8x40xi32, #tpu.memory_space<hbm>>
          %dma_start3A_922 = tpu.memref_squeeze %dma_start3A_921 : memref<1x1x1x8x40xi32, #tpu.memory_space<hbm>> -> memref<8x40xi32, #tpu.memory_space<hbm>>
          tpu.enqueue_dma source(%dma_start3A_922 : memref<8x40xi32, #tpu.memory_space<hbm>>) target(%dma_start3A_918 : memref<8x40xi32, #tpu.memory_space<vmem>>) target_semaphore(%arg26 : memref<!tpu.dma_semaphore, #tpu.memory_space<semaphore_mem>>)
          %dma_start3A_923 = arith.constant 1 : i32
          %dma_start3A_924 = arith.constant 0 : i32
          %dma_start3A_925 = arith.constant 0 : i32
          %dma_start3A_926 = tpu.memref_slice %arg7[%rem3A_426, %dma_start3A_924, %dma_start3A_925] : memref<2x8x40xi32, #tpu.memory_space<vmem>> -> memref<1x8x40xi32, #tpu.memory_space<vmem>>
          %dma_start3A_927 = tpu.memref_squeeze %dma_start3A_926 : memref<1x8x40xi32, #tpu.memory_space<vmem>> -> memref<8x40xi32, #tpu.memory_space<vmem>>
          %dma_start3A_928 = arith.constant 0 : i32
          %dma_start3A_929 = arith.constant 0 : i32
          %dma_start3A_930 = tpu.memref_slice %arg3[%dma_start3A_923, %add3A, %add3A_905, %dma_start3A_928, %dma_start3A_929] : memref<2x32x31x8x40xi32, #tpu.memory_space<hbm>> -> memref<1x1x1x8x40xi32, #tpu.memory_space<hbm>>
          %dma_start3A_931 = tpu.memref_squeeze %dma_start3A_930 : memref<1x1x1x8x40xi32, #tpu.memory_space<hbm>> -> memref<8x40xi32, #tpu.memory_space<hbm>>
          %dma_start3A_932 = arith.constant 0 : i32
          %dma_start3A_933 = arith.constant 0 : i32
          %dma_start3A_934 = tpu.memref_slice %arg7[%rem3A_426, %dma_start3A_932, %dma_start3A_933] : memref<2x8x40xi32, #tpu.memory_space<vmem>> -> memref<1x8x40xi32, #tpu.memory_space<vmem>>
          %dma_start3A_935 = tpu.memref_squeeze %dma_start3A_934 : memref<1x8x40xi32, #tpu.memory_space<vmem>> -> memref<8x40xi32, #tpu.memory_space<vmem>>
          %dma_start3A_936 = arith.constant 0 : i32
          %dma_start3A_937 = arith.constant 0 : i32
          %dma_start3A_938 = tpu.memref_slice %arg3[%dma_start3A_923, %add3A, %add3A_905, %dma_start3A_936, %dma_start3A_937] : memref<2x32x31x8x40xi32, #tpu.memory_space<hbm>> -> memref<1x1x1x8x40xi32, #tpu.memory_space<hbm>>
          %dma_start3A_939 = tpu.memref_squeeze %dma_start3A_938 : memref<1x1x1x8x40xi32, #tpu.memory_space<hbm>> -> memref<8x40xi32, #tpu.memory_space<hbm>>
          tpu.enqueue_dma source(%dma_start3A_939 : memref<8x40xi32, #tpu.memory_space<hbm>>) target(%dma_start3A_935 : memref<8x40xi32, #tpu.memory_space<vmem>>) target_semaphore(%arg26 : memref<!tpu.dma_semaphore, #tpu.memory_space<semaphore_mem>>)
        } else {
        }
      } else {
      }
      %scan3A_645 = arith.constant 0 : i32
      scf.yield %scan3A_645 : i32
    }
    %scan3A_237 = arith.constant 31 : i32
    %dma_wait3A_238 = arith.constant 0 : i32
    %dma_wait3A_239 = arith.constant 0 : i32
    %dma_wait3A_240 = arith.constant 0 : i32
    %dma_wait3A_241 = tpu.memref_slice %arg8[%dma_wait3A_238, %dma_wait3A_239, %dma_wait3A_240] : memref<8x40x128xf32, #tpu.memory_space<vmem>> -> memref<1x40x128xf32, #tpu.memory_space<vmem>>
    %dma_wait3A_242 = tpu.memref_squeeze %dma_wait3A_241 : memref<1x40x128xf32, #tpu.memory_space<vmem>> -> memref<40x128xf32, #tpu.memory_space<vmem>>
    %dma_wait3A_243 = arith.constant 0 : i32
    %dma_wait3A_244 = arith.constant 0 : i32
    %dma_wait3A_245 = tpu.memref_slice %arg9[%dma_wait3A_243, %dma_wait3A_244] : memref<10240x128xf32, #tpu.memory_space<vmem_shared>> -> memref<40x128xf32, #tpu.memory_space<vmem_shared>>
    %dma_wait3A_246 = arith.constant 0 : i32
    %dma_wait3A_247 = arith.constant 0 : i32
    %dma_wait3A_248 = tpu.memref_slice %arg9[%dma_wait3A_246, %dma_wait3A_247] : memref<10240x128xf32, #tpu.memory_space<vmem_shared>> -> memref<40x128xf32, #tpu.memory_space<vmem_shared>>
    %dma_wait3A_249 = arith.constant 0 : i32
    %dma_wait3A_250 = arith.constant 0 : i32
    %dma_wait3A_251 = tpu.memref_slice %arg8[%dma_wait3A_238, %dma_wait3A_249, %dma_wait3A_250] : memref<8x40x128xf32, #tpu.memory_space<vmem>> -> memref<1x40x128xf32, #tpu.memory_space<vmem>>
    %dma_wait3A_252 = tpu.memref_squeeze %dma_wait3A_251 : memref<1x40x128xf32, #tpu.memory_space<vmem>> -> memref<40x128xf32, #tpu.memory_space<vmem>>
    tpu.wait_dma2 semaphore(%arg18 : memref<!tpu.dma_semaphore, #tpu.memory_space<semaphore_mem>>) src(%dma_wait3A_252 : memref<40x128xf32, #tpu.memory_space<vmem>>) dst(%dma_wait3A_248 : memref<40x128xf32, #tpu.memory_space<vmem_shared>>)
    %dma_wait3A_253 = arith.constant 1 : i32
    %dma_wait3A_254 = arith.constant 0 : i32
    %dma_wait3A_255 = arith.constant 0 : i32
    %dma_wait3A_256 = tpu.memref_slice %arg8[%dma_wait3A_253, %dma_wait3A_254, %dma_wait3A_255] : memref<8x40x128xf32, #tpu.memory_space<vmem>> -> memref<1x40x128xf32, #tpu.memory_space<vmem>>
    %dma_wait3A_257 = tpu.memref_squeeze %dma_wait3A_256 : memref<1x40x128xf32, #tpu.memory_space<vmem>> -> memref<40x128xf32, #tpu.memory_space<vmem>>
    %dma_wait3A_258 = arith.constant 0 : i32
    %dma_wait3A_259 = arith.constant 0 : i32
    %dma_wait3A_260 = tpu.memref_slice %arg9[%dma_wait3A_258, %dma_wait3A_259] : memref<10240x128xf32, #tpu.memory_space<vmem_shared>> -> memref<40x128xf32, #tpu.memory_space<vmem_shared>>
    %dma_wait3A_261 = arith.constant 0 : i32
    %dma_wait3A_262 = arith.constant 0 : i32
    %dma_wait3A_263 = tpu.memref_slice %arg9[%dma_wait3A_261, %dma_wait3A_262] : memref<10240x128xf32, #tpu.memory_space<vmem_shared>> -> memref<40x128xf32, #tpu.memory_space<vmem_shared>>
    %dma_wait3A_264 = arith.constant 0 : i32
    %dma_wait3A_265 = arith.constant 0 : i32
    %dma_wait3A_266 = tpu.memref_slice %arg8[%dma_wait3A_253, %dma_wait3A_264, %dma_wait3A_265] : memref<8x40x128xf32, #tpu.memory_space<vmem>> -> memref<1x40x128xf32, #tpu.memory_space<vmem>>
    %dma_wait3A_267 = tpu.memref_squeeze %dma_wait3A_266 : memref<1x40x128xf32, #tpu.memory_space<vmem>> -> memref<40x128xf32, #tpu.memory_space<vmem>>
    tpu.wait_dma2 semaphore(%arg19 : memref<!tpu.dma_semaphore, #tpu.memory_space<semaphore_mem>>) src(%dma_wait3A_267 : memref<40x128xf32, #tpu.memory_space<vmem>>) dst(%dma_wait3A_263 : memref<40x128xf32, #tpu.memory_space<vmem_shared>>)
    %dma_wait3A_268 = arith.constant 2 : i32
    %dma_wait3A_269 = arith.constant 0 : i32
    %dma_wait3A_270 = arith.constant 0 : i32
    %dma_wait3A_271 = tpu.memref_slice %arg8[%dma_wait3A_268, %dma_wait3A_269, %dma_wait3A_270] : memref<8x40x128xf32, #tpu.memory_space<vmem>> -> memref<1x40x128xf32, #tpu.memory_space<vmem>>
    %dma_wait3A_272 = tpu.memref_squeeze %dma_wait3A_271 : memref<1x40x128xf32, #tpu.memory_space<vmem>> -> memref<40x128xf32, #tpu.memory_space<vmem>>
    %dma_wait3A_273 = arith.constant 0 : i32
    %dma_wait3A_274 = arith.constant 0 : i32
    %dma_wait3A_275 = tpu.memref_slice %arg9[%dma_wait3A_273, %dma_wait3A_274] : memref<10240x128xf32, #tpu.memory_space<vmem_shared>> -> memref<40x128xf32, #tpu.memory_space<vmem_shared>>
    %dma_wait3A_276 = arith.constant 0 : i32
    %dma_wait3A_277 = arith.constant 0 : i32
    %dma_wait3A_278 = tpu.memref_slice %arg9[%dma_wait3A_276, %dma_wait3A_277] : memref<10240x128xf32, #tpu.memory_space<vmem_shared>> -> memref<40x128xf32, #tpu.memory_space<vmem_shared>>
    %dma_wait3A_279 = arith.constant 0 : i32
    %dma_wait3A_280 = arith.constant 0 : i32
    %dma_wait3A_281 = tpu.memref_slice %arg8[%dma_wait3A_268, %dma_wait3A_279, %dma_wait3A_280] : memref<8x40x128xf32, #tpu.memory_space<vmem>> -> memref<1x40x128xf32, #tpu.memory_space<vmem>>
    %dma_wait3A_282 = tpu.memref_squeeze %dma_wait3A_281 : memref<1x40x128xf32, #tpu.memory_space<vmem>> -> memref<40x128xf32, #tpu.memory_space<vmem>>
    tpu.wait_dma2 semaphore(%arg20 : memref<!tpu.dma_semaphore, #tpu.memory_space<semaphore_mem>>) src(%dma_wait3A_282 : memref<40x128xf32, #tpu.memory_space<vmem>>) dst(%dma_wait3A_278 : memref<40x128xf32, #tpu.memory_space<vmem_shared>>)
    %dma_wait3A_283 = arith.constant 3 : i32
    %dma_wait3A_284 = arith.constant 0 : i32
    %dma_wait3A_285 = arith.constant 0 : i32
    %dma_wait3A_286 = tpu.memref_slice %arg8[%dma_wait3A_283, %dma_wait3A_284, %dma_wait3A_285] : memref<8x40x128xf32, #tpu.memory_space<vmem>> -> memref<1x40x128xf32, #tpu.memory_space<vmem>>
    %dma_wait3A_287 = tpu.memref_squeeze %dma_wait3A_286 : memref<1x40x128xf32, #tpu.memory_space<vmem>> -> memref<40x128xf32, #tpu.memory_space<vmem>>
    %dma_wait3A_288 = arith.constant 0 : i32
    %dma_wait3A_289 = arith.constant 0 : i32
    %dma_wait3A_290 = tpu.memref_slice %arg9[%dma_wait3A_288, %dma_wait3A_289] : memref<10240x128xf32, #tpu.memory_space<vmem_shared>> -> memref<40x128xf32, #tpu.memory_space<vmem_shared>>
    %dma_wait3A_291 = arith.constant 0 : i32
    %dma_wait3A_292 = arith.constant 0 : i32
    %dma_wait3A_293 = tpu.memref_slice %arg9[%dma_wait3A_291, %dma_wait3A_292] : memref<10240x128xf32, #tpu.memory_space<vmem_shared>> -> memref<40x128xf32, #tpu.memory_space<vmem_shared>>
    %dma_wait3A_294 = arith.constant 0 : i32
    %dma_wait3A_295 = arith.constant 0 : i32
    %dma_wait3A_296 = tpu.memref_slice %arg8[%dma_wait3A_283, %dma_wait3A_294, %dma_wait3A_295] : memref<8x40x128xf32, #tpu.memory_space<vmem>> -> memref<1x40x128xf32, #tpu.memory_space<vmem>>
    %dma_wait3A_297 = tpu.memref_squeeze %dma_wait3A_296 : memref<1x40x128xf32, #tpu.memory_space<vmem>> -> memref<40x128xf32, #tpu.memory_space<vmem>>
    tpu.wait_dma2 semaphore(%arg21 : memref<!tpu.dma_semaphore, #tpu.memory_space<semaphore_mem>>) src(%dma_wait3A_297 : memref<40x128xf32, #tpu.memory_space<vmem>>) dst(%dma_wait3A_293 : memref<40x128xf32, #tpu.memory_space<vmem_shared>>)
    %dma_wait3A_298 = arith.constant 4 : i32
    %dma_wait3A_299 = arith.constant 0 : i32
    %dma_wait3A_300 = arith.constant 0 : i32
    %dma_wait3A_301 = tpu.memref_slice %arg8[%dma_wait3A_298, %dma_wait3A_299, %dma_wait3A_300] : memref<8x40x128xf32, #tpu.memory_space<vmem>> -> memref<1x40x128xf32, #tpu.memory_space<vmem>>
    %dma_wait3A_302 = tpu.memref_squeeze %dma_wait3A_301 : memref<1x40x128xf32, #tpu.memory_space<vmem>> -> memref<40x128xf32, #tpu.memory_space<vmem>>
    %dma_wait3A_303 = arith.constant 0 : i32
    %dma_wait3A_304 = arith.constant 0 : i32
    %dma_wait3A_305 = tpu.memref_slice %arg9[%dma_wait3A_303, %dma_wait3A_304] : memref<10240x128xf32, #tpu.memory_space<vmem_shared>> -> memref<40x128xf32, #tpu.memory_space<vmem_shared>>
    %dma_wait3A_306 = arith.constant 0 : i32
    %dma_wait3A_307 = arith.constant 0 : i32
    %dma_wait3A_308 = tpu.memref_slice %arg9[%dma_wait3A_306, %dma_wait3A_307] : memref<10240x128xf32, #tpu.memory_space<vmem_shared>> -> memref<40x128xf32, #tpu.memory_space<vmem_shared>>
    %dma_wait3A_309 = arith.constant 0 : i32
    %dma_wait3A_310 = arith.constant 0 : i32
    %dma_wait3A_311 = tpu.memref_slice %arg8[%dma_wait3A_298, %dma_wait3A_309, %dma_wait3A_310] : memref<8x40x128xf32, #tpu.memory_space<vmem>> -> memref<1x40x128xf32, #tpu.memory_space<vmem>>
    %dma_wait3A_312 = tpu.memref_squeeze %dma_wait3A_311 : memref<1x40x128xf32, #tpu.memory_space<vmem>> -> memref<40x128xf32, #tpu.memory_space<vmem>>
    tpu.wait_dma2 semaphore(%arg22 : memref<!tpu.dma_semaphore, #tpu.memory_space<semaphore_mem>>) src(%dma_wait3A_312 : memref<40x128xf32, #tpu.memory_space<vmem>>) dst(%dma_wait3A_308 : memref<40x128xf32, #tpu.memory_space<vmem_shared>>)
    %dma_wait3A_313 = arith.constant 5 : i32
    %dma_wait3A_314 = arith.constant 0 : i32
    %dma_wait3A_315 = arith.constant 0 : i32
    %dma_wait3A_316 = tpu.memref_slice %arg8[%dma_wait3A_313, %dma_wait3A_314, %dma_wait3A_315] : memref<8x40x128xf32, #tpu.memory_space<vmem>> -> memref<1x40x128xf32, #tpu.memory_space<vmem>>
    %dma_wait3A_317 = tpu.memref_squeeze %dma_wait3A_316 : memref<1x40x128xf32, #tpu.memory_space<vmem>> -> memref<40x128xf32, #tpu.memory_space<vmem>>
    %dma_wait3A_318 = arith.constant 0 : i32
    %dma_wait3A_319 = arith.constant 0 : i32
    %dma_wait3A_320 = tpu.memref_slice %arg9[%dma_wait3A_318, %dma_wait3A_319] : memref<10240x128xf32, #tpu.memory_space<vmem_shared>> -> memref<40x128xf32, #tpu.memory_space<vmem_shared>>
    %dma_wait3A_321 = arith.constant 0 : i32
    %dma_wait3A_322 = arith.constant 0 : i32
    %dma_wait3A_323 = tpu.memref_slice %arg9[%dma_wait3A_321, %dma_wait3A_322] : memref<10240x128xf32, #tpu.memory_space<vmem_shared>> -> memref<40x128xf32, #tpu.memory_space<vmem_shared>>
    %dma_wait3A_324 = arith.constant 0 : i32
    %dma_wait3A_325 = arith.constant 0 : i32
    %dma_wait3A_326 = tpu.memref_slice %arg8[%dma_wait3A_313, %dma_wait3A_324, %dma_wait3A_325] : memref<8x40x128xf32, #tpu.memory_space<vmem>> -> memref<1x40x128xf32, #tpu.memory_space<vmem>>
    %dma_wait3A_327 = tpu.memref_squeeze %dma_wait3A_326 : memref<1x40x128xf32, #tpu.memory_space<vmem>> -> memref<40x128xf32, #tpu.memory_space<vmem>>
    tpu.wait_dma2 semaphore(%arg23 : memref<!tpu.dma_semaphore, #tpu.memory_space<semaphore_mem>>) src(%dma_wait3A_327 : memref<40x128xf32, #tpu.memory_space<vmem>>) dst(%dma_wait3A_323 : memref<40x128xf32, #tpu.memory_space<vmem_shared>>)
    %dma_wait3A_328 = arith.constant 6 : i32
    %dma_wait3A_329 = arith.constant 0 : i32
    %dma_wait3A_330 = arith.constant 0 : i32
    %dma_wait3A_331 = tpu.memref_slice %arg8[%dma_wait3A_328, %dma_wait3A_329, %dma_wait3A_330] : memref<8x40x128xf32, #tpu.memory_space<vmem>> -> memref<1x40x128xf32, #tpu.memory_space<vmem>>
    %dma_wait3A_332 = tpu.memref_squeeze %dma_wait3A_331 : memref<1x40x128xf32, #tpu.memory_space<vmem>> -> memref<40x128xf32, #tpu.memory_space<vmem>>
    %dma_wait3A_333 = arith.constant 0 : i32
    %dma_wait3A_334 = arith.constant 0 : i32
    %dma_wait3A_335 = tpu.memref_slice %arg9[%dma_wait3A_333, %dma_wait3A_334] : memref<10240x128xf32, #tpu.memory_space<vmem_shared>> -> memref<40x128xf32, #tpu.memory_space<vmem_shared>>
    %dma_wait3A_336 = arith.constant 0 : i32
    %dma_wait3A_337 = arith.constant 0 : i32
    %dma_wait3A_338 = tpu.memref_slice %arg9[%dma_wait3A_336, %dma_wait3A_337] : memref<10240x128xf32, #tpu.memory_space<vmem_shared>> -> memref<40x128xf32, #tpu.memory_space<vmem_shared>>
    %dma_wait3A_339 = arith.constant 0 : i32
    %dma_wait3A_340 = arith.constant 0 : i32
    %dma_wait3A_341 = tpu.memref_slice %arg8[%dma_wait3A_328, %dma_wait3A_339, %dma_wait3A_340] : memref<8x40x128xf32, #tpu.memory_space<vmem>> -> memref<1x40x128xf32, #tpu.memory_space<vmem>>
    %dma_wait3A_342 = tpu.memref_squeeze %dma_wait3A_341 : memref<1x40x128xf32, #tpu.memory_space<vmem>> -> memref<40x128xf32, #tpu.memory_space<vmem>>
    tpu.wait_dma2 semaphore(%arg24 : memref<!tpu.dma_semaphore, #tpu.memory_space<semaphore_mem>>) src(%dma_wait3A_342 : memref<40x128xf32, #tpu.memory_space<vmem>>) dst(%dma_wait3A_338 : memref<40x128xf32, #tpu.memory_space<vmem_shared>>)
    %dma_wait3A_343 = arith.constant 7 : i32
    %dma_wait3A_344 = arith.constant 0 : i32
    %dma_wait3A_345 = arith.constant 0 : i32
    %dma_wait3A_346 = tpu.memref_slice %arg8[%dma_wait3A_343, %dma_wait3A_344, %dma_wait3A_345] : memref<8x40x128xf32, #tpu.memory_space<vmem>> -> memref<1x40x128xf32, #tpu.memory_space<vmem>>
    %dma_wait3A_347 = tpu.memref_squeeze %dma_wait3A_346 : memref<1x40x128xf32, #tpu.memory_space<vmem>> -> memref<40x128xf32, #tpu.memory_space<vmem>>
    %dma_wait3A_348 = arith.constant 0 : i32
    %dma_wait3A_349 = arith.constant 0 : i32
    %dma_wait3A_350 = tpu.memref_slice %arg9[%dma_wait3A_348, %dma_wait3A_349] : memref<10240x128xf32, #tpu.memory_space<vmem_shared>> -> memref<40x128xf32, #tpu.memory_space<vmem_shared>>
    %dma_wait3A_351 = arith.constant 0 : i32
    %dma_wait3A_352 = arith.constant 0 : i32
    %dma_wait3A_353 = tpu.memref_slice %arg9[%dma_wait3A_351, %dma_wait3A_352] : memref<10240x128xf32, #tpu.memory_space<vmem_shared>> -> memref<40x128xf32, #tpu.memory_space<vmem_shared>>
    %dma_wait3A_354 = arith.constant 0 : i32
    %dma_wait3A_355 = arith.constant 0 : i32
    %dma_wait3A_356 = tpu.memref_slice %arg8[%dma_wait3A_343, %dma_wait3A_354, %dma_wait3A_355] : memref<8x40x128xf32, #tpu.memory_space<vmem>> -> memref<1x40x128xf32, #tpu.memory_space<vmem>>
    %dma_wait3A_357 = tpu.memref_squeeze %dma_wait3A_356 : memref<1x40x128xf32, #tpu.memory_space<vmem>> -> memref<40x128xf32, #tpu.memory_space<vmem>>
    tpu.wait_dma2 semaphore(%arg25 : memref<!tpu.dma_semaphore, #tpu.memory_space<semaphore_mem>>) src(%dma_wait3A_357 : memref<40x128xf32, #tpu.memory_space<vmem>>) dst(%dma_wait3A_353 : memref<40x128xf32, #tpu.memory_space<vmem_shared>>)
    %run_scoped3A = arith.constant 0 : i32
    %run_scoped3A_358 = arith.constant 0 : i32
    "tpu.region"() ({
      %run_scoped3A_424 = tpu.sem_alloc : memref<!tpu.dma_semaphore, #tpu.memory_space<semaphore_mem>>
      %dma_start3A_425 = arith.constant 0 : i32
      %dma_start3A_426 = arith.constant 0 : i32
      %dma_start3A_427 = tpu.memref_slice %arg6[%run_scoped3A_358, %dma_start3A_425, %dma_start3A_426] : memref<2x8x40xi32, #tpu.memory_space<vmem>> -> memref<1x2x40xi32, #tpu.memory_space<vmem>>
      %dma_start3A_428 = tpu.memref_squeeze %dma_start3A_427 : memref<1x2x40xi32, #tpu.memory_space<vmem>> -> memref<2x40xi32, #tpu.memory_space<vmem>>
      %dma_start3A_429 = arith.constant 0 : i32
      %dma_start3A_430 = arith.constant 0 : i32
      %dma_start3A_431 = tpu.memref_slice %arg4[%run_scoped3A, %add3A, %dma_start3A_429, %dma_start3A_430] : memref<2x32x2x40xi32, #tpu.memory_space<hbm>> -> memref<1x1x2x40xi32, #tpu.memory_space<hbm>>
      %dma_start3A_432 = tpu.memref_squeeze %dma_start3A_431 : memref<1x1x2x40xi32, #tpu.memory_space<hbm>> -> memref<2x40xi32, #tpu.memory_space<hbm>>
      %dma_start3A_433 = arith.constant 0 : i32
      %dma_start3A_434 = arith.constant 0 : i32
      %dma_start3A_435 = tpu.memref_slice %arg6[%run_scoped3A_358, %dma_start3A_433, %dma_start3A_434] : memref<2x8x40xi32, #tpu.memory_space<vmem>> -> memref<1x2x40xi32, #tpu.memory_space<vmem>>
      %dma_start3A_436 = tpu.memref_squeeze %dma_start3A_435 : memref<1x2x40xi32, #tpu.memory_space<vmem>> -> memref<2x40xi32, #tpu.memory_space<vmem>>
      %dma_start3A_437 = arith.constant 0 : i32
      %dma_start3A_438 = arith.constant 0 : i32
      %dma_start3A_439 = tpu.memref_slice %arg4[%run_scoped3A, %add3A, %dma_start3A_437, %dma_start3A_438] : memref<2x32x2x40xi32, #tpu.memory_space<hbm>> -> memref<1x1x2x40xi32, #tpu.memory_space<hbm>>
      %dma_start3A_440 = tpu.memref_squeeze %dma_start3A_439 : memref<1x1x2x40xi32, #tpu.memory_space<hbm>> -> memref<2x40xi32, #tpu.memory_space<hbm>>
      tpu.enqueue_dma source(%dma_start3A_440 : memref<2x40xi32, #tpu.memory_space<hbm>>) target(%dma_start3A_436 : memref<2x40xi32, #tpu.memory_space<vmem>>) target_semaphore(%run_scoped3A_424 : memref<!tpu.dma_semaphore, #tpu.memory_space<semaphore_mem>>)
      %dma_wait3A_441 = arith.constant 0 : i32
      %dma_wait3A_442 = arith.constant 0 : i32
      %dma_wait3A_443 = tpu.memref_slice %arg6[%run_scoped3A_358, %dma_wait3A_441, %dma_wait3A_442] : memref<2x8x40xi32, #tpu.memory_space<vmem>> -> memref<1x2x40xi32, #tpu.memory_space<vmem>>
      %dma_wait3A_444 = tpu.memref_squeeze %dma_wait3A_443 : memref<1x2x40xi32, #tpu.memory_space<vmem>> -> memref<2x40xi32, #tpu.memory_space<vmem>>
      %dma_wait3A_445 = arith.constant 0 : i32
      %dma_wait3A_446 = arith.constant 0 : i32
      %dma_wait3A_447 = tpu.memref_slice %arg4[%run_scoped3A, %add3A, %dma_wait3A_445, %dma_wait3A_446] : memref<2x32x2x40xi32, #tpu.memory_space<hbm>> -> memref<1x1x2x40xi32, #tpu.memory_space<hbm>>
      %dma_wait3A_448 = tpu.memref_squeeze %dma_wait3A_447 : memref<1x1x2x40xi32, #tpu.memory_space<hbm>> -> memref<2x40xi32, #tpu.memory_space<hbm>>
      %dma_wait3A_449 = arith.constant 0 : i32
      %dma_wait3A_450 = arith.constant 0 : i32
      %dma_wait3A_451 = tpu.memref_slice %arg6[%run_scoped3A_358, %dma_wait3A_449, %dma_wait3A_450] : memref<2x8x40xi32, #tpu.memory_space<vmem>> -> memref<1x2x40xi32, #tpu.memory_space<vmem>>
      %dma_wait3A_452 = tpu.memref_squeeze %dma_wait3A_451 : memref<1x2x40xi32, #tpu.memory_space<vmem>> -> memref<2x40xi32, #tpu.memory_space<vmem>>
      %dma_wait3A_453 = arith.constant 0 : i32
      %dma_wait3A_454 = arith.constant 0 : i32
      %dma_wait3A_455 = tpu.memref_slice %arg4[%run_scoped3A, %add3A, %dma_wait3A_453, %dma_wait3A_454] : memref<2x32x2x40xi32, #tpu.memory_space<hbm>> -> memref<1x1x2x40xi32, #tpu.memory_space<hbm>>
      %dma_wait3A_456 = tpu.memref_squeeze %dma_wait3A_455 : memref<1x1x2x40xi32, #tpu.memory_space<hbm>> -> memref<2x40xi32, #tpu.memory_space<hbm>>
      tpu.wait_dma2 semaphore(%run_scoped3A_424 : memref<!tpu.dma_semaphore, #tpu.memory_space<semaphore_mem>>) src(%dma_wait3A_456 : memref<2x40xi32, #tpu.memory_space<hbm>>) dst(%dma_wait3A_452 : memref<2x40xi32, #tpu.memory_space<vmem>>)
      tpu.yield
    }) : () -> ()
    %run_scoped3A_359 = arith.constant 1 : i32
    %run_scoped3A_360 = arith.constant 0 : i32
    "tpu.region"() ({
      %run_scoped3A_424 = tpu.sem_alloc : memref<!tpu.dma_semaphore, #tpu.memory_space<semaphore_mem>>
      %dma_start3A_425 = arith.constant 0 : i32
      %dma_start3A_426 = arith.constant 0 : i32
      %dma_start3A_427 = tpu.memref_slice %arg7[%run_scoped3A_360, %dma_start3A_425, %dma_start3A_426] : memref<2x8x40xi32, #tpu.memory_space<vmem>> -> memref<1x2x40xi32, #tpu.memory_space<vmem>>
      %dma_start3A_428 = tpu.memref_squeeze %dma_start3A_427 : memref<1x2x40xi32, #tpu.memory_space<vmem>> -> memref<2x40xi32, #tpu.memory_space<vmem>>
      %dma_start3A_429 = arith.constant 0 : i32
      %dma_start3A_430 = arith.constant 0 : i32
      %dma_start3A_431 = tpu.memref_slice %arg4[%run_scoped3A_359, %add3A, %dma_start3A_429, %dma_start3A_430] : memref<2x32x2x40xi32, #tpu.memory_space<hbm>> -> memref<1x1x2x40xi32, #tpu.memory_space<hbm>>
      %dma_start3A_432 = tpu.memref_squeeze %dma_start3A_431 : memref<1x1x2x40xi32, #tpu.memory_space<hbm>> -> memref<2x40xi32, #tpu.memory_space<hbm>>
      %dma_start3A_433 = arith.constant 0 : i32
      %dma_start3A_434 = arith.constant 0 : i32
      %dma_start3A_435 = tpu.memref_slice %arg7[%run_scoped3A_360, %dma_start3A_433, %dma_start3A_434] : memref<2x8x40xi32, #tpu.memory_space<vmem>> -> memref<1x2x40xi32, #tpu.memory_space<vmem>>
      %dma_start3A_436 = tpu.memref_squeeze %dma_start3A_435 : memref<1x2x40xi32, #tpu.memory_space<vmem>> -> memref<2x40xi32, #tpu.memory_space<vmem>>
      %dma_start3A_437 = arith.constant 0 : i32
      %dma_start3A_438 = arith.constant 0 : i32
      %dma_start3A_439 = tpu.memref_slice %arg4[%run_scoped3A_359, %add3A, %dma_start3A_437, %dma_start3A_438] : memref<2x32x2x40xi32, #tpu.memory_space<hbm>> -> memref<1x1x2x40xi32, #tpu.memory_space<hbm>>
      %dma_start3A_440 = tpu.memref_squeeze %dma_start3A_439 : memref<1x1x2x40xi32, #tpu.memory_space<hbm>> -> memref<2x40xi32, #tpu.memory_space<hbm>>
      tpu.enqueue_dma source(%dma_start3A_440 : memref<2x40xi32, #tpu.memory_space<hbm>>) target(%dma_start3A_436 : memref<2x40xi32, #tpu.memory_space<vmem>>) target_semaphore(%run_scoped3A_424 : memref<!tpu.dma_semaphore, #tpu.memory_space<semaphore_mem>>)
      %dma_wait3A_441 = arith.constant 0 : i32
      %dma_wait3A_442 = arith.constant 0 : i32
      %dma_wait3A_443 = tpu.memref_slice %arg7[%run_scoped3A_360, %dma_wait3A_441, %dma_wait3A_442] : memref<2x8x40xi32, #tpu.memory_space<vmem>> -> memref<1x2x40xi32, #tpu.memory_space<vmem>>
      %dma_wait3A_444 = tpu.memref_squeeze %dma_wait3A_443 : memref<1x2x40xi32, #tpu.memory_space<vmem>> -> memref<2x40xi32, #tpu.memory_space<vmem>>
      %dma_wait3A_445 = arith.constant 0 : i32
      %dma_wait3A_446 = arith.constant 0 : i32
      %dma_wait3A_447 = tpu.memref_slice %arg4[%run_scoped3A_359, %add3A, %dma_wait3A_445, %dma_wait3A_446] : memref<2x32x2x40xi32, #tpu.memory_space<hbm>> -> memref<1x1x2x40xi32, #tpu.memory_space<hbm>>
      %dma_wait3A_448 = tpu.memref_squeeze %dma_wait3A_447 : memref<1x1x2x40xi32, #tpu.memory_space<hbm>> -> memref<2x40xi32, #tpu.memory_space<hbm>>
      %dma_wait3A_449 = arith.constant 0 : i32
      %dma_wait3A_450 = arith.constant 0 : i32
      %dma_wait3A_451 = tpu.memref_slice %arg7[%run_scoped3A_360, %dma_wait3A_449, %dma_wait3A_450] : memref<2x8x40xi32, #tpu.memory_space<vmem>> -> memref<1x2x40xi32, #tpu.memory_space<vmem>>
      %dma_wait3A_452 = tpu.memref_squeeze %dma_wait3A_451 : memref<1x2x40xi32, #tpu.memory_space<vmem>> -> memref<2x40xi32, #tpu.memory_space<vmem>>
      %dma_wait3A_453 = arith.constant 0 : i32
      %dma_wait3A_454 = arith.constant 0 : i32
      %dma_wait3A_455 = tpu.memref_slice %arg4[%run_scoped3A_359, %add3A, %dma_wait3A_453, %dma_wait3A_454] : memref<2x32x2x40xi32, #tpu.memory_space<hbm>> -> memref<1x1x2x40xi32, #tpu.memory_space<hbm>>
      %dma_wait3A_456 = tpu.memref_squeeze %dma_wait3A_455 : memref<1x1x2x40xi32, #tpu.memory_space<hbm>> -> memref<2x40xi32, #tpu.memory_space<hbm>>
      tpu.wait_dma2 semaphore(%run_scoped3A_424 : memref<!tpu.dma_semaphore, #tpu.memory_space<semaphore_mem>>) src(%dma_wait3A_456 : memref<2x40xi32, #tpu.memory_space<hbm>>) dst(%dma_wait3A_452 : memref<2x40xi32, #tpu.memory_space<vmem>>)
      tpu.yield
    }) : () -> ()
    %dma_start3A_361 = arith.constant 0 : i32
    %dma_start3A_362 = arith.constant 0 : i32
    %dma_start3A_363 = arith.constant 0 : i32
    %dma_start3A_364 = arith.constant 0 : i32
    %dma_start3A_365 = arith.constant 0 : i32
    %dma_start3A_366 = tpu.memref_slice %arg8[%dma_start3A_363, %dma_start3A_364, %dma_start3A_365] : memref<8x40x128xf32, #tpu.memory_space<vmem>> -> memref<1x40x128xf32, #tpu.memory_space<vmem>>
    %dma_start3A_367 = tpu.memref_squeeze %dma_start3A_366 : memref<1x40x128xf32, #tpu.memory_space<vmem>> -> memref<40x128xf32, #tpu.memory_space<vmem>>
    %dma_start3A_368 = arith.constant 0 : i32
    %dma_start3A_369 = tpu.memref_slice %arg6[%dma_start3A_361, %dma_start3A_362, %dma_start3A_368] : memref<2x8x40xi32, #tpu.memory_space<vmem>> -> memref<1x1x40xi32, #tpu.memory_space<vmem>>
    %dma_start3A_370 = tpu.memref_squeeze %dma_start3A_369 : memref<1x1x40xi32, #tpu.memory_space<vmem>> -> memref<40xi32, #tpu.memory_space<vmem>>
    %dma_start3A_371 = arith.constant 0 : i32
    %dma_start3A_372 = arith.constant 0 : i32
    %dma_start3A_373 = tpu.memref_slice %arg2[%dma_start3A_371, %dma_start3A_372] : memref<10000x128xf32, #tpu.memory_space<hbm>> -> memref<10000x128xf32, #tpu.memory_space<hbm>>
    tpu.enqueue_indirect_dma source(%dma_start3A_373 : memref<10000x128xf32, #tpu.memory_space<hbm>>) target(%dma_start3A_367 : memref<40x128xf32, #tpu.memory_space<vmem>>) offsets(%dma_start3A_370 : memref<40xi32, #tpu.memory_space<vmem>>) semaphore(%arg10 : memref<!tpu.dma_semaphore, #tpu.memory_space<semaphore_mem>>)
    %dma_wait3A_374 = arith.constant 0 : i32
    %dma_wait3A_375 = arith.constant 0 : i32
    %dma_wait3A_376 = arith.constant 0 : i32
    %dma_wait3A_377 = arith.constant 0 : i32
    %dma_wait3A_378 = arith.constant 0 : i32
    %dma_wait3A_379 = tpu.memref_slice %arg8[%dma_wait3A_376, %dma_wait3A_377, %dma_wait3A_378] : memref<8x40x128xf32, #tpu.memory_space<vmem>> -> memref<1x40x128xf32, #tpu.memory_space<vmem>>
    %dma_wait3A_380 = tpu.memref_squeeze %dma_wait3A_379 : memref<1x40x128xf32, #tpu.memory_space<vmem>> -> memref<40x128xf32, #tpu.memory_space<vmem>>
    %dma_wait3A_381 = arith.constant 0 : i32
    %dma_wait3A_382 = tpu.memref_slice %arg6[%dma_wait3A_374, %dma_wait3A_375, %dma_wait3A_381] : memref<2x8x40xi32, #tpu.memory_space<vmem>> -> memref<1x1x40xi32, #tpu.memory_space<vmem>>
    %dma_wait3A_383 = tpu.memref_squeeze %dma_wait3A_382 : memref<1x1x40xi32, #tpu.memory_space<vmem>> -> memref<40xi32, #tpu.memory_space<vmem>>
    %dma_wait3A_384 = arith.constant 0 : i32
    %dma_wait3A_385 = arith.constant 0 : i32
    %dma_wait3A_386 = tpu.memref_slice %arg2[%dma_wait3A_384, %dma_wait3A_385] : memref<10000x128xf32, #tpu.memory_space<hbm>> -> memref<10000x128xf32, #tpu.memory_space<hbm>>
    tpu.wait_indirect_dma semaphore(%arg10 : memref<!tpu.dma_semaphore, #tpu.memory_space<semaphore_mem>>) src(%dma_wait3A_386 : memref<10000x128xf32, #tpu.memory_space<hbm>>) dst(%dma_wait3A_380 : memref<40x128xf32, #tpu.memory_space<vmem>>)
    %run_scoped3A_387 = arith.constant 0 : i32
    %run_scoped3A_388 = arith.constant 0 : i32
    %run_scoped3A_389 = arith.constant 0 : i32
    "tpu.region"() ({
      %run_scoped3A_424 = tpu.sem_alloc : memref<!tpu.dma_semaphore, #tpu.memory_space<semaphore_mem>>
      %dma_start3A_425 = arith.constant 0 : i32
      %dma_start3A_426 = arith.constant 0 : i32
      %dma_start3A_427 = tpu.memref_slice %arg8[%run_scoped3A_387, %dma_start3A_425, %dma_start3A_426] : memref<8x40x128xf32, #tpu.memory_space<vmem>> -> memref<1x40x128xf32, #tpu.memory_space<vmem>>
      %dma_start3A_428 = tpu.memref_squeeze %dma_start3A_427 : memref<1x40x128xf32, #tpu.memory_space<vmem>> -> memref<40x128xf32, #tpu.memory_space<vmem>>
      %dma_start3A_429 = arith.constant 0 : i32
      %dma_start3A_430 = tpu.memref_slice %arg7[%run_scoped3A_388, %run_scoped3A_389, %dma_start3A_429] : memref<2x8x40xi32, #tpu.memory_space<vmem>> -> memref<1x1x40xi32, #tpu.memory_space<vmem>>
      %dma_start3A_431 = tpu.memref_squeeze %dma_start3A_430 : memref<1x1x40xi32, #tpu.memory_space<vmem>> -> memref<40xi32, #tpu.memory_space<vmem>>
      %dma_start3A_432 = arith.constant 0 : i32
      %dma_start3A_433 = arith.constant 0 : i32
      %dma_start3A_434 = tpu.memref_slice %arg9[%dma_start3A_432, %dma_start3A_433] : memref<10240x128xf32, #tpu.memory_space<vmem_shared>> -> memref<10240x128xf32, #tpu.memory_space<vmem_shared>>
      tpu.enqueue_indirect_dma source(%dma_start3A_428 : memref<40x128xf32, #tpu.memory_space<vmem>>) target(%dma_start3A_434 : memref<10240x128xf32, #tpu.memory_space<vmem_shared>>) offsets(%dma_start3A_431 : memref<40xi32, #tpu.memory_space<vmem>>) semaphore(%run_scoped3A_424 : memref<!tpu.dma_semaphore, #tpu.memory_space<semaphore_mem>>) {add = true}
      %dma_wait3A_435 = arith.constant 0 : i32
      %dma_wait3A_436 = arith.constant 0 : i32
      %dma_wait3A_437 = tpu.memref_slice %arg8[%run_scoped3A_387, %dma_wait3A_435, %dma_wait3A_436] : memref<8x40x128xf32, #tpu.memory_space<vmem>> -> memref<1x40x128xf32, #tpu.memory_space<vmem>>
      %dma_wait3A_438 = tpu.memref_squeeze %dma_wait3A_437 : memref<1x40x128xf32, #tpu.memory_space<vmem>> -> memref<40x128xf32, #tpu.memory_space<vmem>>
      %dma_wait3A_439 = arith.constant 0 : i32
      %dma_wait3A_440 = tpu.memref_slice %arg7[%run_scoped3A_388, %run_scoped3A_389, %dma_wait3A_439] : memref<2x8x40xi32, #tpu.memory_space<vmem>> -> memref<1x1x40xi32, #tpu.memory_space<vmem>>
      %dma_wait3A_441 = tpu.memref_squeeze %dma_wait3A_440 : memref<1x1x40xi32, #tpu.memory_space<vmem>> -> memref<40xi32, #tpu.memory_space<vmem>>
      %dma_wait3A_442 = arith.constant 0 : i32
      %dma_wait3A_443 = arith.constant 0 : i32
      %dma_wait3A_444 = tpu.memref_slice %arg9[%dma_wait3A_442, %dma_wait3A_443] : memref<10240x128xf32, #tpu.memory_space<vmem_shared>> -> memref<10240x128xf32, #tpu.memory_space<vmem_shared>>
      tpu.wait_indirect_dma semaphore(%run_scoped3A_424 : memref<!tpu.dma_semaphore, #tpu.memory_space<semaphore_mem>>) src(%dma_wait3A_438 : memref<40x128xf32, #tpu.memory_space<vmem>>) dst(%dma_wait3A_444 : memref<10240x128xf32, #tpu.memory_space<vmem_shared>>)
      tpu.yield
    }) : () -> ()
    %dma_start3A_390 = arith.constant 0 : i32
    %dma_start3A_391 = arith.constant 1 : i32
    %dma_start3A_392 = arith.constant 1 : i32
    %dma_start3A_393 = arith.constant 0 : i32
    %dma_start3A_394 = arith.constant 0 : i32
    %dma_start3A_395 = tpu.memref_slice %arg8[%dma_start3A_392, %dma_start3A_393, %dma_start3A_394] : memref<8x40x128xf32, #tpu.memory_space<vmem>> -> memref<1x40x128xf32, #tpu.memory_space<vmem>>
    %dma_start3A_396 = tpu.memref_squeeze %dma_start3A_395 : memref<1x40x128xf32, #tpu.memory_space<vmem>> -> memref<40x128xf32, #tpu.memory_space<vmem>>
    %dma_start3A_397 = arith.constant 0 : i32
    %dma_start3A_398 = tpu.memref_slice %arg6[%dma_start3A_390, %dma_start3A_391, %dma_start3A_397] : memref<2x8x40xi32, #tpu.memory_space<vmem>> -> memref<1x1x40xi32, #tpu.memory_space<vmem>>
    %dma_start3A_399 = tpu.memref_squeeze %dma_start3A_398 : memref<1x1x40xi32, #tpu.memory_space<vmem>> -> memref<40xi32, #tpu.memory_space<vmem>>
    %dma_start3A_400 = arith.constant 0 : i32
    %dma_start3A_401 = arith.constant 0 : i32
    %dma_start3A_402 = tpu.memref_slice %arg2[%dma_start3A_400, %dma_start3A_401] : memref<10000x128xf32, #tpu.memory_space<hbm>> -> memref<10000x128xf32, #tpu.memory_space<hbm>>
    tpu.enqueue_indirect_dma source(%dma_start3A_402 : memref<10000x128xf32, #tpu.memory_space<hbm>>) target(%dma_start3A_396 : memref<40x128xf32, #tpu.memory_space<vmem>>) offsets(%dma_start3A_399 : memref<40xi32, #tpu.memory_space<vmem>>) semaphore(%arg11 : memref<!tpu.dma_semaphore, #tpu.memory_space<semaphore_mem>>)
    %dma_wait3A_403 = arith.constant 0 : i32
    %dma_wait3A_404 = arith.constant 1 : i32
    %dma_wait3A_405 = arith.constant 1 : i32
    %dma_wait3A_406 = arith.constant 0 : i32
    %dma_wait3A_407 = arith.constant 0 : i32
    %dma_wait3A_408 = tpu.memref_slice %arg8[%dma_wait3A_405, %dma_wait3A_406, %dma_wait3A_407] : memref<8x40x128xf32, #tpu.memory_space<vmem>> -> memref<1x40x128xf32, #tpu.memory_space<vmem>>
    %dma_wait3A_409 = tpu.memref_squeeze %dma_wait3A_408 : memref<1x40x128xf32, #tpu.memory_space<vmem>> -> memref<40x128xf32, #tpu.memory_space<vmem>>
    %dma_wait3A_410 = arith.constant 0 : i32
    %dma_wait3A_411 = tpu.memref_slice %arg6[%dma_wait3A_403, %dma_wait3A_404, %dma_wait3A_410] : memref<2x8x40xi32, #tpu.memory_space<vmem>> -> memref<1x1x40xi32, #tpu.memory_space<vmem>>
    %dma_wait3A_412 = tpu.memref_squeeze %dma_wait3A_411 : memref<1x1x40xi32, #tpu.memory_space<vmem>> -> memref<40xi32, #tpu.memory_space<vmem>>
    %dma_wait3A_413 = arith.constant 0 : i32
    %dma_wait3A_414 = arith.constant 0 : i32
    %dma_wait3A_415 = tpu.memref_slice %arg2[%dma_wait3A_413, %dma_wait3A_414] : memref<10000x128xf32, #tpu.memory_space<hbm>> -> memref<10000x128xf32, #tpu.memory_space<hbm>>
    tpu.wait_indirect_dma semaphore(%arg11 : memref<!tpu.dma_semaphore, #tpu.memory_space<semaphore_mem>>) src(%dma_wait3A_415 : memref<10000x128xf32, #tpu.memory_space<hbm>>) dst(%dma_wait3A_409 : memref<40x128xf32, #tpu.memory_space<vmem>>)
    %run_scoped3A_416 = arith.constant 1 : i32
    %run_scoped3A_417 = arith.constant 0 : i32
    %run_scoped3A_418 = arith.constant 1 : i32
    "tpu.region"() ({
      %run_scoped3A_424 = tpu.sem_alloc : memref<!tpu.dma_semaphore, #tpu.memory_space<semaphore_mem>>
      %dma_start3A_425 = arith.constant 0 : i32
      %dma_start3A_426 = arith.constant 0 : i32
      %dma_start3A_427 = tpu.memref_slice %arg8[%run_scoped3A_416, %dma_start3A_425, %dma_start3A_426] : memref<8x40x128xf32, #tpu.memory_space<vmem>> -> memref<1x40x128xf32, #tpu.memory_space<vmem>>
      %dma_start3A_428 = tpu.memref_squeeze %dma_start3A_427 : memref<1x40x128xf32, #tpu.memory_space<vmem>> -> memref<40x128xf32, #tpu.memory_space<vmem>>
      %dma_start3A_429 = arith.constant 0 : i32
      %dma_start3A_430 = tpu.memref_slice %arg7[%run_scoped3A_417, %run_scoped3A_418, %dma_start3A_429] : memref<2x8x40xi32, #tpu.memory_space<vmem>> -> memref<1x1x40xi32, #tpu.memory_space<vmem>>
      %dma_start3A_431 = tpu.memref_squeeze %dma_start3A_430 : memref<1x1x40xi32, #tpu.memory_space<vmem>> -> memref<40xi32, #tpu.memory_space<vmem>>
      %dma_start3A_432 = arith.constant 0 : i32
      %dma_start3A_433 = arith.constant 0 : i32
      %dma_start3A_434 = tpu.memref_slice %arg9[%dma_start3A_432, %dma_start3A_433] : memref<10240x128xf32, #tpu.memory_space<vmem_shared>> -> memref<10240x128xf32, #tpu.memory_space<vmem_shared>>
      tpu.enqueue_indirect_dma source(%dma_start3A_428 : memref<40x128xf32, #tpu.memory_space<vmem>>) target(%dma_start3A_434 : memref<10240x128xf32, #tpu.memory_space<vmem_shared>>) offsets(%dma_start3A_431 : memref<40xi32, #tpu.memory_space<vmem>>) semaphore(%run_scoped3A_424 : memref<!tpu.dma_semaphore, #tpu.memory_space<semaphore_mem>>) {add = true}
      %dma_wait3A_435 = arith.constant 0 : i32
      %dma_wait3A_436 = arith.constant 0 : i32
      %dma_wait3A_437 = tpu.memref_slice %arg8[%run_scoped3A_416, %dma_wait3A_435, %dma_wait3A_436] : memref<8x40x128xf32, #tpu.memory_space<vmem>> -> memref<1x40x128xf32, #tpu.memory_space<vmem>>
      %dma_wait3A_438 = tpu.memref_squeeze %dma_wait3A_437 : memref<1x40x128xf32, #tpu.memory_space<vmem>> -> memref<40x128xf32, #tpu.memory_space<vmem>>
      %dma_wait3A_439 = arith.constant 0 : i32
      %dma_wait3A_440 = tpu.memref_slice %arg7[%run_scoped3A_417, %run_scoped3A_418, %dma_wait3A_439] : memref<2x8x40xi32, #tpu.memory_space<vmem>> -> memref<1x1x40xi32, #tpu.memory_space<vmem>>
      %dma_wait3A_441 = tpu.memref_squeeze %dma_wait3A_440 : memref<1x1x40xi32, #tpu.memory_space<vmem>> -> memref<40xi32, #tpu.memory_space<vmem>>
      %dma_wait3A_442 = arith.constant 0 : i32
      %dma_wait3A_443 = arith.constant 0 : i32
      %dma_wait3A_444 = tpu.memref_slice %arg9[%dma_wait3A_442, %dma_wait3A_443] : memref<10240x128xf32, #tpu.memory_space<vmem_shared>> -> memref<10240x128xf32, #tpu.memory_space<vmem_shared>>
      tpu.wait_indirect_dma semaphore(%run_scoped3A_424 : memref<!tpu.dma_semaphore, #tpu.memory_space<semaphore_mem>>) src(%dma_wait3A_438 : memref<40x128xf32, #tpu.memory_space<vmem>>) dst(%dma_wait3A_444 : memref<10240x128xf32, #tpu.memory_space<vmem_shared>>)
      tpu.yield
    }) : () -> ()
    %barrier3A_419 = arith.constant 0 : index
    tpu.barrier barrier_id(%barrier3A_419)
    %mul3A_420 = arith.constant 640 : i32
    %mul3A_421 = arith.muli %arg1, %mul3A_420 : i32
    %mul3A_422 = arith.constant 640 : i32
    %mul3A_423 = arith.muli %arg1, %mul3A_422 : i32
    "tpu.region"() ({
      %run_scoped3A_424 = tpu.sem_alloc : memref<!tpu.dma_semaphore, #tpu.memory_space<semaphore_mem>>
      %dma_start3A_425 = arith.constant 0 : i32
      %dma_start3A_426 = tpu.memref_slice %arg5[%arg0, %mul3A_423, %dma_start3A_425] : memref<2x10240x128xf32, #tpu.memory_space<hbm>> -> memref<1x640x128xf32, #tpu.memory_space<hbm>>
      %dma_start3A_427 = tpu.memref_squeeze %dma_start3A_426 : memref<1x640x128xf32, #tpu.memory_space<hbm>> -> memref<640x128xf32, #tpu.memory_space<hbm>>
      %dma_start3A_428 = arith.constant 0 : i32
      %dma_start3A_429 = tpu.memref_slice %arg9[%mul3A_421, %dma_start3A_428] : memref<10240x128xf32, #tpu.memory_space<vmem_shared>> -> memref<640x128xf32, #tpu.memory_space<vmem_shared>>
      tpu.enqueue_dma source(%dma_start3A_429 : memref<640x128xf32, #tpu.memory_space<vmem_shared>>) target(%dma_start3A_427 : memref<640x128xf32, #tpu.memory_space<hbm>>) target_semaphore(%run_scoped3A_424 : memref<!tpu.dma_semaphore, #tpu.memory_space<semaphore_mem>>)
      %dma_wait3A_430 = arith.constant 0 : i32
      %dma_wait3A_431 = tpu.memref_slice %arg5[%arg0, %mul3A_423, %dma_wait3A_430] : memref<2x10240x128xf32, #tpu.memory_space<hbm>> -> memref<1x640x128xf32, #tpu.memory_space<hbm>>
      %dma_wait3A_432 = tpu.memref_squeeze %dma_wait3A_431 : memref<1x640x128xf32, #tpu.memory_space<hbm>> -> memref<640x128xf32, #tpu.memory_space<hbm>>
      %dma_wait3A_433 = arith.constant 0 : i32
      %dma_wait3A_434 = tpu.memref_slice %arg9[%mul3A_421, %dma_wait3A_433] : memref<10240x128xf32, #tpu.memory_space<vmem_shared>> -> memref<640x128xf32, #tpu.memory_space<vmem_shared>>
      tpu.wait_dma2 semaphore(%run_scoped3A_424 : memref<!tpu.dma_semaphore, #tpu.memory_space<semaphore_mem>>) src(%dma_wait3A_434 : memref<640x128xf32, #tpu.memory_space<vmem_shared>>) dst(%dma_wait3A_432 : memref<640x128xf32, #tpu.memory_space<hbm>>)
      tpu.yield
    }) : () -> ()
    return
  }
}

module attributes {stable_mosaic.version = 14 : i64} {
  func.func @_lin1_body(%arg0: i32, %arg1: memref<400x128xf32, #tpu.memory_space<vmem>>, %arg2: memref<128x128xf32, #tpu.memory_space<vmem>>, %arg3: memref<1x128xf32, #tpu.memory_space<vmem>>, %arg4: memref<400x1xf32, #tpu.memory_space<vmem>>, %arg5: memref<400x1xf32, #tpu.memory_space<vmem>>, %arg6: memref<400x128xf32, #tpu.memory_space<vmem>>, %arg7: memref<400x1xf32, #tpu.memory_space<vmem>>) attributes {dimension_semantics = [#tpu.dimension_semantics<arbitrary>], iteration_bounds = array<i64: 25>, scalar_prefetch = 0 : i64, scratch_operands = 0 : i64, tpu.core_type = #tpu.core_type<tc>, window_params = [{transform_indices = @transform_0, window_bounds = array<i64: 400, 128>}, {pipeline_mode = #tpu.pipeline_mode<synchronous>, transform_indices = @transform_1, window_bounds = array<i64: 128, 128>}, {pipeline_mode = #tpu.pipeline_mode<synchronous>, transform_indices = @transform_2, window_bounds = array<i64: 1, 128>}, {transform_indices = @transform_3, window_bounds = array<i64: 400, 1>}, {transform_indices = @transform_4, window_bounds = array<i64: 400, 1>}, {transform_indices = @transform_5, window_bounds = array<i64: 400, 128>}, {transform_indices = @transform_6, window_bounds = array<i64: 400, 1>}]} {
    %get3A = arith.constant 0 : index
    %get3A_0 = arith.constant 0 : index
    %get3A_1 = vector.load %arg4[%get3A, %get3A_0] : memref<400x1xf32, #tpu.memory_space<vmem>>, vector<400x1xf32>
    %get3A_2 = arith.constant 0 : index
    %get3A_3 = arith.constant 0 : index
    %get3A_4 = vector.load %arg5[%get3A_2, %get3A_3] : memref<400x1xf32, #tpu.memory_space<vmem>>, vector<400x1xf32>
    %add3A = arith.addf %get3A_1, %get3A_4 : vector<400x1xf32>
    %add3A_5 = arith.constant 1.000000e+00 : f32
    %add3A_6 = vector.broadcast %add3A_5 : f32 to vector<400x1xf32>
    %add3A_7 = arith.addf %add3A, %add3A_6 : vector<400x1xf32>
    %rsqrt3A = math.rsqrt %add3A_7 : vector<400x1xf32>
    %get3A_8 = arith.constant 0 : index
    %get3A_9 = arith.constant 0 : index
    %get3A_10 = vector.load %arg1[%get3A_8, %get3A_9] : memref<400x128xf32, #tpu.memory_space<vmem>>, vector<400x128xf32>
    %get3A_11 = arith.constant 0 : index
    %get3A_12 = arith.constant 0 : index
    %get3A_13 = vector.load %arg2[%get3A_11, %get3A_12] : memref<128x128xf32, #tpu.memory_space<vmem>>, vector<128x128xf32>
    %dot_general3A = arith.constant dense<0.000000e+00> : vector<400x128xf32>
    %dot_general3A_14 = tpu.matmul %get3A_10, %get3A_13, %dot_general3A {dimension_numbers = #tpu.dot_dimension_numbers<[1], [0], [0], [1], [0, 0, 1, 1], [], []>, transpose_lhs_hint = false} : vector<400x128xf32>, vector<128x128xf32>, vector<400x128xf32> -> vector<400x128xf32>
    %get3A_15 = arith.constant 0 : index
    %get3A_16 = arith.constant 0 : index
    %get3A_17 = vector.load %arg3[%get3A_15, %get3A_16] : memref<1x128xf32, #tpu.memory_space<vmem>>, vector<1x128xf32>
    %add3A_18 = vector.broadcast %get3A_17 : vector<1x128xf32> to vector<400x128xf32>
    %add3A_19 = arith.addf %dot_general3A_14, %add3A_18 : vector<400x128xf32>
    %mul3A = vector.broadcast %rsqrt3A : vector<400x1xf32> to vector<400x128xf32>
    %mul3A_20 = arith.mulf %add3A_19, %mul3A : vector<400x128xf32>
    %swap3A = arith.constant 0 : index
    %swap3A_21 = arith.constant 0 : index
    %swap3A_22 = vector.load %arg6[%swap3A, %swap3A_21] : memref<400x128xf32, #tpu.memory_space<vmem>>, vector<400x128xf32>
    tpu.vector_store %arg6[%swap3A, %swap3A_21], %mul3A_20 {strides = array<i32>} : memref<400x128xf32, #tpu.memory_space<vmem>>, vector<400x128xf32>,
    %swap3A_23 = arith.constant 0 : index
    %swap3A_24 = arith.constant 0 : index
    %swap3A_25 = vector.load %arg7[%swap3A_23, %swap3A_24] : memref<400x1xf32, #tpu.memory_space<vmem>>, vector<400x1xf32>
    tpu.vector_store %arg7[%swap3A_23, %swap3A_24], %rsqrt3A {strides = array<i32>} : memref<400x1xf32, #tpu.memory_space<vmem>>, vector<400x1xf32>,
    return
  }
  func.func @transform_0(%arg0: i32) -> (i32, i32) {
    %c0_i32 = arith.constant 0 : i32
    %c0_i32_0 = arith.constant 0 : i32
    return %arg0, %c0_i32 : i32, i32
  }
  func.func @transform_1(%arg0: i32) -> (i32, i32) {
    %c0_i32 = arith.constant 0 : i32
    %c0_i32_0 = arith.constant 0 : i32
    %c0_i32_1 = arith.constant 0 : i32
    return %c0_i32, %c0_i32_0 : i32, i32
  }
  func.func @transform_2(%arg0: i32) -> (i32, i32) {
    %c0_i32 = arith.constant 0 : i32
    %c0_i32_0 = arith.constant 0 : i32
    %c0_i32_1 = arith.constant 0 : i32
    return %c0_i32, %c0_i32_0 : i32, i32
  }
  func.func @transform_3(%arg0: i32) -> (i32, i32) {
    %c0_i32 = arith.constant 0 : i32
    %c0_i32_0 = arith.constant 0 : i32
    return %arg0, %c0_i32 : i32, i32
  }
  func.func @transform_4(%arg0: i32) -> (i32, i32) {
    %c0_i32 = arith.constant 0 : i32
    %c0_i32_0 = arith.constant 0 : i32
    return %arg0, %c0_i32 : i32, i32
  }
  func.func @transform_5(%arg0: i32) -> (i32, i32) {
    %c0_i32 = arith.constant 0 : i32
    %c0_i32_0 = arith.constant 0 : i32
    return %arg0, %c0_i32 : i32, i32
  }
  func.func @transform_6(%arg0: i32) -> (i32, i32) {
    %c0_i32 = arith.constant 0 : i32
    %c0_i32_0 = arith.constant 0 : i32
    return %arg0, %c0_i32 : i32, i32
  }
}

module attributes {stable_mosaic.version = 14 : i64} {
  func.func @_mid_body(%arg0: i32, %arg1: memref<1x400x128xf32, #tpu.memory_space<vmem>>, %arg2: memref<1x400x128xf32, #tpu.memory_space<vmem>>, %arg3: memref<400x128xf32, #tpu.memory_space<vmem>>, %arg4: memref<400x1xf32, #tpu.memory_space<vmem>>, %arg5: memref<128x128xf32, #tpu.memory_space<vmem>>, %arg6: memref<1x128xf32, #tpu.memory_space<vmem>>, %arg7: memref<400x128xf32, #tpu.memory_space<vmem>>) attributes {dimension_semantics = [#tpu.dimension_semantics<arbitrary>], iteration_bounds = array<i64: 25>, scalar_prefetch = 0 : i64, scratch_operands = 0 : i64, tpu.core_type = #tpu.core_type<tc>, window_params = [{transform_indices = @transform_0, window_bounds = array<i64: 1, 400, 128>}, {transform_indices = @transform_1, window_bounds = array<i64: 1, 400, 128>}, {transform_indices = @transform_2, window_bounds = array<i64: 400, 128>}, {transform_indices = @transform_3, window_bounds = array<i64: 400, 1>}, {pipeline_mode = #tpu.pipeline_mode<synchronous>, transform_indices = @transform_4, window_bounds = array<i64: 128, 128>}, {pipeline_mode = #tpu.pipeline_mode<synchronous>, transform_indices = @transform_5, window_bounds = array<i64: 1, 128>}, {transform_indices = @transform_6, window_bounds = array<i64: 400, 128>}]} {
    %get3A = arith.constant 0 : index
    %get3A_0 = arith.constant 0 : index
    %get3A_1 = vector.load %arg4[%get3A, %get3A_0] : memref<400x1xf32, #tpu.memory_space<vmem>>, vector<400x1xf32>
    %get3A_2 = arith.constant 0 : index
    %get3A_3 = arith.constant 0 : index
    %get3A_4 = arith.constant 0 : index
    %get3A_5 = vector.load %arg1[%get3A_2, %get3A_3, %get3A_4] : memref<1x400x128xf32, #tpu.memory_space<vmem>>, vector<1x400x128xf32>
    %get3A_6 = vector.shape_cast %get3A_5 : vector<1x400x128xf32> to vector<400x128xf32>
    %get3A_7 = arith.constant 0 : index
    %get3A_8 = arith.constant 0 : index
    %get3A_9 = arith.constant 0 : index
    %get3A_10 = vector.load %arg2[%get3A_7, %get3A_8, %get3A_9] : memref<1x400x128xf32, #tpu.memory_space<vmem>>, vector<1x400x128xf32>
    %get3A_11 = vector.shape_cast %get3A_10 : vector<1x400x128xf32> to vector<400x128xf32>
    %add3A = arith.addf %get3A_6, %get3A_11 : vector<400x128xf32>
    %get3A_12 = arith.constant 0 : index
    %get3A_13 = arith.constant 0 : index
    %get3A_14 = vector.load %arg3[%get3A_12, %get3A_13] : memref<400x128xf32, #tpu.memory_space<vmem>>, vector<400x128xf32>
    %add3A_15 = arith.addf %add3A, %get3A_14 : vector<400x128xf32>
    %mul3A = vector.broadcast %get3A_1 : vector<400x1xf32> to vector<400x128xf32>
    %mul3A_16 = arith.mulf %add3A_15, %mul3A : vector<400x128xf32>
    %max3A = arith.constant 0.000000e+00 : f32
    %max3A_17 = vector.broadcast %max3A : f32 to vector<400x128xf32>
    %max3A_18 = arith.maximumf %mul3A_16, %max3A_17 : vector<400x128xf32>
    %get3A_19 = arith.constant 0 : index
    %get3A_20 = arith.constant 0 : index
    %get3A_21 = vector.load %arg5[%get3A_19, %get3A_20] : memref<128x128xf32, #tpu.memory_space<vmem>>, vector<128x128xf32>
    %dot_general3A = arith.constant dense<0.000000e+00> : vector<400x128xf32>
    %dot_general3A_22 = tpu.matmul %max3A_18, %get3A_21, %dot_general3A {dimension_numbers = #tpu.dot_dimension_numbers<[1], [0], [0], [1], [0, 0, 1, 1], [], []>, transpose_lhs_hint = false} : vector<400x128xf32>, vector<128x128xf32>, vector<400x128xf32> -> vector<400x128xf32>
    %get3A_23 = arith.constant 0 : index
    %get3A_24 = arith.constant 0 : index
    %get3A_25 = vector.load %arg6[%get3A_23, %get3A_24] : memref<1x128xf32, #tpu.memory_space<vmem>>, vector<1x128xf32>
    %add3A_26 = vector.broadcast %get3A_25 : vector<1x128xf32> to vector<400x128xf32>
    %add3A_27 = arith.addf %dot_general3A_22, %add3A_26 : vector<400x128xf32>
    %mul3A_28 = vector.broadcast %get3A_1 : vector<400x1xf32> to vector<400x128xf32>
    %mul3A_29 = arith.mulf %add3A_27, %mul3A_28 : vector<400x128xf32>
    %swap3A = arith.constant 0 : index
    %swap3A_30 = arith.constant 0 : index
    %swap3A_31 = vector.load %arg7[%swap3A, %swap3A_30] : memref<400x128xf32, #tpu.memory_space<vmem>>, vector<400x128xf32>
    tpu.vector_store %arg7[%swap3A, %swap3A_30], %mul3A_29 {strides = array<i32>} : memref<400x128xf32, #tpu.memory_space<vmem>>, vector<400x128xf32>,
    return
  }
  func.func @transform_0(%arg0: i32) -> (i32, i32, i32) {
    %c0_i32 = arith.constant 0 : i32
    %c0_i32_0 = arith.constant 0 : i32
    %c0_i32_1 = arith.constant 0 : i32
    return %c0_i32, %arg0, %c0_i32_0 : i32, i32, i32
  }
  func.func @transform_1(%arg0: i32) -> (i32, i32, i32) {
    %c1_i32 = arith.constant 1 : i32
    %c0_i32 = arith.constant 0 : i32
    %c0_i32_0 = arith.constant 0 : i32
    return %c1_i32, %arg0, %c0_i32 : i32, i32, i32
  }
  func.func @transform_2(%arg0: i32) -> (i32, i32) {
    %c0_i32 = arith.constant 0 : i32
    %c0_i32_0 = arith.constant 0 : i32
    return %arg0, %c0_i32 : i32, i32
  }
  func.func @transform_3(%arg0: i32) -> (i32, i32) {
    %c0_i32 = arith.constant 0 : i32
    %c0_i32_0 = arith.constant 0 : i32
    return %arg0, %c0_i32 : i32, i32
  }
  func.func @transform_4(%arg0: i32) -> (i32, i32) {
    %c0_i32 = arith.constant 0 : i32
    %c0_i32_0 = arith.constant 0 : i32
    %c0_i32_1 = arith.constant 0 : i32
    return %c0_i32, %c0_i32_0 : i32, i32
  }
  func.func @transform_5(%arg0: i32) -> (i32, i32) {
    %c0_i32 = arith.constant 0 : i32
    %c0_i32_0 = arith.constant 0 : i32
    %c0_i32_1 = arith.constant 0 : i32
    return %c0_i32, %c0_i32_0 : i32, i32
  }
  func.func @transform_6(%arg0: i32) -> (i32, i32) {
    %c0_i32 = arith.constant 0 : i32
    %c0_i32_0 = arith.constant 0 : i32
    return %arg0, %c0_i32 : i32, i32
  }
}

module attributes {stable_mosaic.version = 14 : i64} {
  func.func @_fin_body(%arg0: i32, %arg1: memref<1x400x128xf32, #tpu.memory_space<vmem>>, %arg2: memref<1x400x128xf32, #tpu.memory_space<vmem>>, %arg3: memref<400x128xf32, #tpu.memory_space<vmem>>, %arg4: memref<400x1xf32, #tpu.memory_space<vmem>>, %arg5: memref<400x128xf32, #tpu.memory_space<vmem>>) attributes {dimension_semantics = [#tpu.dimension_semantics<arbitrary>], iteration_bounds = array<i64: 25>, scalar_prefetch = 0 : i64, scratch_operands = 0 : i64, tpu.core_type = #tpu.core_type<tc>, window_params = [{transform_indices = @transform_0, window_bounds = array<i64: 1, 400, 128>}, {transform_indices = @transform_1, window_bounds = array<i64: 1, 400, 128>}, {transform_indices = @transform_2, window_bounds = array<i64: 400, 128>}, {transform_indices = @transform_3, window_bounds = array<i64: 400, 1>}, {transform_indices = @transform_4, window_bounds = array<i64: 400, 128>}]} {
    %get3A = arith.constant 0 : index
    %get3A_0 = arith.constant 0 : index
    %get3A_1 = arith.constant 0 : index
    %get3A_2 = vector.load %arg1[%get3A, %get3A_0, %get3A_1] : memref<1x400x128xf32, #tpu.memory_space<vmem>>, vector<1x400x128xf32>
    %get3A_3 = vector.shape_cast %get3A_2 : vector<1x400x128xf32> to vector<400x128xf32>
    %get3A_4 = arith.constant 0 : index
    %get3A_5 = arith.constant 0 : index
    %get3A_6 = arith.constant 0 : index
    %get3A_7 = vector.load %arg2[%get3A_4, %get3A_5, %get3A_6] : memref<1x400x128xf32, #tpu.memory_space<vmem>>, vector<1x400x128xf32>
    %get3A_8 = vector.shape_cast %get3A_7 : vector<1x400x128xf32> to vector<400x128xf32>
    %add3A = arith.addf %get3A_3, %get3A_8 : vector<400x128xf32>
    %get3A_9 = arith.constant 0 : index
    %get3A_10 = arith.constant 0 : index
    %get3A_11 = vector.load %arg3[%get3A_9, %get3A_10] : memref<400x128xf32, #tpu.memory_space<vmem>>, vector<400x128xf32>
    %add3A_12 = arith.addf %add3A, %get3A_11 : vector<400x128xf32>
    %get3A_13 = arith.constant 0 : index
    %get3A_14 = arith.constant 0 : index
    %get3A_15 = vector.load %arg4[%get3A_13, %get3A_14] : memref<400x1xf32, #tpu.memory_space<vmem>>, vector<400x1xf32>
    %mul3A = vector.broadcast %get3A_15 : vector<400x1xf32> to vector<400x128xf32>
    %mul3A_16 = arith.mulf %add3A_12, %mul3A : vector<400x128xf32>
    %swap3A = arith.constant 0 : index
    %swap3A_17 = arith.constant 0 : index
    %swap3A_18 = vector.load %arg5[%swap3A, %swap3A_17] : memref<400x128xf32, #tpu.memory_space<vmem>>, vector<400x128xf32>
    tpu.vector_store %arg5[%swap3A, %swap3A_17], %mul3A_16 {strides = array<i32>} : memref<400x128xf32, #tpu.memory_space<vmem>>, vector<400x128xf32>,
    return
  }
  func.func @transform_0(%arg0: i32) -> (i32, i32, i32) {
    %c0_i32 = arith.constant 0 : i32
    %c0_i32_0 = arith.constant 0 : i32
    %c0_i32_1 = arith.constant 0 : i32
    return %c0_i32, %arg0, %c0_i32_0 : i32, i32, i32
  }
  func.func @transform_1(%arg0: i32) -> (i32, i32, i32) {
    %c1_i32 = arith.constant 1 : i32
    %c0_i32 = arith.constant 0 : i32
    %c0_i32_0 = arith.constant 0 : i32
    return %c1_i32, %arg0, %c0_i32 : i32, i32, i32
  }
  func.func @transform_2(%arg0: i32) -> (i32, i32) {
    %c0_i32 = arith.constant 0 : i32
    %c0_i32_0 = arith.constant 0 : i32
    return %arg0, %c0_i32 : i32, i32
  }
  func.func @transform_3(%arg0: i32) -> (i32, i32) {
    %c0_i32 = arith.constant 0 : i32
    %c0_i32_0 = arith.constant 0 : i32
    return %arg0, %c0_i32 : i32, i32
  }
  func.func @transform_4(%arg0: i32) -> (i32, i32) {
    %c0_i32 = arith.constant 0 : i32
    %c0_i32_0 = arith.constant 0 : i32
    return %arg0, %c0_i32 : i32, i32
  }
}

</mosaic_0001>

<sc_bundles>
// kernel: kernel.11.cloned.1.call-start
scs
__scs_entry_jumppad:
0x0: {  	(pc) =	sbr.rel $0x88, $3  }
0x1: {  	(tag) =	ssettag $0x0;
	lr =	simm.s32 $0x1  }
0x2: {  	[smem:$0x3F9B] =	sst lr;
	_ =	strace $0xD0000000  }
0x3: {  	_ = 	snop  }
0x4: {  	_ = 	snop  }
0x5: {  	_ = 	snop  }
0x6: {  	_ = 	snop  }
0x7: {  	_ = 	snop  }
__scs_overlays_trampoline_lowered:
0x8: {  	[smem:$0x3FAA] =	sst s0  }
0x9: {  	[smem:$0x3FAB] =	sst s1  }
0xa: {  	[smem:$0x3FAC] =	sst s2  }
0xb: {  	[smem:$0x3FAD] =	sst s3  }
0xc: {  	[smem:$0x3FAE] =	sst s4  }
0xd: {  	[smem:$0x3FAF] =	sst s5  }
0xe: {  	[smem:$0x3FB0] =	sst s6  }
0xf: {  	[smem:$0x3FB1] =	sst s7  }
0x10: {  	[smem:$0x3FB2] =	sst s8  }
0x11: {  	[smem:$0x3FB3] =	sst s9;
	s0 =	simm.s32 @!p0 $0x0  }
0x12: {  	s1 =	sld [smem:$0x3F99];
	s0 =	simm.s32 @p0 $0x1  }
0x13: {  	[smem:$0x3FB4] =	sst s0;
	s0 =	simm.s32 @!p1 $0x0  }
0x14: {  	s2 =	sld [smem:$0x3F98];
	s0 =	simm.s32 @p1 $0x1  }
0x15: {  	[smem:$0x3FB5] =	sst s0;
	s0 =	simm.s32 @!p2 $0x0  }
0x16: {  	s3 =	sld [smem:$0x3FDB];
	s0 =	simm.s32 @p2 $0x1  }
0x17: {  	s4 =	simm.s32 $0x1BF5;
	[smem:$0x3FB7] =	sst s0  }
0x18: {  	s0 =	sld [smem:$0x3F9A];
	_ =	swait.ge [sflag:s4], $0x0  }
0x19: {  	s7 =	sld [smem:$0x3F9B]  }
0x1a: {  	s8 =	sadd.s32 $0xFFFFE003, lr  }
0x1b: {  	s9 =	sadd.s32 $0xFFFFFEF7, lr;
	s5 =	simm.s32 $0xFFFFFFFF;
	p2 =	slt.u32 s8, $0xFFFFF086  }
0x1c: {  	p1 =	slt.u32 s9, $0xF7A;
	s5 =	simm.s32 @!p2 $0x0  }
0x1d: {  	s5 =	simm.s32 @p1 $0x1;
	p0 =	seq.s32 s7, s2  }
0x1e: {  	s7 =	smul.u32 @!p0 $0xF7A, s2;
	p2 =	seq.s32 @!p0 s5, $0x0  }
0x1f: {  	s9 =	smul.u32 $0xF7A, s1;
	s8 =	simm.s32 @!p0 $0x1BF5;
	p2 =	por !p2, p0  }
0x20: {  	[sflag:s8] =	ssyncset.s32 @!p0 $0xFFFFF086;
	s6 =	sadd.s32 @!p0 s3, s7;
	s7 =	simm.s32 @!p0 $0x108  }
0x21: {  	s3 =	sadd.s32 s3, s9;
	s6 =	sadd.s32 @!p0 $0x88, s6;
	s7 =	simm.s32 @p2 $0x1082  }
0x22: {  	[simem:s7], [sflag:s8] =	dma.local @!p0 [hbm:s6], $0xF7A  }
0x23: {  	s9 =	sor.u32 $0xD0000000, s2;
	s6 =	simm.s32 $0x108;
	_ =	swait.ge @!p0 [sflag:s8], $0x0  }
0x24: {  	s3 =	sadd.s32 $0x88, s3;
	s6 =	simm.s32 @!p1 $0x1082;
	[sflag:s4] =	ssyncset.s32 $0xFFFFF086  }
0x25: {  	[simem:s6], [sflag:s4] =	dma.local [hbm:s3], $0xF7A  }
0x26: {  	[smem:$0x3F9B] =	sst s1;
	(tag) =	ssettag s2;
	_ =	strace s9  }
0x27: {  	s1 =	sld [smem:$0x3FAB]  }
0x28: {  	s2 =	sld [smem:$0x3FAC]  }
0x29: {  	s4 =	sld [smem:$0x3FAE]  }
0x2a: {  	p0 =	seq.s32 s5, $0x0;
	s5 =	sld [smem:$0x3FAF]  }
0x2b: {  	s6 =	sld [smem:$0x3FB0]  }
0x2c: {  	s7 =	sld [smem:$0x3FB1]  }
0x2d: {  	s3 =	simm.s32 $0x108;
	s8 =	sld [smem:$0x3FB2]  }
0x2e: {  	s3 =	simm.s32 @!p0 $0x1082;
	s9 =	sld [smem:$0x3FB3]  }
0x2f: {  	lr =	sadd.s32 s0, s3;
	s0 =	sld [smem:$0x3FAA]  }
0x30: {  	s3 =	sld [smem:$0x3FAD]  }
0x31: {  	[smem:$0x3FB6] =	sst s10  }
0x32: {  	s10 =	sld [smem:$0x3FB4];
	_ =	sdelay $0x3  }
0x33: {  	p0 =	seq.s32 s10, $0x1;
	s10 =	sld [smem:$0x3FB6];
	_ =	sdelay $0x3  }
0x34: {  	[smem:$0x3FB6] =	sst s10  }
0x35: {  	s10 =	sld [smem:$0x3FB5];
	_ =	sdelay $0x3  }
0x36: {  	p1 =	seq.s32 s10, $0x1;
	s10 =	sld [smem:$0x3FB6];
	_ =	sdelay $0x3  }
0x37: {  	[smem:$0x3FB6] =	sst s10  }
0x38: {  	s10 =	sld [smem:$0x3FB7]  }
0x39: {  	_ = 	snop;
	(pc) =	sbr.ind lr, $3  }
0x3a: {  	_ = 	snop  }
0x3b: {  	_ = 	snop  }
0x3c: {  	p2 =	seq.s32 s10, $0x1;
	s10 =	sld [smem:$0x3FB6]  }
0x3d: {  	_ =	shalt  }
0x3e: {  	_ =	shalt  }
0x3f: {  	_ =	shalt  }
0x40: {  	_ =	shalt  }
0x41: {  	_ =	shalt  }
0x42: {  	_ =	shalt  }
0x43: {  	_ =	shalt  }
0x44: {  	_ =	shalt  }
0x45: {  	_ =	shalt  }
0x46: {  	_ =	shalt  }
0x47: {  	_ =	shalt  }
0x48: {  	_ =	shalt  }
0x49: {  	_ =	shalt  }
0x4a: {  	_ =	shalt  }
0x4b: {  	_ =	shalt  }
0x4c: {  	_ =	shalt  }
0x4d: {  	_ =	shalt  }
0x4e: {  	_ =	shalt  }
0x4f: {  	_ =	shalt  }
0x50: {  	_ =	shalt  }
0x51: {  	_ =	shalt  }
0x52: {  	_ =	shalt  }
0x53: {  	_ =	shalt  }
0x54: {  	_ =	shalt  }
0x55: {  	_ =	shalt  }
0x56: {  	_ =	shalt  }
0x57: {  	_ =	shalt  }
0x58: {  	_ =	shalt  }
0x59: {  	_ =	shalt  }
0x5a: {  	_ =	shalt  }
0x5b: {  	_ =	shalt  }
0x5c: {  	_ =	shalt  }
0x5d: {  	_ =	shalt  }
0x5e: {  	_ =	shalt  }
0x5f: {  	_ =	shalt  }
0x60: {  	_ =	shalt  }
0x61: {  	_ =	shalt  }
0x62: {  	_ =	shalt  }
0x63: {  	_ =	shalt  }
0x64: {  	_ =	shalt  }
0x65: {  	_ =	shalt  }
0x66: {  	_ =	shalt  }
0x67: {  	_ =	shalt  }
0x68: {  	_ =	shalt  }
0x69: {  	_ =	shalt  }
0x6a: {  	_ =	shalt  }
0x6b: {  	_ =	shalt  }
0x6c: {  	_ =	shalt  }
0x6d: {  	_ =	shalt  }
0x6e: {  	_ =	shalt  }
0x6f: {  	_ =	shalt  }
0x70: {  	_ =	shalt  }
0x71: {  	_ =	shalt  }
0x72: {  	_ =	shalt  }
0x73: {  	_ =	shalt  }
0x74: {  	_ =	shalt  }
0x75: {  	_ =	shalt  }
0x76: {  	_ =	shalt  }
0x77: {  	_ =	shalt  }
0x78: {  	_ =	shalt  }
0x79: {  	_ =	shalt  }
0x7a: {  	_ =	shalt  }
0x7b: {  	_ =	shalt  }
0x7c: {  	_ =	shalt  }
0x7d: {  	_ =	shalt  }
0x7e: {  	_ =	shalt  }
0x7f: {  	_ =	shalt  }
0x80: {  	_ =	shalt  }
0x81: {  	_ =	shalt  }
0x82: {  	_ =	shalt  }
0x83: {  	_ =	shalt  }
0x84: {  	_ =	shalt  }
0x85: {  	_ =	shalt  }
0x86: {  	_ =	shalt  }
0x87: {  	_ =	shalt  }
.Lfunc_end0:
.L_simem_size_0:
called_computation.1_lowered:
.L_overlay_start_0:
0x88: {  	s2 =	sld [smem:$0x3FD9]  }
0x89: {  	s3 =	sld [smem:$0x3FFE];
	_ =	sdelay $0x1  }
0x8a: {  	s1 =	srdreg.scid  }
0x8b: {  	s0 =	sand.u32 $0x1, s1  }
0x8c: {  	s17 =	sshll.u32 s0, $0xA;
	s2 =	sadd.s32 s3, s2  }
0x8d: {  	s2 =	sadd.s32 s2, s17  }
0x8e: {  	[smem:$0x3FC2] =	sst s2  }
0x8f: {  	_ = 	snop  }
0x90: {  	s2 =	sld [smem:$0x3FD0];
	(tm) =	ssettm $0x1  }
0x91: {  	s18 =	sld [smem:$0x3FFB];
	_ =	sdelay $0x3  }
0x92: {  	_ =	strace s18  }
0x93: {  	s3 =	sld [smem:$0x3FFC];
	_ =	sdelay $0x3  }
0x94: {  	_ =	strace s3  }
0x95: {  	s3 =	sld [smem:$0x3FFD];
	_ =	sdelay $0x3  }
0x96: {  	_ =	strace s3  }
0x97: {  	_ =	strace $0x8FFFFFFF  }
0x98: {  	s19 =	sld [smem:$0x3FDB];
	_ =	sdelay $0x1  }
0x99: {  	s4 =	simm.s32 $_scs_section_size  }
0x9a: {  	s5 =	simm.s32 $_size__tile_overlayer_lowered;
	s6 =	simm.s32 $_tile_overlayer_lowered  }
0x9b: {  	s22 =	simm.s32 $0x1BFF;
	s21 =	sshll.u32 s6, $0x1;
	s3 =	sadd.s32 s4, s19  }
0x9c: {  	s7 =	simm.s32 $0x0;
	s20 =	sshll.u32 s5, $0x1;
	s5 =	sadd.s32 s21, s3  }
0x9d: {  	[timem:s7], [sflag:s22] =	dma.local [hbm:s5], s20  }
0x9e: {  	_ =	swait.ge [sflag:s22], s20  }
0x9f: {  	s4 =	ssub.s32 $0x0, s20;
	[sflag:s22] =	ssyncset.done $0x0  }
0xa0: {  	[sflag:s22] =	ssyncadd.s32 s4;
	_ =	sdelay $0x1  }
0xa1: {  	s23 =	simm.s32 $0x1B8B  }
0xa2: {  	_ =	swait.ge [sflag:s23], $0x1  }
0xa3: {  	[sflag:s23] =	ssyncset.done $0x0  }
0xa4: {  	s25 =	simm.s32 $0x1B8E;
	s24 =	sld [smem:$0x3FFE];
	[sflag:s23] =	ssyncadd.s32 $0xFFFFFFFF  }
0xa5: {  	s26 =	simm.s32 $execute0_lowered;
	[smem:$0x3FD2] =	sst s25  }
0xa6: {  	s5 =	sshll.u32 s26, $0x1;
	_ =	strace $0x80000049;
	[dreg:$0x1] =	wrdreg $0xFFFFFFFF  }
0xa7: {  	s28 =	simm.s32 $_size_execute0_lowered;
	s3 =	sadd.s32 s3, s5;
	[dreg:$0x0] =	wrdreg $0x0  }
0xa8: {  	s5 =	sshll.u32 s28, $0x1;
	[dreg:$0x2] =	wrdreg s3  }
0xa9: {  	[dreg:$0x3] =	wrdreg s5  }
0xaa: {  	[dreg:$0x4] =	wrdreg $0xC0  }
0xab: {  	_ =	task [dreg:s7], $0x5FFFF  }
0xac: {  	[dreg:$0x1] =	wrdreg $0xFFFFFFFF  }
0xad: {  	[dreg:$0x0] =	wrdreg $0x60  }
0xae: {  	[dreg:$0x2] =	wrdreg s2  }
0xaf: {  	[dreg:$0x3] =	wrdreg s24  }
0xb0: {  	[dreg:$0x4] =	wrdreg $0xB0000  }
0xb1: {  	[dreg:$0x5] =	wrdreg $0x9  }
0xb2: {  	_ =	task.clear_ibuf [dreg:s7], $0x6FFFF;
	_ =	strace $0x90000049  }
0xb3: {  	s29 =	simm.s32 $0x9;
	_ =	strace $0x8000004B  }
0xb4: {  	_ =	swait.ge [sflag:s29], $0x1  }
0xb5: {  	[sflag:s29] =	ssyncadd.s32 $0xFFFFFFFF  }
0xb6: {  	_ =	strace $0x9000004B  }
0xb7: {  	_ =	sfence  }
0xb8: {  	s30 =	sld [smem:$0x0];
	_ =	sdelay $0x2  }
0xb9: {  	s31 =	sshll.u32 s1, $0xD;
	s1 =	sshrl.u32 s1, $0x2  }
0xba: {  	s3 =	sand.u32 $0x4000, s31;
	s1 =	sadd.s32 s1, s30  }
0xbb: {  	s0 =	sor.u32 s3, s0;
	s1 =	sshll.u32 s1, $0x11  }
0xbc: {  	s0 =	sor.u32 s1, s0  }
0xbd: {  	s0 =	sadd.s32 $0x8F2B, s0  }
0xbe: {  	[sflag:s0] =	ssyncadd.remote.s32 $0x1  }
0xbf: {  	_ =	sfence.sel $0xFFFF  }
0xc0: {  	[dreg:$0x0] =	wrdreg $0xFFFFFFFF;
	(pc) =	sbr.abs _section_cstart, $3  }
0xc1: {  	[dreg:$0x1] =	wrdreg $0xFFFFFFFF  }
0xc2: {  	_ =	task.clear_ibuf [dreg:s7], $0x2FFFF;
	_ =	strace $0x9FFFFFFF  }
0xc3: {  	(tm) =	ssettm $0x7FFFFFFF  }
tec
execute0_lowered:
.L_overlay_start_1:
0x0: {  	(tag) =	ssettag $0x1  }
0x1: {  	s1 =	rddreg [dreg:$0x0];
	s3 =	srdreg.scid  }
0x2: {  	s0 =	rddreg [dreg:$0x1];
	s4 =	stileid.u32;
	s3 =	sand.u32 $0x1, s3  }
0x3: {  	s2 =	rddreg [dreg:$0x2];
	s7 =	smul.u32 $0x14000, s4;
	s6 =	sshll.u32 s3, $0x4  }
0x4: {  	s12 =	simm.s32 $0x0;
	s5 =	smul.u32 $0x140000, s3;
	s6 =	sor.u32 s4, s6  }
0x5: {  	[smem:$0x7FF] =	sst s12;
	s8 =	sadd.s32 $0x43400, s0;
	s9 =	sshll.u32 s6, $0x5  }
0x6: {  	s5 =	sadd.s32 s7, s5;
	s6 =	smul.u32 $0x7C00, s6;
	s22 =	sadd.s32 s9, s0  }
0x7: {  	_ =	strace $0x8000004A;
	s5 =	sshrl.u32 s5, $0x3;
	s31 =	sadd.s32 $0x42C00, s22  }
0x8: {  	s6 =	sshrl.u32 s6, $0x3;
	s7 =	sadd.s32 $0x43000, s22;
	[dreg:$0x8] =	wrdreg s31  }
0x9: {  	s0 =	sadd.s32 s5, s0;
	s25 =	sadd.s32 s8, s6;
	[dreg:$0x9] =	wrdreg s7  }
0xa: {  	s26 =	smul.u32 $0x50000, s4;
	s0 =	sadd.s32 $0x81400, s0;
	[dreg:$0x4] =	wrdreg s25  }
0xb: {  	s23 =	ssub.s32 $0x2, s3;
	s10 =	sadd.s32 $0x1F000, s25;
	[dreg:$0xa] =	wrdreg s0  }
0xc: {  	s24 =	sshrl.u32 s23, $0x1;
	s30 =	sadd.s32 $0x80, s25;
	[dreg:$0x5] =	wrdreg s10  }
0xd: {  	s6 =	sshrl.u32 s26, $0x2;
	s9 =	sadd.s32 $0x1F080, s25;
	[dreg:$0x6] =	wrdreg s30  }
0xe: {  	s5 =	ssub.s32 s23, s24;
	s24 =	sadd.s32 s6, s2;
	[dreg:$0x7] =	wrdreg s9  }
0xf: {  	s9 =	smax.u32 s5, $0x1;
	[dreg:$0xb] =	wrdreg s24  }
0x10: {  	s10 =	sadd.s32 $0x1400, s24;
	[dreg:$0xc] =	wrdreg s9  }
0x11: {  	s13 =	sadd.s32 $0x2800, s24;
	[dreg:$0xd] =	wrdreg s10  }
0x12: {  	s14 =	sadd.s32 $0x3C00, s24;
	[dreg:$0xe] =	wrdreg s13  }
0x13: {  	s15 =	sadd.s32 $0x5000, s24;
	[dreg:$0xf] =	wrdreg s14  }
0x14: {  	s16 =	sadd.s32 $0x6400, s24;
	[dreg:$0x10] =	wrdreg s15  }
0x15: {  	s29 =	simm.s32 $0x80;
	s17 =	sadd.s32 $0x7800, s24;
	[dreg:$0x11] =	wrdreg s16  }
0x16: {  	s28 =	simm.s32 $0x0;
	s18 =	sadd.s32 $0x8C00, s24;
	[dreg:$0x12] =	wrdreg s17  }
0x17: {  	s11 =	smul.u32 $0x7C00, s4;
	s20 =	sadd.s32 $0xA000, s24;
	[dreg:$0x13] =	wrdreg s18  }
0x18: {  	s7 =	smul.u32 $0x7C000, s3;
	s21 =	sadd.s32 $0xB400, s24;
	[dreg:$0x14] =	wrdreg s20  }
0x19: {  	s6 =	simm.s32 $0x12;
	s22 =	sadd.s32 $0xC800, s24;
	[dreg:$0x15] =	wrdreg s21  }
0x1a: {  	s0 =	sadd.s32 s11, s7;
	s23 =	sadd.s32 $0xDC00, s24;
	[dreg:$0x18] =	wrdreg s22  }
0x1b: {  	s25 =	sadd.s32 $0xF000, s24;
	s26 =	sadd.s32 $0x10400, s24;
	[dreg:$0x19] =	wrdreg s23  }
0x1c: {  	s30 =	sadd.s32 $0x11800, s24;
	s31 =	sadd.s32 $0x12C00, s24;
	[dreg:$0x1a] =	wrdreg s25  }
0x1d: {  	s7 =	simm.s32 $0x11;
	s11 =	simm.s32 $0x3800;
	[dreg:$0x1b] =	wrdreg s26  }
0x1e: {  	s19 =	sadd.s32 $0xF8800, s0;
	s0 =	sadd.s32 $0x800, s0;
	[dreg:$0x1c] =	wrdreg s30  }
0x1f: {  	[dreg:$0x1d] =	wrdreg s31;
	s9 =	simm.s32 $0x800;
	s10 =	simm.s32 $0x2400  }
0x20: {  	s13 =	simm.s32 $0x4C00;
	s14 =	simm.s32 $0x6000;
	s15 =	simm.s32 $0x7400  }
0x21: {  	s16 =	simm.s32 $0x8800;
	s17 =	simm.s32 $0x9C00;
	s18 =	simm.s32 $0x1  }
0x22: {  	s20 =	simm.s32 $0x3;
	s21 =	simm.s32 $0x4;
	s22 =	simm.s32 $0x5  }
0x23: {  	s25 =	simm.s32 $0x6;
	s26 =	simm.s32 $0x7;
	s3 =	sshrl.u32 s19, $0x3  }
0x24: {  	s23 =	simm.s32 $0x8;
	s0 =	sshrl.u32 s0, $0x3;
	s3 =	sadd.s32 s3, s8  }
0x25: {  	s19 =	simm.s32 $0x2;
	s0 =	sadd.s32 s0, s8;
	[dreg:$0x16] =	wrdreg s3  }
0x26: {  	v0 =	vimm.f32 $0.0e+00;
	s8 =	simm.s32 $0x28;
	[dreg:$0x17] =	wrdreg s0;
	s3 =	simm.s32 $0x1000  }
.LBB2_1:
0x27: {  	s0 =	rddreg [dreg:$0x4]  }
0x28: {  	[tilespmem:s12], [sflag:$0x11] =	stream.linear.gather [hbm4b:s0+s12], $0x400, $0x38;
	[tilespmem:$0x1F000] =	vst v63  }
0x29: {  	s31 =	rddreg [dreg:$0x5]  }
0x2a: {  	[tilespmem:s9], [sflag:$0x11] =	stream.linear.gather [hbm4b:s31+s12], $0x400, $0x38;
	[tilespmem:$0x1F000] =	vst v63  }
0x2b: {  	s5 =	simm.s32 $0x0;
	s9 =	simm.s32 $0x200  }
.LBB2_2:
0x2c: {  	p0 =	sne.s32 s9, $0x4E00;
	[tilespmem:s5+$0x1070] =	vst v0  }
0x2d: {  	[tilespmem:s5+$0x1000] =	vst v0  }
0x2e: {  	[tilespmem:s5+$0x1010] =	vst v0  }
.Ltmp0:
0x2f: {  	[tilespmem:s5+$0x1020] =	vst v0;
	(pc) =	sbr.rel @p0 .LBB2_2-.Ltmp0, $4  }
0x30: {  	[tilespmem:s5+$0x1030] =	vst v0  }
0x31: {  	[tilespmem:s5+$0x1040] =	vst v0  }
0x32: {  	[tilespmem:s5+$0x1050] =	vst v0  }
0x33: {  	[tilespmem:s5+$0x1060] =	vst v0;
	s5 =	sshra.s32 s9, $0x2;
	s9 =	sadd.s32 $0x200, s9  }
0x34: {  	[tilespmem:s5+$0x1070] =	vst v0  }
0x35: {  	[tilespmem:s5+$0x1000] =	vst v0  }
0x36: {  	[tilespmem:s5+$0x1010] =	vst v0  }
0x37: {  	[tilespmem:s5+$0x1020] =	vst v0  }
0x38: {  	[tilespmem:s5+$0x1030] =	vst v0  }
0x39: {  	[tilespmem:s5+$0x1040] =	vst v0  }
0x3a: {  	[tilespmem:s5+$0x1050] =	vst v0  }
0x3b: {  	[tilespmem:s5+$0x1060] =	vst v0  }
0x3c: {  	[spmem:s24] =	stream.linear.scatter [tilespmem:s3], [sflag:$0x12], $0x1400, $0x38;
	[tilespmem:$0x1F000] =	vst v63  }
0x3d: {  	_ =	swait.ge [sflag:s6], $0x1400  }
0x3e: {  	[sflag:s6] =	ssyncset.done $0x0  }
0x3f: {  	s0 =	rddreg [dreg:$0xd];
	[sflag:s6] =	ssyncadd.s32 $0xFFFFEC00  }
0x40: {  	[spmem:s0] =	stream.linear.scatter [tilespmem:s3], [sflag:$0x12], $0x1400, $0x38;
	[tilespmem:$0x1F000] =	vst v63  }
0x41: {  	_ =	swait.ge [sflag:s6], $0x1400  }
0x42: {  	[sflag:s6] =	ssyncset.done $0x0  }
0x43: {  	s31 =	rddreg [dreg:$0xe];
	[sflag:s6] =	ssyncadd.s32 $0xFFFFEC00  }
0x44: {  	[spmem:s31] =	stream.linear.scatter [tilespmem:s3], [sflag:$0x12], $0x1400, $0x38;
	[tilespmem:$0x1F000] =	vst v63  }
0x45: {  	_ =	swait.ge [sflag:s6], $0x1400  }
0x46: {  	[sflag:s6] =	ssyncset.done $0x0  }
0x47: {  	s4 =	rddreg [dreg:$0xf];
	[sflag:s6] =	ssyncadd.s32 $0xFFFFEC00  }
0x48: {  	[spmem:s4] =	stream.linear.scatter [tilespmem:s3], [sflag:$0x12], $0x1400, $0x38;
	[tilespmem:$0x1F000] =	vst v63  }
0x49: {  	_ =	swait.ge [sflag:s6], $0x1400  }
0x4a: {  	[sflag:s6] =	ssyncset.done $0x0  }
0x4b: {  	s5 =	rddreg [dreg:$0x10];
	[sflag:s6] =	ssyncadd.s32 $0xFFFFEC00  }
0x4c: {  	[spmem:s5] =	stream.linear.scatter [tilespmem:s3], [sflag:$0x12], $0x1400, $0x38;
	[tilespmem:$0x1F000] =	vst v63  }
0x4d: {  	_ =	swait.ge [sflag:s6], $0x1400  }
0x4e: {  	[sflag:s6] =	ssyncset.done $0x0  }
0x4f: {  	s9 =	rddreg [dreg:$0x11];
	[sflag:s6] =	ssyncadd.s32 $0xFFFFEC00  }
0x50: {  	[spmem:s9] =	stream.linear.scatter [tilespmem:s3], [sflag:$0x12], $0x1400, $0x38;
	[tilespmem:$0x1F000] =	vst v63  }
0x51: {  	_ =	swait.ge [sflag:s6], $0x1400  }
0x52: {  	[sflag:s6] =	ssyncset.done $0x0  }
0x53: {  	s12 =	rddreg [dreg:$0x12];
	[sflag:s6] =	ssyncadd.s32 $0xFFFFEC00  }
0x54: {  	[spmem:s12] =	stream.linear.scatter [tilespmem:s3], [sflag:$0x12], $0x1400, $0x38;
	[tilespmem:$0x1F000] =	vst v63  }
0x55: {  	_ =	swait.ge [sflag:s6], $0x1400  }
0x56: {  	[sflag:s6] =	ssyncset.done $0x0  }
0x57: {  	s24 =	rddreg [dreg:$0x13];
	[sflag:s6] =	ssyncadd.s32 $0xFFFFEC00  }
0x58: {  	[spmem:s24] =	stream.linear.scatter [tilespmem:s3], [sflag:$0x12], $0x1400, $0x38;
	[tilespmem:$0x1F000] =	vst v63  }
0x59: {  	_ =	swait.ge [sflag:s6], $0x1400  }
0x5a: {  	[sflag:s6] =	ssyncset.done $0x0  }
0x5b: {  	s31 =	rddreg [dreg:$0x14];
	[sflag:s6] =	ssyncadd.s32 $0xFFFFEC00  }
0x5c: {  	[spmem:s31] =	stream.linear.scatter [tilespmem:s3], [sflag:$0x12], $0x1400, $0x38;
	[tilespmem:$0x1F000] =	vst v63  }
0x5d: {  	_ =	swait.ge [sflag:s6], $0x1400  }
0x5e: {  	[sflag:s6] =	ssyncset.done $0x0  }
0x5f: {  	s4 =	rddreg [dreg:$0x15];
	[sflag:s6] =	ssyncadd.s32 $0xFFFFEC00  }
0x60: {  	[spmem:s4] =	stream.linear.scatter [tilespmem:s3], [sflag:$0x12], $0x1400, $0x38;
	[tilespmem:$0x1F000] =	vst v63  }
0x61: {  	_ =	swait.ge [sflag:s6], $0x1400  }
0x62: {  	[sflag:s6] =	ssyncset.done $0x0  }
0x63: {  	s5 =	rddreg [dreg:$0x18];
	[sflag:s6] =	ssyncadd.s32 $0xFFFFEC00  }
0x64: {  	[spmem:s5] =	stream.linear.scatter [tilespmem:s3], [sflag:$0x12], $0x1400, $0x38;
	[tilespmem:$0x1F000] =	vst v63  }
0x65: {  	_ =	swait.ge [sflag:s6], $0x1400  }
0x66: {  	[sflag:s6] =	ssyncset.done $0x0  }
0x67: {  	s9 =	rddreg [dreg:$0x19];
	[sflag:s6] =	ssyncadd.s32 $0xFFFFEC00  }
0x68: {  	[spmem:s9] =	stream.linear.scatter [tilespmem:s3], [sflag:$0x12], $0x1400, $0x38;
	[tilespmem:$0x1F000] =	vst v63  }
0x69: {  	_ =	swait.ge [sflag:s6], $0x1400  }
0x6a: {  	[sflag:s6] =	ssyncset.done $0x0  }
0x6b: {  	s12 =	rddreg [dreg:$0x1a];
	[sflag:s6] =	ssyncadd.s32 $0xFFFFEC00  }
0x6c: {  	[spmem:s12] =	stream.linear.scatter [tilespmem:s3], [sflag:$0x12], $0x1400, $0x38;
	[tilespmem:$0x1F000] =	vst v63  }
0x6d: {  	_ =	swait.ge [sflag:s6], $0x1400  }
0x6e: {  	[sflag:s6] =	ssyncset.done $0x0  }
0x6f: {  	s24 =	rddreg [dreg:$0x1b];
	[sflag:s6] =	ssyncadd.s32 $0xFFFFEC00  }
0x70: {  	[spmem:s24] =	stream.linear.scatter [tilespmem:s3], [sflag:$0x12], $0x1400, $0x38;
	[tilespmem:$0x1F000] =	vst v63  }
0x71: {  	_ =	swait.ge [sflag:s6], $0x1400  }
0x72: {  	[sflag:s6] =	ssyncset.done $0x0  }
0x73: {  	s31 =	rddreg [dreg:$0x1c];
	[sflag:s6] =	ssyncadd.s32 $0xFFFFEC00  }
0x74: {  	[spmem:s31] =	stream.linear.scatter [tilespmem:s3], [sflag:$0x12], $0x1400, $0x38;
	[tilespmem:$0x1F000] =	vst v63  }
0x75: {  	_ =	swait.ge [sflag:s6], $0x1400  }
0x76: {  	[sflag:s6] =	ssyncset.done $0x0  }
0x77: {  	s4 =	rddreg [dreg:$0x1d];
	[sflag:s6] =	ssyncadd.s32 $0xFFFFEC00  }
0x78: {  	[spmem:s4] =	stream.linear.scatter [tilespmem:s3], [sflag:$0x12], $0x1400, $0x38;
	[tilespmem:$0x1F000] =	vst v63  }
0x79: {  	_ =	swait.ge [sflag:s6], $0x1400  }
0x7a: {  	[sflag:s6] =	ssyncset.done $0x0  }
0x7b: {  	[sflag:s6] =	ssyncadd.s32 $0xFFFFEC00  }
0x7c: {  	_ =	swait.ge [sflag:s7], $0x400  }
0x7d: {  	[sflag:s7] =	ssyncset.done $0x0  }
0x7e: {  	[sflag:s7] =	ssyncadd.s32 $0xFFFFFC00  }
0x7f: {  	_ =	swait.ge [sflag:s7], $0x400  }
0x80: {  	[sflag:s7] =	ssyncset.done $0x0  }
0x81: {  	s24 =	simm.s32 $0x0;
	[sflag:s7] =	ssyncadd.s32 $0xFFFFFC00  }
0x82: {  	[tilespmem:s3], [sflag:$0x1] =	stream.indirect.gather [hbm4b:s1+s8], $0x80, s24, s8, $0xb8;
	[tilespmem:$0x1F000] =	vst v63  }
0x83: {  	_ = 	snop  }
0x84: {  	[tilespmem:s10], [sflag:$0x2] =	stream.indirect.gather [hbm4b:s1+s8], $0x80, s29, s8, $0xb8;
	[tilespmem:$0x1F000] =	vst v63  }
0x85: {  	s5 =	simm.s32 $0x100  }
0x86: {  	[tilespmem:s11], [sflag:$0x3] =	stream.indirect.gather [hbm4b:s1+s8], $0x80, s5, s8, $0xb8;
	[tilespmem:$0x1F000] =	vst v63  }
0x87: {  	s9 =	simm.s32 $0x180  }
0x88: {  	[tilespmem:s13], [sflag:$0x4] =	stream.indirect.gather [hbm4b:s1+s8], $0x80, s9, s8, $0xb8;
	[tilespmem:$0x1F000] =	vst v63  }
0x89: {  	s12 =	simm.s32 $0x200  }
0x8a: {  	[tilespmem:s14], [sflag:$0x5] =	stream.indirect.gather [hbm4b:s1+s8], $0x80, s12, s8, $0xb8;
	[tilespmem:$0x1F000] =	vst v63  }
0x8b: {  	s31 =	simm.s32 $0x280  }
0x8c: {  	[tilespmem:s15], [sflag:$0x6] =	stream.indirect.gather [hbm4b:s1+s8], $0x80, s31, s8, $0xb8;
	[tilespmem:$0x1F000] =	vst v63  }
0x8d: {  	s4 =	simm.s32 $0x300  }
0x8e: {  	[tilespmem:s16], [sflag:$0x7] =	stream.indirect.gather [hbm4b:s1+s8], $0x80, s4, s8, $0xb8;
	[tilespmem:$0x1F000] =	vst v63  }
0x8f: {  	s5 =	simm.s32 $0x380  }
0x90: {  	[tilespmem:s17], [sflag:$0x8] =	stream.indirect.gather [hbm4b:s1+s8], $0x80, s5, s8, $0xb8;
	[tilespmem:$0x1F000] =	vst v63  }
0x91: {  	s9 =	rddreg [dreg:$0x6];
	s4 =	simm.s32 $0x400  }
0x92: {  	[tilespmem:s4], [sflag:$0x11] =	stream.linear.gather [hbm4b:s9+s24], $0x400, $0x38;
	[tilespmem:$0x1F000] =	vst v63  }
0x93: {  	s12 =	rddreg [dreg:$0x7];
	s31 =	simm.s32 $0xC00  }
0x94: {  	[tilespmem:s31], [sflag:$0x11] =	stream.linear.gather [hbm4b:s12+s24], $0x400, $0x38;
	[tilespmem:$0x1F000] =	vst v63  }
0x95: {  	[bflag:$0x0] =	sbarrier.arrive $0xFFFF  }
0x96: {  	s29 =	rddreg [dreg:$0x17]  }
0x97: {  	s5 =	simm.s32 $0x0;
	s30 =	rddreg [dreg:$0x16]  }
.LBB2_4:
0x98: {  	_ =	swait.ge [sflag:s18], $0x1400  }
0x99: {  	s31 =	sand.u32 $0x400, s24;
	[sflag:s18] =	ssyncset.done $0x0  }
0x9a: {  	s9 =	sor.u32 $0x800, s31;
	[sflag:s18] =	ssyncadd.s32 $0xFFFFEC00  }
0x9b: {  	[spmem:s2] =	stream.indirect.scatter.add.f32 [tilespmem:s3], [sflag:$0x9], $0x80, s9, s8, $0xb8;
	[tilespmem:$0x1F000] =	vst v63  }
0x9c: {  	_ =	swait.ge [sflag:s19], $0x1400  }
0x9d: {  	[sflag:s19] =	ssyncset.done $0x0  }
0x9e: {  	s0 =	sor.u32 $0x880, s31;
	[sflag:s19] =	ssyncadd.s32 $0xFFFFEC00  }
0x9f: {  	[spmem:s2] =	stream.indirect.scatter.add.f32 [tilespmem:s10], [sflag:$0xA], $0x80, s0, s8, $0xb8;
	[tilespmem:$0x1F000] =	vst v63  }
0xa0: {  	_ =	swait.ge [sflag:s20], $0x1400  }
0xa1: {  	[sflag:s20] =	ssyncset.done $0x0  }
0xa2: {  	s4 =	sor.u32 $0x900, s31;
	[sflag:s20] =	ssyncadd.s32 $0xFFFFEC00  }
0xa3: {  	[spmem:s2] =	stream.indirect.scatter.add.f32 [tilespmem:s11], [sflag:$0xB], $0x80, s4, s8, $0xb8;
	[tilespmem:$0x1F000] =	vst v63  }
0xa4: {  	_ =	swait.ge [sflag:s21], $0x1400  }
0xa5: {  	[sflag:s21] =	ssyncset.done $0x0  }
0xa6: {  	s12 =	sor.u32 $0x980, s31;
	[sflag:s21] =	ssyncadd.s32 $0xFFFFEC00  }
0xa7: {  	[spmem:s2] =	stream.indirect.scatter.add.f32 [tilespmem:s13], [sflag:$0xC], $0x80, s12, s8, $0xb8;
	[tilespmem:$0x1F000] =	vst v63  }
0xa8: {  	_ =	swait.ge [sflag:s22], $0x1400  }
0xa9: {  	[sflag:s22] =	ssyncset.done $0x0  }
0xaa: {  	s4 =	sor.u32 $0xA00, s31;
	[sflag:s22] =	ssyncadd.s32 $0xFFFFEC00  }
0xab: {  	[spmem:s2] =	stream.indirect.scatter.add.f32 [tilespmem:s14], [sflag:$0xD], $0x80, s4, s8, $0xb8;
	[tilespmem:$0x1F000] =	vst v63  }
0xac: {  	_ =	swait.ge [sflag:s25], $0x1400  }
0xad: {  	[sflag:s25] =	ssyncset.done $0x0  }
0xae: {  	s12 =	sor.u32 $0xA80, s31;
	[sflag:s25] =	ssyncadd.s32 $0xFFFFEC00  }
0xaf: {  	[spmem:s2] =	stream.indirect.scatter.add.f32 [tilespmem:s15], [sflag:$0xE], $0x80, s12, s8, $0xb8;
	[tilespmem:$0x1F000] =	vst v63  }
0xb0: {  	_ =	swait.ge [sflag:s26], $0x1400  }
0xb1: {  	[sflag:s26] =	ssyncset.done $0x0  }
0xb2: {  	s4 =	sor.u32 $0xB00, s31;
	[sflag:s26] =	ssyncadd.s32 $0xFFFFEC00  }
0xb3: {  	[spmem:s2] =	stream.indirect.scatter.add.f32 [tilespmem:s16], [sflag:$0xF], $0x80, s4, s8, $0xb8;
	[tilespmem:$0x1F000] =	vst v63  }
0xb4: {  	_ =	swait.ge [sflag:s23], $0x1400  }
0xb5: {  	p0 =	seq.s32 s5, $0x1E;
	[sflag:s23] =	ssyncset.done $0x0  }
0xb6: {  	s0 =	simm.s32 @!p0 $0x11;
	s12 =	sor.u32 $0xB80, s31;
	[sflag:s23] =	ssyncadd.s32 $0xFFFFEC00  }
0xb7: {  	[spmem:s2] =	stream.indirect.scatter.add.f32 [tilespmem:s17], [sflag:$0x10], $0x80, s12, s8, $0xb8;
	[tilespmem:$0x1F000] =	vst v63  }
0xb8: {  	_ =	swait.ge @!p0 [sflag:s0], $0x400  }
0xb9: {  	[sflag:s0] =	ssyncset.done @!p0 $0x0  }
0xba: {  	[sflag:s0] =	ssyncadd.s32 @!p0 $0xFFFFFC00  }
0xbb: {  	_ =	swait.ge @!p0 [sflag:s0], $0x400  }
0xbc: {  	[sflag:s0] =	ssyncset.done @!p0 $0x0  }
0xbd: {  	[sflag:s0] =	ssyncadd.s32 @!p0 $0xFFFFFC00;
	s0 =	simm.s32 @!p0 $0x9  }
0xbe: {  	_ =	swait.ge @!p0 [sflag:s0], $0x1400  }
0xbf: {  	s4 =	simm.s32 @!p0 $0x28;
	[sflag:s0] =	ssyncset.done @!p0 $0x0  }
0xc0: {  	s12 =	simm.s32 @!p0 $0x1000;
	[sflag:s0] =	ssyncadd.s32 @!p0 $0xFFFFEC00;
	s0 =	ssub.s32 @!p0 $0x400, s31  }
0xc1: {  	[tilespmem:s12], [sflag:$0x1] =	stream.indirect.gather @!p0 [hbm4b:s1+s4], $0x80, s0, s4, $0xb8;
	[tilespmem:$0x1F000] =	vst v63  }
0xc2: {  	s0 =	simm.s32 @!p0 $0xA  }
0xc3: {  	_ =	swait.ge @!p0 [sflag:s0], $0x1400  }
0xc4: {  	[sflag:s0] =	ssyncset.done @!p0 $0x0  }
0xc5: {  	s12 =	simm.s32 @!p0 $0x2400;
	[sflag:s0] =	ssyncadd.s32 @!p0 $0xFFFFEC00;
	s0 =	ssub.s32 @!p0 $0x480, s31  }
0xc6: {  	[tilespmem:s12], [sflag:$0x2] =	stream.indirect.gather @!p0 [hbm4b:s1+s4], $0x80, s0, s4, $0xb8;
	[tilespmem:$0x1F000] =	vst v63  }
0xc7: {  	s0 =	simm.s32 @!p0 $0xB  }
0xc8: {  	_ =	swait.ge @!p0 [sflag:s0], $0x1400  }
0xc9: {  	[sflag:s0] =	ssyncset.done @!p0 $0x0  }
0xca: {  	s12 =	simm.s32 @!p0 $0x3800;
	[sflag:s0] =	ssyncadd.s32 @!p0 $0xFFFFEC00;
	s0 =	ssub.s32 @!p0 $0x500, s31  }
0xcb: {  	[tilespmem:s12], [sflag:$0x3] =	stream.indirect.gather @!p0 [hbm4b:s1+s4], $0x80, s0, s4, $0xb8;
	[tilespmem:$0x1F000] =	vst v63  }
0xcc: {  	s0 =	simm.s32 @!p0 $0xC  }
0xcd: {  	_ =	swait.ge @!p0 [sflag:s0], $0x1400  }
0xce: {  	[sflag:s0] =	ssyncset.done @!p0 $0x0  }
0xcf: {  	s12 =	simm.s32 @!p0 $0x4C00;
	[sflag:s0] =	ssyncadd.s32 @!p0 $0xFFFFEC00;
	s0 =	ssub.s32 @!p0 $0x580, s31  }
0xd0: {  	[tilespmem:s12], [sflag:$0x4] =	stream.indirect.gather @!p0 [hbm4b:s1+s4], $0x80, s0, s4, $0xb8;
	[tilespmem:$0x1F000] =	vst v63  }
0xd1: {  	s0 =	simm.s32 @!p0 $0xD  }
0xd2: {  	_ =	swait.ge @!p0 [sflag:s0], $0x1400  }
0xd3: {  	[sflag:s0] =	ssyncset.done @!p0 $0x0  }
0xd4: {  	s12 =	simm.s32 @!p0 $0x6000;
	[sflag:s0] =	ssyncadd.s32 @!p0 $0xFFFFEC00;
	s0 =	ssub.s32 @!p0 $0x600, s31  }
0xd5: {  	[tilespmem:s12], [sflag:$0x5] =	stream.indirect.gather @!p0 [hbm4b:s1+s4], $0x80, s0, s4, $0xb8;
	[tilespmem:$0x1F000] =	vst v63  }
0xd6: {  	s0 =	simm.s32 @!p0 $0xE  }
0xd7: {  	_ =	swait.ge @!p0 [sflag:s0], $0x1400  }
0xd8: {  	[sflag:s0] =	ssyncset.done @!p0 $0x0  }
0xd9: {  	s12 =	simm.s32 @!p0 $0x7400;
	[sflag:s0] =	ssyncadd.s32 @!p0 $0xFFFFEC00;
	s0 =	ssub.s32 @!p0 $0x680, s31  }
0xda: {  	[tilespmem:s12], [sflag:$0x6] =	stream.indirect.gather @!p0 [hbm4b:s1+s4], $0x80, s0, s4, $0xb8;
	[tilespmem:$0x1F000] =	vst v63  }
0xdb: {  	s0 =	simm.s32 @!p0 $0xF  }
0xdc: {  	_ =	swait.ge @!p0 [sflag:s0], $0x1400  }
0xdd: {  	[sflag:s0] =	ssyncset.done @!p0 $0x0  }
0xde: {  	s12 =	simm.s32 @!p0 $0x8800;
	[sflag:s0] =	ssyncadd.s32 @!p0 $0xFFFFEC00;
	s0 =	ssub.s32 @!p0 $0x700, s31  }
0xdf: {  	[tilespmem:s12], [sflag:$0x7] =	stream.indirect.gather @!p0 [hbm4b:s1+s4], $0x80, s0, s4, $0xb8;
	[tilespmem:$0x1F000] =	vst v63  }
0xe0: {  	s0 =	simm.s32 @!p0 $0x10  }
0xe1: {  	p1 =	sgt.u32 @!p0 s5, $0x1C;
	_ =	swait.ge @!p0 [sflag:s0], $0x1400  }
0xe2: {  	p1 =	por p1, p0;
	[sflag:s0] =	ssyncset.done @!p0 $0x0  }
0xe3: {  	s12 =	simm.s32 @!p0 $0x9C00;
	[sflag:s0] =	ssyncadd.s32 @!p0 $0xFFFFEC00;
	s0 =	ssub.s32 @!p0 $0x780, s31  }
0xe4: {  	[tilespmem:s12], [sflag:$0x8] =	stream.indirect.gather @!p0 [hbm4b:s1+s4], $0x80, s0, s4, $0xb8;
	[tilespmem:$0x1F000] =	vst v63  }
0xe5: {  	s0 =	simm.s32 @!p1 $0x0  }
0xe6: {  	[tilespmem:s31], [sflag:$0x11] =	stream.linear.gather @!p1 [hbm4b:s29+s0], $0x400, $0x38;
	[tilespmem:$0x1F000] =	vst v63  }
0xe7: {  	s5 =	sadd.s32 @!p0 $0x1, s5  }
0xe8: {  	[tilespmem:s9], [sflag:$0x11] =	stream.linear.gather @!p1 [hbm4b:s30+s0], $0x400, $0x38;
	[tilespmem:$0x1F000] =	vst v63  }
0xe9: {  	p1 =	sne.s32 @!p0 s5, $0x1F  }
0xea: {  	p1 =	por p0, !p1  }
.Ltmp1:
0xeb: {  	_ = 	snop;
	(pc) =	sbr.rel @!p1 .LBB2_4-.Ltmp1, $2  }
0xec: {  	_ =	sdelay $0x2  }
0xed: {  	s24 =	sadd.s32 @!p0 $0x400, s24;
	s29 =	sadd.s32 @!p0 $0x80, s29;
	s30 =	sadd.s32 @!p0 $0x80, s30  }
0xee: {  	s0 =	simm.s32 $0x9  }
0xef: {  	_ =	swait.ge [sflag:s0], $0x1400  }
0xf0: {  	[sflag:s0] =	ssyncset.done $0x0  }
0xf1: {  	s4 =	simm.s32 $0xA;
	[sflag:s0] =	ssyncadd.s32 $0xFFFFEC00  }
0xf2: {  	_ =	swait.ge [sflag:s4], $0x1400  }
0xf3: {  	[sflag:s4] =	ssyncset.done $0x0  }
0xf4: {  	s5 =	simm.s32 $0xB;
	[sflag:s4] =	ssyncadd.s32 $0xFFFFEC00  }
0xf5: {  	_ =	swait.ge [sflag:s5], $0x1400  }
0xf6: {  	[sflag:s5] =	ssyncset.done $0x0  }
0xf7: {  	s9 =	simm.s32 $0xC;
	[sflag:s5] =	ssyncadd.s32 $0xFFFFEC00  }
0xf8: {  	_ =	swait.ge [sflag:s9], $0x1400  }
0xf9: {  	[sflag:s9] =	ssyncset.done $0x0  }
0xfa: {  	s12 =	simm.s32 $0xD;
	[sflag:s9] =	ssyncadd.s32 $0xFFFFEC00  }
0xfb: {  	_ =	swait.ge [sflag:s12], $0x1400  }
0xfc: {  	[sflag:s12] =	ssyncset.done $0x0  }
0xfd: {  	s24 =	simm.s32 $0xE;
	[sflag:s12] =	ssyncadd.s32 $0xFFFFEC00  }
0xfe: {  	_ =	swait.ge [sflag:s24], $0x1400  }
0xff: {  	[sflag:s24] =	ssyncset.done $0x0  }
0x100: {  	s30 =	simm.s32 $0xF;
	[sflag:s24] =	ssyncadd.s32 $0xFFFFEC00  }
0x101: {  	_ =	swait.ge [sflag:s30], $0x1400  }
0x102: {  	[sflag:s30] =	ssyncset.done $0x0  }
0x103: {  	s31 =	simm.s32 $0x10;
	[sflag:s30] =	ssyncadd.s32 $0xFFFFEC00  }
0x104: {  	_ =	swait.ge [sflag:s31], $0x1400  }
0x105: {  	[sflag:s31] =	ssyncset.done $0x0  }
0x106: {  	s12 =	simm.s32 $0x0;
	s4 =	rddreg [dreg:$0x8];
	[sflag:s31] =	ssyncadd.s32 $0xFFFFEC00  }
0x107: {  	[tilespmem:s12], [sflag:$0x12] =	stream.linear.gather [hbm4b:s4+s12], $0x100, $0x38;
	[tilespmem:$0x1F000] =	vst v63  }
0x108: {  	_ =	swait.ge [sflag:s6], $0x100  }
0x109: {  	[sflag:s6] =	ssyncset.done $0x0  }
0x10a: {  	s9 =	simm.s32 $0x800;
	s5 =	rddreg [dreg:$0x9];
	[sflag:s6] =	ssyncadd.s32 $0xFFFFFF00  }
0x10b: {  	[tilespmem:s9], [sflag:$0x12] =	stream.linear.gather [hbm4b:s5+s12], $0x100, $0x38;
	[tilespmem:$0x1F000] =	vst v63  }
0x10c: {  	_ =	swait.ge [sflag:s6], $0x100  }
0x10d: {  	[sflag:s6] =	ssyncset.done $0x0  }
0x10e: {  	[sflag:s6] =	ssyncadd.s32 $0xFFFFFF00  }
0x10f: {  	[tilespmem:s3], [sflag:$0x1] =	stream.indirect.gather [hbm4b:s1+s8], $0x80, s12, s8, $0xb8;
	[tilespmem:$0x1F000] =	vst v63  }
0x110: {  	_ =	swait.ge [sflag:s18], $0x1400  }
0x111: {  	[sflag:s18] =	ssyncset.done $0x0  }
0x112: {  	[sflag:s18] =	ssyncadd.s32 $0xFFFFEC00  }
0x113: {  	[spmem:s2] =	stream.indirect.scatter.add.f32 [tilespmem:s3], [sflag:$0x12], $0x80, s9, s8, $0xb8;
	[tilespmem:$0x1F000] =	vst v63  }
0x114: {  	_ =	swait.ge [sflag:s6], $0x1400  }
0x115: {  	[sflag:s6] =	ssyncset.done $0x0  }
0x116: {  	s29 =	simm.s32 $0x80;
	[sflag:s6] =	ssyncadd.s32 $0xFFFFEC00  }
0x117: {  	[tilespmem:s10], [sflag:$0x2] =	stream.indirect.gather [hbm4b:s1+s8], $0x80, s29, s8, $0xb8;
	[tilespmem:$0x1F000] =	vst v63  }
0x118: {  	_ =	swait.ge [sflag:s19], $0x1400  }
0x119: {  	[sflag:s19] =	ssyncset.done $0x0  }
0x11a: {  	s24 =	simm.s32 $0x880;
	[sflag:s19] =	ssyncadd.s32 $0xFFFFEC00  }
0x11b: {  	[spmem:s2] =	stream.indirect.scatter.add.f32 [tilespmem:s10], [sflag:$0x12], $0x80, s24, s8, $0xb8;
	[tilespmem:$0x1F000] =	vst v63  }
0x11c: {  	_ =	swait.ge [sflag:s6], $0x1400  }
0x11d: {  	[sflag:s6] =	ssyncset.done $0x0  }
0x11e: {  	[sflag:s6] =	ssyncadd.s32 $0xFFFFEC00  }
0x11f: {  	s30 =	stileid.u32;
	[bflag:$0x0] =	sbarrier.arrive $0xFFFF  }
0x120: {  	s0 =	sshll.u32 s30, $0x6;
	s24 =	rddreg [dreg:$0xb]  }
0x121: {  	s0 =	sor.u32 $0x1C12, s0;
	s5 =	rddreg [dreg:$0xa];
	s4 =	sshrl.u32 s24, $0x3  }
0x122: {  	[hbm:s5], [sflag:s0] =	dma.local [spmem:s4], $0x2800  }
0x123: {  	_ =	swait.ge [sflag:s6], $0x2800  }
0x124: {  	s28 =	sadd.s32 $0x1, s28;
	s31 =	rddreg [dreg:$0xc]  }
0x125: {  	p0 =	sne.s32 s28, s31  }
.Ltmp2:
0x126: {  	_ = 	snop;
	(pc) =	sbr.rel @p0 .LBB2_1-.Ltmp2, $3  }
0x127: {  	_ =	sdelay $0x1  }
0x128: {  	[sflag:s6] =	ssyncset.done $0x0  }
0x129: {  	[sflag:s6] =	ssyncadd.s32 $0xFFFFD800  }
0x12a: {  	_ =	sfence.sel $0x180000  }
0x12b: {  	[bflag:$0x0] =	sbarrier.arrive $0xFFFF  }
0x12c: {  	_ =	strace $0x9000004A  }
0x12d: {  	s0 =	stileid.u32;
	[bflag:$0x2] =	sbarrier.arrive $0xFFFF  }
0x12e: {  	p0 =	sne.s32 s0, $0x0;
	s0 =	rddreg [dreg:$0x3]  }
0x12f: {  	s0 =	sadd.s32 @!p0 $0x100000, s0  }
0x130: {  	[sflag:s0] =	ssyncadd.tile.s32 @!p0 $0x1;
	_ =	shalt  }
.Lfunc_end2:
_tile_overlayer_lowered:
.L_overlay_start_2:
0x131: {  	(tag) =	ssettag $0x2  }
0x132: {  	s0 =	rddreg [dreg:$0x0];
	s2 =	stileid.u32  }
0x133: {  	s1 =	rddreg [dreg:$0x1];
	p0 =	sne.s32 s2, $0x0  }
0x134: {  	s3 =	rddreg [dreg:$0x2];
	[bflag:$0x3] =	sbarrier.arrive $0xFFFF;
	s2 =	simm.s32 @!p0 $0x1C12  }
0x135: {  	[timem:s3], [sflag:s2] =	dma.local @!p0 [hbm:s0], s1  }
0x136: {  	s0 =	simm.s32 @!p0 $0x12  }
0x137: {  	_ =	swait.ge @!p0 [sflag:s0], s1  }
0x138: {  	s1 =	ssub.s32 @!p0 $0x0, s1;
	[sflag:s0] =	ssyncset.done @!p0 $0x0  }
0x139: {  	[sflag:s0] =	ssyncadd.s32 @!p0 s1  }
0x13a: {  	[bflag:$0x3] =	sbarrier.arrive $0xFFFF  }
0x13b: {  	_ =	shalt  }

// kernel: kernel.14.cloned.1.call-start
scs
__scs_entry_jumppad:
0x0: {  	(pc) =	sbr.rel $0x88, $3  }
0x1: {  	(tag) =	ssettag $0x0;
	lr =	simm.s32 $0x1  }
0x2: {  	[smem:$0x3F9B] =	sst lr;
	_ =	strace $0xD0000000  }
0x3: {  	_ = 	snop  }
0x4: {  	_ = 	snop  }
0x5: {  	_ = 	snop  }
0x6: {  	_ = 	snop  }
0x7: {  	_ = 	snop  }
__scs_overlays_trampoline_lowered:
0x8: {  	[smem:$0x3FAA] =	sst s0  }
0x9: {  	[smem:$0x3FAB] =	sst s1  }
0xa: {  	[smem:$0x3FAC] =	sst s2  }
0xb: {  	[smem:$0x3FAD] =	sst s3  }
0xc: {  	[smem:$0x3FAE] =	sst s4  }
0xd: {  	[smem:$0x3FAF] =	sst s5  }
0xe: {  	[smem:$0x3FB0] =	sst s6  }
0xf: {  	[smem:$0x3FB1] =	sst s7  }
0x10: {  	[smem:$0x3FB2] =	sst s8  }
0x11: {  	[smem:$0x3FB3] =	sst s9;
	s0 =	simm.s32 @!p0 $0x0  }
0x12: {  	s1 =	sld [smem:$0x3F99];
	s0 =	simm.s32 @p0 $0x1  }
0x13: {  	[smem:$0x3FB4] =	sst s0;
	s0 =	simm.s32 @!p1 $0x0  }
0x14: {  	s2 =	sld [smem:$0x3F98];
	s0 =	simm.s32 @p1 $0x1  }
0x15: {  	[smem:$0x3FB5] =	sst s0;
	s0 =	simm.s32 @!p2 $0x0  }
0x16: {  	s3 =	sld [smem:$0x3FDB];
	s0 =	simm.s32 @p2 $0x1  }
0x17: {  	s4 =	simm.s32 $0x1BF5;
	[smem:$0x3FB7] =	sst s0  }
0x18: {  	s0 =	sld [smem:$0x3F9A];
	_ =	swait.ge [sflag:s4], $0x0  }
0x19: {  	s7 =	sld [smem:$0x3F9B]  }
0x1a: {  	s8 =	sadd.s32 $0xFFFFE003, lr  }
0x1b: {  	s9 =	sadd.s32 $0xFFFFFEF7, lr;
	s5 =	simm.s32 $0xFFFFFFFF;
	p2 =	slt.u32 s8, $0xFFFFF086  }
0x1c: {  	p1 =	slt.u32 s9, $0xF7A;
	s5 =	simm.s32 @!p2 $0x0  }
0x1d: {  	s5 =	simm.s32 @p1 $0x1;
	p0 =	seq.s32 s7, s2  }
0x1e: {  	s7 =	smul.u32 @!p0 $0xF7A, s2;
	p2 =	seq.s32 @!p0 s5, $0x0  }
0x1f: {  	s9 =	smul.u32 $0xF7A, s1;
	s8 =	simm.s32 @!p0 $0x1BF5;
	p2 =	por !p2, p0  }
0x20: {  	[sflag:s8] =	ssyncset.s32 @!p0 $0xFFFFF086;
	s6 =	sadd.s32 @!p0 s3, s7;
	s7 =	simm.s32 @!p0 $0x108  }
0x21: {  	s3 =	sadd.s32 s3, s9;
	s6 =	sadd.s32 @!p0 $0x88, s6;
	s7 =	simm.s32 @p2 $0x1082  }
0x22: {  	[simem:s7], [sflag:s8] =	dma.local @!p0 [hbm:s6], $0xF7A  }
0x23: {  	s9 =	sor.u32 $0xD0000000, s2;
	s6 =	simm.s32 $0x108;
	_ =	swait.ge @!p0 [sflag:s8], $0x0  }
0x24: {  	s3 =	sadd.s32 $0x88, s3;
	s6 =	simm.s32 @!p1 $0x1082;
	[sflag:s4] =	ssyncset.s32 $0xFFFFF086  }
0x25: {  	[simem:s6], [sflag:s4] =	dma.local [hbm:s3], $0xF7A  }
0x26: {  	[smem:$0x3F9B] =	sst s1;
	(tag) =	ssettag s2;
	_ =	strace s9  }
0x27: {  	s1 =	sld [smem:$0x3FAB]  }
0x28: {  	s2 =	sld [smem:$0x3FAC]  }
0x29: {  	s4 =	sld [smem:$0x3FAE]  }
0x2a: {  	p0 =	seq.s32 s5, $0x0;
	s5 =	sld [smem:$0x3FAF]  }
0x2b: {  	s6 =	sld [smem:$0x3FB0]  }
0x2c: {  	s7 =	sld [smem:$0x3FB1]  }
0x2d: {  	s3 =	simm.s32 $0x108;
	s8 =	sld [smem:$0x3FB2]  }
0x2e: {  	s3 =	simm.s32 @!p0 $0x1082;
	s9 =	sld [smem:$0x3FB3]  }
0x2f: {  	lr =	sadd.s32 s0, s3;
	s0 =	sld [smem:$0x3FAA]  }
0x30: {  	s3 =	sld [smem:$0x3FAD]  }
0x31: {  	[smem:$0x3FB6] =	sst s10  }
0x32: {  	s10 =	sld [smem:$0x3FB4];
	_ =	sdelay $0x3  }
0x33: {  	p0 =	seq.s32 s10, $0x1;
	s10 =	sld [smem:$0x3FB6];
	_ =	sdelay $0x3  }
0x34: {  	[smem:$0x3FB6] =	sst s10  }
0x35: {  	s10 =	sld [smem:$0x3FB5];
	_ =	sdelay $0x3  }
0x36: {  	p1 =	seq.s32 s10, $0x1;
	s10 =	sld [smem:$0x3FB6];
	_ =	sdelay $0x3  }
0x37: {  	[smem:$0x3FB6] =	sst s10  }
0x38: {  	s10 =	sld [smem:$0x3FB7]  }
0x39: {  	_ = 	snop;
	(pc) =	sbr.ind lr, $3  }
0x3a: {  	_ = 	snop  }
0x3b: {  	_ = 	snop  }
0x3c: {  	p2 =	seq.s32 s10, $0x1;
	s10 =	sld [smem:$0x3FB6]  }
0x3d: {  	_ =	shalt  }
0x3e: {  	_ =	shalt  }
0x3f: {  	_ =	shalt  }
0x40: {  	_ =	shalt  }
0x41: {  	_ =	shalt  }
0x42: {  	_ =	shalt  }
0x43: {  	_ =	shalt  }
0x44: {  	_ =	shalt  }
0x45: {  	_ =	shalt  }
0x46: {  	_ =	shalt  }
0x47: {  	_ =	shalt  }
0x48: {  	_ =	shalt  }
0x49: {  	_ =	shalt  }
0x4a: {  	_ =	shalt  }
0x4b: {  	_ =	shalt  }
0x4c: {  	_ =	shalt  }
0x4d: {  	_ =	shalt  }
0x4e: {  	_ =	shalt  }
0x4f: {  	_ =	shalt  }
0x50: {  	_ =	shalt  }
0x51: {  	_ =	shalt  }
0x52: {  	_ =	shalt  }
0x53: {  	_ =	shalt  }
0x54: {  	_ =	shalt  }
0x55: {  	_ =	shalt  }
0x56: {  	_ =	shalt  }
0x57: {  	_ =	shalt  }
0x58: {  	_ =	shalt  }
0x59: {  	_ =	shalt  }
0x5a: {  	_ =	shalt  }
0x5b: {  	_ =	shalt  }
0x5c: {  	_ =	shalt  }
0x5d: {  	_ =	shalt  }
0x5e: {  	_ =	shalt  }
0x5f: {  	_ =	shalt  }
0x60: {  	_ =	shalt  }
0x61: {  	_ =	shalt  }
0x62: {  	_ =	shalt  }
0x63: {  	_ =	shalt  }
0x64: {  	_ =	shalt  }
0x65: {  	_ =	shalt  }
0x66: {  	_ =	shalt  }
0x67: {  	_ =	shalt  }
0x68: {  	_ =	shalt  }
0x69: {  	_ =	shalt  }
0x6a: {  	_ =	shalt  }
0x6b: {  	_ =	shalt  }
0x6c: {  	_ =	shalt  }
0x6d: {  	_ =	shalt  }
0x6e: {  	_ =	shalt  }
0x6f: {  	_ =	shalt  }
0x70: {  	_ =	shalt  }
0x71: {  	_ =	shalt  }
0x72: {  	_ =	shalt  }
0x73: {  	_ =	shalt  }
0x74: {  	_ =	shalt  }
0x75: {  	_ =	shalt  }
0x76: {  	_ =	shalt  }
0x77: {  	_ =	shalt  }
0x78: {  	_ =	shalt  }
0x79: {  	_ =	shalt  }
0x7a: {  	_ =	shalt  }
0x7b: {  	_ =	shalt  }
0x7c: {  	_ =	shalt  }
0x7d: {  	_ =	shalt  }
0x7e: {  	_ =	shalt  }
0x7f: {  	_ =	shalt  }
0x80: {  	_ =	shalt  }
0x81: {  	_ =	shalt  }
0x82: {  	_ =	shalt  }
0x83: {  	_ =	shalt  }
0x84: {  	_ =	shalt  }
0x85: {  	_ =	shalt  }
0x86: {  	_ =	shalt  }
0x87: {  	_ =	shalt  }
.Lfunc_end0:
.L_simem_size_0:
called_computation.2_lowered:
.L_overlay_start_0:
0x88: {  	s2 =	sld [smem:$0x3FD9]  }
0x89: {  	s3 =	sld [smem:$0x3FFE];
	_ =	sdelay $0x1  }
0x8a: {  	s1 =	srdreg.scid  }
0x8b: {  	s0 =	sand.u32 $0x1, s1  }
0x8c: {  	s17 =	sshll.u32 s0, $0xA;
	s2 =	sadd.s32 s3, s2  }
0x8d: {  	s2 =	sadd.s32 s2, s17  }
0x8e: {  	[smem:$0x3FC2] =	sst s2  }
0x8f: {  	_ = 	snop  }
0x90: {  	s2 =	sld [smem:$0x3FD0];
	(tm) =	ssettm $0x1  }
0x91: {  	s18 =	sld [smem:$0x3FFB];
	_ =	sdelay $0x3  }
0x92: {  	_ =	strace s18  }
0x93: {  	s3 =	sld [smem:$0x3FFC];
	_ =	sdelay $0x3  }
0x94: {  	_ =	strace s3  }
0x95: {  	s3 =	sld [smem:$0x3FFD];
	_ =	sdelay $0x3  }
0x96: {  	_ =	strace s3  }
0x97: {  	_ =	strace $0x8FFFFFFF  }
0x98: {  	s19 =	sld [smem:$0x3FDB];
	_ =	sdelay $0x1  }
0x99: {  	s4 =	simm.s32 $_scs_section_size  }
0x9a: {  	s5 =	simm.s32 $_size__tile_overlayer_lowered;
	s6 =	simm.s32 $_tile_overlayer_lowered  }
0x9b: {  	s22 =	simm.s32 $0x1BFF;
	s21 =	sshll.u32 s6, $0x1;
	s3 =	sadd.s32 s4, s19  }
0x9c: {  	s7 =	simm.s32 $0x0;
	s20 =	sshll.u32 s5, $0x1;
	s5 =	sadd.s32 s21, s3  }
0x9d: {  	[timem:s7], [sflag:s22] =	dma.local [hbm:s5], s20  }
0x9e: {  	_ =	swait.ge [sflag:s22], s20  }
0x9f: {  	s4 =	ssub.s32 $0x0, s20;
	[sflag:s22] =	ssyncset.done $0x0  }
0xa0: {  	[sflag:s22] =	ssyncadd.s32 s4;
	_ =	sdelay $0x1  }
0xa1: {  	s23 =	simm.s32 $0x1B8B  }
0xa2: {  	_ =	swait.ge [sflag:s23], $0x1  }
0xa3: {  	[sflag:s23] =	ssyncset.done $0x0  }
0xa4: {  	s25 =	simm.s32 $0x1B8E;
	s24 =	sld [smem:$0x3FFE];
	[sflag:s23] =	ssyncadd.s32 $0xFFFFFFFF  }
0xa5: {  	s26 =	simm.s32 $execute0_lowered;
	[smem:$0x3FD2] =	sst s25  }
0xa6: {  	s5 =	sshll.u32 s26, $0x1;
	_ =	strace $0x8000004C;
	[dreg:$0x1] =	wrdreg $0xFFFFFFFF  }
0xa7: {  	s28 =	simm.s32 $_size_execute0_lowered;
	s3 =	sadd.s32 s3, s5;
	[dreg:$0x0] =	wrdreg $0x0  }
0xa8: {  	s5 =	sshll.u32 s28, $0x1;
	[dreg:$0x2] =	wrdreg s3  }
0xa9: {  	[dreg:$0x3] =	wrdreg s5  }
0xaa: {  	[dreg:$0x4] =	wrdreg $0xC0  }
0xab: {  	_ =	task [dreg:s7], $0x5FFFF  }
0xac: {  	[dreg:$0x1] =	wrdreg $0xFFFFFFFF  }
0xad: {  	[dreg:$0x0] =	wrdreg $0x60  }
0xae: {  	[dreg:$0x2] =	wrdreg s2  }
0xaf: {  	[dreg:$0x3] =	wrdreg s24  }
0xb0: {  	[dreg:$0x4] =	wrdreg $0xB0000  }
0xb1: {  	[dreg:$0x5] =	wrdreg $0x9  }
0xb2: {  	_ =	task.clear_ibuf [dreg:s7], $0x6FFFF;
	_ =	strace $0x9000004C  }
0xb3: {  	s29 =	simm.s32 $0x9;
	_ =	strace $0x8000004E  }
0xb4: {  	_ =	swait.ge [sflag:s29], $0x1  }
0xb5: {  	[sflag:s29] =	ssyncadd.s32 $0xFFFFFFFF  }
0xb6: {  	_ =	strace $0x9000004E  }
0xb7: {  	_ =	sfence  }
0xb8: {  	s30 =	sld [smem:$0x0];
	_ =	sdelay $0x2  }
0xb9: {  	s31 =	sshll.u32 s1, $0xD;
	s1 =	sshrl.u32 s1, $0x2  }
0xba: {  	s3 =	sand.u32 $0x4000, s31;
	s1 =	sadd.s32 s1, s30  }
0xbb: {  	s0 =	sor.u32 s3, s0;
	s1 =	sshll.u32 s1, $0x11  }
0xbc: {  	s0 =	sor.u32 s1, s0  }
0xbd: {  	s0 =	sadd.s32 $0x8F2B, s0  }
0xbe: {  	[sflag:s0] =	ssyncadd.remote.s32 $0x1  }
0xbf: {  	_ =	sfence.sel $0xFFFF  }
0xc0: {  	[dreg:$0x0] =	wrdreg $0xFFFFFFFF;
	(pc) =	sbr.abs _section_cstart, $3  }
0xc1: {  	[dreg:$0x1] =	wrdreg $0xFFFFFFFF  }
0xc2: {  	_ =	task.clear_ibuf [dreg:s7], $0x2FFFF;
	_ =	strace $0x9FFFFFFF  }
0xc3: {  	(tm) =	ssettm $0x7FFFFFFF  }
tec
execute0_lowered:
.L_overlay_start_1:
0x0: {  	(tag) =	ssettag $0x1  }
0x1: {  	s1 =	rddreg [dreg:$0x0];
	s3 =	srdreg.scid  }
0x2: {  	s0 =	rddreg [dreg:$0x1];
	s4 =	stileid.u32;
	s3 =	sand.u32 $0x1, s3  }
0x3: {  	s2 =	rddreg [dreg:$0x2];
	s7 =	smul.u32 $0x14000, s4;
	s6 =	sshll.u32 s3, $0x4  }
0x4: {  	s12 =	simm.s32 $0x0;
	s5 =	smul.u32 $0x140000, s3;
	s6 =	sor.u32 s4, s6  }
0x5: {  	[smem:$0x7FF] =	sst s12;
	s8 =	sadd.s32 $0x43400, s0;
	s9 =	sshll.u32 s6, $0x5  }
0x6: {  	s5 =	sadd.s32 s7, s5;
	s6 =	smul.u32 $0x7C00, s6;
	s22 =	sadd.s32 s9, s0  }
0x7: {  	_ =	strace $0x8000004D;
	s5 =	sshrl.u32 s5, $0x3;
	s31 =	sadd.s32 $0x42C00, s22  }
0x8: {  	s6 =	sshrl.u32 s6, $0x3;
	s7 =	sadd.s32 $0x43000, s22;
	[dreg:$0x8] =	wrdreg s31  }
0x9: {  	s0 =	sadd.s32 s5, s0;
	s25 =	sadd.s32 s8, s6;
	[dreg:$0x9] =	wrdreg s7  }
0xa: {  	s26 =	smul.u32 $0x50000, s4;
	s0 =	sadd.s32 $0x81400, s0;
	[dreg:$0x4] =	wrdreg s25  }
0xb: {  	s23 =	ssub.s32 $0x2, s3;
	s10 =	sadd.s32 $0x1F000, s25;
	[dreg:$0xa] =	wrdreg s0  }
0xc: {  	s24 =	sshrl.u32 s23, $0x1;
	s30 =	sadd.s32 $0x80, s25;
	[dreg:$0x5] =	wrdreg s10  }
0xd: {  	s6 =	sshrl.u32 s26, $0x2;
	s9 =	sadd.s32 $0x1F080, s25;
	[dreg:$0x6] =	wrdreg s30  }
0xe: {  	s5 =	ssub.s32 s23, s24;
	s24 =	sadd.s32 s6, s2;
	[dreg:$0x7] =	wrdreg s9  }
0xf: {  	s9 =	smax.u32 s5, $0x1;
	[dreg:$0xb] =	wrdreg s24  }
0x10: {  	s10 =	sadd.s32 $0x1400, s24;
	[dreg:$0xc] =	wrdreg s9  }
0x11: {  	s13 =	sadd.s32 $0x2800, s24;
	[dreg:$0xd] =	wrdreg s10  }
0x12: {  	s14 =	sadd.s32 $0x3C00, s24;
	[dreg:$0xe] =	wrdreg s13  }
0x13: {  	s15 =	sadd.s32 $0x5000, s24;
	[dreg:$0xf] =	wrdreg s14  }
0x14: {  	s16 =	sadd.s32 $0x6400, s24;
	[dreg:$0x10] =	wrdreg s15  }
0x15: {  	s29 =	simm.s32 $0x80;
	s17 =	sadd.s32 $0x7800, s24;
	[dreg:$0x11] =	wrdreg s16  }
0x16: {  	s28 =	simm.s32 $0x0;
	s18 =	sadd.s32 $0x8C00, s24;
	[dreg:$0x12] =	wrdreg s17  }
0x17: {  	s11 =	smul.u32 $0x7C00, s4;
	s20 =	sadd.s32 $0xA000, s24;
	[dreg:$0x13] =	wrdreg s18  }
0x18: {  	s7 =	smul.u32 $0x7C000, s3;
	s21 =	sadd.s32 $0xB400, s24;
	[dreg:$0x14] =	wrdreg s20  }
0x19: {  	s6 =	simm.s32 $0x12;
	s22 =	sadd.s32 $0xC800, s24;
	[dreg:$0x15] =	wrdreg s21  }
0x1a: {  	s0 =	sadd.s32 s11, s7;
	s23 =	sadd.s32 $0xDC00, s24;
	[dreg:$0x18] =	wrdreg s22  }
0x1b: {  	s25 =	sadd.s32 $0xF000, s24;
	s26 =	sadd.s32 $0x10400, s24;
	[dreg:$0x19] =	wrdreg s23  }
0x1c: {  	s30 =	sadd.s32 $0x11800, s24;
	s31 =	sadd.s32 $0x12C00, s24;
	[dreg:$0x1a] =	wrdreg s25  }
0x1d: {  	s7 =	simm.s32 $0x11;
	s11 =	simm.s32 $0x3800;
	[dreg:$0x1b] =	wrdreg s26  }
0x1e: {  	s19 =	sadd.s32 $0xF8800, s0;
	s0 =	sadd.s32 $0x800, s0;
	[dreg:$0x1c] =	wrdreg s30  }
0x1f: {  	[dreg:$0x1d] =	wrdreg s31;
	s9 =	simm.s32 $0x800;
	s10 =	simm.s32 $0x2400  }
0x20: {  	s13 =	simm.s32 $0x4C00;
	s14 =	simm.s32 $0x6000;
	s15 =	simm.s32 $0x7400  }
0x21: {  	s16 =	simm.s32 $0x8800;
	s17 =	simm.s32 $0x9C00;
	s18 =	simm.s32 $0x1  }
0x22: {  	s20 =	simm.s32 $0x3;
	s21 =	simm.s32 $0x4;
	s22 =	simm.s32 $0x5  }
0x23: {  	s25 =	simm.s32 $0x6;
	s26 =	simm.s32 $0x7;
	s3 =	sshrl.u32 s19, $0x3  }
0x24: {  	s23 =	simm.s32 $0x8;
	s0 =	sshrl.u32 s0, $0x3;
	s3 =	sadd.s32 s3, s8  }
0x25: {  	s19 =	simm.s32 $0x2;
	s0 =	sadd.s32 s0, s8;
	[dreg:$0x16] =	wrdreg s3  }
0x26: {  	v0 =	vimm.f32 $0.0e+00;
	s8 =	simm.s32 $0x28;
	[dreg:$0x17] =	wrdreg s0;
	s3 =	simm.s32 $0x1000  }
.LBB2_1:
0x27: {  	s0 =	rddreg [dreg:$0x4]  }
0x28: {  	[tilespmem:s12], [sflag:$0x11] =	stream.linear.gather [hbm4b:s0+s12], $0x400, $0x38;
	[tilespmem:$0x1F000] =	vst v63  }
0x29: {  	s31 =	rddreg [dreg:$0x5]  }
0x2a: {  	[tilespmem:s9], [sflag:$0x11] =	stream.linear.gather [hbm4b:s31+s12], $0x400, $0x38;
	[tilespmem:$0x1F000] =	vst v63  }
0x2b: {  	s5 =	simm.s32 $0x0;
	s9 =	simm.s32 $0x200  }
.LBB2_2:
0x2c: {  	p0 =	sne.s32 s9, $0x4E00;
	[tilespmem:s5+$0x1070] =	vst v0  }
0x2d: {  	[tilespmem:s5+$0x1000] =	vst v0  }
0x2e: {  	[tilespmem:s5+$0x1010] =	vst v0  }
.Ltmp0:
0x2f: {  	[tilespmem:s5+$0x1020] =	vst v0;
	(pc) =	sbr.rel @p0 .LBB2_2-.Ltmp0, $4  }
0x30: {  	[tilespmem:s5+$0x1030] =	vst v0  }
0x31: {  	[tilespmem:s5+$0x1040] =	vst v0  }
0x32: {  	[tilespmem:s5+$0x1050] =	vst v0  }
0x33: {  	[tilespmem:s5+$0x1060] =	vst v0;
	s5 =	sshra.s32 s9, $0x2;
	s9 =	sadd.s32 $0x200, s9  }
0x34: {  	[tilespmem:s5+$0x1070] =	vst v0  }
0x35: {  	[tilespmem:s5+$0x1000] =	vst v0  }
0x36: {  	[tilespmem:s5+$0x1010] =	vst v0  }
0x37: {  	[tilespmem:s5+$0x1020] =	vst v0  }
0x38: {  	[tilespmem:s5+$0x1030] =	vst v0  }
0x39: {  	[tilespmem:s5+$0x1040] =	vst v0  }
0x3a: {  	[tilespmem:s5+$0x1050] =	vst v0  }
0x3b: {  	[tilespmem:s5+$0x1060] =	vst v0  }
0x3c: {  	[spmem:s24] =	stream.linear.scatter [tilespmem:s3], [sflag:$0x12], $0x1400, $0x38;
	[tilespmem:$0x1F000] =	vst v63  }
0x3d: {  	_ =	swait.ge [sflag:s6], $0x1400  }
0x3e: {  	[sflag:s6] =	ssyncset.done $0x0  }
0x3f: {  	s0 =	rddreg [dreg:$0xd];
	[sflag:s6] =	ssyncadd.s32 $0xFFFFEC00  }
0x40: {  	[spmem:s0] =	stream.linear.scatter [tilespmem:s3], [sflag:$0x12], $0x1400, $0x38;
	[tilespmem:$0x1F000] =	vst v63  }
0x41: {  	_ =	swait.ge [sflag:s6], $0x1400  }
0x42: {  	[sflag:s6] =	ssyncset.done $0x0  }
0x43: {  	s31 =	rddreg [dreg:$0xe];
	[sflag:s6] =	ssyncadd.s32 $0xFFFFEC00  }
0x44: {  	[spmem:s31] =	stream.linear.scatter [tilespmem:s3], [sflag:$0x12], $0x1400, $0x38;
	[tilespmem:$0x1F000] =	vst v63  }
0x45: {  	_ =	swait.ge [sflag:s6], $0x1400  }
0x46: {  	[sflag:s6] =	ssyncset.done $0x0  }
0x47: {  	s4 =	rddreg [dreg:$0xf];
	[sflag:s6] =	ssyncadd.s32 $0xFFFFEC00  }
0x48: {  	[spmem:s4] =	stream.linear.scatter [tilespmem:s3], [sflag:$0x12], $0x1400, $0x38;
	[tilespmem:$0x1F000] =	vst v63  }
0x49: {  	_ =	swait.ge [sflag:s6], $0x1400  }
0x4a: {  	[sflag:s6] =	ssyncset.done $0x0  }
0x4b: {  	s5 =	rddreg [dreg:$0x10];
	[sflag:s6] =	ssyncadd.s32 $0xFFFFEC00  }
0x4c: {  	[spmem:s5] =	stream.linear.scatter [tilespmem:s3], [sflag:$0x12], $0x1400, $0x38;
	[tilespmem:$0x1F000] =	vst v63  }
0x4d: {  	_ =	swait.ge [sflag:s6], $0x1400  }
0x4e: {  	[sflag:s6] =	ssyncset.done $0x0  }
0x4f: {  	s9 =	rddreg [dreg:$0x11];
	[sflag:s6] =	ssyncadd.s32 $0xFFFFEC00  }
0x50: {  	[spmem:s9] =	stream.linear.scatter [tilespmem:s3], [sflag:$0x12], $0x1400, $0x38;
	[tilespmem:$0x1F000] =	vst v63  }
0x51: {  	_ =	swait.ge [sflag:s6], $0x1400  }
0x52: {  	[sflag:s6] =	ssyncset.done $0x0  }
0x53: {  	s12 =	rddreg [dreg:$0x12];
	[sflag:s6] =	ssyncadd.s32 $0xFFFFEC00  }
0x54: {  	[spmem:s12] =	stream.linear.scatter [tilespmem:s3], [sflag:$0x12], $0x1400, $0x38;
	[tilespmem:$0x1F000] =	vst v63  }
0x55: {  	_ =	swait.ge [sflag:s6], $0x1400  }
0x56: {  	[sflag:s6] =	ssyncset.done $0x0  }
0x57: {  	s24 =	rddreg [dreg:$0x13];
	[sflag:s6] =	ssyncadd.s32 $0xFFFFEC00  }
0x58: {  	[spmem:s24] =	stream.linear.scatter [tilespmem:s3], [sflag:$0x12], $0x1400, $0x38;
	[tilespmem:$0x1F000] =	vst v63  }
0x59: {  	_ =	swait.ge [sflag:s6], $0x1400  }
0x5a: {  	[sflag:s6] =	ssyncset.done $0x0  }
0x5b: {  	s31 =	rddreg [dreg:$0x14];
	[sflag:s6] =	ssyncadd.s32 $0xFFFFEC00  }
0x5c: {  	[spmem:s31] =	stream.linear.scatter [tilespmem:s3], [sflag:$0x12], $0x1400, $0x38;
	[tilespmem:$0x1F000] =	vst v63  }
0x5d: {  	_ =	swait.ge [sflag:s6], $0x1400  }
0x5e: {  	[sflag:s6] =	ssyncset.done $0x0  }
0x5f: {  	s4 =	rddreg [dreg:$0x15];
	[sflag:s6] =	ssyncadd.s32 $0xFFFFEC00  }
0x60: {  	[spmem:s4] =	stream.linear.scatter [tilespmem:s3], [sflag:$0x12], $0x1400, $0x38;
	[tilespmem:$0x1F000] =	vst v63  }
0x61: {  	_ =	swait.ge [sflag:s6], $0x1400  }
0x62: {  	[sflag:s6] =	ssyncset.done $0x0  }
0x63: {  	s5 =	rddreg [dreg:$0x18];
	[sflag:s6] =	ssyncadd.s32 $0xFFFFEC00  }
0x64: {  	[spmem:s5] =	stream.linear.scatter [tilespmem:s3], [sflag:$0x12], $0x1400, $0x38;
	[tilespmem:$0x1F000] =	vst v63  }
0x65: {  	_ =	swait.ge [sflag:s6], $0x1400  }
0x66: {  	[sflag:s6] =	ssyncset.done $0x0  }
0x67: {  	s9 =	rddreg [dreg:$0x19];
	[sflag:s6] =	ssyncadd.s32 $0xFFFFEC00  }
0x68: {  	[spmem:s9] =	stream.linear.scatter [tilespmem:s3], [sflag:$0x12], $0x1400, $0x38;
	[tilespmem:$0x1F000] =	vst v63  }
0x69: {  	_ =	swait.ge [sflag:s6], $0x1400  }
0x6a: {  	[sflag:s6] =	ssyncset.done $0x0  }
0x6b: {  	s12 =	rddreg [dreg:$0x1a];
	[sflag:s6] =	ssyncadd.s32 $0xFFFFEC00  }
0x6c: {  	[spmem:s12] =	stream.linear.scatter [tilespmem:s3], [sflag:$0x12], $0x1400, $0x38;
	[tilespmem:$0x1F000] =	vst v63  }
0x6d: {  	_ =	swait.ge [sflag:s6], $0x1400  }
0x6e: {  	[sflag:s6] =	ssyncset.done $0x0  }
0x6f: {  	s24 =	rddreg [dreg:$0x1b];
	[sflag:s6] =	ssyncadd.s32 $0xFFFFEC00  }
0x70: {  	[spmem:s24] =	stream.linear.scatter [tilespmem:s3], [sflag:$0x12], $0x1400, $0x38;
	[tilespmem:$0x1F000] =	vst v63  }
0x71: {  	_ =	swait.ge [sflag:s6], $0x1400  }
0x72: {  	[sflag:s6] =	ssyncset.done $0x0  }
0x73: {  	s31 =	rddreg [dreg:$0x1c];
	[sflag:s6] =	ssyncadd.s32 $0xFFFFEC00  }
0x74: {  	[spmem:s31] =	stream.linear.scatter [tilespmem:s3], [sflag:$0x12], $0x1400, $0x38;
	[tilespmem:$0x1F000] =	vst v63  }
0x75: {  	_ =	swait.ge [sflag:s6], $0x1400  }
0x76: {  	[sflag:s6] =	ssyncset.done $0x0  }
0x77: {  	s4 =	rddreg [dreg:$0x1d];
	[sflag:s6] =	ssyncadd.s32 $0xFFFFEC00  }
0x78: {  	[spmem:s4] =	stream.linear.scatter [tilespmem:s3], [sflag:$0x12], $0x1400, $0x38;
	[tilespmem:$0x1F000] =	vst v63  }
0x79: {  	_ =	swait.ge [sflag:s6], $0x1400  }
0x7a: {  	[sflag:s6] =	ssyncset.done $0x0  }
0x7b: {  	[sflag:s6] =	ssyncadd.s32 $0xFFFFEC00  }
0x7c: {  	_ =	swait.ge [sflag:s7], $0x400  }
0x7d: {  	[sflag:s7] =	ssyncset.done $0x0  }
0x7e: {  	[sflag:s7] =	ssyncadd.s32 $0xFFFFFC00  }
0x7f: {  	_ =	swait.ge [sflag:s7], $0x400  }
0x80: {  	[sflag:s7] =	ssyncset.done $0x0  }
0x81: {  	s24 =	simm.s32 $0x0;
	[sflag:s7] =	ssyncadd.s32 $0xFFFFFC00  }
0x82: {  	[tilespmem:s3], [sflag:$0x1] =	stream.indirect.gather [hbm4b:s1+s8], $0x80, s24, s8, $0xb8;
	[tilespmem:$0x1F000] =	vst v63  }
0x83: {  	_ = 	snop  }
0x84: {  	[tilespmem:s10], [sflag:$0x2] =	stream.indirect.gather [hbm4b:s1+s8], $0x80, s29, s8, $0xb8;
	[tilespmem:$0x1F000] =	vst v63  }
0x85: {  	s5 =	simm.s32 $0x100  }
0x86: {  	[tilespmem:s11], [sflag:$0x3] =	stream.indirect.gather [hbm4b:s1+s8], $0x80, s5, s8, $0xb8;
	[tilespmem:$0x1F000] =	vst v63  }
0x87: {  	s9 =	simm.s32 $0x180  }
0x88: {  	[tilespmem:s13], [sflag:$0x4] =	stream.indirect.gather [hbm4b:s1+s8], $0x80, s9, s8, $0xb8;
	[tilespmem:$0x1F000] =	vst v63  }
0x89: {  	s12 =	simm.s32 $0x200  }
0x8a: {  	[tilespmem:s14], [sflag:$0x5] =	stream.indirect.gather [hbm4b:s1+s8], $0x80, s12, s8, $0xb8;
	[tilespmem:$0x1F000] =	vst v63  }
0x8b: {  	s31 =	simm.s32 $0x280  }
0x8c: {  	[tilespmem:s15], [sflag:$0x6] =	stream.indirect.gather [hbm4b:s1+s8], $0x80, s31, s8, $0xb8;
	[tilespmem:$0x1F000] =	vst v63  }
0x8d: {  	s4 =	simm.s32 $0x300  }
0x8e: {  	[tilespmem:s16], [sflag:$0x7] =	stream.indirect.gather [hbm4b:s1+s8], $0x80, s4, s8, $0xb8;
	[tilespmem:$0x1F000] =	vst v63  }
0x8f: {  	s5 =	simm.s32 $0x380  }
0x90: {  	[tilespmem:s17], [sflag:$0x8] =	stream.indirect.gather [hbm4b:s1+s8], $0x80, s5, s8, $0xb8;
	[tilespmem:$0x1F000] =	vst v63  }
0x91: {  	s9 =	rddreg [dreg:$0x6];
	s4 =	simm.s32 $0x400  }
0x92: {  	[tilespmem:s4], [sflag:$0x11] =	stream.linear.gather [hbm4b:s9+s24], $0x400, $0x38;
	[tilespmem:$0x1F000] =	vst v63  }
0x93: {  	s12 =	rddreg [dreg:$0x7];
	s31 =	simm.s32 $0xC00  }
0x94: {  	[tilespmem:s31], [sflag:$0x11] =	stream.linear.gather [hbm4b:s12+s24], $0x400, $0x38;
	[tilespmem:$0x1F000] =	vst v63  }
0x95: {  	[bflag:$0x0] =	sbarrier.arrive $0xFFFF  }
0x96: {  	s29 =	rddreg [dreg:$0x17]  }
0x97: {  	s5 =	simm.s32 $0x0;
	s30 =	rddreg [dreg:$0x16]  }
.LBB2_4:
0x98: {  	_ =	swait.ge [sflag:s18], $0x1400  }
0x99: {  	s31 =	sand.u32 $0x400, s24;
	[sflag:s18] =	ssyncset.done $0x0  }
0x9a: {  	s9 =	sor.u32 $0x800, s31;
	[sflag:s18] =	ssyncadd.s32 $0xFFFFEC00  }
0x9b: {  	[spmem:s2] =	stream.indirect.scatter.add.f32 [tilespmem:s3], [sflag:$0x9], $0x80, s9, s8, $0xb8;
	[tilespmem:$0x1F000] =	vst v63  }
0x9c: {  	_ =	swait.ge [sflag:s19], $0x1400  }
0x9d: {  	[sflag:s19] =	ssyncset.done $0x0  }
0x9e: {  	s0 =	sor.u32 $0x880, s31;
	[sflag:s19] =	ssyncadd.s32 $0xFFFFEC00  }
0x9f: {  	[spmem:s2] =	stream.indirect.scatter.add.f32 [tilespmem:s10], [sflag:$0xA], $0x80, s0, s8, $0xb8;
	[tilespmem:$0x1F000] =	vst v63  }
0xa0: {  	_ =	swait.ge [sflag:s20], $0x1400  }
0xa1: {  	[sflag:s20] =	ssyncset.done $0x0  }
0xa2: {  	s4 =	sor.u32 $0x900, s31;
	[sflag:s20] =	ssyncadd.s32 $0xFFFFEC00  }
0xa3: {  	[spmem:s2] =	stream.indirect.scatter.add.f32 [tilespmem:s11], [sflag:$0xB], $0x80, s4, s8, $0xb8;
	[tilespmem:$0x1F000] =	vst v63  }
0xa4: {  	_ =	swait.ge [sflag:s21], $0x1400  }
0xa5: {  	[sflag:s21] =	ssyncset.done $0x0  }
0xa6: {  	s12 =	sor.u32 $0x980, s31;
	[sflag:s21] =	ssyncadd.s32 $0xFFFFEC00  }
0xa7: {  	[spmem:s2] =	stream.indirect.scatter.add.f32 [tilespmem:s13], [sflag:$0xC], $0x80, s12, s8, $0xb8;
	[tilespmem:$0x1F000] =	vst v63  }
0xa8: {  	_ =	swait.ge [sflag:s22], $0x1400  }
0xa9: {  	[sflag:s22] =	ssyncset.done $0x0  }
0xaa: {  	s4 =	sor.u32 $0xA00, s31;
	[sflag:s22] =	ssyncadd.s32 $0xFFFFEC00  }
0xab: {  	[spmem:s2] =	stream.indirect.scatter.add.f32 [tilespmem:s14], [sflag:$0xD], $0x80, s4, s8, $0xb8;
	[tilespmem:$0x1F000] =	vst v63  }
0xac: {  	_ =	swait.ge [sflag:s25], $0x1400  }
0xad: {  	[sflag:s25] =	ssyncset.done $0x0  }
0xae: {  	s12 =	sor.u32 $0xA80, s31;
	[sflag:s25] =	ssyncadd.s32 $0xFFFFEC00  }
0xaf: {  	[spmem:s2] =	stream.indirect.scatter.add.f32 [tilespmem:s15], [sflag:$0xE], $0x80, s12, s8, $0xb8;
	[tilespmem:$0x1F000] =	vst v63  }
0xb0: {  	_ =	swait.ge [sflag:s26], $0x1400  }
0xb1: {  	[sflag:s26] =	ssyncset.done $0x0  }
0xb2: {  	s4 =	sor.u32 $0xB00, s31;
	[sflag:s26] =	ssyncadd.s32 $0xFFFFEC00  }
0xb3: {  	[spmem:s2] =	stream.indirect.scatter.add.f32 [tilespmem:s16], [sflag:$0xF], $0x80, s4, s8, $0xb8;
	[tilespmem:$0x1F000] =	vst v63  }
0xb4: {  	_ =	swait.ge [sflag:s23], $0x1400  }
0xb5: {  	p0 =	seq.s32 s5, $0x1E;
	[sflag:s23] =	ssyncset.done $0x0  }
0xb6: {  	s0 =	simm.s32 @!p0 $0x11;
	s12 =	sor.u32 $0xB80, s31;
	[sflag:s23] =	ssyncadd.s32 $0xFFFFEC00  }
0xb7: {  	[spmem:s2] =	stream.indirect.scatter.add.f32 [tilespmem:s17], [sflag:$0x10], $0x80, s12, s8, $0xb8;
	[tilespmem:$0x1F000] =	vst v63  }
0xb8: {  	_ =	swait.ge @!p0 [sflag:s0], $0x400  }
0xb9: {  	[sflag:s0] =	ssyncset.done @!p0 $0x0  }
0xba: {  	[sflag:s0] =	ssyncadd.s32 @!p0 $0xFFFFFC00  }
0xbb: {  	_ =	swait.ge @!p0 [sflag:s0], $0x400  }
0xbc: {  	[sflag:s0] =	ssyncset.done @!p0 $0x0  }
0xbd: {  	[sflag:s0] =	ssyncadd.s32 @!p0 $0xFFFFFC00;
	s0 =	simm.s32 @!p0 $0x9  }
0xbe: {  	_ =	swait.ge @!p0 [sflag:s0], $0x1400  }
0xbf: {  	s4 =	simm.s32 @!p0 $0x28;
	[sflag:s0] =	ssyncset.done @!p0 $0x0  }
0xc0: {  	s12 =	simm.s32 @!p0 $0x1000;
	[sflag:s0] =	ssyncadd.s32 @!p0 $0xFFFFEC00;
	s0 =	ssub.s32 @!p0 $0x400, s31  }
0xc1: {  	[tilespmem:s12], [sflag:$0x1] =	stream.indirect.gather @!p0 [hbm4b:s1+s4], $0x80, s0, s4, $0xb8;
	[tilespmem:$0x1F000] =	vst v63  }
0xc2: {  	s0 =	simm.s32 @!p0 $0xA  }
0xc3: {  	_ =	swait.ge @!p0 [sflag:s0], $0x1400  }
0xc4: {  	[sflag:s0] =	ssyncset.done @!p0 $0x0  }
0xc5: {  	s12 =	simm.s32 @!p0 $0x2400;
	[sflag:s0] =	ssyncadd.s32 @!p0 $0xFFFFEC00;
	s0 =	ssub.s32 @!p0 $0x480, s31  }
0xc6: {  	[tilespmem:s12], [sflag:$0x2] =	stream.indirect.gather @!p0 [hbm4b:s1+s4], $0x80, s0, s4, $0xb8;
	[tilespmem:$0x1F000] =	vst v63  }
0xc7: {  	s0 =	simm.s32 @!p0 $0xB  }
0xc8: {  	_ =	swait.ge @!p0 [sflag:s0], $0x1400  }
0xc9: {  	[sflag:s0] =	ssyncset.done @!p0 $0x0  }
0xca: {  	s12 =	simm.s32 @!p0 $0x3800;
	[sflag:s0] =	ssyncadd.s32 @!p0 $0xFFFFEC00;
	s0 =	ssub.s32 @!p0 $0x500, s31  }
0xcb: {  	[tilespmem:s12], [sflag:$0x3] =	stream.indirect.gather @!p0 [hbm4b:s1+s4], $0x80, s0, s4, $0xb8;
	[tilespmem:$0x1F000] =	vst v63  }
0xcc: {  	s0 =	simm.s32 @!p0 $0xC  }
0xcd: {  	_ =	swait.ge @!p0 [sflag:s0], $0x1400  }
0xce: {  	[sflag:s0] =	ssyncset.done @!p0 $0x0  }
0xcf: {  	s12 =	simm.s32 @!p0 $0x4C00;
	[sflag:s0] =	ssyncadd.s32 @!p0 $0xFFFFEC00;
	s0 =	ssub.s32 @!p0 $0x580, s31  }
0xd0: {  	[tilespmem:s12], [sflag:$0x4] =	stream.indirect.gather @!p0 [hbm4b:s1+s4], $0x80, s0, s4, $0xb8;
	[tilespmem:$0x1F000] =	vst v63  }
0xd1: {  	s0 =	simm.s32 @!p0 $0xD  }
0xd2: {  	_ =	swait.ge @!p0 [sflag:s0], $0x1400  }
0xd3: {  	[sflag:s0] =	ssyncset.done @!p0 $0x0  }
0xd4: {  	s12 =	simm.s32 @!p0 $0x6000;
	[sflag:s0] =	ssyncadd.s32 @!p0 $0xFFFFEC00;
	s0 =	ssub.s32 @!p0 $0x600, s31  }
0xd5: {  	[tilespmem:s12], [sflag:$0x5] =	stream.indirect.gather @!p0 [hbm4b:s1+s4], $0x80, s0, s4, $0xb8;
	[tilespmem:$0x1F000] =	vst v63  }
0xd6: {  	s0 =	simm.s32 @!p0 $0xE  }
0xd7: {  	_ =	swait.ge @!p0 [sflag:s0], $0x1400  }
0xd8: {  	[sflag:s0] =	ssyncset.done @!p0 $0x0  }
0xd9: {  	s12 =	simm.s32 @!p0 $0x7400;
	[sflag:s0] =	ssyncadd.s32 @!p0 $0xFFFFEC00;
	s0 =	ssub.s32 @!p0 $0x680, s31  }
0xda: {  	[tilespmem:s12], [sflag:$0x6] =	stream.indirect.gather @!p0 [hbm4b:s1+s4], $0x80, s0, s4, $0xb8;
	[tilespmem:$0x1F000] =	vst v63  }
0xdb: {  	s0 =	simm.s32 @!p0 $0xF  }
0xdc: {  	_ =	swait.ge @!p0 [sflag:s0], $0x1400  }
0xdd: {  	[sflag:s0] =	ssyncset.done @!p0 $0x0  }
0xde: {  	s12 =	simm.s32 @!p0 $0x8800;
	[sflag:s0] =	ssyncadd.s32 @!p0 $0xFFFFEC00;
	s0 =	ssub.s32 @!p0 $0x700, s31  }
0xdf: {  	[tilespmem:s12], [sflag:$0x7] =	stream.indirect.gather @!p0 [hbm4b:s1+s4], $0x80, s0, s4, $0xb8;
	[tilespmem:$0x1F000] =	vst v63  }
0xe0: {  	s0 =	simm.s32 @!p0 $0x10  }
0xe1: {  	p1 =	sgt.u32 @!p0 s5, $0x1C;
	_ =	swait.ge @!p0 [sflag:s0], $0x1400  }
0xe2: {  	p1 =	por p1, p0;
	[sflag:s0] =	ssyncset.done @!p0 $0x0  }
0xe3: {  	s12 =	simm.s32 @!p0 $0x9C00;
	[sflag:s0] =	ssyncadd.s32 @!p0 $0xFFFFEC00;
	s0 =	ssub.s32 @!p0 $0x780, s31  }
0xe4: {  	[tilespmem:s12], [sflag:$0x8] =	stream.indirect.gather @!p0 [hbm4b:s1+s4], $0x80, s0, s4, $0xb8;
	[tilespmem:$0x1F000] =	vst v63  }
0xe5: {  	s0 =	simm.s32 @!p1 $0x0  }
0xe6: {  	[tilespmem:s31], [sflag:$0x11] =	stream.linear.gather @!p1 [hbm4b:s29+s0], $0x400, $0x38;
	[tilespmem:$0x1F000] =	vst v63  }
0xe7: {  	s5 =	sadd.s32 @!p0 $0x1, s5  }
0xe8: {  	[tilespmem:s9], [sflag:$0x11] =	stream.linear.gather @!p1 [hbm4b:s30+s0], $0x400, $0x38;
	[tilespmem:$0x1F000] =	vst v63  }
0xe9: {  	p1 =	sne.s32 @!p0 s5, $0x1F  }
0xea: {  	p1 =	por p0, !p1  }
.Ltmp1:
0xeb: {  	_ = 	snop;
	(pc) =	sbr.rel @!p1 .LBB2_4-.Ltmp1, $2  }
0xec: {  	_ =	sdelay $0x2  }
0xed: {  	s24 =	sadd.s32 @!p0 $0x400, s24;
	s29 =	sadd.s32 @!p0 $0x80, s29;
	s30 =	sadd.s32 @!p0 $0x80, s30  }
0xee: {  	s0 =	simm.s32 $0x9  }
0xef: {  	_ =	swait.ge [sflag:s0], $0x1400  }
0xf0: {  	[sflag:s0] =	ssyncset.done $0x0  }
0xf1: {  	s4 =	simm.s32 $0xA;
	[sflag:s0] =	ssyncadd.s32 $0xFFFFEC00  }
0xf2: {  	_ =	swait.ge [sflag:s4], $0x1400  }
0xf3: {  	[sflag:s4] =	ssyncset.done $0x0  }
0xf4: {  	s5 =	simm.s32 $0xB;
	[sflag:s4] =	ssyncadd.s32 $0xFFFFEC00  }
0xf5: {  	_ =	swait.ge [sflag:s5], $0x1400  }
0xf6: {  	[sflag:s5] =	ssyncset.done $0x0  }
0xf7: {  	s9 =	simm.s32 $0xC;
	[sflag:s5] =	ssyncadd.s32 $0xFFFFEC00  }
0xf8: {  	_ =	swait.ge [sflag:s9], $0x1400  }
0xf9: {  	[sflag:s9] =	ssyncset.done $0x0  }
0xfa: {  	s12 =	simm.s32 $0xD;
	[sflag:s9] =	ssyncadd.s32 $0xFFFFEC00  }
0xfb: {  	_ =	swait.ge [sflag:s12], $0x1400  }
0xfc: {  	[sflag:s12] =	ssyncset.done $0x0  }
0xfd: {  	s24 =	simm.s32 $0xE;
	[sflag:s12] =	ssyncadd.s32 $0xFFFFEC00  }
0xfe: {  	_ =	swait.ge [sflag:s24], $0x1400  }
0xff: {  	[sflag:s24] =	ssyncset.done $0x0  }
0x100: {  	s30 =	simm.s32 $0xF;
	[sflag:s24] =	ssyncadd.s32 $0xFFFFEC00  }
0x101: {  	_ =	swait.ge [sflag:s30], $0x1400  }
0x102: {  	[sflag:s30] =	ssyncset.done $0x0  }
0x103: {  	s31 =	simm.s32 $0x10;
	[sflag:s30] =	ssyncadd.s32 $0xFFFFEC00  }
0x104: {  	_ =	swait.ge [sflag:s31], $0x1400  }
0x105: {  	[sflag:s31] =	ssyncset.done $0x0  }
0x106: {  	s12 =	simm.s32 $0x0;
	s4 =	rddreg [dreg:$0x8];
	[sflag:s31] =	ssyncadd.s32 $0xFFFFEC00  }
0x107: {  	[tilespmem:s12], [sflag:$0x12] =	stream.linear.gather [hbm4b:s4+s12], $0x100, $0x38;
	[tilespmem:$0x1F000] =	vst v63  }
0x108: {  	_ =	swait.ge [sflag:s6], $0x100  }
0x109: {  	[sflag:s6] =	ssyncset.done $0x0  }
0x10a: {  	s9 =	simm.s32 $0x800;
	s5 =	rddreg [dreg:$0x9];
	[sflag:s6] =	ssyncadd.s32 $0xFFFFFF00  }
0x10b: {  	[tilespmem:s9], [sflag:$0x12] =	stream.linear.gather [hbm4b:s5+s12], $0x100, $0x38;
	[tilespmem:$0x1F000] =	vst v63  }
0x10c: {  	_ =	swait.ge [sflag:s6], $0x100  }
0x10d: {  	[sflag:s6] =	ssyncset.done $0x0  }
0x10e: {  	[sflag:s6] =	ssyncadd.s32 $0xFFFFFF00  }
0x10f: {  	[tilespmem:s3], [sflag:$0x1] =	stream.indirect.gather [hbm4b:s1+s8], $0x80, s12, s8, $0xb8;
	[tilespmem:$0x1F000] =	vst v63  }
0x110: {  	_ =	swait.ge [sflag:s18], $0x1400  }
0x111: {  	[sflag:s18] =	ssyncset.done $0x0  }
0x112: {  	[sflag:s18] =	ssyncadd.s32 $0xFFFFEC00  }
0x113: {  	[spmem:s2] =	stream.indirect.scatter.add.f32 [tilespmem:s3], [sflag:$0x12], $0x80, s9, s8, $0xb8;
	[tilespmem:$0x1F000] =	vst v63  }
0x114: {  	_ =	swait.ge [sflag:s6], $0x1400  }
0x115: {  	[sflag:s6] =	ssyncset.done $0x0  }
0x116: {  	s29 =	simm.s32 $0x80;
	[sflag:s6] =	ssyncadd.s32 $0xFFFFEC00  }
0x117: {  	[tilespmem:s10], [sflag:$0x2] =	stream.indirect.gather [hbm4b:s1+s8], $0x80, s29, s8, $0xb8;
	[tilespmem:$0x1F000] =	vst v63  }
0x118: {  	_ =	swait.ge [sflag:s19], $0x1400  }
0x119: {  	[sflag:s19] =	ssyncset.done $0x0  }
0x11a: {  	s24 =	simm.s32 $0x880;
	[sflag:s19] =	ssyncadd.s32 $0xFFFFEC00  }
0x11b: {  	[spmem:s2] =	stream.indirect.scatter.add.f32 [tilespmem:s10], [sflag:$0x12], $0x80, s24, s8, $0xb8;
	[tilespmem:$0x1F000] =	vst v63  }
0x11c: {  	_ =	swait.ge [sflag:s6], $0x1400  }
0x11d: {  	[sflag:s6] =	ssyncset.done $0x0  }
0x11e: {  	[sflag:s6] =	ssyncadd.s32 $0xFFFFEC00  }
0x11f: {  	s30 =	stileid.u32;
	[bflag:$0x0] =	sbarrier.arrive $0xFFFF  }
0x120: {  	s0 =	sshll.u32 s30, $0x6;
	s24 =	rddreg [dreg:$0xb]  }
0x121: {  	s0 =	sor.u32 $0x1C12, s0;
	s5 =	rddreg [dreg:$0xa];
	s4 =	sshrl.u32 s24, $0x3  }
0x122: {  	[hbm:s5], [sflag:s0] =	dma.local [spmem:s4], $0x2800  }
0x123: {  	_ =	swait.ge [sflag:s6], $0x2800  }
0x124: {  	s28 =	sadd.s32 $0x1, s28;
	s31 =	rddreg [dreg:$0xc]  }
0x125: {  	p0 =	sne.s32 s28, s31  }
.Ltmp2:
0x126: {  	_ = 	snop;
	(pc) =	sbr.rel @p0 .LBB2_1-.Ltmp2, $3  }
0x127: {  	_ =	sdelay $0x1  }
0x128: {  	[sflag:s6] =	ssyncset.done $0x0  }
0x129: {  	[sflag:s6] =	ssyncadd.s32 $0xFFFFD800  }
0x12a: {  	_ =	sfence.sel $0x180000  }
0x12b: {  	[bflag:$0x0] =	sbarrier.arrive $0xFFFF  }
0x12c: {  	_ =	strace $0x9000004D  }
0x12d: {  	s0 =	stileid.u32;
	[bflag:$0x2] =	sbarrier.arrive $0xFFFF  }
0x12e: {  	p0 =	sne.s32 s0, $0x0;
	s0 =	rddreg [dreg:$0x3]  }
0x12f: {  	s0 =	sadd.s32 @!p0 $0x100000, s0  }
0x130: {  	[sflag:s0] =	ssyncadd.tile.s32 @!p0 $0x1;
	_ =	shalt  }
.Lfunc_end2:
_tile_overlayer_lowered:
.L_overlay_start_2:
0x131: {  	(tag) =	ssettag $0x2  }
0x132: {  	s0 =	rddreg [dreg:$0x0];
	s2 =	stileid.u32  }
0x133: {  	s1 =	rddreg [dreg:$0x1];
	p0 =	sne.s32 s2, $0x0  }
0x134: {  	s3 =	rddreg [dreg:$0x2];
	[bflag:$0x3] =	sbarrier.arrive $0xFFFF;
	s2 =	simm.s32 @!p0 $0x1C12  }
0x135: {  	[timem:s3], [sflag:s2] =	dma.local @!p0 [hbm:s0], s1  }
0x136: {  	s0 =	simm.s32 @!p0 $0x12  }
0x137: {  	_ =	swait.ge @!p0 [sflag:s0], s1  }
0x138: {  	s1 =	ssub.s32 @!p0 $0x0, s1;
	[sflag:s0] =	ssyncset.done @!p0 $0x0  }
0x139: {  	[sflag:s0] =	ssyncadd.s32 @!p0 s1  }
0x13a: {  	[bflag:$0x3] =	sbarrier.arrive $0xFFFF  }
0x13b: {  	_ =	shalt  }

// kernel: kernel.8.cloned.1.call-start
scs
__scs_entry_jumppad:
0x0: {  	(pc) =	sbr.rel $0x88, $3  }
0x1: {  	(tag) =	ssettag $0x0;
	lr =	simm.s32 $0x1  }
0x2: {  	[smem:$0x3F9B] =	sst lr;
	_ =	strace $0xD0000000  }
0x3: {  	_ = 	snop  }
0x4: {  	_ = 	snop  }
0x5: {  	_ = 	snop  }
0x6: {  	_ = 	snop  }
0x7: {  	_ = 	snop  }
__scs_overlays_trampoline_lowered:
0x8: {  	[smem:$0x3FAA] =	sst s0  }
0x9: {  	[smem:$0x3FAB] =	sst s1  }
0xa: {  	[smem:$0x3FAC] =	sst s2  }
0xb: {  	[smem:$0x3FAD] =	sst s3  }
0xc: {  	[smem:$0x3FAE] =	sst s4  }
0xd: {  	[smem:$0x3FAF] =	sst s5  }
0xe: {  	[smem:$0x3FB0] =	sst s6  }
0xf: {  	[smem:$0x3FB1] =	sst s7  }
0x10: {  	[smem:$0x3FB2] =	sst s8  }
0x11: {  	[smem:$0x3FB3] =	sst s9;
	s0 =	simm.s32 @!p0 $0x0  }
0x12: {  	s1 =	sld [smem:$0x3F99];
	s0 =	simm.s32 @p0 $0x1  }
0x13: {  	[smem:$0x3FB4] =	sst s0;
	s0 =	simm.s32 @!p1 $0x0  }
0x14: {  	s2 =	sld [smem:$0x3F98];
	s0 =	simm.s32 @p1 $0x1  }
0x15: {  	[smem:$0x3FB5] =	sst s0;
	s0 =	simm.s32 @!p2 $0x0  }
0x16: {  	s3 =	sld [smem:$0x3FDB];
	s0 =	simm.s32 @p2 $0x1  }
0x17: {  	s4 =	simm.s32 $0x1BF5;
	[smem:$0x3FB7] =	sst s0  }
0x18: {  	s0 =	sld [smem:$0x3F9A];
	_ =	swait.ge [sflag:s4], $0x0  }
0x19: {  	s7 =	sld [smem:$0x3F9B]  }
0x1a: {  	s8 =	sadd.s32 $0xFFFFE003, lr  }
0x1b: {  	s9 =	sadd.s32 $0xFFFFFEF7, lr;
	s5 =	simm.s32 $0xFFFFFFFF;
	p2 =	slt.u32 s8, $0xFFFFF086  }
0x1c: {  	p1 =	slt.u32 s9, $0xF7A;
	s5 =	simm.s32 @!p2 $0x0  }
0x1d: {  	s5 =	simm.s32 @p1 $0x1;
	p0 =	seq.s32 s7, s2  }
0x1e: {  	s7 =	smul.u32 @!p0 $0xF7A, s2;
	p2 =	seq.s32 @!p0 s5, $0x0  }
0x1f: {  	s9 =	smul.u32 $0xF7A, s1;
	s8 =	simm.s32 @!p0 $0x1BF5;
	p2 =	por !p2, p0  }
0x20: {  	[sflag:s8] =	ssyncset.s32 @!p0 $0xFFFFF086;
	s6 =	sadd.s32 @!p0 s3, s7;
	s7 =	simm.s32 @!p0 $0x108  }
0x21: {  	s3 =	sadd.s32 s3, s9;
	s6 =	sadd.s32 @!p0 $0x88, s6;
	s7 =	simm.s32 @p2 $0x1082  }
0x22: {  	[simem:s7], [sflag:s8] =	dma.local @!p0 [hbm:s6], $0xF7A  }
0x23: {  	s9 =	sor.u32 $0xD0000000, s2;
	s6 =	simm.s32 $0x108;
	_ =	swait.ge @!p0 [sflag:s8], $0x0  }
0x24: {  	s3 =	sadd.s32 $0x88, s3;
	s6 =	simm.s32 @!p1 $0x1082;
	[sflag:s4] =	ssyncset.s32 $0xFFFFF086  }
0x25: {  	[simem:s6], [sflag:s4] =	dma.local [hbm:s3], $0xF7A  }
0x26: {  	[smem:$0x3F9B] =	sst s1;
	(tag) =	ssettag s2;
	_ =	strace s9  }
0x27: {  	s1 =	sld [smem:$0x3FAB]  }
0x28: {  	s2 =	sld [smem:$0x3FAC]  }
0x29: {  	s4 =	sld [smem:$0x3FAE]  }
0x2a: {  	p0 =	seq.s32 s5, $0x0;
	s5 =	sld [smem:$0x3FAF]  }
0x2b: {  	s6 =	sld [smem:$0x3FB0]  }
0x2c: {  	s7 =	sld [smem:$0x3FB1]  }
0x2d: {  	s3 =	simm.s32 $0x108;
	s8 =	sld [smem:$0x3FB2]  }
0x2e: {  	s3 =	simm.s32 @!p0 $0x1082;
	s9 =	sld [smem:$0x3FB3]  }
0x2f: {  	lr =	sadd.s32 s0, s3;
	s0 =	sld [smem:$0x3FAA]  }
0x30: {  	s3 =	sld [smem:$0x3FAD]  }
0x31: {  	[smem:$0x3FB6] =	sst s10  }
0x32: {  	s10 =	sld [smem:$0x3FB4];
	_ =	sdelay $0x3  }
0x33: {  	p0 =	seq.s32 s10, $0x1;
	s10 =	sld [smem:$0x3FB6];
	_ =	sdelay $0x3  }
0x34: {  	[smem:$0x3FB6] =	sst s10  }
0x35: {  	s10 =	sld [smem:$0x3FB5];
	_ =	sdelay $0x3  }
0x36: {  	p1 =	seq.s32 s10, $0x1;
	s10 =	sld [smem:$0x3FB6];
	_ =	sdelay $0x3  }
0x37: {  	[smem:$0x3FB6] =	sst s10  }
0x38: {  	s10 =	sld [smem:$0x3FB7]  }
0x39: {  	_ = 	snop;
	(pc) =	sbr.ind lr, $3  }
0x3a: {  	_ = 	snop  }
0x3b: {  	_ = 	snop  }
0x3c: {  	p2 =	seq.s32 s10, $0x1;
	s10 =	sld [smem:$0x3FB6]  }
0x3d: {  	_ =	shalt  }
0x3e: {  	_ =	shalt  }
0x3f: {  	_ =	shalt  }
0x40: {  	_ =	shalt  }
0x41: {  	_ =	shalt  }
0x42: {  	_ =	shalt  }
0x43: {  	_ =	shalt  }
0x44: {  	_ =	shalt  }
0x45: {  	_ =	shalt  }
0x46: {  	_ =	shalt  }
0x47: {  	_ =	shalt  }
0x48: {  	_ =	shalt  }
0x49: {  	_ =	shalt  }
0x4a: {  	_ =	shalt  }
0x4b: {  	_ =	shalt  }
0x4c: {  	_ =	shalt  }
0x4d: {  	_ =	shalt  }
0x4e: {  	_ =	shalt  }
0x4f: {  	_ =	shalt  }
0x50: {  	_ =	shalt  }
0x51: {  	_ =	shalt  }
0x52: {  	_ =	shalt  }
0x53: {  	_ =	shalt  }
0x54: {  	_ =	shalt  }
0x55: {  	_ =	shalt  }
0x56: {  	_ =	shalt  }
0x57: {  	_ =	shalt  }
0x58: {  	_ =	shalt  }
0x59: {  	_ =	shalt  }
0x5a: {  	_ =	shalt  }
0x5b: {  	_ =	shalt  }
0x5c: {  	_ =	shalt  }
0x5d: {  	_ =	shalt  }
0x5e: {  	_ =	shalt  }
0x5f: {  	_ =	shalt  }
0x60: {  	_ =	shalt  }
0x61: {  	_ =	shalt  }
0x62: {  	_ =	shalt  }
0x63: {  	_ =	shalt  }
0x64: {  	_ =	shalt  }
0x65: {  	_ =	shalt  }
0x66: {  	_ =	shalt  }
0x67: {  	_ =	shalt  }
0x68: {  	_ =	shalt  }
0x69: {  	_ =	shalt  }
0x6a: {  	_ =	shalt  }
0x6b: {  	_ =	shalt  }
0x6c: {  	_ =	shalt  }
0x6d: {  	_ =	shalt  }
0x6e: {  	_ =	shalt  }
0x6f: {  	_ =	shalt  }
0x70: {  	_ =	shalt  }
0x71: {  	_ =	shalt  }
0x72: {  	_ =	shalt  }
0x73: {  	_ =	shalt  }
0x74: {  	_ =	shalt  }
0x75: {  	_ =	shalt  }
0x76: {  	_ =	shalt  }
0x77: {  	_ =	shalt  }
0x78: {  	_ =	shalt  }
0x79: {  	_ =	shalt  }
0x7a: {  	_ =	shalt  }
0x7b: {  	_ =	shalt  }
0x7c: {  	_ =	shalt  }
0x7d: {  	_ =	shalt  }
0x7e: {  	_ =	shalt  }
0x7f: {  	_ =	shalt  }
0x80: {  	_ =	shalt  }
0x81: {  	_ =	shalt  }
0x82: {  	_ =	shalt  }
0x83: {  	_ =	shalt  }
0x84: {  	_ =	shalt  }
0x85: {  	_ =	shalt  }
0x86: {  	_ =	shalt  }
0x87: {  	_ =	shalt  }
.Lfunc_end0:
.L_simem_size_0:
called_computation_lowered:
.L_overlay_start_0:
0x88: {  	s2 =	sld [smem:$0x3FD9]  }
0x89: {  	s3 =	sld [smem:$0x3FFE];
	_ =	sdelay $0x1  }
0x8a: {  	s1 =	srdreg.scid  }
0x8b: {  	s0 =	sand.u32 $0x1, s1  }
0x8c: {  	s17 =	sshll.u32 s0, $0xA;
	s2 =	sadd.s32 s3, s2  }
0x8d: {  	s2 =	sadd.s32 s2, s17  }
0x8e: {  	[smem:$0x3FC2] =	sst s2  }
0x8f: {  	_ = 	snop  }
0x90: {  	s2 =	sld [smem:$0x3FD0];
	(tm) =	ssettm $0x1  }
0x91: {  	s18 =	sld [smem:$0x3FFB];
	_ =	sdelay $0x3  }
0x92: {  	_ =	strace s18  }
0x93: {  	s3 =	sld [smem:$0x3FFC];
	_ =	sdelay $0x3  }
0x94: {  	_ =	strace s3  }
0x95: {  	s3 =	sld [smem:$0x3FFD];
	_ =	sdelay $0x3  }
0x96: {  	_ =	strace s3  }
0x97: {  	_ =	strace $0x8FFFFFFF  }
0x98: {  	s19 =	sld [smem:$0x3FDB];
	_ =	sdelay $0x1  }
0x99: {  	s4 =	simm.s32 $_scs_section_size  }
0x9a: {  	s5 =	simm.s32 $_size__tile_overlayer_lowered;
	s6 =	simm.s32 $_tile_overlayer_lowered  }
0x9b: {  	s22 =	simm.s32 $0x1BFF;
	s21 =	sshll.u32 s6, $0x1;
	s3 =	sadd.s32 s4, s19  }
0x9c: {  	s7 =	simm.s32 $0x0;
	s20 =	sshll.u32 s5, $0x1;
	s5 =	sadd.s32 s21, s3  }
0x9d: {  	[timem:s7], [sflag:s22] =	dma.local [hbm:s5], s20  }
0x9e: {  	_ =	swait.ge [sflag:s22], s20  }
0x9f: {  	s4 =	ssub.s32 $0x0, s20;
	[sflag:s22] =	ssyncset.done $0x0  }
0xa0: {  	[sflag:s22] =	ssyncadd.s32 s4;
	_ =	sdelay $0x1  }
0xa1: {  	s23 =	simm.s32 $0x1B8B  }
0xa2: {  	_ =	swait.ge [sflag:s23], $0x1  }
0xa3: {  	[sflag:s23] =	ssyncset.done $0x0  }
0xa4: {  	s25 =	simm.s32 $0x1B8E;
	s24 =	sld [smem:$0x3FFE];
	[sflag:s23] =	ssyncadd.s32 $0xFFFFFFFF  }
0xa5: {  	s26 =	simm.s32 $execute0_lowered;
	[smem:$0x3FD2] =	sst s25  }
0xa6: {  	s5 =	sshll.u32 s26, $0x1;
	_ =	strace $0x80000046;
	[dreg:$0x1] =	wrdreg $0xFFFFFFFF  }
0xa7: {  	s28 =	simm.s32 $_size_execute0_lowered;
	s3 =	sadd.s32 s3, s5;
	[dreg:$0x0] =	wrdreg $0x0  }
0xa8: {  	s5 =	sshll.u32 s28, $0x1;
	[dreg:$0x2] =	wrdreg s3  }
0xa9: {  	[dreg:$0x3] =	wrdreg s5  }
0xaa: {  	[dreg:$0x4] =	wrdreg $0xC0  }
0xab: {  	_ =	task [dreg:s7], $0x5FFFF  }
0xac: {  	[dreg:$0x1] =	wrdreg $0xFFFFFFFF  }
0xad: {  	[dreg:$0x0] =	wrdreg $0x60  }
0xae: {  	[dreg:$0x2] =	wrdreg s24  }
0xaf: {  	[dreg:$0x3] =	wrdreg s2  }
0xb0: {  	[dreg:$0x4] =	wrdreg $0x83000  }
0xb1: {  	[dreg:$0x5] =	wrdreg $0x9  }
0xb2: {  	_ =	task.clear_ibuf [dreg:s7], $0x6FFFF;
	_ =	strace $0x90000046  }
0xb3: {  	s29 =	simm.s32 $0x9;
	_ =	strace $0x80000048  }
0xb4: {  	_ =	swait.ge [sflag:s29], $0x1  }
0xb5: {  	[sflag:s29] =	ssyncadd.s32 $0xFFFFFFFF  }
0xb6: {  	_ =	strace $0x90000048  }
0xb7: {  	_ =	sfence  }
0xb8: {  	s30 =	sld [smem:$0x0];
	_ =	sdelay $0x2  }
0xb9: {  	s31 =	sshll.u32 s1, $0xD;
	s1 =	sshrl.u32 s1, $0x2  }
0xba: {  	s3 =	sand.u32 $0x4000, s31;
	s1 =	sadd.s32 s1, s30  }
0xbb: {  	s0 =	sor.u32 s3, s0;
	s1 =	sshll.u32 s1, $0x11  }
0xbc: {  	s0 =	sor.u32 s1, s0  }
0xbd: {  	s0 =	sadd.s32 $0x8F2B, s0  }
0xbe: {  	[sflag:s0] =	ssyncadd.remote.s32 $0x1  }
0xbf: {  	_ =	sfence.sel $0xFFFF  }
0xc0: {  	[dreg:$0x0] =	wrdreg $0xFFFFFFFF;
	(pc) =	sbr.abs _section_cstart, $3  }
0xc1: {  	[dreg:$0x1] =	wrdreg $0xFFFFFFFF  }
0xc2: {  	_ =	task.clear_ibuf [dreg:s7], $0x2FFFF;
	_ =	strace $0x9FFFFFFF  }
0xc3: {  	(tm) =	ssettm $0x7FFFFFFF  }
tec
execute0_lowered:
.L_overlay_start_1:
0x0: {  	(tag) =	ssettag $0x1  }
0x1: {  	s4 =	rddreg [dreg:$0x0]  }
0x2: {  	s6 =	rddreg [dreg:$0x1]  }
0x3: {  	s2 =	rddreg [dreg:$0x2]  }
0x4: {  	s0 =	rddreg [dreg:$0x3];
	s3 =	simm.s32 $0x0  }
0x5: {  	s1 =	stileid.u32;
	s5 =	srdreg.scid;
	s11 =	simm.s32 $0x8000  }
0x6: {  	s12 =	simm.s32 $0x80;
	s13 =	simm.s32 $0x100;
	s14 =	simm.s32 $0x180  }
0x7: {  	s15 =	simm.s32 $0x200;
	s16 =	simm.s32 $0x1;
	s19 =	simm.s32 $0x0  }
0x8: {  	[smem:$0x7FF] =	sst s3;
	s5 =	sand.u32 $0x1, s5;
	s7 =	smul.u32 $0x280, s1  }
0x9: {  	s8 =	sshll.u32 s1, $0xC;
	s17 =	sshll.u32 s1, $0x6;
	_ =	strace $0x80000047  }
0xa: {  	s9 =	ssub.s32 $0x2, s5;
	s10 =	smul.u32 $0x2800, s5;
	s4 =	sadd.s32 s8, s4  }
0xb: {  	s5 =	sshll.u32 s5, $0x10;
	s17 =	sor.u32 $0x1C02, s17;
	s29 =	sshrl.u32 s9, $0x1  }
0xc: {  	s4 =	sadd.s32 s5, s4;
	s5 =	sadd.s32 s7, s2;
	s8 =	ssub.s32 s9, s29  }
0xd: {  	s30 =	sadd.s32 s7, s10;
	s4 =	sadd.s32 $0x22C00, s4;
	s9 =	simm.s32 $0x8080  }
0xe: {  	s10 =	simm.s32 $0x28;
	s18 =	sshrl.u32 s5, $0x3;
	s31 =	sshrl.u32 s30, $0x3  }
0xf: {  	v0 =	vimm.f32 $0.0e+00;
	v1 =	vimm.f32 $1.000000000e+00;
	s7 =	smax.u32 s8, $0x1;
	s8 =	simm.s32 $0x2;
	s6 =	sadd.s32 s6, s31  }
.LBB2_1:
0x10: {  	[tilespmem:s3], [sflag:$0x2] =	stream.linear.gather [hbm4b:s4+s3], $0x7D00, $0x38;
	[tilespmem:$0x8580] =	vst v63  }
0x11: {  	_ =	swait.ge [sflag:s8], $0x7D00  }
0x12: {  	[sflag:s8] =	ssyncset.done $0x0  }
0x13: {  	[sflag:s8] =	ssyncadd.s32 $0xFFFF8300  }
0x14: {  	[tilespmem:$0x8080] =	vst v0  }
0x15: {  	[tilespmem:$0x8090] =	vst v0  }
0x16: {  	[tilespmem:$0x80A0] =	vst v0  }
0x17: {  	[tilespmem:$0x80B0] =	vst v0  }
0x18: {  	[tilespmem:$0x80C0] =	vst v0  }
0x19: {  	[tilespmem:$0x80D0] =	vst v0  }
0x1a: {  	[tilespmem:$0x80E0] =	vst v0  }
0x1b: {  	[tilespmem:$0x80F0] =	vst v0  }
0x1c: {  	[tilespmem:$0x8100] =	vst v0  }
0x1d: {  	[tilespmem:$0x8110] =	vst v0  }
0x1e: {  	[tilespmem:$0x8120] =	vst v0  }
0x1f: {  	[tilespmem:$0x8130] =	vst v0  }
0x20: {  	[tilespmem:$0x8140] =	vst v0  }
0x21: {  	[tilespmem:$0x8150] =	vst v0  }
0x22: {  	[tilespmem:$0x8160] =	vst v0  }
0x23: {  	[tilespmem:$0x8170] =	vst v0  }
0x24: {  	[tilespmem:$0x8180] =	vst v0  }
0x25: {  	[tilespmem:$0x8190] =	vst v0  }
0x26: {  	[tilespmem:$0x81A0] =	vst v0  }
0x27: {  	[tilespmem:$0x81B0] =	vst v0  }
0x28: {  	[tilespmem:$0x81C0] =	vst v0  }
0x29: {  	[tilespmem:$0x81D0] =	vst v0  }
0x2a: {  	[tilespmem:$0x81E0] =	vst v0  }
0x2b: {  	[tilespmem:$0x81F0] =	vst v0  }
0x2c: {  	[tilespmem:$0x8200] =	vst v0  }
0x2d: {  	[tilespmem:$0x8210] =	vst v0  }
0x2e: {  	[tilespmem:$0x8220] =	vst v0  }
0x2f: {  	[tilespmem:$0x8230] =	vst v0  }
0x30: {  	[tilespmem:$0x8240] =	vst v0  }
0x31: {  	[tilespmem:$0x8250] =	vst v0  }
0x32: {  	[tilespmem:$0x8260] =	vst v0  }
0x33: {  	[tilespmem:$0x8270] =	vst v0  }
0x34: {  	[tilespmem:$0x8280] =	vst v0  }
0x35: {  	[tilespmem:$0x8290] =	vst v0  }
0x36: {  	[tilespmem:$0x82A0] =	vst v0  }
0x37: {  	[tilespmem:$0x82B0] =	vst v0  }
0x38: {  	[tilespmem:$0x82C0] =	vst v0  }
0x39: {  	[tilespmem:$0x82D0] =	vst v0  }
0x3a: {  	[tilespmem:$0x82E0] =	vst v0  }
0x3b: {  	[tilespmem:$0x82F0] =	vst v0  }
0x3c: {  	[tilespmem:$0x8000] =	vst v1  }
0x3d: {  	[tilespmem:$0x8010] =	vst v1  }
0x3e: {  	[tilespmem:$0x8018] =	vst v1  }
0x3f: {  	[spmem:s5] =	stream.linear.scatter [tilespmem:s9], [sflag:$0x2], $0x280, $0x38;
	[tilespmem:$0x8580] =	vst v63  }
0x40: {  	_ =	swait.ge [sflag:s8], $0x280  }
0x41: {  	[sflag:s8] =	ssyncset.done $0x0  }
0x42: {  	[sflag:s8] =	ssyncadd.s32 $0xFFFFFD80  }
0x43: {  	[bflag:$0x0] =	sbarrier.arrive $0xFFFF  }
0x44: {  	[spmem:s2] =	stream.indirect.scatter.add.f32 [tilespmem:s11], [sflag:$0x1], $0x1, s3, s10, $0xb8;
	[tilespmem:$0x8580] =	vst v63  }
0x45: {  	_ = 	snop  }
0x46: {  	[spmem:s2] =	stream.indirect.scatter.add.f32 [tilespmem:s11], [sflag:$0x1], $0x1, s12, s10, $0xb8;
	[tilespmem:$0x8580] =	vst v63  }
0x47: {  	_ = 	snop  }
0x48: {  	[spmem:s2] =	stream.indirect.scatter.add.f32 [tilespmem:s11], [sflag:$0x1], $0x1, s13, s10, $0xb8;
	[tilespmem:$0x8580] =	vst v63  }
0x49: {  	_ = 	snop  }
0x4a: {  	[spmem:s2] =	stream.indirect.scatter.add.f32 [tilespmem:s11], [sflag:$0x1], $0x1, s14, s10, $0xb8;
	[tilespmem:$0x8580] =	vst v63  }
0x4b: {  	_ = 	snop  }
0x4c: {  	[spmem:s2] =	stream.indirect.scatter.add.f32 [tilespmem:s11], [sflag:$0x1], $0x1, s15, s10, $0xb8;
	[tilespmem:$0x8580] =	vst v63  }
0x4d: {  	s20 =	simm.s32 $0x280  }
0x4e: {  	[spmem:s2] =	stream.indirect.scatter.add.f32 [tilespmem:s11], [sflag:$0x1], $0x1, s20, s10, $0xb8;
	[tilespmem:$0x8580] =	vst v63  }
0x4f: {  	s28 =	simm.s32 $0x300  }
0x50: {  	[spmem:s2] =	stream.indirect.scatter.add.f32 [tilespmem:s11], [sflag:$0x1], $0x1, s28, s10, $0xb8;
	[tilespmem:$0x8580] =	vst v63  }
0x51: {  	s29 =	simm.s32 $0x380  }
0x52: {  	[spmem:s2] =	stream.indirect.scatter.add.f32 [tilespmem:s11], [sflag:$0x1], $0x1, s29, s10, $0xb8;
	[tilespmem:$0x8580] =	vst v63  }
0x53: {  	s30 =	simm.s32 $0x400  }
0x54: {  	[spmem:s2] =	stream.indirect.scatter.add.f32 [tilespmem:s11], [sflag:$0x1], $0x1, s30, s10, $0xb8;
	[tilespmem:$0x8580] =	vst v63  }
0x55: {  	s31 =	simm.s32 $0x480  }
0x56: {  	[spmem:s2] =	stream.indirect.scatter.add.f32 [tilespmem:s11], [sflag:$0x1], $0x1, s31, s10, $0xb8;
	[tilespmem:$0x8580] =	vst v63  }
0x57: {  	_ =	swait.ge [sflag:s16], $0x28  }
0x58: {  	[sflag:s16] =	ssyncset.done $0x0  }
0x59: {  	[sflag:s16] =	ssyncadd.s32 $0xFFFFFFD8  }
0x5a: {  	_ =	swait.ge [sflag:s16], $0x28  }
0x5b: {  	[sflag:s16] =	ssyncset.done $0x0  }
0x5c: {  	[sflag:s16] =	ssyncadd.s32 $0xFFFFFFD8  }
0x5d: {  	_ =	swait.ge [sflag:s16], $0x28  }
0x5e: {  	[sflag:s16] =	ssyncset.done $0x0  }
0x5f: {  	[sflag:s16] =	ssyncadd.s32 $0xFFFFFFD8  }
0x60: {  	_ =	swait.ge [sflag:s16], $0x28  }
0x61: {  	[sflag:s16] =	ssyncset.done $0x0  }
0x62: {  	[sflag:s16] =	ssyncadd.s32 $0xFFFFFFD8  }
0x63: {  	_ =	swait.ge [sflag:s16], $0x28  }
0x64: {  	s21 =	simm.s32 $0xFFFE2A00;
	s20 =	simm.s32 $0xFFFF8800;
	[sflag:s16] =	ssyncset.done $0x0  }
.LBB2_2:
0x65: {  	s22 =	sadd.s32 $0x7D00, s20  }
0x66: {  	[sflag:s16] =	ssyncadd.s32 $0xFFFFFFD8;
	s23 =	smov.u32 s21;
	s24 =	sadd.s32 $0xA00, s21  }
0x67: {  	[spmem:s2] =	stream.indirect.scatter.add.f32 [tilespmem:s11], [sflag:$0x1], $0x1, s22, s10, $0xb8;
	[tilespmem:$0x8580] =	vst v63  }
0x68: {  	p0 =	sne.s32 s21, $0xFFFFF600;
	s21 =	sadd.s32 $0x7D80, s20  }
0x69: {  	[spmem:s2] =	stream.indirect.scatter.add.f32 [tilespmem:s11], [sflag:$0x1], $0x1, s21, s10, $0xb8;
	[tilespmem:$0x8580] =	vst v63  }
0x6a: {  	s21 =	sadd.s32 $0x7E00, s20  }
0x6b: {  	[spmem:s2] =	stream.indirect.scatter.add.f32 [tilespmem:s11], [sflag:$0x1], $0x1, s21, s10, $0xb8;
	[tilespmem:$0x8580] =	vst v63  }
0x6c: {  	s21 =	sadd.s32 $0x7E80, s20  }
0x6d: {  	[spmem:s2] =	stream.indirect.scatter.add.f32 [tilespmem:s11], [sflag:$0x1], $0x1, s21, s10, $0xb8;
	[tilespmem:$0x8580] =	vst v63  }
0x6e: {  	s20 =	sadd.s32 $0x7F00, s20  }
0x6f: {  	[spmem:s2] =	stream.indirect.scatter.add.f32 [tilespmem:s11], [sflag:$0x1], $0x1, s20, s10, $0xb8;
	[tilespmem:$0x8580] =	vst v63  }
0x70: {  	_ =	swait.ge [sflag:s16], $0x28  }
0x71: {  	[sflag:s16] =	ssyncset.done $0x0  }
0x72: {  	[sflag:s16] =	ssyncadd.s32 $0xFFFFFFD8  }
0x73: {  	_ =	swait.ge [sflag:s16], $0x28  }
0x74: {  	[sflag:s16] =	ssyncset.done $0x0  }
0x75: {  	[sflag:s16] =	ssyncadd.s32 $0xFFFFFFD8  }
0x76: {  	_ =	swait.ge [sflag:s16], $0x28  }
0x77: {  	[sflag:s16] =	ssyncset.done $0x0  }
0x78: {  	[sflag:s16] =	ssyncadd.s32 $0xFFFFFFD8  }
.Ltmp0:
0x79: {  	_ =	swait.ge [sflag:s16], $0x28;
	(pc) =	sbr.rel @p0 .LBB2_2-.Ltmp0, $4  }
0x7a: {  	[sflag:s16] =	ssyncset.done $0x0  }
0x7b: {  	[sflag:s16] =	ssyncadd.s32 $0xFFFFFFD8  }
0x7c: {  	_ =	swait.ge [sflag:s16], $0x28  }
0x7d: {  	s21 =	smov.u32 s24;
	s20 =	sshra.s32 s23, $0x2;
	[sflag:s16] =	ssyncset.done $0x0  }
0x7e: {  	s21 =	sadd.s32 $0x7D00, s20;
	[sflag:s16] =	ssyncadd.s32 $0xFFFFFFD8  }
0x7f: {  	[spmem:s2] =	stream.indirect.scatter.add.f32 [tilespmem:s11], [sflag:$0x1], $0x1, s21, s10, $0xb8;
	[tilespmem:$0x8580] =	vst v63  }
0x80: {  	s28 =	sadd.s32 $0x7D80, s20  }
0x81: {  	[spmem:s2] =	stream.indirect.scatter.add.f32 [tilespmem:s11], [sflag:$0x1], $0x1, s28, s10, $0xb8;
	[tilespmem:$0x8580] =	vst v63  }
0x82: {  	s29 =	sadd.s32 $0x7E00, s20  }
0x83: {  	[spmem:s2] =	stream.indirect.scatter.add.f32 [tilespmem:s11], [sflag:$0x1], $0x1, s29, s10, $0xb8;
	[tilespmem:$0x8580] =	vst v63  }
0x84: {  	s30 =	sadd.s32 $0x7E80, s20  }
0x85: {  	[spmem:s2] =	stream.indirect.scatter.add.f32 [tilespmem:s11], [sflag:$0x1], $0x1, s30, s10, $0xb8;
	[tilespmem:$0x8580] =	vst v63  }
0x86: {  	s31 =	sadd.s32 $0x7F00, s20  }
0x87: {  	[spmem:s2] =	stream.indirect.scatter.add.f32 [tilespmem:s11], [sflag:$0x1], $0x1, s31, s10, $0xb8;
	[tilespmem:$0x8580] =	vst v63  }
0x88: {  	_ =	swait.ge [sflag:s16], $0x28  }
0x89: {  	[sflag:s16] =	ssyncset.done $0x0  }
0x8a: {  	[sflag:s16] =	ssyncadd.s32 $0xFFFFFFD8  }
0x8b: {  	_ =	swait.ge [sflag:s16], $0x28  }
0x8c: {  	[sflag:s16] =	ssyncset.done $0x0  }
0x8d: {  	[sflag:s16] =	ssyncadd.s32 $0xFFFFFFD8  }
0x8e: {  	_ =	swait.ge [sflag:s16], $0x28  }
0x8f: {  	[sflag:s16] =	ssyncset.done $0x0  }
0x90: {  	[sflag:s16] =	ssyncadd.s32 $0xFFFFFFD8  }
0x91: {  	_ =	swait.ge [sflag:s16], $0x28  }
0x92: {  	[sflag:s16] =	ssyncset.done $0x0  }
0x93: {  	[sflag:s16] =	ssyncadd.s32 $0xFFFFFFD8  }
0x94: {  	_ =	swait.ge [sflag:s16], $0x28  }
0x95: {  	[sflag:s16] =	ssyncset.done $0x0  }
0x96: {  	[sflag:s16] =	ssyncadd.s32 $0xFFFFFFD8  }
0x97: {  	_ =	swait.ge [sflag:s16], $0x28  }
0x98: {  	[sflag:s16] =	ssyncset.done $0x0  }
0x99: {  	[sflag:s16] =	ssyncadd.s32 $0xFFFFFFD8  }
0x9a: {  	_ =	swait.ge [sflag:s16], $0x28  }
0x9b: {  	[sflag:s16] =	ssyncset.done $0x0  }
0x9c: {  	[sflag:s16] =	ssyncadd.s32 $0xFFFFFFD8  }
0x9d: {  	_ =	swait.ge [sflag:s16], $0x28  }
0x9e: {  	[sflag:s16] =	ssyncset.done $0x0  }
0x9f: {  	[sflag:s16] =	ssyncadd.s32 $0xFFFFFFD8  }
0xa0: {  	_ =	swait.ge [sflag:s16], $0x28  }
0xa1: {  	[sflag:s16] =	ssyncset.done $0x0  }
0xa2: {  	[sflag:s16] =	ssyncadd.s32 $0xFFFFFFD8  }
0xa3: {  	_ =	swait.ge [sflag:s16], $0x28  }
0xa4: {  	s19 =	sadd.s32 $0x1, s19;
	[sflag:s16] =	ssyncset.done $0x0  }
0xa5: {  	p0 =	sne.s32 s19, s7;
	[sflag:s16] =	ssyncadd.s32 $0xFFFFFFD8  }
.Ltmp1:
0xa6: {  	[bflag:$0x0] =	sbarrier.arrive $0xFFFF;
	(pc) =	sbr.rel @p0 .LBB2_1-.Ltmp1, $4  }
0xa7: {  	[hbm:s6], [sflag:s17] =	dma.local [spmem:s18], $0x50  }
0xa8: {  	_ =	swait.ge [sflag:s8], $0x50  }
0xa9: {  	[sflag:s8] =	ssyncset.done $0x0  }
0xaa: {  	[sflag:s8] =	ssyncadd.s32 $0xFFFFFFB0  }
0xab: {  	_ =	sfence.sel $0x180000  }
0xac: {  	[bflag:$0x0] =	sbarrier.arrive $0xFFFF  }
0xad: {  	p0 =	sne.s32 s1, $0x0;
	_ =	strace $0x90000047  }
0xae: {  	s0 =	sadd.s32 @!p0 $0x100000, s0;
	[bflag:$0x2] =	sbarrier.arrive $0xFFFF  }
0xaf: {  	[sflag:s0] =	ssyncadd.tile.s32 @!p0 $0x1;
	_ =	shalt  }
.Lfunc_end2:
_tile_overlayer_lowered:
.L_overlay_start_2:
0xb0: {  	(tag) =	ssettag $0x2  }
0xb1: {  	s0 =	rddreg [dreg:$0x0];
	s2 =	stileid.u32  }
0xb2: {  	s1 =	rddreg [dreg:$0x1];
	p0 =	sne.s32 s2, $0x0  }
0xb3: {  	s3 =	rddreg [dreg:$0x2];
	[bflag:$0x3] =	sbarrier.arrive $0xFFFF;
	s2 =	simm.s32 @!p0 $0x1C02  }
0xb4: {  	[timem:s3], [sflag:s2] =	dma.local @!p0 [hbm:s0], s1  }
0xb5: {  	s0 =	simm.s32 @!p0 $0x2  }
0xb6: {  	_ =	swait.ge @!p0 [sflag:s0], s1  }
0xb7: {  	s1 =	ssub.s32 @!p0 $0x0, s1;
	[sflag:s0] =	ssyncset.done @!p0 $0x0  }
0xb8: {  	[sflag:s0] =	ssyncadd.s32 @!p0 s1  }
0xb9: {  	[bflag:$0x3] =	sbarrier.arrive $0xFFFF  }
0xba: {  	_ =	shalt  }

</sc_bundles>
